<compile_context>
chip_gen: v7x
topology: tpu7x:2x2x1
jax: 0.10.2.dev20260603
libtpu: 0.0.44.dev20260713+nightly
codegen_flags: <defaults>
</compile_context>

<pallas_src>
import functools

import jax
import jax.numpy as jnp
from jax import lax
from jax.experimental import pallas as pl
from jax.experimental.pallas import tpu as pltpu
from jax.experimental.pallas import tpu_sc as plsc

N = 10000
E = 320000
D = 128

NC = 2
NS = 16
NW = NC * NS
EPT = E // NW
CH = 80
NCHUNK = EPT // CH
RPT = 624
ZR = 16


@functools.cache
def _sc_kernels():
    mesh = plsc.VectorSubcoreMesh(core_axis_name="c", subcore_axis_name="s")

    @functools.partial(
        pl.kernel,
        mesh=mesh,
        out_type=jax.ShapeDtypeStruct((NC, N, 16), jnp.float32),
        scratch_types=[
            [pltpu.VMEM((CH,), jnp.int32) for _ in range(2)],
            pltpu.VMEM((CH, 16), jnp.float32),
            pltpu.VMEM((ZR, 16), jnp.float32),
            pltpu.VMEM_SHARED((N, 16), jnp.float32),
            [pltpu.SemaphoreType.DMA for _ in range(2)],
        ],
    )
    def deg_kernel(dst_hbm, out_hbm, ia, ones_v, z_v, hist_sp, sem_li):
        c = lax.axis_index("c")
        s = lax.axis_index("s")
        wid = c * NS + s
        for i in range(CH):
            ones_v[i, :] = jnp.ones((16,), jnp.float32)
        for i in range(ZR):
            z_v[i, :] = jnp.zeros((16,), jnp.float32)

        def zero_body(k, carry):
            pltpu.sync_copy(z_v, hist_sp.at[pl.ds(s * RPT + k * ZR, ZR)])
            return carry

        lax.fori_loop(0, RPT // ZR, zero_body, 0)

        @pl.when(s == NS - 1)
        def _():
            pltpu.sync_copy(z_v, hist_sp.at[pl.ds(NS * RPT, ZR)])

        plsc.subcore_barrier()

        base = wid * EPT

        def ld(i, buf, sem):
            pltpu.async_copy(dst_hbm.at[pl.ds(base + i * CH, CH)], buf, sem)

        def ld_wait(i, buf, sem):
            pltpu.make_async_copy(dst_hbm.at[pl.ds(base + i * CH, CH)], buf,
                                  sem).wait()

        ld(0, ia[0], sem_li[0])

        def body(i, carry):
            ld(2 * i + 1, ia[1], sem_li[1])
            ld_wait(2 * i, ia[0], sem_li[0])
            pltpu.sync_copy(ones_v, hist_sp.at[ia[0]], add=True)
            ld(2 * i + 2, ia[0], sem_li[0])
            ld_wait(2 * i + 1, ia[1], sem_li[1])
            pltpu.sync_copy(ones_v, hist_sp.at[ia[1]], add=True)
            return carry

        lax.fori_loop(0, (NCHUNK - 1) // 2, body, 0)
        ld_wait(NCHUNK - 1, ia[0], sem_li[0])
        pltpu.sync_copy(ones_v, hist_sp.at[ia[0]], add=True)

        plsc.subcore_barrier()
        pltpu.sync_copy(hist_sp.at[pl.ds(s * RPT, RPT)],
                        out_hbm.at[c, pl.ds(s * RPT, RPT)])

        @pl.when(s == NS - 1)
        def _():
            pltpu.sync_copy(hist_sp.at[pl.ds(NS * RPT, ZR)],
                            out_hbm.at[c, pl.ds(NS * RPT, ZR)])

    KG = 4
    NG = (NCHUNK - 1) // KG

    @functools.partial(
        pl.kernel,
        mesh=mesh,
        out_type=jax.ShapeDtypeStruct((NC, N, D), jnp.float32),
        scratch_types=[
            [pltpu.VMEM((CH,), jnp.int32) for _ in range(KG)],
            [pltpu.VMEM((CH,), jnp.int32) for _ in range(KG)],
            [pltpu.VMEM((CH, D), jnp.float32) for _ in range(KG)],
            pltpu.VMEM((ZR, D), jnp.float32),
            pltpu.VMEM_SHARED((N, D), jnp.float32),
            [pltpu.SemaphoreType.DMA for _ in range(KG)],
            [pltpu.SemaphoreType.DMA for _ in range(KG)],
            [pltpu.SemaphoreType.DMA for _ in range(KG)],
            [pltpu.SemaphoreType.DMA for _ in range(KG)],
        ],
    )
    def scat_kernel(y_hbm, src_hbm, dst_hbm, out_hbm,
                    sa, da, rows, z_v, acc_sp, sem_g, sem_s, sem_ls, sem_ld):
        c = lax.axis_index("c")
        s = lax.axis_index("s")
        wid = c * NS + s
        base = wid * EPT
        for i in range(ZR):
            for j in range(D // 16):
                z_v[i, pl.ds(j * 16, 16)] = jnp.zeros((16,), jnp.float32)

        def zero_body(k, carry):
            pltpu.sync_copy(z_v, acc_sp.at[pl.ds(s * RPT + k * ZR, ZR)])
            return carry

        lax.fori_loop(0, RPT // ZR, zero_body, 0)

        @pl.when(s == NS - 1)
        def _():
            pltpu.sync_copy(z_v, acc_sp.at[pl.ds(NS * RPT, ZR)])

        plsc.subcore_barrier()

        def idx_load(i, buf, hbm, sem):
            pltpu.async_copy(hbm.at[pl.ds(base + i * CH, CH)], buf, sem)

        def idx_wait(i, buf, hbm, sem):
            pltpu.make_async_copy(hbm.at[pl.ds(base + i * CH, CH)], buf,
                                  sem).wait()

        for j in range(KG):
            idx_load(j, sa[j], src_hbm, sem_ls[j])
            idx_load(j, da[j], dst_hbm, sem_ld[j])

        def body(g, carry):
            gh = []
            for j in range(KG):
                ci = KG * g + j
                idx_wait(ci, sa[j], src_hbm, sem_ls[j])
                gh.append(
                    pltpu.async_copy(y_hbm.at[sa[j]], rows[j], sem_g[j]))
            sh = []
            for j in range(KG):
                ci = KG * g + j
                gh[j].wait()
                idx_wait(ci, da[j], dst_hbm, sem_ld[j])
                sh.append(
                    pltpu.async_copy(rows[j], acc_sp.at[da[j]], sem_s[j],
                                     add=True))
            for h in sh:
                h.wait()

            for j in range(KG):
                nxt = KG * (g + 1) + j

                @pl.when(nxt < NCHUNK)
                def _(nxt=nxt, j=j):
                    idx_load(nxt, sa[j], src_hbm, sem_ls[j])
                    idx_load(nxt, da[j], dst_hbm, sem_ld[j])

            return carry

        lax.fori_loop(0, NG, body, 0)
        ci = NCHUNK - 1
        idx_wait(ci, sa[0], src_hbm, sem_ls[0])
        pltpu.async_copy(y_hbm.at[sa[0]], rows[0], sem_g[0]).wait()
        idx_wait(ci, da[0], dst_hbm, sem_ld[0])
        pltpu.sync_copy(rows[0], acc_sp.at[da[0]], add=True)

        plsc.subcore_barrier()
        pltpu.sync_copy(acc_sp.at[pl.ds(s * RPT, RPT)],
                        out_hbm.at[c, pl.ds(s * RPT, RPT)])

        @pl.when(s == NS - 1)
        def _():
            pltpu.sync_copy(acc_sp.at[pl.ds(NS * RPT, ZR)],
                            out_hbm.at[c, pl.ds(NS * RPT, ZR)])

    return deg_kernel, scat_kernel



ROWS = 1000


def _dinv_from_hist(h_ref):
    deg = 1.0 + h_ref[0, :, :1] + h_ref[1, :, :1]
    return lax.rsqrt(deg)


def _pre_body(x_ref, w_ref, h_ref, y_ref):
    z = jnp.dot(x_ref[...], w_ref[...], preferred_element_type=jnp.float32)
    y_ref[...] = z * _dinv_from_hist(h_ref)


def _mid_body(s_ref, y_ref, h_ref, b_ref, m_ref, w_ref, o_ref):
    dinv = _dinv_from_hist(h_ref)
    agg = s_ref[0] + s_ref[1] + y_ref[...]
    x1 = 2.0 * m_ref[...] * jnp.maximum(dinv * agg + b_ref[...], 0.0)
    z = jnp.dot(x1, w_ref[...], preferred_element_type=jnp.float32)
    o_ref[...] = z * dinv


def _post_body(s_ref, y_ref, h_ref, b_ref, m_ref, o_ref):
    dinv = _dinv_from_hist(h_ref)
    agg = s_ref[0] + s_ref[1] + y_ref[...]
    o_ref[...] = 2.0 * m_ref[...] * jnp.maximum(dinv * agg + b_ref[...], 0.0)


def _row_spec():
    return pl.BlockSpec((ROWS, D), lambda i: (i, 0))


def _hist_spec():
    return pl.BlockSpec((NC, ROWS, 16), lambda i: (0, i, 0))


def _s_spec():
    return pl.BlockSpec((NC, ROWS, D), lambda i: (0, i, 0))


def _full_spec():
    return pl.BlockSpec((D, D), lambda i: (0, 0))


def _b_spec():
    return pl.BlockSpec((1, D), lambda i: (0, 0))


def _pre_call(x, W, h):
    return pl.pallas_call(
        _pre_body,
        grid=(N // ROWS,),
        in_specs=[_row_spec(), _full_spec(), _hist_spec()],
        out_specs=_row_spec(),
        out_shape=jax.ShapeDtypeStruct((N, D), jnp.float32),
    )(x, W, h)


def _mid_call(S, y, h, b, m, W):
    return pl.pallas_call(
        _mid_body,
        grid=(N // ROWS,),
        in_specs=[_s_spec(), _row_spec(), _hist_spec(), _b_spec(),
                  _row_spec(), _full_spec()],
        out_specs=_row_spec(),
        out_shape=jax.ShapeDtypeStruct((N, D), jnp.float32),
    )(S, y, h, b, m, W)


def _post_call(S, y, h, b, m):
    return pl.pallas_call(
        _post_body,
        grid=(N // ROWS,),
        in_specs=[_s_spec(), _row_spec(), _hist_spec(), _b_spec(),
                  _row_spec()],
        out_specs=_row_spec(),
        out_shape=jax.ShapeDtypeStruct((N, D), jnp.float32),
    )(S, y, h, b, m)


def kernel(tensor, edge_index, W1, b1, W2, b2):
    ei = edge_index.astype(jnp.int32)
    src = ei[0]
    dst = ei[1]
    m1 = jax.random.bernoulli(jax.random.key(1), 0.5, (N, D)).astype(jnp.float32)
    m2 = jax.random.bernoulli(jax.random.key(2), 0.5, (N, D)).astype(jnp.float32)

    deg_kernel, scat_kernel = _sc_kernels()
    h = deg_kernel(dst)
    y1 = _pre_call(tensor, W1, h)
    S1 = scat_kernel(y1, src, dst)
    y2 = _mid_call(S1, y1, h, b1.reshape(1, D), m1, W2)
    S2 = scat_kernel(y2, src, dst)
    out = _post_call(S2, y2, h, b2.reshape(1, D), m2)
    return out

# --- scband reference (transcript-rebuilt; emitter-appended) ---
"""Pipeline reference for scband-gcnmodel-22582938043087 (READ-ONLY COPY).

The authoritative reference and input builder live on the scoring server;
editing this copy changes nothing except your own understanding.
"""

import jax, jax.numpy as jnp
import numpy as np

N_NODES = 10000
N_EDGES = 320000
D_IN = 128
D_HID = 128
D_OUT = 128


def gcn_conv(x, edge_index, W, b, n):
    # PyG GCNConv: linear transform, add self-loops, symmetric normalization, scatter-add, bias
    x = x @ W
    loops = jnp.arange(n, dtype=edge_index.dtype)
    src = jnp.concatenate([edge_index[0], loops])
    dst = jnp.concatenate([edge_index[1], loops])
    ones = jnp.ones(src.shape[0], dtype=x.dtype)
    deg = jax.ops.segment_sum(ones, dst, num_segments=n)
    dinv = jnp.where(deg > 0, deg ** -0.5, 0.0)
    norm = dinv[src] * dinv[dst]
    msg = norm[:, None] * x[src]
    out = jax.ops.segment_sum(msg, dst, num_segments=n)
    return out + b


def dropout(x, key, p=0.5):
    keep = jax.random.bernoulli(key, 1.0 - p, x.shape)
    return jnp.where(keep, x / (1.0 - p), jnp.zeros_like(x))


def setup_inputs(seed: int = 0) -> dict:
    key = jax.random.key(seed)
    k1, k2, k3, k4, k5, k6 = jax.random.split(key, 6)
    tensor = jax.random.normal(k1, (N_NODES, D_IN), dtype=jnp.float32)
    edge_index = jax.random.randint(k2, (2, N_EDGES), 0, N_NODES, dtype=jnp.int64)
    s1 = (1.0 / D_IN) ** 0.5
    s2 = (1.0 / D_HID) ** 0.5
    W1 = jax.random.uniform(k3, (D_IN, D_HID), dtype=jnp.float32, minval=-s1, maxval=s1)
    b1 = jax.random.uniform(k4, (D_HID,), dtype=jnp.float32, minval=-s1, maxval=s1)
    W2 = jax.random.uniform(k5, (D_HID, D_OUT), dtype=jnp.float32, minval=-s2, maxval=s2)
    b2 = jax.random.uniform(k6, (D_OUT,), dtype=jnp.float32, minval=-s2, maxval=s2)
    return {"tensor": tensor, "edge_index": edge_index, "W1": W1, "b1": b1, "W2": W2, "b2": b2}


def reference(tensor, edge_index, W1, b1, W2, b2):
    n = tensor.shape[0]
    x = gcn_conv(tensor, edge_index, W1, b1, n)
    x = jax.nn.relu(x)
    x = dropout(x, jax.random.key(1), p=0.5)
    x = gcn_conv(x, edge_index, W2, b2, n)
    x = jax.nn.relu(x)
    x = dropout(x, jax.random.key(2), p=0.5)
    return x

if __name__ == "__main__":
    import jax
    _d = setup_inputs()
    print(jax.jit(kernel)(*tuple(_d.values())))

</pallas_src>

<mosaic_0001>
#map = affine_map<(d0, d1) -> (0)>
#map1 = affine_map<(d0, d1) -> (0, 0, 0)>
module attributes {stable_mosaic.version = 14 : i64} {
  func.func @deg_kernel(%arg0: i32, %arg1: i32, %arg2: memref<320000xi32, #tpu.memory_space<hbm>>, %arg3: memref<2x10000x16xf32, #tpu.memory_space<hbm>>, %arg4: memref<80xi32, #tpu.memory_space<vmem>>, %arg5: memref<80xi32, #tpu.memory_space<vmem>>, %arg6: memref<80x16xf32, #tpu.memory_space<vmem>>, %arg7: memref<16x16xf32, #tpu.memory_space<vmem>>, %arg8: memref<10000x16xf32, #tpu.memory_space<vmem_shared>>, %arg9: memref<!tpu.dma_semaphore, #tpu.memory_space<semaphore_mem>>, %arg10: memref<!tpu.dma_semaphore, #tpu.memory_space<semaphore_mem>>) attributes {dimension_semantics = [#tpu.dimension_semantics<core_parallel>, #tpu.dimension_semantics<subcore_parallel>], iteration_bounds = array<i64: 2, 16>, scalar_prefetch = 0 : i64, scratch_operands = 7 : i64, tpu.core_type = #tpu.core_type<sc_vector_subcore>, window_params = [{transform_indices = #map}, {transform_indices = #map1}]} {
    %mul3A = arith.constant 16 : i32
    %mul3A_0 = arith.muli %arg0, %mul3A : i32
    %add3A = arith.addi %mul3A_0, %arg1 : i32
    %broadcast_in_dim3A = arith.constant 1.000000e+00 : f32
    %broadcast_in_dim3A_1 = vector.broadcast %broadcast_in_dim3A : f32 to vector<16xf32>
    %swap3A = arith.constant 0 : i32
    %swap3A_2 = arith.index_cast %swap3A : i32 to index
    %swap3A_3 = arith.constant 0 : index
    %swap3A_4 = tpu.vector_load %arg6[%swap3A_2, %swap3A_3] {strides = array<i32>} : memref<80x16xf32, #tpu.memory_space<vmem>>, vector<1x16xf32>,
    %swap3A_5 = vector.shape_cast %swap3A_4 : vector<1x16xf32> to vector<16xf32>
    %swap3A_6 = vector.shape_cast %broadcast_in_dim3A_1 : vector<16xf32> to vector<1x16xf32>
    tpu.vector_store %arg6[%swap3A_2, %swap3A_3], %swap3A_6 {strides = array<i32>} : memref<80x16xf32, #tpu.memory_space<vmem>>, vector<1x16xf32>,
    %broadcast_in_dim3A_7 = arith.constant 1.000000e+00 : f32
    %broadcast_in_dim3A_8 = vector.broadcast %broadcast_in_dim3A_7 : f32 to vector<16xf32>
    %swap3A_9 = arith.constant 1 : i32
    %swap3A_10 = arith.index_cast %swap3A_9 : i32 to index
    %swap3A_11 = arith.constant 0 : index
    %swap3A_12 = tpu.vector_load %arg6[%swap3A_10, %swap3A_11] {strides = array<i32>} : memref<80x16xf32, #tpu.memory_space<vmem>>, vector<1x16xf32>,
    %swap3A_13 = vector.shape_cast %swap3A_12 : vector<1x16xf32> to vector<16xf32>
    %swap3A_14 = vector.shape_cast %broadcast_in_dim3A_8 : vector<16xf32> to vector<1x16xf32>
    tpu.vector_store %arg6[%swap3A_10, %swap3A_11], %swap3A_14 {strides = array<i32>} : memref<80x16xf32, #tpu.memory_space<vmem>>, vector<1x16xf32>,
    %broadcast_in_dim3A_15 = arith.constant 1.000000e+00 : f32
    %broadcast_in_dim3A_16 = vector.broadcast %broadcast_in_dim3A_15 : f32 to vector<16xf32>
    %swap3A_17 = arith.constant 2 : i32
    %swap3A_18 = arith.index_cast %swap3A_17 : i32 to index
    %swap3A_19 = arith.constant 0 : index
    %swap3A_20 = tpu.vector_load %arg6[%swap3A_18, %swap3A_19] {strides = array<i32>} : memref<80x16xf32, #tpu.memory_space<vmem>>, vector<1x16xf32>,
    %swap3A_21 = vector.shape_cast %swap3A_20 : vector<1x16xf32> to vector<16xf32>
    %swap3A_22 = vector.shape_cast %broadcast_in_dim3A_16 : vector<16xf32> to vector<1x16xf32>
    tpu.vector_store %arg6[%swap3A_18, %swap3A_19], %swap3A_22 {strides = array<i32>} : memref<80x16xf32, #tpu.memory_space<vmem>>, vector<1x16xf32>,
    %broadcast_in_dim3A_23 = arith.constant 1.000000e+00 : f32
    %broadcast_in_dim3A_24 = vector.broadcast %broadcast_in_dim3A_23 : f32 to vector<16xf32>
    %swap3A_25 = arith.constant 3 : i32
    %swap3A_26 = arith.index_cast %swap3A_25 : i32 to index
    %swap3A_27 = arith.constant 0 : index
    %swap3A_28 = tpu.vector_load %arg6[%swap3A_26, %swap3A_27] {strides = array<i32>} : memref<80x16xf32, #tpu.memory_space<vmem>>, vector<1x16xf32>,
    %swap3A_29 = vector.shape_cast %swap3A_28 : vector<1x16xf32> to vector<16xf32>
    %swap3A_30 = vector.shape_cast %broadcast_in_dim3A_24 : vector<16xf32> to vector<1x16xf32>
    tpu.vector_store %arg6[%swap3A_26, %swap3A_27], %swap3A_30 {strides = array<i32>} : memref<80x16xf32, #tpu.memory_space<vmem>>, vector<1x16xf32>,
    %broadcast_in_dim3A_31 = arith.constant 1.000000e+00 : f32
    %broadcast_in_dim3A_32 = vector.broadcast %broadcast_in_dim3A_31 : f32 to vector<16xf32>
    %swap3A_33 = arith.constant 4 : i32
    %swap3A_34 = arith.index_cast %swap3A_33 : i32 to index
    %swap3A_35 = arith.constant 0 : index
    %swap3A_36 = tpu.vector_load %arg6[%swap3A_34, %swap3A_35] {strides = array<i32>} : memref<80x16xf32, #tpu.memory_space<vmem>>, vector<1x16xf32>,
    %swap3A_37 = vector.shape_cast %swap3A_36 : vector<1x16xf32> to vector<16xf32>
    %swap3A_38 = vector.shape_cast %broadcast_in_dim3A_32 : vector<16xf32> to vector<1x16xf32>
    tpu.vector_store %arg6[%swap3A_34, %swap3A_35], %swap3A_38 {strides = array<i32>} : memref<80x16xf32, #tpu.memory_space<vmem>>, vector<1x16xf32>,
    %broadcast_in_dim3A_39 = arith.constant 1.000000e+00 : f32
    %broadcast_in_dim3A_40 = vector.broadcast %broadcast_in_dim3A_39 : f32 to vector<16xf32>
    %swap3A_41 = arith.constant 5 : i32
    %swap3A_42 = arith.index_cast %swap3A_41 : i32 to index
    %swap3A_43 = arith.constant 0 : index
    %swap3A_44 = tpu.vector_load %arg6[%swap3A_42, %swap3A_43] {strides = array<i32>} : memref<80x16xf32, #tpu.memory_space<vmem>>, vector<1x16xf32>,
    %swap3A_45 = vector.shape_cast %swap3A_44 : vector<1x16xf32> to vector<16xf32>
    %swap3A_46 = vector.shape_cast %broadcast_in_dim3A_40 : vector<16xf32> to vector<1x16xf32>
    tpu.vector_store %arg6[%swap3A_42, %swap3A_43], %swap3A_46 {strides = array<i32>} : memref<80x16xf32, #tpu.memory_space<vmem>>, vector<1x16xf32>,
    %broadcast_in_dim3A_47 = arith.constant 1.000000e+00 : f32
    %broadcast_in_dim3A_48 = vector.broadcast %broadcast_in_dim3A_47 : f32 to vector<16xf32>
    %swap3A_49 = arith.constant 6 : i32
    %swap3A_50 = arith.index_cast %swap3A_49 : i32 to index
    %swap3A_51 = arith.constant 0 : index
    %swap3A_52 = tpu.vector_load %arg6[%swap3A_50, %swap3A_51] {strides = array<i32>} : memref<80x16xf32, #tpu.memory_space<vmem>>, vector<1x16xf32>,
    %swap3A_53 = vector.shape_cast %swap3A_52 : vector<1x16xf32> to vector<16xf32>
    %swap3A_54 = vector.shape_cast %broadcast_in_dim3A_48 : vector<16xf32> to vector<1x16xf32>
    tpu.vector_store %arg6[%swap3A_50, %swap3A_51], %swap3A_54 {strides = array<i32>} : memref<80x16xf32, #tpu.memory_space<vmem>>, vector<1x16xf32>,
    %broadcast_in_dim3A_55 = arith.constant 1.000000e+00 : f32
    %broadcast_in_dim3A_56 = vector.broadcast %broadcast_in_dim3A_55 : f32 to vector<16xf32>
    %swap3A_57 = arith.constant 7 : i32
    %swap3A_58 = arith.index_cast %swap3A_57 : i32 to index
    %swap3A_59 = arith.constant 0 : index
    %swap3A_60 = tpu.vector_load %arg6[%swap3A_58, %swap3A_59] {strides = array<i32>} : memref<80x16xf32, #tpu.memory_space<vmem>>, vector<1x16xf32>,
    %swap3A_61 = vector.shape_cast %swap3A_60 : vector<1x16xf32> to vector<16xf32>
    %swap3A_62 = vector.shape_cast %broadcast_in_dim3A_56 : vector<16xf32> to vector<1x16xf32>
    tpu.vector_store %arg6[%swap3A_58, %swap3A_59], %swap3A_62 {strides = array<i32>} : memref<80x16xf32, #tpu.memory_space<vmem>>, vector<1x16xf32>,
    %broadcast_in_dim3A_63 = arith.constant 1.000000e+00 : f32
    %broadcast_in_dim3A_64 = vector.broadcast %broadcast_in_dim3A_63 : f32 to vector<16xf32>
    %swap3A_65 = arith.constant 8 : i32
    %swap3A_66 = arith.index_cast %swap3A_65 : i32 to index
    %swap3A_67 = arith.constant 0 : index
    %swap3A_68 = tpu.vector_load %arg6[%swap3A_66, %swap3A_67] {strides = array<i32>} : memref<80x16xf32, #tpu.memory_space<vmem>>, vector<1x16xf32>,
    %swap3A_69 = vector.shape_cast %swap3A_68 : vector<1x16xf32> to vector<16xf32>
    %swap3A_70 = vector.shape_cast %broadcast_in_dim3A_64 : vector<16xf32> to vector<1x16xf32>
    tpu.vector_store %arg6[%swap3A_66, %swap3A_67], %swap3A_70 {strides = array<i32>} : memref<80x16xf32, #tpu.memory_space<vmem>>, vector<1x16xf32>,
    %broadcast_in_dim3A_71 = arith.constant 1.000000e+00 : f32
    %broadcast_in_dim3A_72 = vector.broadcast %broadcast_in_dim3A_71 : f32 to vector<16xf32>
    %swap3A_73 = arith.constant 9 : i32
    %swap3A_74 = arith.index_cast %swap3A_73 : i32 to index
    %swap3A_75 = arith.constant 0 : index
    %swap3A_76 = tpu.vector_load %arg6[%swap3A_74, %swap3A_75] {strides = array<i32>} : memref<80x16xf32, #tpu.memory_space<vmem>>, vector<1x16xf32>,
    %swap3A_77 = vector.shape_cast %swap3A_76 : vector<1x16xf32> to vector<16xf32>
    %swap3A_78 = vector.shape_cast %broadcast_in_dim3A_72 : vector<16xf32> to vector<1x16xf32>
    tpu.vector_store %arg6[%swap3A_74, %swap3A_75], %swap3A_78 {strides = array<i32>} : memref<80x16xf32, #tpu.memory_space<vmem>>, vector<1x16xf32>,
    %broadcast_in_dim3A_79 = arith.constant 1.000000e+00 : f32
    %broadcast_in_dim3A_80 = vector.broadcast %broadcast_in_dim3A_79 : f32 to vector<16xf32>
    %swap3A_81 = arith.constant 10 : i32
    %swap3A_82 = arith.index_cast %swap3A_81 : i32 to index
    %swap3A_83 = arith.constant 0 : index
    %swap3A_84 = tpu.vector_load %arg6[%swap3A_82, %swap3A_83] {strides = array<i32>} : memref<80x16xf32, #tpu.memory_space<vmem>>, vector<1x16xf32>,
    %swap3A_85 = vector.shape_cast %swap3A_84 : vector<1x16xf32> to vector<16xf32>
    %swap3A_86 = vector.shape_cast %broadcast_in_dim3A_80 : vector<16xf32> to vector<1x16xf32>
    tpu.vector_store %arg6[%swap3A_82, %swap3A_83], %swap3A_86 {strides = array<i32>} : memref<80x16xf32, #tpu.memory_space<vmem>>, vector<1x16xf32>,
    %broadcast_in_dim3A_87 = arith.constant 1.000000e+00 : f32
    %broadcast_in_dim3A_88 = vector.broadcast %broadcast_in_dim3A_87 : f32 to vector<16xf32>
    %swap3A_89 = arith.constant 11 : i32
    %swap3A_90 = arith.index_cast %swap3A_89 : i32 to index
    %swap3A_91 = arith.constant 0 : index
    %swap3A_92 = tpu.vector_load %arg6[%swap3A_90, %swap3A_91] {strides = array<i32>} : memref<80x16xf32, #tpu.memory_space<vmem>>, vector<1x16xf32>,
    %swap3A_93 = vector.shape_cast %swap3A_92 : vector<1x16xf32> to vector<16xf32>
    %swap3A_94 = vector.shape_cast %broadcast_in_dim3A_88 : vector<16xf32> to vector<1x16xf32>
    tpu.vector_store %arg6[%swap3A_90, %swap3A_91], %swap3A_94 {strides = array<i32>} : memref<80x16xf32, #tpu.memory_space<vmem>>, vector<1x16xf32>,
    %broadcast_in_dim3A_95 = arith.constant 1.000000e+00 : f32
    %broadcast_in_dim3A_96 = vector.broadcast %broadcast_in_dim3A_95 : f32 to vector<16xf32>
    %swap3A_97 = arith.constant 12 : i32
    %swap3A_98 = arith.index_cast %swap3A_97 : i32 to index
    %swap3A_99 = arith.constant 0 : index
    %swap3A_100 = tpu.vector_load %arg6[%swap3A_98, %swap3A_99] {strides = array<i32>} : memref<80x16xf32, #tpu.memory_space<vmem>>, vector<1x16xf32>,
    %swap3A_101 = vector.shape_cast %swap3A_100 : vector<1x16xf32> to vector<16xf32>
    %swap3A_102 = vector.shape_cast %broadcast_in_dim3A_96 : vector<16xf32> to vector<1x16xf32>
    tpu.vector_store %arg6[%swap3A_98, %swap3A_99], %swap3A_102 {strides = array<i32>} : memref<80x16xf32, #tpu.memory_space<vmem>>, vector<1x16xf32>,
    %broadcast_in_dim3A_103 = arith.constant 1.000000e+00 : f32
    %broadcast_in_dim3A_104 = vector.broadcast %broadcast_in_dim3A_103 : f32 to vector<16xf32>
    %swap3A_105 = arith.constant 13 : i32
    %swap3A_106 = arith.index_cast %swap3A_105 : i32 to index
    %swap3A_107 = arith.constant 0 : index
    %swap3A_108 = tpu.vector_load %arg6[%swap3A_106, %swap3A_107] {strides = array<i32>} : memref<80x16xf32, #tpu.memory_space<vmem>>, vector<1x16xf32>,
    %swap3A_109 = vector.shape_cast %swap3A_108 : vector<1x16xf32> to vector<16xf32>
    %swap3A_110 = vector.shape_cast %broadcast_in_dim3A_104 : vector<16xf32> to vector<1x16xf32>
    tpu.vector_store %arg6[%swap3A_106, %swap3A_107], %swap3A_110 {strides = array<i32>} : memref<80x16xf32, #tpu.memory_space<vmem>>, vector<1x16xf32>,
    %broadcast_in_dim3A_111 = arith.constant 1.000000e+00 : f32
    %broadcast_in_dim3A_112 = vector.broadcast %broadcast_in_dim3A_111 : f32 to vector<16xf32>
    %swap3A_113 = arith.constant 14 : i32
    %swap3A_114 = arith.index_cast %swap3A_113 : i32 to index
    %swap3A_115 = arith.constant 0 : index
    %swap3A_116 = tpu.vector_load %arg6[%swap3A_114, %swap3A_115] {strides = array<i32>} : memref<80x16xf32, #tpu.memory_space<vmem>>, vector<1x16xf32>,
    %swap3A_117 = vector.shape_cast %swap3A_116 : vector<1x16xf32> to vector<16xf32>
    %swap3A_118 = vector.shape_cast %broadcast_in_dim3A_112 : vector<16xf32> to vector<1x16xf32>
    tpu.vector_store %arg6[%swap3A_114, %swap3A_115], %swap3A_118 {strides = array<i32>} : memref<80x16xf32, #tpu.memory_space<vmem>>, vector<1x16xf32>,
    %broadcast_in_dim3A_119 = arith.constant 1.000000e+00 : f32
    %broadcast_in_dim3A_120 = vector.broadcast %broadcast_in_dim3A_119 : f32 to vector<16xf32>
    %swap3A_121 = arith.constant 15 : i32
    %swap3A_122 = arith.index_cast %swap3A_121 : i32 to index
    %swap3A_123 = arith.constant 0 : index
    %swap3A_124 = tpu.vector_load %arg6[%swap3A_122, %swap3A_123] {strides = array<i32>} : memref<80x16xf32, #tpu.memory_space<vmem>>, vector<1x16xf32>,
    %swap3A_125 = vector.shape_cast %swap3A_124 : vector<1x16xf32> to vector<16xf32>
    %swap3A_126 = vector.shape_cast %broadcast_in_dim3A_120 : vector<16xf32> to vector<1x16xf32>
    tpu.vector_store %arg6[%swap3A_122, %swap3A_123], %swap3A_126 {strides = array<i32>} : memref<80x16xf32, #tpu.memory_space<vmem>>, vector<1x16xf32>,
    %broadcast_in_dim3A_127 = arith.constant 1.000000e+00 : f32
    %broadcast_in_dim3A_128 = vector.broadcast %broadcast_in_dim3A_127 : f32 to vector<16xf32>
    %swap3A_129 = arith.constant 16 : i32
    %swap3A_130 = arith.index_cast %swap3A_129 : i32 to index
    %swap3A_131 = arith.constant 0 : index
    %swap3A_132 = tpu.vector_load %arg6[%swap3A_130, %swap3A_131] {strides = array<i32>} : memref<80x16xf32, #tpu.memory_space<vmem>>, vector<1x16xf32>,
    %swap3A_133 = vector.shape_cast %swap3A_132 : vector<1x16xf32> to vector<16xf32>
    %swap3A_134 = vector.shape_cast %broadcast_in_dim3A_128 : vector<16xf32> to vector<1x16xf32>
    tpu.vector_store %arg6[%swap3A_130, %swap3A_131], %swap3A_134 {strides = array<i32>} : memref<80x16xf32, #tpu.memory_space<vmem>>, vector<1x16xf32>,
    %broadcast_in_dim3A_135 = arith.constant 1.000000e+00 : f32
    %broadcast_in_dim3A_136 = vector.broadcast %broadcast_in_dim3A_135 : f32 to vector<16xf32>
    %swap3A_137 = arith.constant 17 : i32
    %swap3A_138 = arith.index_cast %swap3A_137 : i32 to index
    %swap3A_139 = arith.constant 0 : index
    %swap3A_140 = tpu.vector_load %arg6[%swap3A_138, %swap3A_139] {strides = array<i32>} : memref<80x16xf32, #tpu.memory_space<vmem>>, vector<1x16xf32>,
    %swap3A_141 = vector.shape_cast %swap3A_140 : vector<1x16xf32> to vector<16xf32>
    %swap3A_142 = vector.shape_cast %broadcast_in_dim3A_136 : vector<16xf32> to vector<1x16xf32>
    tpu.vector_store %arg6[%swap3A_138, %swap3A_139], %swap3A_142 {strides = array<i32>} : memref<80x16xf32, #tpu.memory_space<vmem>>, vector<1x16xf32>,
    %broadcast_in_dim3A_143 = arith.constant 1.000000e+00 : f32
    %broadcast_in_dim3A_144 = vector.broadcast %broadcast_in_dim3A_143 : f32 to vector<16xf32>
    %swap3A_145 = arith.constant 18 : i32
    %swap3A_146 = arith.index_cast %swap3A_145 : i32 to index
    %swap3A_147 = arith.constant 0 : index
    %swap3A_148 = tpu.vector_load %arg6[%swap3A_146, %swap3A_147] {strides = array<i32>} : memref<80x16xf32, #tpu.memory_space<vmem>>, vector<1x16xf32>,
    %swap3A_149 = vector.shape_cast %swap3A_148 : vector<1x16xf32> to vector<16xf32>
    %swap3A_150 = vector.shape_cast %broadcast_in_dim3A_144 : vector<16xf32> to vector<1x16xf32>
    tpu.vector_store %arg6[%swap3A_146, %swap3A_147], %swap3A_150 {strides = array<i32>} : memref<80x16xf32, #tpu.memory_space<vmem>>, vector<1x16xf32>,
    %broadcast_in_dim3A_151 = arith.constant 1.000000e+00 : f32
    %broadcast_in_dim3A_152 = vector.broadcast %broadcast_in_dim3A_151 : f32 to vector<16xf32>
    %swap3A_153 = arith.constant 19 : i32
    %swap3A_154 = arith.index_cast %swap3A_153 : i32 to index
    %swap3A_155 = arith.constant 0 : index
    %swap3A_156 = tpu.vector_load %arg6[%swap3A_154, %swap3A_155] {strides = array<i32>} : memref<80x16xf32, #tpu.memory_space<vmem>>, vector<1x16xf32>,
    %swap3A_157 = vector.shape_cast %swap3A_156 : vector<1x16xf32> to vector<16xf32>
    %swap3A_158 = vector.shape_cast %broadcast_in_dim3A_152 : vector<16xf32> to vector<1x16xf32>
    tpu.vector_store %arg6[%swap3A_154, %swap3A_155], %swap3A_158 {strides = array<i32>} : memref<80x16xf32, #tpu.memory_space<vmem>>, vector<1x16xf32>,
    %broadcast_in_dim3A_159 = arith.constant 1.000000e+00 : f32
    %broadcast_in_dim3A_160 = vector.broadcast %broadcast_in_dim3A_159 : f32 to vector<16xf32>
    %swap3A_161 = arith.constant 20 : i32
    %swap3A_162 = arith.index_cast %swap3A_161 : i32 to index
    %swap3A_163 = arith.constant 0 : index
    %swap3A_164 = tpu.vector_load %arg6[%swap3A_162, %swap3A_163] {strides = array<i32>} : memref<80x16xf32, #tpu.memory_space<vmem>>, vector<1x16xf32>,
    %swap3A_165 = vector.shape_cast %swap3A_164 : vector<1x16xf32> to vector<16xf32>
    %swap3A_166 = vector.shape_cast %broadcast_in_dim3A_160 : vector<16xf32> to vector<1x16xf32>
    tpu.vector_store %arg6[%swap3A_162, %swap3A_163], %swap3A_166 {strides = array<i32>} : memref<80x16xf32, #tpu.memory_space<vmem>>, vector<1x16xf32>,
    %broadcast_in_dim3A_167 = arith.constant 1.000000e+00 : f32
    %broadcast_in_dim3A_168 = vector.broadcast %broadcast_in_dim3A_167 : f32 to vector<16xf32>
    %swap3A_169 = arith.constant 21 : i32
    %swap3A_170 = arith.index_cast %swap3A_169 : i32 to index
    %swap3A_171 = arith.constant 0 : index
    %swap3A_172 = tpu.vector_load %arg6[%swap3A_170, %swap3A_171] {strides = array<i32>} : memref<80x16xf32, #tpu.memory_space<vmem>>, vector<1x16xf32>,
    %swap3A_173 = vector.shape_cast %swap3A_172 : vector<1x16xf32> to vector<16xf32>
    %swap3A_174 = vector.shape_cast %broadcast_in_dim3A_168 : vector<16xf32> to vector<1x16xf32>
    tpu.vector_store %arg6[%swap3A_170, %swap3A_171], %swap3A_174 {strides = array<i32>} : memref<80x16xf32, #tpu.memory_space<vmem>>, vector<1x16xf32>,
    %broadcast_in_dim3A_175 = arith.constant 1.000000e+00 : f32
    %broadcast_in_dim3A_176 = vector.broadcast %broadcast_in_dim3A_175 : f32 to vector<16xf32>
    %swap3A_177 = arith.constant 22 : i32
    %swap3A_178 = arith.index_cast %swap3A_177 : i32 to index
    %swap3A_179 = arith.constant 0 : index
    %swap3A_180 = tpu.vector_load %arg6[%swap3A_178, %swap3A_179] {strides = array<i32>} : memref<80x16xf32, #tpu.memory_space<vmem>>, vector<1x16xf32>,
    %swap3A_181 = vector.shape_cast %swap3A_180 : vector<1x16xf32> to vector<16xf32>
    %swap3A_182 = vector.shape_cast %broadcast_in_dim3A_176 : vector<16xf32> to vector<1x16xf32>
    tpu.vector_store %arg6[%swap3A_178, %swap3A_179], %swap3A_182 {strides = array<i32>} : memref<80x16xf32, #tpu.memory_space<vmem>>, vector<1x16xf32>,
    %broadcast_in_dim3A_183 = arith.constant 1.000000e+00 : f32
    %broadcast_in_dim3A_184 = vector.broadcast %broadcast_in_dim3A_183 : f32 to vector<16xf32>
    %swap3A_185 = arith.constant 23 : i32
    %swap3A_186 = arith.index_cast %swap3A_185 : i32 to index
    %swap3A_187 = arith.constant 0 : index
    %swap3A_188 = tpu.vector_load %arg6[%swap3A_186, %swap3A_187] {strides = array<i32>} : memref<80x16xf32, #tpu.memory_space<vmem>>, vector<1x16xf32>,
    %swap3A_189 = vector.shape_cast %swap3A_188 : vector<1x16xf32> to vector<16xf32>
    %swap3A_190 = vector.shape_cast %broadcast_in_dim3A_184 : vector<16xf32> to vector<1x16xf32>
    tpu.vector_store %arg6[%swap3A_186, %swap3A_187], %swap3A_190 {strides = array<i32>} : memref<80x16xf32, #tpu.memory_space<vmem>>, vector<1x16xf32>,
    %broadcast_in_dim3A_191 = arith.constant 1.000000e+00 : f32
    %broadcast_in_dim3A_192 = vector.broadcast %broadcast_in_dim3A_191 : f32 to vector<16xf32>
    %swap3A_193 = arith.constant 24 : i32
    %swap3A_194 = arith.index_cast %swap3A_193 : i32 to index
    %swap3A_195 = arith.constant 0 : index
    %swap3A_196 = tpu.vector_load %arg6[%swap3A_194, %swap3A_195] {strides = array<i32>} : memref<80x16xf32, #tpu.memory_space<vmem>>, vector<1x16xf32>,
    %swap3A_197 = vector.shape_cast %swap3A_196 : vector<1x16xf32> to vector<16xf32>
    %swap3A_198 = vector.shape_cast %broadcast_in_dim3A_192 : vector<16xf32> to vector<1x16xf32>
    tpu.vector_store %arg6[%swap3A_194, %swap3A_195], %swap3A_198 {strides = array<i32>} : memref<80x16xf32, #tpu.memory_space<vmem>>, vector<1x16xf32>,
    %broadcast_in_dim3A_199 = arith.constant 1.000000e+00 : f32
    %broadcast_in_dim3A_200 = vector.broadcast %broadcast_in_dim3A_199 : f32 to vector<16xf32>
    %swap3A_201 = arith.constant 25 : i32
    %swap3A_202 = arith.index_cast %swap3A_201 : i32 to index
    %swap3A_203 = arith.constant 0 : index
    %swap3A_204 = tpu.vector_load %arg6[%swap3A_202, %swap3A_203] {strides = array<i32>} : memref<80x16xf32, #tpu.memory_space<vmem>>, vector<1x16xf32>,
    %swap3A_205 = vector.shape_cast %swap3A_204 : vector<1x16xf32> to vector<16xf32>
    %swap3A_206 = vector.shape_cast %broadcast_in_dim3A_200 : vector<16xf32> to vector<1x16xf32>
    tpu.vector_store %arg6[%swap3A_202, %swap3A_203], %swap3A_206 {strides = array<i32>} : memref<80x16xf32, #tpu.memory_space<vmem>>, vector<1x16xf32>,
    %broadcast_in_dim3A_207 = arith.constant 1.000000e+00 : f32
    %broadcast_in_dim3A_208 = vector.broadcast %broadcast_in_dim3A_207 : f32 to vector<16xf32>
    %swap3A_209 = arith.constant 26 : i32
    %swap3A_210 = arith.index_cast %swap3A_209 : i32 to index
    %swap3A_211 = arith.constant 0 : index
    %swap3A_212 = tpu.vector_load %arg6[%swap3A_210, %swap3A_211] {strides = array<i32>} : memref<80x16xf32, #tpu.memory_space<vmem>>, vector<1x16xf32>,
    %swap3A_213 = vector.shape_cast %swap3A_212 : vector<1x16xf32> to vector<16xf32>
    %swap3A_214 = vector.shape_cast %broadcast_in_dim3A_208 : vector<16xf32> to vector<1x16xf32>
    tpu.vector_store %arg6[%swap3A_210, %swap3A_211], %swap3A_214 {strides = array<i32>} : memref<80x16xf32, #tpu.memory_space<vmem>>, vector<1x16xf32>,
    %broadcast_in_dim3A_215 = arith.constant 1.000000e+00 : f32
    %broadcast_in_dim3A_216 = vector.broadcast %broadcast_in_dim3A_215 : f32 to vector<16xf32>
    %swap3A_217 = arith.constant 27 : i32
    %swap3A_218 = arith.index_cast %swap3A_217 : i32 to index
    %swap3A_219 = arith.constant 0 : index
    %swap3A_220 = tpu.vector_load %arg6[%swap3A_218, %swap3A_219] {strides = array<i32>} : memref<80x16xf32, #tpu.memory_space<vmem>>, vector<1x16xf32>,
    %swap3A_221 = vector.shape_cast %swap3A_220 : vector<1x16xf32> to vector<16xf32>
    %swap3A_222 = vector.shape_cast %broadcast_in_dim3A_216 : vector<16xf32> to vector<1x16xf32>
    tpu.vector_store %arg6[%swap3A_218, %swap3A_219], %swap3A_222 {strides = array<i32>} : memref<80x16xf32, #tpu.memory_space<vmem>>, vector<1x16xf32>,
    %broadcast_in_dim3A_223 = arith.constant 1.000000e+00 : f32
    %broadcast_in_dim3A_224 = vector.broadcast %broadcast_in_dim3A_223 : f32 to vector<16xf32>
    %swap3A_225 = arith.constant 28 : i32
    %swap3A_226 = arith.index_cast %swap3A_225 : i32 to index
    %swap3A_227 = arith.constant 0 : index
    %swap3A_228 = tpu.vector_load %arg6[%swap3A_226, %swap3A_227] {strides = array<i32>} : memref<80x16xf32, #tpu.memory_space<vmem>>, vector<1x16xf32>,
    %swap3A_229 = vector.shape_cast %swap3A_228 : vector<1x16xf32> to vector<16xf32>
    %swap3A_230 = vector.shape_cast %broadcast_in_dim3A_224 : vector<16xf32> to vector<1x16xf32>
    tpu.vector_store %arg6[%swap3A_226, %swap3A_227], %swap3A_230 {strides = array<i32>} : memref<80x16xf32, #tpu.memory_space<vmem>>, vector<1x16xf32>,
    %broadcast_in_dim3A_231 = arith.constant 1.000000e+00 : f32
    %broadcast_in_dim3A_232 = vector.broadcast %broadcast_in_dim3A_231 : f32 to vector<16xf32>
    %swap3A_233 = arith.constant 29 : i32
    %swap3A_234 = arith.index_cast %swap3A_233 : i32 to index
    %swap3A_235 = arith.constant 0 : index
    %swap3A_236 = tpu.vector_load %arg6[%swap3A_234, %swap3A_235] {strides = array<i32>} : memref<80x16xf32, #tpu.memory_space<vmem>>, vector<1x16xf32>,
    %swap3A_237 = vector.shape_cast %swap3A_236 : vector<1x16xf32> to vector<16xf32>
    %swap3A_238 = vector.shape_cast %broadcast_in_dim3A_232 : vector<16xf32> to vector<1x16xf32>
    tpu.vector_store %arg6[%swap3A_234, %swap3A_235], %swap3A_238 {strides = array<i32>} : memref<80x16xf32, #tpu.memory_space<vmem>>, vector<1x16xf32>,
    %broadcast_in_dim3A_239 = arith.constant 1.000000e+00 : f32
    %broadcast_in_dim3A_240 = vector.broadcast %broadcast_in_dim3A_239 : f32 to vector<16xf32>
    %swap3A_241 = arith.constant 30 : i32
    %swap3A_242 = arith.index_cast %swap3A_241 : i32 to index
    %swap3A_243 = arith.constant 0 : index
    %swap3A_244 = tpu.vector_load %arg6[%swap3A_242, %swap3A_243] {strides = array<i32>} : memref<80x16xf32, #tpu.memory_space<vmem>>, vector<1x16xf32>,
    %swap3A_245 = vector.shape_cast %swap3A_244 : vector<1x16xf32> to vector<16xf32>
    %swap3A_246 = vector.shape_cast %broadcast_in_dim3A_240 : vector<16xf32> to vector<1x16xf32>
    tpu.vector_store %arg6[%swap3A_242, %swap3A_243], %swap3A_246 {strides = array<i32>} : memref<80x16xf32, #tpu.memory_space<vmem>>, vector<1x16xf32>,
    %broadcast_in_dim3A_247 = arith.constant 1.000000e+00 : f32
    %broadcast_in_dim3A_248 = vector.broadcast %broadcast_in_dim3A_247 : f32 to vector<16xf32>
    %swap3A_249 = arith.constant 31 : i32
    %swap3A_250 = arith.index_cast %swap3A_249 : i32 to index
    %swap3A_251 = arith.constant 0 : index
    %swap3A_252 = tpu.vector_load %arg6[%swap3A_250, %swap3A_251] {strides = array<i32>} : memref<80x16xf32, #tpu.memory_space<vmem>>, vector<1x16xf32>,
    %swap3A_253 = vector.shape_cast %swap3A_252 : vector<1x16xf32> to vector<16xf32>
    %swap3A_254 = vector.shape_cast %broadcast_in_dim3A_248 : vector<16xf32> to vector<1x16xf32>
    tpu.vector_store %arg6[%swap3A_250, %swap3A_251], %swap3A_254 {strides = array<i32>} : memref<80x16xf32, #tpu.memory_space<vmem>>, vector<1x16xf32>,
    %broadcast_in_dim3A_255 = arith.constant 1.000000e+00 : f32
    %broadcast_in_dim3A_256 = vector.broadcast %broadcast_in_dim3A_255 : f32 to vector<16xf32>
    %swap3A_257 = arith.constant 32 : i32
    %swap3A_258 = arith.index_cast %swap3A_257 : i32 to index
    %swap3A_259 = arith.constant 0 : index
    %swap3A_260 = tpu.vector_load %arg6[%swap3A_258, %swap3A_259] {strides = array<i32>} : memref<80x16xf32, #tpu.memory_space<vmem>>, vector<1x16xf32>,
    %swap3A_261 = vector.shape_cast %swap3A_260 : vector<1x16xf32> to vector<16xf32>
    %swap3A_262 = vector.shape_cast %broadcast_in_dim3A_256 : vector<16xf32> to vector<1x16xf32>
    tpu.vector_store %arg6[%swap3A_258, %swap3A_259], %swap3A_262 {strides = array<i32>} : memref<80x16xf32, #tpu.memory_space<vmem>>, vector<1x16xf32>,
    %broadcast_in_dim3A_263 = arith.constant 1.000000e+00 : f32
    %broadcast_in_dim3A_264 = vector.broadcast %broadcast_in_dim3A_263 : f32 to vector<16xf32>
    %swap3A_265 = arith.constant 33 : i32
    %swap3A_266 = arith.index_cast %swap3A_265 : i32 to index
    %swap3A_267 = arith.constant 0 : index
    %swap3A_268 = tpu.vector_load %arg6[%swap3A_266, %swap3A_267] {strides = array<i32>} : memref<80x16xf32, #tpu.memory_space<vmem>>, vector<1x16xf32>,
    %swap3A_269 = vector.shape_cast %swap3A_268 : vector<1x16xf32> to vector<16xf32>
    %swap3A_270 = vector.shape_cast %broadcast_in_dim3A_264 : vector<16xf32> to vector<1x16xf32>
    tpu.vector_store %arg6[%swap3A_266, %swap3A_267], %swap3A_270 {strides = array<i32>} : memref<80x16xf32, #tpu.memory_space<vmem>>, vector<1x16xf32>,
    %broadcast_in_dim3A_271 = arith.constant 1.000000e+00 : f32
    %broadcast_in_dim3A_272 = vector.broadcast %broadcast_in_dim3A_271 : f32 to vector<16xf32>
    %swap3A_273 = arith.constant 34 : i32
    %swap3A_274 = arith.index_cast %swap3A_273 : i32 to index
    %swap3A_275 = arith.constant 0 : index
    %swap3A_276 = tpu.vector_load %arg6[%swap3A_274, %swap3A_275] {strides = array<i32>} : memref<80x16xf32, #tpu.memory_space<vmem>>, vector<1x16xf32>,
    %swap3A_277 = vector.shape_cast %swap3A_276 : vector<1x16xf32> to vector<16xf32>
    %swap3A_278 = vector.shape_cast %broadcast_in_dim3A_272 : vector<16xf32> to vector<1x16xf32>
    tpu.vector_store %arg6[%swap3A_274, %swap3A_275], %swap3A_278 {strides = array<i32>} : memref<80x16xf32, #tpu.memory_space<vmem>>, vector<1x16xf32>,
    %broadcast_in_dim3A_279 = arith.constant 1.000000e+00 : f32
    %broadcast_in_dim3A_280 = vector.broadcast %broadcast_in_dim3A_279 : f32 to vector<16xf32>
    %swap3A_281 = arith.constant 35 : i32
    %swap3A_282 = arith.index_cast %swap3A_281 : i32 to index
    %swap3A_283 = arith.constant 0 : index
    %swap3A_284 = tpu.vector_load %arg6[%swap3A_282, %swap3A_283] {strides = array<i32>} : memref<80x16xf32, #tpu.memory_space<vmem>>, vector<1x16xf32>,
    %swap3A_285 = vector.shape_cast %swap3A_284 : vector<1x16xf32> to vector<16xf32>
    %swap3A_286 = vector.shape_cast %broadcast_in_dim3A_280 : vector<16xf32> to vector<1x16xf32>
    tpu.vector_store %arg6[%swap3A_282, %swap3A_283], %swap3A_286 {strides = array<i32>} : memref<80x16xf32, #tpu.memory_space<vmem>>, vector<1x16xf32>,
    %broadcast_in_dim3A_287 = arith.constant 1.000000e+00 : f32
    %broadcast_in_dim3A_288 = vector.broadcast %broadcast_in_dim3A_287 : f32 to vector<16xf32>
    %swap3A_289 = arith.constant 36 : i32
    %swap3A_290 = arith.index_cast %swap3A_289 : i32 to index
    %swap3A_291 = arith.constant 0 : index
    %swap3A_292 = tpu.vector_load %arg6[%swap3A_290, %swap3A_291] {strides = array<i32>} : memref<80x16xf32, #tpu.memory_space<vmem>>, vector<1x16xf32>,
    %swap3A_293 = vector.shape_cast %swap3A_292 : vector<1x16xf32> to vector<16xf32>
    %swap3A_294 = vector.shape_cast %broadcast_in_dim3A_288 : vector<16xf32> to vector<1x16xf32>
    tpu.vector_store %arg6[%swap3A_290, %swap3A_291], %swap3A_294 {strides = array<i32>} : memref<80x16xf32, #tpu.memory_space<vmem>>, vector<1x16xf32>,
    %broadcast_in_dim3A_295 = arith.constant 1.000000e+00 : f32
    %broadcast_in_dim3A_296 = vector.broadcast %broadcast_in_dim3A_295 : f32 to vector<16xf32>
    %swap3A_297 = arith.constant 37 : i32
    %swap3A_298 = arith.index_cast %swap3A_297 : i32 to index
    %swap3A_299 = arith.constant 0 : index
    %swap3A_300 = tpu.vector_load %arg6[%swap3A_298, %swap3A_299] {strides = array<i32>} : memref<80x16xf32, #tpu.memory_space<vmem>>, vector<1x16xf32>,
    %swap3A_301 = vector.shape_cast %swap3A_300 : vector<1x16xf32> to vector<16xf32>
    %swap3A_302 = vector.shape_cast %broadcast_in_dim3A_296 : vector<16xf32> to vector<1x16xf32>
    tpu.vector_store %arg6[%swap3A_298, %swap3A_299], %swap3A_302 {strides = array<i32>} : memref<80x16xf32, #tpu.memory_space<vmem>>, vector<1x16xf32>,
    %broadcast_in_dim3A_303 = arith.constant 1.000000e+00 : f32
    %broadcast_in_dim3A_304 = vector.broadcast %broadcast_in_dim3A_303 : f32 to vector<16xf32>
    %swap3A_305 = arith.constant 38 : i32
    %swap3A_306 = arith.index_cast %swap3A_305 : i32 to index
    %swap3A_307 = arith.constant 0 : index
    %swap3A_308 = tpu.vector_load %arg6[%swap3A_306, %swap3A_307] {strides = array<i32>} : memref<80x16xf32, #tpu.memory_space<vmem>>, vector<1x16xf32>,
    %swap3A_309 = vector.shape_cast %swap3A_308 : vector<1x16xf32> to vector<16xf32>
    %swap3A_310 = vector.shape_cast %broadcast_in_dim3A_304 : vector<16xf32> to vector<1x16xf32>
    tpu.vector_store %arg6[%swap3A_306, %swap3A_307], %swap3A_310 {strides = array<i32>} : memref<80x16xf32, #tpu.memory_space<vmem>>, vector<1x16xf32>,
    %broadcast_in_dim3A_311 = arith.constant 1.000000e+00 : f32
    %broadcast_in_dim3A_312 = vector.broadcast %broadcast_in_dim3A_311 : f32 to vector<16xf32>
    %swap3A_313 = arith.constant 39 : i32
    %swap3A_314 = arith.index_cast %swap3A_313 : i32 to index
    %swap3A_315 = arith.constant 0 : index
    %swap3A_316 = tpu.vector_load %arg6[%swap3A_314, %swap3A_315] {strides = array<i32>} : memref<80x16xf32, #tpu.memory_space<vmem>>, vector<1x16xf32>,
    %swap3A_317 = vector.shape_cast %swap3A_316 : vector<1x16xf32> to vector<16xf32>
    %swap3A_318 = vector.shape_cast %broadcast_in_dim3A_312 : vector<16xf32> to vector<1x16xf32>
    tpu.vector_store %arg6[%swap3A_314, %swap3A_315], %swap3A_318 {strides = array<i32>} : memref<80x16xf32, #tpu.memory_space<vmem>>, vector<1x16xf32>,
    %broadcast_in_dim3A_319 = arith.constant 1.000000e+00 : f32
    %broadcast_in_dim3A_320 = vector.broadcast %broadcast_in_dim3A_319 : f32 to vector<16xf32>
    %swap3A_321 = arith.constant 40 : i32
    %swap3A_322 = arith.index_cast %swap3A_321 : i32 to index
    %swap3A_323 = arith.constant 0 : index
    %swap3A_324 = tpu.vector_load %arg6[%swap3A_322, %swap3A_323] {strides = array<i32>} : memref<80x16xf32, #tpu.memory_space<vmem>>, vector<1x16xf32>,
    %swap3A_325 = vector.shape_cast %swap3A_324 : vector<1x16xf32> to vector<16xf32>
    %swap3A_326 = vector.shape_cast %broadcast_in_dim3A_320 : vector<16xf32> to vector<1x16xf32>
    tpu.vector_store %arg6[%swap3A_322, %swap3A_323], %swap3A_326 {strides = array<i32>} : memref<80x16xf32, #tpu.memory_space<vmem>>, vector<1x16xf32>,
    %broadcast_in_dim3A_327 = arith.constant 1.000000e+00 : f32
    %broadcast_in_dim3A_328 = vector.broadcast %broadcast_in_dim3A_327 : f32 to vector<16xf32>
    %swap3A_329 = arith.constant 41 : i32
    %swap3A_330 = arith.index_cast %swap3A_329 : i32 to index
    %swap3A_331 = arith.constant 0 : index
    %swap3A_332 = tpu.vector_load %arg6[%swap3A_330, %swap3A_331] {strides = array<i32>} : memref<80x16xf32, #tpu.memory_space<vmem>>, vector<1x16xf32>,
    %swap3A_333 = vector.shape_cast %swap3A_332 : vector<1x16xf32> to vector<16xf32>
    %swap3A_334 = vector.shape_cast %broadcast_in_dim3A_328 : vector<16xf32> to vector<1x16xf32>
    tpu.vector_store %arg6[%swap3A_330, %swap3A_331], %swap3A_334 {strides = array<i32>} : memref<80x16xf32, #tpu.memory_space<vmem>>, vector<1x16xf32>,
    %broadcast_in_dim3A_335 = arith.constant 1.000000e+00 : f32
    %broadcast_in_dim3A_336 = vector.broadcast %broadcast_in_dim3A_335 : f32 to vector<16xf32>
    %swap3A_337 = arith.constant 42 : i32
    %swap3A_338 = arith.index_cast %swap3A_337 : i32 to index
    %swap3A_339 = arith.constant 0 : index
    %swap3A_340 = tpu.vector_load %arg6[%swap3A_338, %swap3A_339] {strides = array<i32>} : memref<80x16xf32, #tpu.memory_space<vmem>>, vector<1x16xf32>,
    %swap3A_341 = vector.shape_cast %swap3A_340 : vector<1x16xf32> to vector<16xf32>
    %swap3A_342 = vector.shape_cast %broadcast_in_dim3A_336 : vector<16xf32> to vector<1x16xf32>
    tpu.vector_store %arg6[%swap3A_338, %swap3A_339], %swap3A_342 {strides = array<i32>} : memref<80x16xf32, #tpu.memory_space<vmem>>, vector<1x16xf32>,
    %broadcast_in_dim3A_343 = arith.constant 1.000000e+00 : f32
    %broadcast_in_dim3A_344 = vector.broadcast %broadcast_in_dim3A_343 : f32 to vector<16xf32>
    %swap3A_345 = arith.constant 43 : i32
    %swap3A_346 = arith.index_cast %swap3A_345 : i32 to index
    %swap3A_347 = arith.constant 0 : index
    %swap3A_348 = tpu.vector_load %arg6[%swap3A_346, %swap3A_347] {strides = array<i32>} : memref<80x16xf32, #tpu.memory_space<vmem>>, vector<1x16xf32>,
    %swap3A_349 = vector.shape_cast %swap3A_348 : vector<1x16xf32> to vector<16xf32>
    %swap3A_350 = vector.shape_cast %broadcast_in_dim3A_344 : vector<16xf32> to vector<1x16xf32>
    tpu.vector_store %arg6[%swap3A_346, %swap3A_347], %swap3A_350 {strides = array<i32>} : memref<80x16xf32, #tpu.memory_space<vmem>>, vector<1x16xf32>,
    %broadcast_in_dim3A_351 = arith.constant 1.000000e+00 : f32
    %broadcast_in_dim3A_352 = vector.broadcast %broadcast_in_dim3A_351 : f32 to vector<16xf32>
    %swap3A_353 = arith.constant 44 : i32
    %swap3A_354 = arith.index_cast %swap3A_353 : i32 to index
    %swap3A_355 = arith.constant 0 : index
    %swap3A_356 = tpu.vector_load %arg6[%swap3A_354, %swap3A_355] {strides = array<i32>} : memref<80x16xf32, #tpu.memory_space<vmem>>, vector<1x16xf32>,
    %swap3A_357 = vector.shape_cast %swap3A_356 : vector<1x16xf32> to vector<16xf32>
    %swap3A_358 = vector.shape_cast %broadcast_in_dim3A_352 : vector<16xf32> to vector<1x16xf32>
    tpu.vector_store %arg6[%swap3A_354, %swap3A_355], %swap3A_358 {strides = array<i32>} : memref<80x16xf32, #tpu.memory_space<vmem>>, vector<1x16xf32>,
    %broadcast_in_dim3A_359 = arith.constant 1.000000e+00 : f32
    %broadcast_in_dim3A_360 = vector.broadcast %broadcast_in_dim3A_359 : f32 to vector<16xf32>
    %swap3A_361 = arith.constant 45 : i32
    %swap3A_362 = arith.index_cast %swap3A_361 : i32 to index
    %swap3A_363 = arith.constant 0 : index
    %swap3A_364 = tpu.vector_load %arg6[%swap3A_362, %swap3A_363] {strides = array<i32>} : memref<80x16xf32, #tpu.memory_space<vmem>>, vector<1x16xf32>,
    %swap3A_365 = vector.shape_cast %swap3A_364 : vector<1x16xf32> to vector<16xf32>
    %swap3A_366 = vector.shape_cast %broadcast_in_dim3A_360 : vector<16xf32> to vector<1x16xf32>
    tpu.vector_store %arg6[%swap3A_362, %swap3A_363], %swap3A_366 {strides = array<i32>} : memref<80x16xf32, #tpu.memory_space<vmem>>, vector<1x16xf32>,
    %broadcast_in_dim3A_367 = arith.constant 1.000000e+00 : f32
    %broadcast_in_dim3A_368 = vector.broadcast %broadcast_in_dim3A_367 : f32 to vector<16xf32>
    %swap3A_369 = arith.constant 46 : i32
    %swap3A_370 = arith.index_cast %swap3A_369 : i32 to index
    %swap3A_371 = arith.constant 0 : index
    %swap3A_372 = tpu.vector_load %arg6[%swap3A_370, %swap3A_371] {strides = array<i32>} : memref<80x16xf32, #tpu.memory_space<vmem>>, vector<1x16xf32>,
    %swap3A_373 = vector.shape_cast %swap3A_372 : vector<1x16xf32> to vector<16xf32>
    %swap3A_374 = vector.shape_cast %broadcast_in_dim3A_368 : vector<16xf32> to vector<1x16xf32>
    tpu.vector_store %arg6[%swap3A_370, %swap3A_371], %swap3A_374 {strides = array<i32>} : memref<80x16xf32, #tpu.memory_space<vmem>>, vector<1x16xf32>,
    %broadcast_in_dim3A_375 = arith.constant 1.000000e+00 : f32
    %broadcast_in_dim3A_376 = vector.broadcast %broadcast_in_dim3A_375 : f32 to vector<16xf32>
    %swap3A_377 = arith.constant 47 : i32
    %swap3A_378 = arith.index_cast %swap3A_377 : i32 to index
    %swap3A_379 = arith.constant 0 : index
    %swap3A_380 = tpu.vector_load %arg6[%swap3A_378, %swap3A_379] {strides = array<i32>} : memref<80x16xf32, #tpu.memory_space<vmem>>, vector<1x16xf32>,
    %swap3A_381 = vector.shape_cast %swap3A_380 : vector<1x16xf32> to vector<16xf32>
    %swap3A_382 = vector.shape_cast %broadcast_in_dim3A_376 : vector<16xf32> to vector<1x16xf32>
    tpu.vector_store %arg6[%swap3A_378, %swap3A_379], %swap3A_382 {strides = array<i32>} : memref<80x16xf32, #tpu.memory_space<vmem>>, vector<1x16xf32>,
    %broadcast_in_dim3A_383 = arith.constant 1.000000e+00 : f32
    %broadcast_in_dim3A_384 = vector.broadcast %broadcast_in_dim3A_383 : f32 to vector<16xf32>
    %swap3A_385 = arith.constant 48 : i32
    %swap3A_386 = arith.index_cast %swap3A_385 : i32 to index
    %swap3A_387 = arith.constant 0 : index
    %swap3A_388 = tpu.vector_load %arg6[%swap3A_386, %swap3A_387] {strides = array<i32>} : memref<80x16xf32, #tpu.memory_space<vmem>>, vector<1x16xf32>,
    %swap3A_389 = vector.shape_cast %swap3A_388 : vector<1x16xf32> to vector<16xf32>
    %swap3A_390 = vector.shape_cast %broadcast_in_dim3A_384 : vector<16xf32> to vector<1x16xf32>
    tpu.vector_store %arg6[%swap3A_386, %swap3A_387], %swap3A_390 {strides = array<i32>} : memref<80x16xf32, #tpu.memory_space<vmem>>, vector<1x16xf32>,
    %broadcast_in_dim3A_391 = arith.constant 1.000000e+00 : f32
    %broadcast_in_dim3A_392 = vector.broadcast %broadcast_in_dim3A_391 : f32 to vector<16xf32>
    %swap3A_393 = arith.constant 49 : i32
    %swap3A_394 = arith.index_cast %swap3A_393 : i32 to index
    %swap3A_395 = arith.constant 0 : index
    %swap3A_396 = tpu.vector_load %arg6[%swap3A_394, %swap3A_395] {strides = array<i32>} : memref<80x16xf32, #tpu.memory_space<vmem>>, vector<1x16xf32>,
    %swap3A_397 = vector.shape_cast %swap3A_396 : vector<1x16xf32> to vector<16xf32>
    %swap3A_398 = vector.shape_cast %broadcast_in_dim3A_392 : vector<16xf32> to vector<1x16xf32>
    tpu.vector_store %arg6[%swap3A_394, %swap3A_395], %swap3A_398 {strides = array<i32>} : memref<80x16xf32, #tpu.memory_space<vmem>>, vector<1x16xf32>,
    %broadcast_in_dim3A_399 = arith.constant 1.000000e+00 : f32
    %broadcast_in_dim3A_400 = vector.broadcast %broadcast_in_dim3A_399 : f32 to vector<16xf32>
    %swap3A_401 = arith.constant 50 : i32
    %swap3A_402 = arith.index_cast %swap3A_401 : i32 to index
    %swap3A_403 = arith.constant 0 : index
    %swap3A_404 = tpu.vector_load %arg6[%swap3A_402, %swap3A_403] {strides = array<i32>} : memref<80x16xf32, #tpu.memory_space<vmem>>, vector<1x16xf32>,
    %swap3A_405 = vector.shape_cast %swap3A_404 : vector<1x16xf32> to vector<16xf32>
    %swap3A_406 = vector.shape_cast %broadcast_in_dim3A_400 : vector<16xf32> to vector<1x16xf32>
    tpu.vector_store %arg6[%swap3A_402, %swap3A_403], %swap3A_406 {strides = array<i32>} : memref<80x16xf32, #tpu.memory_space<vmem>>, vector<1x16xf32>,
    %broadcast_in_dim3A_407 = arith.constant 1.000000e+00 : f32
    %broadcast_in_dim3A_408 = vector.broadcast %broadcast_in_dim3A_407 : f32 to vector<16xf32>
    %swap3A_409 = arith.constant 51 : i32
    %swap3A_410 = arith.index_cast %swap3A_409 : i32 to index
    %swap3A_411 = arith.constant 0 : index
    %swap3A_412 = tpu.vector_load %arg6[%swap3A_410, %swap3A_411] {strides = array<i32>} : memref<80x16xf32, #tpu.memory_space<vmem>>, vector<1x16xf32>,
    %swap3A_413 = vector.shape_cast %swap3A_412 : vector<1x16xf32> to vector<16xf32>
    %swap3A_414 = vector.shape_cast %broadcast_in_dim3A_408 : vector<16xf32> to vector<1x16xf32>
    tpu.vector_store %arg6[%swap3A_410, %swap3A_411], %swap3A_414 {strides = array<i32>} : memref<80x16xf32, #tpu.memory_space<vmem>>, vector<1x16xf32>,
    %broadcast_in_dim3A_415 = arith.constant 1.000000e+00 : f32
    %broadcast_in_dim3A_416 = vector.broadcast %broadcast_in_dim3A_415 : f32 to vector<16xf32>
    %swap3A_417 = arith.constant 52 : i32
    %swap3A_418 = arith.index_cast %swap3A_417 : i32 to index
    %swap3A_419 = arith.constant 0 : index
    %swap3A_420 = tpu.vector_load %arg6[%swap3A_418, %swap3A_419] {strides = array<i32>} : memref<80x16xf32, #tpu.memory_space<vmem>>, vector<1x16xf32>,
    %swap3A_421 = vector.shape_cast %swap3A_420 : vector<1x16xf32> to vector<16xf32>
    %swap3A_422 = vector.shape_cast %broadcast_in_dim3A_416 : vector<16xf32> to vector<1x16xf32>
    tpu.vector_store %arg6[%swap3A_418, %swap3A_419], %swap3A_422 {strides = array<i32>} : memref<80x16xf32, #tpu.memory_space<vmem>>, vector<1x16xf32>,
    %broadcast_in_dim3A_423 = arith.constant 1.000000e+00 : f32
    %broadcast_in_dim3A_424 = vector.broadcast %broadcast_in_dim3A_423 : f32 to vector<16xf32>
    %swap3A_425 = arith.constant 53 : i32
    %swap3A_426 = arith.index_cast %swap3A_425 : i32 to index
    %swap3A_427 = arith.constant 0 : index
    %swap3A_428 = tpu.vector_load %arg6[%swap3A_426, %swap3A_427] {strides = array<i32>} : memref<80x16xf32, #tpu.memory_space<vmem>>, vector<1x16xf32>,
    %swap3A_429 = vector.shape_cast %swap3A_428 : vector<1x16xf32> to vector<16xf32>
    %swap3A_430 = vector.shape_cast %broadcast_in_dim3A_424 : vector<16xf32> to vector<1x16xf32>
    tpu.vector_store %arg6[%swap3A_426, %swap3A_427], %swap3A_430 {strides = array<i32>} : memref<80x16xf32, #tpu.memory_space<vmem>>, vector<1x16xf32>,
    %broadcast_in_dim3A_431 = arith.constant 1.000000e+00 : f32
    %broadcast_in_dim3A_432 = vector.broadcast %broadcast_in_dim3A_431 : f32 to vector<16xf32>
    %swap3A_433 = arith.constant 54 : i32
    %swap3A_434 = arith.index_cast %swap3A_433 : i32 to index
    %swap3A_435 = arith.constant 0 : index
    %swap3A_436 = tpu.vector_load %arg6[%swap3A_434, %swap3A_435] {strides = array<i32>} : memref<80x16xf32, #tpu.memory_space<vmem>>, vector<1x16xf32>,
    %swap3A_437 = vector.shape_cast %swap3A_436 : vector<1x16xf32> to vector<16xf32>
    %swap3A_438 = vector.shape_cast %broadcast_in_dim3A_432 : vector<16xf32> to vector<1x16xf32>
    tpu.vector_store %arg6[%swap3A_434, %swap3A_435], %swap3A_438 {strides = array<i32>} : memref<80x16xf32, #tpu.memory_space<vmem>>, vector<1x16xf32>,
    %broadcast_in_dim3A_439 = arith.constant 1.000000e+00 : f32
    %broadcast_in_dim3A_440 = vector.broadcast %broadcast_in_dim3A_439 : f32 to vector<16xf32>
    %swap3A_441 = arith.constant 55 : i32
    %swap3A_442 = arith.index_cast %swap3A_441 : i32 to index
    %swap3A_443 = arith.constant 0 : index
    %swap3A_444 = tpu.vector_load %arg6[%swap3A_442, %swap3A_443] {strides = array<i32>} : memref<80x16xf32, #tpu.memory_space<vmem>>, vector<1x16xf32>,
    %swap3A_445 = vector.shape_cast %swap3A_444 : vector<1x16xf32> to vector<16xf32>
    %swap3A_446 = vector.shape_cast %broadcast_in_dim3A_440 : vector<16xf32> to vector<1x16xf32>
    tpu.vector_store %arg6[%swap3A_442, %swap3A_443], %swap3A_446 {strides = array<i32>} : memref<80x16xf32, #tpu.memory_space<vmem>>, vector<1x16xf32>,
    %broadcast_in_dim3A_447 = arith.constant 1.000000e+00 : f32
    %broadcast_in_dim3A_448 = vector.broadcast %broadcast_in_dim3A_447 : f32 to vector<16xf32>
    %swap3A_449 = arith.constant 56 : i32
    %swap3A_450 = arith.index_cast %swap3A_449 : i32 to index
    %swap3A_451 = arith.constant 0 : index
    %swap3A_452 = tpu.vector_load %arg6[%swap3A_450, %swap3A_451] {strides = array<i32>} : memref<80x16xf32, #tpu.memory_space<vmem>>, vector<1x16xf32>,
    %swap3A_453 = vector.shape_cast %swap3A_452 : vector<1x16xf32> to vector<16xf32>
    %swap3A_454 = vector.shape_cast %broadcast_in_dim3A_448 : vector<16xf32> to vector<1x16xf32>
    tpu.vector_store %arg6[%swap3A_450, %swap3A_451], %swap3A_454 {strides = array<i32>} : memref<80x16xf32, #tpu.memory_space<vmem>>, vector<1x16xf32>,
    %broadcast_in_dim3A_455 = arith.constant 1.000000e+00 : f32
    %broadcast_in_dim3A_456 = vector.broadcast %broadcast_in_dim3A_455 : f32 to vector<16xf32>
    %swap3A_457 = arith.constant 57 : i32
    %swap3A_458 = arith.index_cast %swap3A_457 : i32 to index
    %swap3A_459 = arith.constant 0 : index
    %swap3A_460 = tpu.vector_load %arg6[%swap3A_458, %swap3A_459] {strides = array<i32>} : memref<80x16xf32, #tpu.memory_space<vmem>>, vector<1x16xf32>,
    %swap3A_461 = vector.shape_cast %swap3A_460 : vector<1x16xf32> to vector<16xf32>
    %swap3A_462 = vector.shape_cast %broadcast_in_dim3A_456 : vector<16xf32> to vector<1x16xf32>
    tpu.vector_store %arg6[%swap3A_458, %swap3A_459], %swap3A_462 {strides = array<i32>} : memref<80x16xf32, #tpu.memory_space<vmem>>, vector<1x16xf32>,
    %broadcast_in_dim3A_463 = arith.constant 1.000000e+00 : f32
    %broadcast_in_dim3A_464 = vector.broadcast %broadcast_in_dim3A_463 : f32 to vector<16xf32>
    %swap3A_465 = arith.constant 58 : i32
    %swap3A_466 = arith.index_cast %swap3A_465 : i32 to index
    %swap3A_467 = arith.constant 0 : index
    %swap3A_468 = tpu.vector_load %arg6[%swap3A_466, %swap3A_467] {strides = array<i32>} : memref<80x16xf32, #tpu.memory_space<vmem>>, vector<1x16xf32>,
    %swap3A_469 = vector.shape_cast %swap3A_468 : vector<1x16xf32> to vector<16xf32>
    %swap3A_470 = vector.shape_cast %broadcast_in_dim3A_464 : vector<16xf32> to vector<1x16xf32>
    tpu.vector_store %arg6[%swap3A_466, %swap3A_467], %swap3A_470 {strides = array<i32>} : memref<80x16xf32, #tpu.memory_space<vmem>>, vector<1x16xf32>,
    %broadcast_in_dim3A_471 = arith.constant 1.000000e+00 : f32
    %broadcast_in_dim3A_472 = vector.broadcast %broadcast_in_dim3A_471 : f32 to vector<16xf32>
    %swap3A_473 = arith.constant 59 : i32
    %swap3A_474 = arith.index_cast %swap3A_473 : i32 to index
    %swap3A_475 = arith.constant 0 : index
    %swap3A_476 = tpu.vector_load %arg6[%swap3A_474, %swap3A_475] {strides = array<i32>} : memref<80x16xf32, #tpu.memory_space<vmem>>, vector<1x16xf32>,
    %swap3A_477 = vector.shape_cast %swap3A_476 : vector<1x16xf32> to vector<16xf32>
    %swap3A_478 = vector.shape_cast %broadcast_in_dim3A_472 : vector<16xf32> to vector<1x16xf32>
    tpu.vector_store %arg6[%swap3A_474, %swap3A_475], %swap3A_478 {strides = array<i32>} : memref<80x16xf32, #tpu.memory_space<vmem>>, vector<1x16xf32>,
    %broadcast_in_dim3A_479 = arith.constant 1.000000e+00 : f32
    %broadcast_in_dim3A_480 = vector.broadcast %broadcast_in_dim3A_479 : f32 to vector<16xf32>
    %swap3A_481 = arith.constant 60 : i32
    %swap3A_482 = arith.index_cast %swap3A_481 : i32 to index
    %swap3A_483 = arith.constant 0 : index
    %swap3A_484 = tpu.vector_load %arg6[%swap3A_482, %swap3A_483] {strides = array<i32>} : memref<80x16xf32, #tpu.memory_space<vmem>>, vector<1x16xf32>,
    %swap3A_485 = vector.shape_cast %swap3A_484 : vector<1x16xf32> to vector<16xf32>
    %swap3A_486 = vector.shape_cast %broadcast_in_dim3A_480 : vector<16xf32> to vector<1x16xf32>
    tpu.vector_store %arg6[%swap3A_482, %swap3A_483], %swap3A_486 {strides = array<i32>} : memref<80x16xf32, #tpu.memory_space<vmem>>, vector<1x16xf32>,
    %broadcast_in_dim3A_487 = arith.constant 1.000000e+00 : f32
    %broadcast_in_dim3A_488 = vector.broadcast %broadcast_in_dim3A_487 : f32 to vector<16xf32>
    %swap3A_489 = arith.constant 61 : i32
    %swap3A_490 = arith.index_cast %swap3A_489 : i32 to index
    %swap3A_491 = arith.constant 0 : index
    %swap3A_492 = tpu.vector_load %arg6[%swap3A_490, %swap3A_491] {strides = array<i32>} : memref<80x16xf32, #tpu.memory_space<vmem>>, vector<1x16xf32>,
    %swap3A_493 = vector.shape_cast %swap3A_492 : vector<1x16xf32> to vector<16xf32>
    %swap3A_494 = vector.shape_cast %broadcast_in_dim3A_488 : vector<16xf32> to vector<1x16xf32>
    tpu.vector_store %arg6[%swap3A_490, %swap3A_491], %swap3A_494 {strides = array<i32>} : memref<80x16xf32, #tpu.memory_space<vmem>>, vector<1x16xf32>,
    %broadcast_in_dim3A_495 = arith.constant 1.000000e+00 : f32
    %broadcast_in_dim3A_496 = vector.broadcast %broadcast_in_dim3A_495 : f32 to vector<16xf32>
    %swap3A_497 = arith.constant 62 : i32
    %swap3A_498 = arith.index_cast %swap3A_497 : i32 to index
    %swap3A_499 = arith.constant 0 : index
    %swap3A_500 = tpu.vector_load %arg6[%swap3A_498, %swap3A_499] {strides = array<i32>} : memref<80x16xf32, #tpu.memory_space<vmem>>, vector<1x16xf32>,
    %swap3A_501 = vector.shape_cast %swap3A_500 : vector<1x16xf32> to vector<16xf32>
    %swap3A_502 = vector.shape_cast %broadcast_in_dim3A_496 : vector<16xf32> to vector<1x16xf32>
    tpu.vector_store %arg6[%swap3A_498, %swap3A_499], %swap3A_502 {strides = array<i32>} : memref<80x16xf32, #tpu.memory_space<vmem>>, vector<1x16xf32>,
    %broadcast_in_dim3A_503 = arith.constant 1.000000e+00 : f32
    %broadcast_in_dim3A_504 = vector.broadcast %broadcast_in_dim3A_503 : f32 to vector<16xf32>
    %swap3A_505 = arith.constant 63 : i32
    %swap3A_506 = arith.index_cast %swap3A_505 : i32 to index
    %swap3A_507 = arith.constant 0 : index
    %swap3A_508 = tpu.vector_load %arg6[%swap3A_506, %swap3A_507] {strides = array<i32>} : memref<80x16xf32, #tpu.memory_space<vmem>>, vector<1x16xf32>,
    %swap3A_509 = vector.shape_cast %swap3A_508 : vector<1x16xf32> to vector<16xf32>
    %swap3A_510 = vector.shape_cast %broadcast_in_dim3A_504 : vector<16xf32> to vector<1x16xf32>
    tpu.vector_store %arg6[%swap3A_506, %swap3A_507], %swap3A_510 {strides = array<i32>} : memref<80x16xf32, #tpu.memory_space<vmem>>, vector<1x16xf32>,
    %broadcast_in_dim3A_511 = arith.constant 1.000000e+00 : f32
    %broadcast_in_dim3A_512 = vector.broadcast %broadcast_in_dim3A_511 : f32 to vector<16xf32>
    %swap3A_513 = arith.constant 64 : i32
    %swap3A_514 = arith.index_cast %swap3A_513 : i32 to index
    %swap3A_515 = arith.constant 0 : index
    %swap3A_516 = tpu.vector_load %arg6[%swap3A_514, %swap3A_515] {strides = array<i32>} : memref<80x16xf32, #tpu.memory_space<vmem>>, vector<1x16xf32>,
    %swap3A_517 = vector.shape_cast %swap3A_516 : vector<1x16xf32> to vector<16xf32>
    %swap3A_518 = vector.shape_cast %broadcast_in_dim3A_512 : vector<16xf32> to vector<1x16xf32>
    tpu.vector_store %arg6[%swap3A_514, %swap3A_515], %swap3A_518 {strides = array<i32>} : memref<80x16xf32, #tpu.memory_space<vmem>>, vector<1x16xf32>,
    %broadcast_in_dim3A_519 = arith.constant 1.000000e+00 : f32
    %broadcast_in_dim3A_520 = vector.broadcast %broadcast_in_dim3A_519 : f32 to vector<16xf32>
    %swap3A_521 = arith.constant 65 : i32
    %swap3A_522 = arith.index_cast %swap3A_521 : i32 to index
    %swap3A_523 = arith.constant 0 : index
    %swap3A_524 = tpu.vector_load %arg6[%swap3A_522, %swap3A_523] {strides = array<i32>} : memref<80x16xf32, #tpu.memory_space<vmem>>, vector<1x16xf32>,
    %swap3A_525 = vector.shape_cast %swap3A_524 : vector<1x16xf32> to vector<16xf32>
    %swap3A_526 = vector.shape_cast %broadcast_in_dim3A_520 : vector<16xf32> to vector<1x16xf32>
    tpu.vector_store %arg6[%swap3A_522, %swap3A_523], %swap3A_526 {strides = array<i32>} : memref<80x16xf32, #tpu.memory_space<vmem>>, vector<1x16xf32>,
    %broadcast_in_dim3A_527 = arith.constant 1.000000e+00 : f32
    %broadcast_in_dim3A_528 = vector.broadcast %broadcast_in_dim3A_527 : f32 to vector<16xf32>
    %swap3A_529 = arith.constant 66 : i32
    %swap3A_530 = arith.index_cast %swap3A_529 : i32 to index
    %swap3A_531 = arith.constant 0 : index
    %swap3A_532 = tpu.vector_load %arg6[%swap3A_530, %swap3A_531] {strides = array<i32>} : memref<80x16xf32, #tpu.memory_space<vmem>>, vector<1x16xf32>,
    %swap3A_533 = vector.shape_cast %swap3A_532 : vector<1x16xf32> to vector<16xf32>
    %swap3A_534 = vector.shape_cast %broadcast_in_dim3A_528 : vector<16xf32> to vector<1x16xf32>
    tpu.vector_store %arg6[%swap3A_530, %swap3A_531], %swap3A_534 {strides = array<i32>} : memref<80x16xf32, #tpu.memory_space<vmem>>, vector<1x16xf32>,
    %broadcast_in_dim3A_535 = arith.constant 1.000000e+00 : f32
    %broadcast_in_dim3A_536 = vector.broadcast %broadcast_in_dim3A_535 : f32 to vector<16xf32>
    %swap3A_537 = arith.constant 67 : i32
    %swap3A_538 = arith.index_cast %swap3A_537 : i32 to index
    %swap3A_539 = arith.constant 0 : index
    %swap3A_540 = tpu.vector_load %arg6[%swap3A_538, %swap3A_539] {strides = array<i32>} : memref<80x16xf32, #tpu.memory_space<vmem>>, vector<1x16xf32>,
    %swap3A_541 = vector.shape_cast %swap3A_540 : vector<1x16xf32> to vector<16xf32>
    %swap3A_542 = vector.shape_cast %broadcast_in_dim3A_536 : vector<16xf32> to vector<1x16xf32>
    tpu.vector_store %arg6[%swap3A_538, %swap3A_539], %swap3A_542 {strides = array<i32>} : memref<80x16xf32, #tpu.memory_space<vmem>>, vector<1x16xf32>,
    %broadcast_in_dim3A_543 = arith.constant 1.000000e+00 : f32
    %broadcast_in_dim3A_544 = vector.broadcast %broadcast_in_dim3A_543 : f32 to vector<16xf32>
    %swap3A_545 = arith.constant 68 : i32
    %swap3A_546 = arith.index_cast %swap3A_545 : i32 to index
    %swap3A_547 = arith.constant 0 : index
    %swap3A_548 = tpu.vector_load %arg6[%swap3A_546, %swap3A_547] {strides = array<i32>} : memref<80x16xf32, #tpu.memory_space<vmem>>, vector<1x16xf32>,
    %swap3A_549 = vector.shape_cast %swap3A_548 : vector<1x16xf32> to vector<16xf32>
    %swap3A_550 = vector.shape_cast %broadcast_in_dim3A_544 : vector<16xf32> to vector<1x16xf32>
    tpu.vector_store %arg6[%swap3A_546, %swap3A_547], %swap3A_550 {strides = array<i32>} : memref<80x16xf32, #tpu.memory_space<vmem>>, vector<1x16xf32>,
    %broadcast_in_dim3A_551 = arith.constant 1.000000e+00 : f32
    %broadcast_in_dim3A_552 = vector.broadcast %broadcast_in_dim3A_551 : f32 to vector<16xf32>
    %swap3A_553 = arith.constant 69 : i32
    %swap3A_554 = arith.index_cast %swap3A_553 : i32 to index
    %swap3A_555 = arith.constant 0 : index
    %swap3A_556 = tpu.vector_load %arg6[%swap3A_554, %swap3A_555] {strides = array<i32>} : memref<80x16xf32, #tpu.memory_space<vmem>>, vector<1x16xf32>,
    %swap3A_557 = vector.shape_cast %swap3A_556 : vector<1x16xf32> to vector<16xf32>
    %swap3A_558 = vector.shape_cast %broadcast_in_dim3A_552 : vector<16xf32> to vector<1x16xf32>
    tpu.vector_store %arg6[%swap3A_554, %swap3A_555], %swap3A_558 {strides = array<i32>} : memref<80x16xf32, #tpu.memory_space<vmem>>, vector<1x16xf32>,
    %broadcast_in_dim3A_559 = arith.constant 1.000000e+00 : f32
    %broadcast_in_dim3A_560 = vector.broadcast %broadcast_in_dim3A_559 : f32 to vector<16xf32>
    %swap3A_561 = arith.constant 70 : i32
    %swap3A_562 = arith.index_cast %swap3A_561 : i32 to index
    %swap3A_563 = arith.constant 0 : index
    %swap3A_564 = tpu.vector_load %arg6[%swap3A_562, %swap3A_563] {strides = array<i32>} : memref<80x16xf32, #tpu.memory_space<vmem>>, vector<1x16xf32>,
    %swap3A_565 = vector.shape_cast %swap3A_564 : vector<1x16xf32> to vector<16xf32>
    %swap3A_566 = vector.shape_cast %broadcast_in_dim3A_560 : vector<16xf32> to vector<1x16xf32>
    tpu.vector_store %arg6[%swap3A_562, %swap3A_563], %swap3A_566 {strides = array<i32>} : memref<80x16xf32, #tpu.memory_space<vmem>>, vector<1x16xf32>,
    %broadcast_in_dim3A_567 = arith.constant 1.000000e+00 : f32
    %broadcast_in_dim3A_568 = vector.broadcast %broadcast_in_dim3A_567 : f32 to vector<16xf32>
    %swap3A_569 = arith.constant 71 : i32
    %swap3A_570 = arith.index_cast %swap3A_569 : i32 to index
    %swap3A_571 = arith.constant 0 : index
    %swap3A_572 = tpu.vector_load %arg6[%swap3A_570, %swap3A_571] {strides = array<i32>} : memref<80x16xf32, #tpu.memory_space<vmem>>, vector<1x16xf32>,
    %swap3A_573 = vector.shape_cast %swap3A_572 : vector<1x16xf32> to vector<16xf32>
    %swap3A_574 = vector.shape_cast %broadcast_in_dim3A_568 : vector<16xf32> to vector<1x16xf32>
    tpu.vector_store %arg6[%swap3A_570, %swap3A_571], %swap3A_574 {strides = array<i32>} : memref<80x16xf32, #tpu.memory_space<vmem>>, vector<1x16xf32>,
    %broadcast_in_dim3A_575 = arith.constant 1.000000e+00 : f32
    %broadcast_in_dim3A_576 = vector.broadcast %broadcast_in_dim3A_575 : f32 to vector<16xf32>
    %swap3A_577 = arith.constant 72 : i32
    %swap3A_578 = arith.index_cast %swap3A_577 : i32 to index
    %swap3A_579 = arith.constant 0 : index
    %swap3A_580 = tpu.vector_load %arg6[%swap3A_578, %swap3A_579] {strides = array<i32>} : memref<80x16xf32, #tpu.memory_space<vmem>>, vector<1x16xf32>,
    %swap3A_581 = vector.shape_cast %swap3A_580 : vector<1x16xf32> to vector<16xf32>
    %swap3A_582 = vector.shape_cast %broadcast_in_dim3A_576 : vector<16xf32> to vector<1x16xf32>
    tpu.vector_store %arg6[%swap3A_578, %swap3A_579], %swap3A_582 {strides = array<i32>} : memref<80x16xf32, #tpu.memory_space<vmem>>, vector<1x16xf32>,
    %broadcast_in_dim3A_583 = arith.constant 1.000000e+00 : f32
    %broadcast_in_dim3A_584 = vector.broadcast %broadcast_in_dim3A_583 : f32 to vector<16xf32>
    %swap3A_585 = arith.constant 73 : i32
    %swap3A_586 = arith.index_cast %swap3A_585 : i32 to index
    %swap3A_587 = arith.constant 0 : index
    %swap3A_588 = tpu.vector_load %arg6[%swap3A_586, %swap3A_587] {strides = array<i32>} : memref<80x16xf32, #tpu.memory_space<vmem>>, vector<1x16xf32>,
    %swap3A_589 = vector.shape_cast %swap3A_588 : vector<1x16xf32> to vector<16xf32>
    %swap3A_590 = vector.shape_cast %broadcast_in_dim3A_584 : vector<16xf32> to vector<1x16xf32>
    tpu.vector_store %arg6[%swap3A_586, %swap3A_587], %swap3A_590 {strides = array<i32>} : memref<80x16xf32, #tpu.memory_space<vmem>>, vector<1x16xf32>,
    %broadcast_in_dim3A_591 = arith.constant 1.000000e+00 : f32
    %broadcast_in_dim3A_592 = vector.broadcast %broadcast_in_dim3A_591 : f32 to vector<16xf32>
    %swap3A_593 = arith.constant 74 : i32
    %swap3A_594 = arith.index_cast %swap3A_593 : i32 to index
    %swap3A_595 = arith.constant 0 : index
    %swap3A_596 = tpu.vector_load %arg6[%swap3A_594, %swap3A_595] {strides = array<i32>} : memref<80x16xf32, #tpu.memory_space<vmem>>, vector<1x16xf32>,
    %swap3A_597 = vector.shape_cast %swap3A_596 : vector<1x16xf32> to vector<16xf32>
    %swap3A_598 = vector.shape_cast %broadcast_in_dim3A_592 : vector<16xf32> to vector<1x16xf32>
    tpu.vector_store %arg6[%swap3A_594, %swap3A_595], %swap3A_598 {strides = array<i32>} : memref<80x16xf32, #tpu.memory_space<vmem>>, vector<1x16xf32>,
    %broadcast_in_dim3A_599 = arith.constant 1.000000e+00 : f32
    %broadcast_in_dim3A_600 = vector.broadcast %broadcast_in_dim3A_599 : f32 to vector<16xf32>
    %swap3A_601 = arith.constant 75 : i32
    %swap3A_602 = arith.index_cast %swap3A_601 : i32 to index
    %swap3A_603 = arith.constant 0 : index
    %swap3A_604 = tpu.vector_load %arg6[%swap3A_602, %swap3A_603] {strides = array<i32>} : memref<80x16xf32, #tpu.memory_space<vmem>>, vector<1x16xf32>,
    %swap3A_605 = vector.shape_cast %swap3A_604 : vector<1x16xf32> to vector<16xf32>
    %swap3A_606 = vector.shape_cast %broadcast_in_dim3A_600 : vector<16xf32> to vector<1x16xf32>
    tpu.vector_store %arg6[%swap3A_602, %swap3A_603], %swap3A_606 {strides = array<i32>} : memref<80x16xf32, #tpu.memory_space<vmem>>, vector<1x16xf32>,
    %broadcast_in_dim3A_607 = arith.constant 1.000000e+00 : f32
    %broadcast_in_dim3A_608 = vector.broadcast %broadcast_in_dim3A_607 : f32 to vector<16xf32>
    %swap3A_609 = arith.constant 76 : i32
    %swap3A_610 = arith.index_cast %swap3A_609 : i32 to index
    %swap3A_611 = arith.constant 0 : index
    %swap3A_612 = tpu.vector_load %arg6[%swap3A_610, %swap3A_611] {strides = array<i32>} : memref<80x16xf32, #tpu.memory_space<vmem>>, vector<1x16xf32>,
    %swap3A_613 = vector.shape_cast %swap3A_612 : vector<1x16xf32> to vector<16xf32>
    %swap3A_614 = vector.shape_cast %broadcast_in_dim3A_608 : vector<16xf32> to vector<1x16xf32>
    tpu.vector_store %arg6[%swap3A_610, %swap3A_611], %swap3A_614 {strides = array<i32>} : memref<80x16xf32, #tpu.memory_space<vmem>>, vector<1x16xf32>,
    %broadcast_in_dim3A_615 = arith.constant 1.000000e+00 : f32
    %broadcast_in_dim3A_616 = vector.broadcast %broadcast_in_dim3A_615 : f32 to vector<16xf32>
    %swap3A_617 = arith.constant 77 : i32
    %swap3A_618 = arith.index_cast %swap3A_617 : i32 to index
    %swap3A_619 = arith.constant 0 : index
    %swap3A_620 = tpu.vector_load %arg6[%swap3A_618, %swap3A_619] {strides = array<i32>} : memref<80x16xf32, #tpu.memory_space<vmem>>, vector<1x16xf32>,
    %swap3A_621 = vector.shape_cast %swap3A_620 : vector<1x16xf32> to vector<16xf32>
    %swap3A_622 = vector.shape_cast %broadcast_in_dim3A_616 : vector<16xf32> to vector<1x16xf32>
    tpu.vector_store %arg6[%swap3A_618, %swap3A_619], %swap3A_622 {strides = array<i32>} : memref<80x16xf32, #tpu.memory_space<vmem>>, vector<1x16xf32>,
    %broadcast_in_dim3A_623 = arith.constant 1.000000e+00 : f32
    %broadcast_in_dim3A_624 = vector.broadcast %broadcast_in_dim3A_623 : f32 to vector<16xf32>
    %swap3A_625 = arith.constant 78 : i32
    %swap3A_626 = arith.index_cast %swap3A_625 : i32 to index
    %swap3A_627 = arith.constant 0 : index
    %swap3A_628 = tpu.vector_load %arg6[%swap3A_626, %swap3A_627] {strides = array<i32>} : memref<80x16xf32, #tpu.memory_space<vmem>>, vector<1x16xf32>,
    %swap3A_629 = vector.shape_cast %swap3A_628 : vector<1x16xf32> to vector<16xf32>
    %swap3A_630 = vector.shape_cast %broadcast_in_dim3A_624 : vector<16xf32> to vector<1x16xf32>
    tpu.vector_store %arg6[%swap3A_626, %swap3A_627], %swap3A_630 {strides = array<i32>} : memref<80x16xf32, #tpu.memory_space<vmem>>, vector<1x16xf32>,
    %broadcast_in_dim3A_631 = arith.constant 1.000000e+00 : f32
    %broadcast_in_dim3A_632 = vector.broadcast %broadcast_in_dim3A_631 : f32 to vector<16xf32>
    %swap3A_633 = arith.constant 79 : i32
    %swap3A_634 = arith.index_cast %swap3A_633 : i32 to index
    %swap3A_635 = arith.constant 0 : index
    %swap3A_636 = tpu.vector_load %arg6[%swap3A_634, %swap3A_635] {strides = array<i32>} : memref<80x16xf32, #tpu.memory_space<vmem>>, vector<1x16xf32>,
    %swap3A_637 = vector.shape_cast %swap3A_636 : vector<1x16xf32> to vector<16xf32>
    %swap3A_638 = vector.shape_cast %broadcast_in_dim3A_632 : vector<16xf32> to vector<1x16xf32>
    tpu.vector_store %arg6[%swap3A_634, %swap3A_635], %swap3A_638 {strides = array<i32>} : memref<80x16xf32, #tpu.memory_space<vmem>>, vector<1x16xf32>,
    %broadcast_in_dim3A_639 = arith.constant 0.000000e+00 : f32
    %broadcast_in_dim3A_640 = vector.broadcast %broadcast_in_dim3A_639 : f32 to vector<16xf32>
    %swap3A_641 = arith.constant 0 : i32
    %swap3A_642 = arith.index_cast %swap3A_641 : i32 to index
    %swap3A_643 = arith.constant 0 : index
    %swap3A_644 = tpu.vector_load %arg7[%swap3A_642, %swap3A_643] {strides = array<i32>} : memref<16x16xf32, #tpu.memory_space<vmem>>, vector<1x16xf32>,
    %swap3A_645 = vector.shape_cast %swap3A_644 : vector<1x16xf32> to vector<16xf32>
    %swap3A_646 = vector.shape_cast %broadcast_in_dim3A_640 : vector<16xf32> to vector<1x16xf32>
    tpu.vector_store %arg7[%swap3A_642, %swap3A_643], %swap3A_646 {strides = array<i32>} : memref<16x16xf32, #tpu.memory_space<vmem>>, vector<1x16xf32>,
    %broadcast_in_dim3A_647 = arith.constant 0.000000e+00 : f32
    %broadcast_in_dim3A_648 = vector.broadcast %broadcast_in_dim3A_647 : f32 to vector<16xf32>
    %swap3A_649 = arith.constant 1 : i32
    %swap3A_650 = arith.index_cast %swap3A_649 : i32 to index
    %swap3A_651 = arith.constant 0 : index
    %swap3A_652 = tpu.vector_load %arg7[%swap3A_650, %swap3A_651] {strides = array<i32>} : memref<16x16xf32, #tpu.memory_space<vmem>>, vector<1x16xf32>,
    %swap3A_653 = vector.shape_cast %swap3A_652 : vector<1x16xf32> to vector<16xf32>
    %swap3A_654 = vector.shape_cast %broadcast_in_dim3A_648 : vector<16xf32> to vector<1x16xf32>
    tpu.vector_store %arg7[%swap3A_650, %swap3A_651], %swap3A_654 {strides = array<i32>} : memref<16x16xf32, #tpu.memory_space<vmem>>, vector<1x16xf32>,
    %broadcast_in_dim3A_655 = arith.constant 0.000000e+00 : f32
    %broadcast_in_dim3A_656 = vector.broadcast %broadcast_in_dim3A_655 : f32 to vector<16xf32>
    %swap3A_657 = arith.constant 2 : i32
    %swap3A_658 = arith.index_cast %swap3A_657 : i32 to index
    %swap3A_659 = arith.constant 0 : index
    %swap3A_660 = tpu.vector_load %arg7[%swap3A_658, %swap3A_659] {strides = array<i32>} : memref<16x16xf32, #tpu.memory_space<vmem>>, vector<1x16xf32>,
    %swap3A_661 = vector.shape_cast %swap3A_660 : vector<1x16xf32> to vector<16xf32>
    %swap3A_662 = vector.shape_cast %broadcast_in_dim3A_656 : vector<16xf32> to vector<1x16xf32>
    tpu.vector_store %arg7[%swap3A_658, %swap3A_659], %swap3A_662 {strides = array<i32>} : memref<16x16xf32, #tpu.memory_space<vmem>>, vector<1x16xf32>,
    %broadcast_in_dim3A_663 = arith.constant 0.000000e+00 : f32
    %broadcast_in_dim3A_664 = vector.broadcast %broadcast_in_dim3A_663 : f32 to vector<16xf32>
    %swap3A_665 = arith.constant 3 : i32
    %swap3A_666 = arith.index_cast %swap3A_665 : i32 to index
    %swap3A_667 = arith.constant 0 : index
    %swap3A_668 = tpu.vector_load %arg7[%swap3A_666, %swap3A_667] {strides = array<i32>} : memref<16x16xf32, #tpu.memory_space<vmem>>, vector<1x16xf32>,
    %swap3A_669 = vector.shape_cast %swap3A_668 : vector<1x16xf32> to vector<16xf32>
    %swap3A_670 = vector.shape_cast %broadcast_in_dim3A_664 : vector<16xf32> to vector<1x16xf32>
    tpu.vector_store %arg7[%swap3A_666, %swap3A_667], %swap3A_670 {strides = array<i32>} : memref<16x16xf32, #tpu.memory_space<vmem>>, vector<1x16xf32>,
    %broadcast_in_dim3A_671 = arith.constant 0.000000e+00 : f32
    %broadcast_in_dim3A_672 = vector.broadcast %broadcast_in_dim3A_671 : f32 to vector<16xf32>
    %swap3A_673 = arith.constant 4 : i32
    %swap3A_674 = arith.index_cast %swap3A_673 : i32 to index
    %swap3A_675 = arith.constant 0 : index
    %swap3A_676 = tpu.vector_load %arg7[%swap3A_674, %swap3A_675] {strides = array<i32>} : memref<16x16xf32, #tpu.memory_space<vmem>>, vector<1x16xf32>,
    %swap3A_677 = vector.shape_cast %swap3A_676 : vector<1x16xf32> to vector<16xf32>
    %swap3A_678 = vector.shape_cast %broadcast_in_dim3A_672 : vector<16xf32> to vector<1x16xf32>
    tpu.vector_store %arg7[%swap3A_674, %swap3A_675], %swap3A_678 {strides = array<i32>} : memref<16x16xf32, #tpu.memory_space<vmem>>, vector<1x16xf32>,
    %broadcast_in_dim3A_679 = arith.constant 0.000000e+00 : f32
    %broadcast_in_dim3A_680 = vector.broadcast %broadcast_in_dim3A_679 : f32 to vector<16xf32>
    %swap3A_681 = arith.constant 5 : i32
    %swap3A_682 = arith.index_cast %swap3A_681 : i32 to index
    %swap3A_683 = arith.constant 0 : index
    %swap3A_684 = tpu.vector_load %arg7[%swap3A_682, %swap3A_683] {strides = array<i32>} : memref<16x16xf32, #tpu.memory_space<vmem>>, vector<1x16xf32>,
    %swap3A_685 = vector.shape_cast %swap3A_684 : vector<1x16xf32> to vector<16xf32>
    %swap3A_686 = vector.shape_cast %broadcast_in_dim3A_680 : vector<16xf32> to vector<1x16xf32>
    tpu.vector_store %arg7[%swap3A_682, %swap3A_683], %swap3A_686 {strides = array<i32>} : memref<16x16xf32, #tpu.memory_space<vmem>>, vector<1x16xf32>,
    %broadcast_in_dim3A_687 = arith.constant 0.000000e+00 : f32
    %broadcast_in_dim3A_688 = vector.broadcast %broadcast_in_dim3A_687 : f32 to vector<16xf32>
    %swap3A_689 = arith.constant 6 : i32
    %swap3A_690 = arith.index_cast %swap3A_689 : i32 to index
    %swap3A_691 = arith.constant 0 : index
    %swap3A_692 = tpu.vector_load %arg7[%swap3A_690, %swap3A_691] {strides = array<i32>} : memref<16x16xf32, #tpu.memory_space<vmem>>, vector<1x16xf32>,
    %swap3A_693 = vector.shape_cast %swap3A_692 : vector<1x16xf32> to vector<16xf32>
    %swap3A_694 = vector.shape_cast %broadcast_in_dim3A_688 : vector<16xf32> to vector<1x16xf32>
    tpu.vector_store %arg7[%swap3A_690, %swap3A_691], %swap3A_694 {strides = array<i32>} : memref<16x16xf32, #tpu.memory_space<vmem>>, vector<1x16xf32>,
    %broadcast_in_dim3A_695 = arith.constant 0.000000e+00 : f32
    %broadcast_in_dim3A_696 = vector.broadcast %broadcast_in_dim3A_695 : f32 to vector<16xf32>
    %swap3A_697 = arith.constant 7 : i32
    %swap3A_698 = arith.index_cast %swap3A_697 : i32 to index
    %swap3A_699 = arith.constant 0 : index
    %swap3A_700 = tpu.vector_load %arg7[%swap3A_698, %swap3A_699] {strides = array<i32>} : memref<16x16xf32, #tpu.memory_space<vmem>>, vector<1x16xf32>,
    %swap3A_701 = vector.shape_cast %swap3A_700 : vector<1x16xf32> to vector<16xf32>
    %swap3A_702 = vector.shape_cast %broadcast_in_dim3A_696 : vector<16xf32> to vector<1x16xf32>
    tpu.vector_store %arg7[%swap3A_698, %swap3A_699], %swap3A_702 {strides = array<i32>} : memref<16x16xf32, #tpu.memory_space<vmem>>, vector<1x16xf32>,
    %broadcast_in_dim3A_703 = arith.constant 0.000000e+00 : f32
    %broadcast_in_dim3A_704 = vector.broadcast %broadcast_in_dim3A_703 : f32 to vector<16xf32>
    %swap3A_705 = arith.constant 8 : i32
    %swap3A_706 = arith.index_cast %swap3A_705 : i32 to index
    %swap3A_707 = arith.constant 0 : index
    %swap3A_708 = tpu.vector_load %arg7[%swap3A_706, %swap3A_707] {strides = array<i32>} : memref<16x16xf32, #tpu.memory_space<vmem>>, vector<1x16xf32>,
    %swap3A_709 = vector.shape_cast %swap3A_708 : vector<1x16xf32> to vector<16xf32>
    %swap3A_710 = vector.shape_cast %broadcast_in_dim3A_704 : vector<16xf32> to vector<1x16xf32>
    tpu.vector_store %arg7[%swap3A_706, %swap3A_707], %swap3A_710 {strides = array<i32>} : memref<16x16xf32, #tpu.memory_space<vmem>>, vector<1x16xf32>,
    %broadcast_in_dim3A_711 = arith.constant 0.000000e+00 : f32
    %broadcast_in_dim3A_712 = vector.broadcast %broadcast_in_dim3A_711 : f32 to vector<16xf32>
    %swap3A_713 = arith.constant 9 : i32
    %swap3A_714 = arith.index_cast %swap3A_713 : i32 to index
    %swap3A_715 = arith.constant 0 : index
    %swap3A_716 = tpu.vector_load %arg7[%swap3A_714, %swap3A_715] {strides = array<i32>} : memref<16x16xf32, #tpu.memory_space<vmem>>, vector<1x16xf32>,
    %swap3A_717 = vector.shape_cast %swap3A_716 : vector<1x16xf32> to vector<16xf32>
    %swap3A_718 = vector.shape_cast %broadcast_in_dim3A_712 : vector<16xf32> to vector<1x16xf32>
    tpu.vector_store %arg7[%swap3A_714, %swap3A_715], %swap3A_718 {strides = array<i32>} : memref<16x16xf32, #tpu.memory_space<vmem>>, vector<1x16xf32>,
    %broadcast_in_dim3A_719 = arith.constant 0.000000e+00 : f32
    %broadcast_in_dim3A_720 = vector.broadcast %broadcast_in_dim3A_719 : f32 to vector<16xf32>
    %swap3A_721 = arith.constant 10 : i32
    %swap3A_722 = arith.index_cast %swap3A_721 : i32 to index
    %swap3A_723 = arith.constant 0 : index
    %swap3A_724 = tpu.vector_load %arg7[%swap3A_722, %swap3A_723] {strides = array<i32>} : memref<16x16xf32, #tpu.memory_space<vmem>>, vector<1x16xf32>,
    %swap3A_725 = vector.shape_cast %swap3A_724 : vector<1x16xf32> to vector<16xf32>
    %swap3A_726 = vector.shape_cast %broadcast_in_dim3A_720 : vector<16xf32> to vector<1x16xf32>
    tpu.vector_store %arg7[%swap3A_722, %swap3A_723], %swap3A_726 {strides = array<i32>} : memref<16x16xf32, #tpu.memory_space<vmem>>, vector<1x16xf32>,
    %broadcast_in_dim3A_727 = arith.constant 0.000000e+00 : f32
    %broadcast_in_dim3A_728 = vector.broadcast %broadcast_in_dim3A_727 : f32 to vector<16xf32>
    %swap3A_729 = arith.constant 11 : i32
    %swap3A_730 = arith.index_cast %swap3A_729 : i32 to index
    %swap3A_731 = arith.constant 0 : index
    %swap3A_732 = tpu.vector_load %arg7[%swap3A_730, %swap3A_731] {strides = array<i32>} : memref<16x16xf32, #tpu.memory_space<vmem>>, vector<1x16xf32>,
    %swap3A_733 = vector.shape_cast %swap3A_732 : vector<1x16xf32> to vector<16xf32>
    %swap3A_734 = vector.shape_cast %broadcast_in_dim3A_728 : vector<16xf32> to vector<1x16xf32>
    tpu.vector_store %arg7[%swap3A_730, %swap3A_731], %swap3A_734 {strides = array<i32>} : memref<16x16xf32, #tpu.memory_space<vmem>>, vector<1x16xf32>,
    %broadcast_in_dim3A_735 = arith.constant 0.000000e+00 : f32
    %broadcast_in_dim3A_736 = vector.broadcast %broadcast_in_dim3A_735 : f32 to vector<16xf32>
    %swap3A_737 = arith.constant 12 : i32
    %swap3A_738 = arith.index_cast %swap3A_737 : i32 to index
    %swap3A_739 = arith.constant 0 : index
    %swap3A_740 = tpu.vector_load %arg7[%swap3A_738, %swap3A_739] {strides = array<i32>} : memref<16x16xf32, #tpu.memory_space<vmem>>, vector<1x16xf32>,
    %swap3A_741 = vector.shape_cast %swap3A_740 : vector<1x16xf32> to vector<16xf32>
    %swap3A_742 = vector.shape_cast %broadcast_in_dim3A_736 : vector<16xf32> to vector<1x16xf32>
    tpu.vector_store %arg7[%swap3A_738, %swap3A_739], %swap3A_742 {strides = array<i32>} : memref<16x16xf32, #tpu.memory_space<vmem>>, vector<1x16xf32>,
    %broadcast_in_dim3A_743 = arith.constant 0.000000e+00 : f32
    %broadcast_in_dim3A_744 = vector.broadcast %broadcast_in_dim3A_743 : f32 to vector<16xf32>
    %swap3A_745 = arith.constant 13 : i32
    %swap3A_746 = arith.index_cast %swap3A_745 : i32 to index
    %swap3A_747 = arith.constant 0 : index
    %swap3A_748 = tpu.vector_load %arg7[%swap3A_746, %swap3A_747] {strides = array<i32>} : memref<16x16xf32, #tpu.memory_space<vmem>>, vector<1x16xf32>,
    %swap3A_749 = vector.shape_cast %swap3A_748 : vector<1x16xf32> to vector<16xf32>
    %swap3A_750 = vector.shape_cast %broadcast_in_dim3A_744 : vector<16xf32> to vector<1x16xf32>
    tpu.vector_store %arg7[%swap3A_746, %swap3A_747], %swap3A_750 {strides = array<i32>} : memref<16x16xf32, #tpu.memory_space<vmem>>, vector<1x16xf32>,
    %broadcast_in_dim3A_751 = arith.constant 0.000000e+00 : f32
    %broadcast_in_dim3A_752 = vector.broadcast %broadcast_in_dim3A_751 : f32 to vector<16xf32>
    %swap3A_753 = arith.constant 14 : i32
    %swap3A_754 = arith.index_cast %swap3A_753 : i32 to index
    %swap3A_755 = arith.constant 0 : index
    %swap3A_756 = tpu.vector_load %arg7[%swap3A_754, %swap3A_755] {strides = array<i32>} : memref<16x16xf32, #tpu.memory_space<vmem>>, vector<1x16xf32>,
    %swap3A_757 = vector.shape_cast %swap3A_756 : vector<1x16xf32> to vector<16xf32>
    %swap3A_758 = vector.shape_cast %broadcast_in_dim3A_752 : vector<16xf32> to vector<1x16xf32>
    tpu.vector_store %arg7[%swap3A_754, %swap3A_755], %swap3A_758 {strides = array<i32>} : memref<16x16xf32, #tpu.memory_space<vmem>>, vector<1x16xf32>,
    %broadcast_in_dim3A_759 = arith.constant 0.000000e+00 : f32
    %broadcast_in_dim3A_760 = vector.broadcast %broadcast_in_dim3A_759 : f32 to vector<16xf32>
    %swap3A_761 = arith.constant 15 : i32
    %swap3A_762 = arith.index_cast %swap3A_761 : i32 to index
    %swap3A_763 = arith.constant 0 : index
    %swap3A_764 = tpu.vector_load %arg7[%swap3A_762, %swap3A_763] {strides = array<i32>} : memref<16x16xf32, #tpu.memory_space<vmem>>, vector<1x16xf32>,
    %swap3A_765 = vector.shape_cast %swap3A_764 : vector<1x16xf32> to vector<16xf32>
    %swap3A_766 = vector.shape_cast %broadcast_in_dim3A_760 : vector<16xf32> to vector<1x16xf32>
    tpu.vector_store %arg7[%swap3A_762, %swap3A_763], %swap3A_766 {strides = array<i32>} : memref<16x16xf32, #tpu.memory_space<vmem>>, vector<1x16xf32>,
    %scan3A = arith.constant 0 : i32
    %scan3A_767 = arith.constant 0 : i32
    %scan3A_768 = arith.constant 39 : i32
    %scan3A_769 = arith.addi %scan3A_767, %scan3A_768 : i32
    %scan3A_770 = arith.constant 1 : i32
    scf.for %scan3A_798 = %scan3A_767 to %scan3A_769 step %scan3A_770  : i32 {
      %mul3A_799 = arith.constant 624 : i32
      %mul3A_800 = arith.muli %arg1, %mul3A_799 : i32
      %mul3A_801 = arith.constant 16 : i32
      %mul3A_802 = arith.muli %scan3A_798, %mul3A_801 : i32
      %add3A_803 = arith.addi %mul3A_800, %mul3A_802 : i32
      "tpu.region"() ({
        %run_scoped3A = tpu.sem_alloc : memref<!tpu.dma_semaphore, #tpu.memory_space<semaphore_mem>>
        %dma_start3A_804 = arith.constant 0 : i32
        %dma_start3A_805 = tpu.memref_slice %arg8[%add3A_803, %dma_start3A_804] : memref<10000x16xf32, #tpu.memory_space<vmem_shared>> -> memref<16x16xf32, #tpu.memory_space<vmem_shared>>
        %dma_start3A_806 = arith.constant 0 : i32
        %dma_start3A_807 = tpu.memref_slice %arg8[%add3A_803, %dma_start3A_806] : memref<10000x16xf32, #tpu.memory_space<vmem_shared>> -> memref<16x16xf32, #tpu.memory_space<vmem_shared>>
        tpu.enqueue_dma source(%arg7 : memref<16x16xf32, #tpu.memory_space<vmem>>) target(%dma_start3A_807 : memref<16x16xf32, #tpu.memory_space<vmem_shared>>) target_semaphore(%run_scoped3A : memref<!tpu.dma_semaphore, #tpu.memory_space<semaphore_mem>>)
        %dma_wait3A_808 = arith.constant 0 : i32
        %dma_wait3A_809 = tpu.memref_slice %arg8[%add3A_803, %dma_wait3A_808] : memref<10000x16xf32, #tpu.memory_space<vmem_shared>> -> memref<16x16xf32, #tpu.memory_space<vmem_shared>>
        %dma_wait3A_810 = arith.constant 0 : i32
        %dma_wait3A_811 = tpu.memref_slice %arg8[%add3A_803, %dma_wait3A_810] : memref<10000x16xf32, #tpu.memory_space<vmem_shared>> -> memref<16x16xf32, #tpu.memory_space<vmem_shared>>
        tpu.wait_dma2 semaphore(%run_scoped3A : memref<!tpu.dma_semaphore, #tpu.memory_space<semaphore_mem>>) src(%arg7 : memref<16x16xf32, #tpu.memory_space<vmem>>) dst(%dma_wait3A_811 : memref<16x16xf32, #tpu.memory_space<vmem_shared>>)
        tpu.yield
      }) : () -> ()
    }
    %scan3A_771 = arith.constant 39 : i32
    %eq3A = arith.constant 15 : i32
    %eq3A_772 = arith.cmpi eq, %arg1, %eq3A : i32
    %convert_element_type3A = arith.extui %eq3A_772 : i1 to i32
    %cond3A = arith.constant 0 : i32
    %cond3A_773 = arith.cmpi ne, %convert_element_type3A, %cond3A : i32
    scf.if %cond3A_773 {
      "tpu.region"() ({
        %run_scoped3A = tpu.sem_alloc : memref<!tpu.dma_semaphore, #tpu.memory_space<semaphore_mem>>
        %dma_start3A_798 = arith.constant 9984 : i32
        %dma_start3A_799 = arith.constant 0 : i32
        %dma_start3A_800 = tpu.memref_slice %arg8[%dma_start3A_798, %dma_start3A_799] : memref<10000x16xf32, #tpu.memory_space<vmem_shared>> -> memref<16x16xf32, #tpu.memory_space<vmem_shared>>
        %dma_start3A_801 = arith.constant 9984 : i32
        %dma_start3A_802 = arith.constant 0 : i32
        %dma_start3A_803 = tpu.memref_slice %arg8[%dma_start3A_801, %dma_start3A_802] : memref<10000x16xf32, #tpu.memory_space<vmem_shared>> -> memref<16x16xf32, #tpu.memory_space<vmem_shared>>
        tpu.enqueue_dma source(%arg7 : memref<16x16xf32, #tpu.memory_space<vmem>>) target(%dma_start3A_803 : memref<16x16xf32, #tpu.memory_space<vmem_shared>>) target_semaphore(%run_scoped3A : memref<!tpu.dma_semaphore, #tpu.memory_space<semaphore_mem>>)
        %dma_wait3A_804 = arith.constant 9984 : i32
        %dma_wait3A_805 = arith.constant 0 : i32
        %dma_wait3A_806 = tpu.memref_slice %arg8[%dma_wait3A_804, %dma_wait3A_805] : memref<10000x16xf32, #tpu.memory_space<vmem_shared>> -> memref<16x16xf32, #tpu.memory_space<vmem_shared>>
        %dma_wait3A_807 = arith.constant 9984 : i32
        %dma_wait3A_808 = arith.constant 0 : i32
        %dma_wait3A_809 = tpu.memref_slice %arg8[%dma_wait3A_807, %dma_wait3A_808] : memref<10000x16xf32, #tpu.memory_space<vmem_shared>> -> memref<16x16xf32, #tpu.memory_space<vmem_shared>>
        tpu.wait_dma2 semaphore(%run_scoped3A : memref<!tpu.dma_semaphore, #tpu.memory_space<semaphore_mem>>) src(%arg7 : memref<16x16xf32, #tpu.memory_space<vmem>>) dst(%dma_wait3A_809 : memref<16x16xf32, #tpu.memory_space<vmem_shared>>)
        tpu.yield
      }) : () -> ()
    } else {
    }
    %barrier3A = arith.constant 0 : index
    tpu.barrier barrier_id(%barrier3A)
    %mul3A_774 = arith.constant 10000 : i32
    %mul3A_775 = arith.muli %add3A, %mul3A_774 : i32
    %add3A_776 = arith.constant 0 : i32
    %add3A_777 = arith.addi %mul3A_775, %add3A_776 : i32
    %dma_start3A = tpu.memref_slice %arg2[%add3A_777] : memref<320000xi32, #tpu.memory_space<hbm>> -> memref<80xi32, #tpu.memory_space<hbm>>
    %dma_start3A_778 = tpu.memref_slice %arg2[%add3A_777] : memref<320000xi32, #tpu.memory_space<hbm>> -> memref<80xi32, #tpu.memory_space<hbm>>
    tpu.enqueue_dma source(%dma_start3A_778 : memref<80xi32, #tpu.memory_space<hbm>>) target(%arg4 : memref<80xi32, #tpu.memory_space<vmem>>) target_semaphore(%arg9 : memref<!tpu.dma_semaphore, #tpu.memory_space<semaphore_mem>>)
    %scan3A_779 = arith.constant 0 : i32
    %scan3A_780 = arith.constant 0 : i32
    %scan3A_781 = arith.constant 62 : i32
    %scan3A_782 = arith.addi %scan3A_780, %scan3A_781 : i32
    %scan3A_783 = arith.constant 1 : i32
    scf.for %scan3A_798 = %scan3A_780 to %scan3A_782 step %scan3A_783  : i32 {
      %mul3A_799 = arith.constant 2 : i32
      %mul3A_800 = arith.muli %mul3A_799, %scan3A_798 : i32
      %add3A_801 = arith.constant 1 : i32
      %add3A_802 = arith.addi %mul3A_800, %add3A_801 : i32
      %mul3A_803 = arith.constant 80 : i32
      %mul3A_804 = arith.muli %add3A_802, %mul3A_803 : i32
      %add3A_805 = arith.addi %mul3A_775, %mul3A_804 : i32
      %dma_start3A_806 = tpu.memref_slice %arg2[%add3A_805] : memref<320000xi32, #tpu.memory_space<hbm>> -> memref<80xi32, #tpu.memory_space<hbm>>
      %dma_start3A_807 = tpu.memref_slice %arg2[%add3A_805] : memref<320000xi32, #tpu.memory_space<hbm>> -> memref<80xi32, #tpu.memory_space<hbm>>
      tpu.enqueue_dma source(%dma_start3A_807 : memref<80xi32, #tpu.memory_space<hbm>>) target(%arg5 : memref<80xi32, #tpu.memory_space<vmem>>) target_semaphore(%arg10 : memref<!tpu.dma_semaphore, #tpu.memory_space<semaphore_mem>>)
      %mul3A_808 = arith.constant 2 : i32
      %mul3A_809 = arith.muli %mul3A_808, %scan3A_798 : i32
      %mul3A_810 = arith.constant 80 : i32
      %mul3A_811 = arith.muli %mul3A_809, %mul3A_810 : i32
      %add3A_812 = arith.addi %mul3A_775, %mul3A_811 : i32
      %dma_wait3A_813 = tpu.memref_slice %arg2[%add3A_812] : memref<320000xi32, #tpu.memory_space<hbm>> -> memref<80xi32, #tpu.memory_space<hbm>>
      %dma_wait3A_814 = tpu.memref_slice %arg2[%add3A_812] : memref<320000xi32, #tpu.memory_space<hbm>> -> memref<80xi32, #tpu.memory_space<hbm>>
      tpu.wait_dma2 semaphore(%arg9 : memref<!tpu.dma_semaphore, #tpu.memory_space<semaphore_mem>>) src(%dma_wait3A_814 : memref<80xi32, #tpu.memory_space<hbm>>) dst(%arg4 : memref<80xi32, #tpu.memory_space<vmem>>)
      "tpu.region"() ({
        %run_scoped3A = tpu.sem_alloc : memref<!tpu.dma_semaphore, #tpu.memory_space<semaphore_mem>>
        %dma_start3A_833 = arith.constant 0 : i32
        %dma_start3A_834 = arith.constant 0 : i32
        %dma_start3A_835 = tpu.memref_slice %arg8[%dma_start3A_833, %dma_start3A_834] : memref<10000x16xf32, #tpu.memory_space<vmem_shared>> -> memref<10000x16xf32, #tpu.memory_space<vmem_shared>>
        tpu.enqueue_indirect_dma source(%arg6 : memref<80x16xf32, #tpu.memory_space<vmem>>) target(%dma_start3A_835 : memref<10000x16xf32, #tpu.memory_space<vmem_shared>>) offsets(%arg4 : memref<80xi32, #tpu.memory_space<vmem>>) semaphore(%run_scoped3A : memref<!tpu.dma_semaphore, #tpu.memory_space<semaphore_mem>>) {add = true}
        %dma_wait3A_836 = arith.constant 0 : i32
        %dma_wait3A_837 = arith.constant 0 : i32
        %dma_wait3A_838 = tpu.memref_slice %arg8[%dma_wait3A_836, %dma_wait3A_837] : memref<10000x16xf32, #tpu.memory_space<vmem_shared>> -> memref<10000x16xf32, #tpu.memory_space<vmem_shared>>
        tpu.wait_indirect_dma semaphore(%run_scoped3A : memref<!tpu.dma_semaphore, #tpu.memory_space<semaphore_mem>>) src(%arg6 : memref<80x16xf32, #tpu.memory_space<vmem>>) dst(%dma_wait3A_838 : memref<10000x16xf32, #tpu.memory_space<vmem_shared>>)
        tpu.yield
      }) : () -> ()
      %mul3A_815 = arith.constant 2 : i32
      %mul3A_816 = arith.muli %mul3A_815, %scan3A_798 : i32
      %add3A_817 = arith.constant 2 : i32
      %add3A_818 = arith.addi %mul3A_816, %add3A_817 : i32
      %mul3A_819 = arith.constant 80 : i32
      %mul3A_820 = arith.muli %add3A_818, %mul3A_819 : i32
      %add3A_821 = arith.addi %mul3A_775, %mul3A_820 : i32
      %dma_start3A_822 = tpu.memref_slice %arg2[%add3A_821] : memref<320000xi32, #tpu.memory_space<hbm>> -> memref<80xi32, #tpu.memory_space<hbm>>
      %dma_start3A_823 = tpu.memref_slice %arg2[%add3A_821] : memref<320000xi32, #tpu.memory_space<hbm>> -> memref<80xi32, #tpu.memory_space<hbm>>
      tpu.enqueue_dma source(%dma_start3A_823 : memref<80xi32, #tpu.memory_space<hbm>>) target(%arg4 : memref<80xi32, #tpu.memory_space<vmem>>) target_semaphore(%arg9 : memref<!tpu.dma_semaphore, #tpu.memory_space<semaphore_mem>>)
      %mul3A_824 = arith.constant 2 : i32
      %mul3A_825 = arith.muli %mul3A_824, %scan3A_798 : i32
      %add3A_826 = arith.constant 1 : i32
      %add3A_827 = arith.addi %mul3A_825, %add3A_826 : i32
      %mul3A_828 = arith.constant 80 : i32
      %mul3A_829 = arith.muli %add3A_827, %mul3A_828 : i32
      %add3A_830 = arith.addi %mul3A_775, %mul3A_829 : i32
      %dma_wait3A_831 = tpu.memref_slice %arg2[%add3A_830] : memref<320000xi32, #tpu.memory_space<hbm>> -> memref<80xi32, #tpu.memory_space<hbm>>
      %dma_wait3A_832 = tpu.memref_slice %arg2[%add3A_830] : memref<320000xi32, #tpu.memory_space<hbm>> -> memref<80xi32, #tpu.memory_space<hbm>>
      tpu.wait_dma2 semaphore(%arg10 : memref<!tpu.dma_semaphore, #tpu.memory_space<semaphore_mem>>) src(%dma_wait3A_832 : memref<80xi32, #tpu.memory_space<hbm>>) dst(%arg5 : memref<80xi32, #tpu.memory_space<vmem>>)
      "tpu.region"() ({
        %run_scoped3A = tpu.sem_alloc : memref<!tpu.dma_semaphore, #tpu.memory_space<semaphore_mem>>
        %dma_start3A_833 = arith.constant 0 : i32
        %dma_start3A_834 = arith.constant 0 : i32
        %dma_start3A_835 = tpu.memref_slice %arg8[%dma_start3A_833, %dma_start3A_834] : memref<10000x16xf32, #tpu.memory_space<vmem_shared>> -> memref<10000x16xf32, #tpu.memory_space<vmem_shared>>
        tpu.enqueue_indirect_dma source(%arg6 : memref<80x16xf32, #tpu.memory_space<vmem>>) target(%dma_start3A_835 : memref<10000x16xf32, #tpu.memory_space<vmem_shared>>) offsets(%arg5 : memref<80xi32, #tpu.memory_space<vmem>>) semaphore(%run_scoped3A : memref<!tpu.dma_semaphore, #tpu.memory_space<semaphore_mem>>) {add = true}
        %dma_wait3A_836 = arith.constant 0 : i32
        %dma_wait3A_837 = arith.constant 0 : i32
        %dma_wait3A_838 = tpu.memref_slice %arg8[%dma_wait3A_836, %dma_wait3A_837] : memref<10000x16xf32, #tpu.memory_space<vmem_shared>> -> memref<10000x16xf32, #tpu.memory_space<vmem_shared>>
        tpu.wait_indirect_dma semaphore(%run_scoped3A : memref<!tpu.dma_semaphore, #tpu.memory_space<semaphore_mem>>) src(%arg6 : memref<80x16xf32, #tpu.memory_space<vmem>>) dst(%dma_wait3A_838 : memref<10000x16xf32, #tpu.memory_space<vmem_shared>>)
        tpu.yield
      }) : () -> ()
    }
    %scan3A_784 = arith.constant 62 : i32
    %add3A_785 = arith.constant 9920 : i32
    %add3A_786 = arith.addi %mul3A_775, %add3A_785 : i32
    %dma_wait3A = tpu.memref_slice %arg2[%add3A_786] : memref<320000xi32, #tpu.memory_space<hbm>> -> memref<80xi32, #tpu.memory_space<hbm>>
    %dma_wait3A_787 = tpu.memref_slice %arg2[%add3A_786] : memref<320000xi32, #tpu.memory_space<hbm>> -> memref<80xi32, #tpu.memory_space<hbm>>
    tpu.wait_dma2 semaphore(%arg9 : memref<!tpu.dma_semaphore, #tpu.memory_space<semaphore_mem>>) src(%dma_wait3A_787 : memref<80xi32, #tpu.memory_space<hbm>>) dst(%arg4 : memref<80xi32, #tpu.memory_space<vmem>>)
    "tpu.region"() ({
      %run_scoped3A = tpu.sem_alloc : memref<!tpu.dma_semaphore, #tpu.memory_space<semaphore_mem>>
      %dma_start3A_798 = arith.constant 0 : i32
      %dma_start3A_799 = arith.constant 0 : i32
      %dma_start3A_800 = tpu.memref_slice %arg8[%dma_start3A_798, %dma_start3A_799] : memref<10000x16xf32, #tpu.memory_space<vmem_shared>> -> memref<10000x16xf32, #tpu.memory_space<vmem_shared>>
      tpu.enqueue_indirect_dma source(%arg6 : memref<80x16xf32, #tpu.memory_space<vmem>>) target(%dma_start3A_800 : memref<10000x16xf32, #tpu.memory_space<vmem_shared>>) offsets(%arg4 : memref<80xi32, #tpu.memory_space<vmem>>) semaphore(%run_scoped3A : memref<!tpu.dma_semaphore, #tpu.memory_space<semaphore_mem>>) {add = true}
      %dma_wait3A_801 = arith.constant 0 : i32
      %dma_wait3A_802 = arith.constant 0 : i32
      %dma_wait3A_803 = tpu.memref_slice %arg8[%dma_wait3A_801, %dma_wait3A_802] : memref<10000x16xf32, #tpu.memory_space<vmem_shared>> -> memref<10000x16xf32, #tpu.memory_space<vmem_shared>>
      tpu.wait_indirect_dma semaphore(%run_scoped3A : memref<!tpu.dma_semaphore, #tpu.memory_space<semaphore_mem>>) src(%arg6 : memref<80x16xf32, #tpu.memory_space<vmem>>) dst(%dma_wait3A_803 : memref<10000x16xf32, #tpu.memory_space<vmem_shared>>)
      tpu.yield
    }) : () -> ()
    %barrier3A_788 = arith.constant 0 : index
    tpu.barrier barrier_id(%barrier3A_788)
    %mul3A_789 = arith.constant 624 : i32
    %mul3A_790 = arith.muli %arg1, %mul3A_789 : i32
    %mul3A_791 = arith.constant 624 : i32
    %mul3A_792 = arith.muli %arg1, %mul3A_791 : i32
    "tpu.region"() ({
      %run_scoped3A = tpu.sem_alloc : memref<!tpu.dma_semaphore, #tpu.memory_space<semaphore_mem>>
      %dma_start3A_798 = arith.constant 0 : i32
      %dma_start3A_799 = tpu.memref_slice %arg3[%arg0, %mul3A_792, %dma_start3A_798] : memref<2x10000x16xf32, #tpu.memory_space<hbm>> -> memref<1x624x16xf32, #tpu.memory_space<hbm>>
      %dma_start3A_800 = tpu.memref_squeeze %dma_start3A_799 : memref<1x624x16xf32, #tpu.memory_space<hbm>> -> memref<624x16xf32, #tpu.memory_space<hbm>>
      %dma_start3A_801 = arith.constant 0 : i32
      %dma_start3A_802 = tpu.memref_slice %arg8[%mul3A_790, %dma_start3A_801] : memref<10000x16xf32, #tpu.memory_space<vmem_shared>> -> memref<624x16xf32, #tpu.memory_space<vmem_shared>>
      tpu.enqueue_dma source(%dma_start3A_802 : memref<624x16xf32, #tpu.memory_space<vmem_shared>>) target(%dma_start3A_800 : memref<624x16xf32, #tpu.memory_space<hbm>>) target_semaphore(%run_scoped3A : memref<!tpu.dma_semaphore, #tpu.memory_space<semaphore_mem>>)
      %dma_wait3A_803 = arith.constant 0 : i32
      %dma_wait3A_804 = tpu.memref_slice %arg3[%arg0, %mul3A_792, %dma_wait3A_803] : memref<2x10000x16xf32, #tpu.memory_space<hbm>> -> memref<1x624x16xf32, #tpu.memory_space<hbm>>
      %dma_wait3A_805 = tpu.memref_squeeze %dma_wait3A_804 : memref<1x624x16xf32, #tpu.memory_space<hbm>> -> memref<624x16xf32, #tpu.memory_space<hbm>>
      %dma_wait3A_806 = arith.constant 0 : i32
      %dma_wait3A_807 = tpu.memref_slice %arg8[%mul3A_790, %dma_wait3A_806] : memref<10000x16xf32, #tpu.memory_space<vmem_shared>> -> memref<624x16xf32, #tpu.memory_space<vmem_shared>>
      tpu.wait_dma2 semaphore(%run_scoped3A : memref<!tpu.dma_semaphore, #tpu.memory_space<semaphore_mem>>) src(%dma_wait3A_807 : memref<624x16xf32, #tpu.memory_space<vmem_shared>>) dst(%dma_wait3A_805 : memref<624x16xf32, #tpu.memory_space<hbm>>)
      tpu.yield
    }) : () -> ()
    %eq3A_793 = arith.constant 15 : i32
    %eq3A_794 = arith.cmpi eq, %arg1, %eq3A_793 : i32
    %convert_element_type3A_795 = arith.extui %eq3A_794 : i1 to i32
    %cond3A_796 = arith.constant 0 : i32
    %cond3A_797 = arith.cmpi ne, %convert_element_type3A_795, %cond3A_796 : i32
    scf.if %cond3A_797 {
      "tpu.region"() ({
        %run_scoped3A = tpu.sem_alloc : memref<!tpu.dma_semaphore, #tpu.memory_space<semaphore_mem>>
        %dma_start3A_798 = arith.constant 9984 : i32
        %dma_start3A_799 = arith.constant 0 : i32
        %dma_start3A_800 = tpu.memref_slice %arg3[%arg0, %dma_start3A_798, %dma_start3A_799] : memref<2x10000x16xf32, #tpu.memory_space<hbm>> -> memref<1x16x16xf32, #tpu.memory_space<hbm>>
        %dma_start3A_801 = tpu.memref_squeeze %dma_start3A_800 : memref<1x16x16xf32, #tpu.memory_space<hbm>> -> memref<16x16xf32, #tpu.memory_space<hbm>>
        %dma_start3A_802 = arith.constant 9984 : i32
        %dma_start3A_803 = arith.constant 0 : i32
        %dma_start3A_804 = tpu.memref_slice %arg8[%dma_start3A_802, %dma_start3A_803] : memref<10000x16xf32, #tpu.memory_space<vmem_shared>> -> memref<16x16xf32, #tpu.memory_space<vmem_shared>>
        tpu.enqueue_dma source(%dma_start3A_804 : memref<16x16xf32, #tpu.memory_space<vmem_shared>>) target(%dma_start3A_801 : memref<16x16xf32, #tpu.memory_space<hbm>>) target_semaphore(%run_scoped3A : memref<!tpu.dma_semaphore, #tpu.memory_space<semaphore_mem>>)
        %dma_wait3A_805 = arith.constant 9984 : i32
        %dma_wait3A_806 = arith.constant 0 : i32
        %dma_wait3A_807 = tpu.memref_slice %arg3[%arg0, %dma_wait3A_805, %dma_wait3A_806] : memref<2x10000x16xf32, #tpu.memory_space<hbm>> -> memref<1x16x16xf32, #tpu.memory_space<hbm>>
        %dma_wait3A_808 = tpu.memref_squeeze %dma_wait3A_807 : memref<1x16x16xf32, #tpu.memory_space<hbm>> -> memref<16x16xf32, #tpu.memory_space<hbm>>
        %dma_wait3A_809 = arith.constant 9984 : i32
        %dma_wait3A_810 = arith.constant 0 : i32
        %dma_wait3A_811 = tpu.memref_slice %arg8[%dma_wait3A_809, %dma_wait3A_810] : memref<10000x16xf32, #tpu.memory_space<vmem_shared>> -> memref<16x16xf32, #tpu.memory_space<vmem_shared>>
        tpu.wait_dma2 semaphore(%run_scoped3A : memref<!tpu.dma_semaphore, #tpu.memory_space<semaphore_mem>>) src(%dma_wait3A_811 : memref<16x16xf32, #tpu.memory_space<vmem_shared>>) dst(%dma_wait3A_808 : memref<16x16xf32, #tpu.memory_space<hbm>>)
        tpu.yield
      }) : () -> ()
    } else {
    }
    return
  }
}

#map = affine_map<(d0, d1) -> (0, 0)>
#map1 = affine_map<(d0, d1) -> (0)>
#map2 = affine_map<(d0, d1) -> (0, 0, 0)>
module attributes {stable_mosaic.version = 14 : i64} {
  func.func @scat_kernel(%arg0: i32, %arg1: i32, %arg2: memref<10000x128xf32, #tpu.memory_space<hbm>>, %arg3: memref<320000xi32, #tpu.memory_space<hbm>>, %arg4: memref<320000xi32, #tpu.memory_space<hbm>>, %arg5: memref<2x10000x128xf32, #tpu.memory_space<hbm>>, %arg6: memref<80xi32, #tpu.memory_space<vmem>>, %arg7: memref<80xi32, #tpu.memory_space<vmem>>, %arg8: memref<80xi32, #tpu.memory_space<vmem>>, %arg9: memref<80xi32, #tpu.memory_space<vmem>>, %arg10: memref<80xi32, #tpu.memory_space<vmem>>, %arg11: memref<80xi32, #tpu.memory_space<vmem>>, %arg12: memref<80xi32, #tpu.memory_space<vmem>>, %arg13: memref<80xi32, #tpu.memory_space<vmem>>, %arg14: memref<80x128xf32, #tpu.memory_space<vmem>>, %arg15: memref<80x128xf32, #tpu.memory_space<vmem>>, %arg16: memref<80x128xf32, #tpu.memory_space<vmem>>, %arg17: memref<80x128xf32, #tpu.memory_space<vmem>>, %arg18: memref<16x128xf32, #tpu.memory_space<vmem>>, %arg19: memref<10000x128xf32, #tpu.memory_space<vmem_shared>>, %arg20: memref<!tpu.dma_semaphore, #tpu.memory_space<semaphore_mem>>, %arg21: memref<!tpu.dma_semaphore, #tpu.memory_space<semaphore_mem>>, %arg22: memref<!tpu.dma_semaphore, #tpu.memory_space<semaphore_mem>>, %arg23: memref<!tpu.dma_semaphore, #tpu.memory_space<semaphore_mem>>, %arg24: memref<!tpu.dma_semaphore, #tpu.memory_space<semaphore_mem>>, %arg25: memref<!tpu.dma_semaphore, #tpu.memory_space<semaphore_mem>>, %arg26: memref<!tpu.dma_semaphore, #tpu.memory_space<semaphore_mem>>, %arg27: memref<!tpu.dma_semaphore, #tpu.memory_space<semaphore_mem>>, %arg28: memref<!tpu.dma_semaphore, #tpu.memory_space<semaphore_mem>>, %arg29: memref<!tpu.dma_semaphore, #tpu.memory_space<semaphore_mem>>, %arg30: memref<!tpu.dma_semaphore, #tpu.memory_space<semaphore_mem>>, %arg31: memref<!tpu.dma_semaphore, #tpu.memory_space<semaphore_mem>>, %arg32: memref<!tpu.dma_semaphore, #tpu.memory_space<semaphore_mem>>, %arg33: memref<!tpu.dma_semaphore, #tpu.memory_space<semaphore_mem>>, %arg34: memref<!tpu.dma_semaphore, #tpu.memory_space<semaphore_mem>>, %arg35: memref<!tpu.dma_semaphore, #tpu.memory_space<semaphore_mem>>) attributes {dimension_semantics = [#tpu.dimension_semantics<core_parallel>, #tpu.dimension_semantics<subcore_parallel>], iteration_bounds = array<i64: 2, 16>, scalar_prefetch = 0 : i64, scratch_operands = 30 : i64, tpu.core_type = #tpu.core_type<sc_vector_subcore>, window_params = [{transform_indices = #map}, {transform_indices = #map1}, {transform_indices = #map1}, {transform_indices = #map2}]} {
    %mul3A = arith.constant 16 : i32
    %mul3A_0 = arith.muli %arg0, %mul3A : i32
    %add3A = arith.addi %mul3A_0, %arg1 : i32
    %mul3A_1 = arith.constant 10000 : i32
    %mul3A_2 = arith.muli %add3A, %mul3A_1 : i32
    %broadcast_in_dim3A = arith.constant 0.000000e+00 : f32
    %broadcast_in_dim3A_3 = vector.broadcast %broadcast_in_dim3A : f32 to vector<16xf32>
    %swap3A = arith.constant 0 : i32
    %swap3A_4 = arith.index_cast %swap3A : i32 to index
    %swap3A_5 = arith.constant 0 : index
    %swap3A_6 = tpu.vector_load %arg18[%swap3A_4, %swap3A_5] {strides = array<i32>} : memref<16x128xf32, #tpu.memory_space<vmem>>, vector<1x16xf32>,
    %swap3A_7 = vector.shape_cast %swap3A_6 : vector<1x16xf32> to vector<16xf32>
    %swap3A_8 = vector.shape_cast %broadcast_in_dim3A_3 : vector<16xf32> to vector<1x16xf32>
    tpu.vector_store %arg18[%swap3A_4, %swap3A_5], %swap3A_8 {strides = array<i32>} : memref<16x128xf32, #tpu.memory_space<vmem>>, vector<1x16xf32>,
    %broadcast_in_dim3A_9 = arith.constant 0.000000e+00 : f32
    %broadcast_in_dim3A_10 = vector.broadcast %broadcast_in_dim3A_9 : f32 to vector<16xf32>
    %swap3A_11 = arith.constant 0 : i32
    %swap3A_12 = arith.index_cast %swap3A_11 : i32 to index
    %swap3A_13 = arith.constant 16 : index
    %swap3A_14 = tpu.vector_load %arg18[%swap3A_12, %swap3A_13] {strides = array<i32>} : memref<16x128xf32, #tpu.memory_space<vmem>>, vector<1x16xf32>,
    %swap3A_15 = vector.shape_cast %swap3A_14 : vector<1x16xf32> to vector<16xf32>
    %swap3A_16 = vector.shape_cast %broadcast_in_dim3A_10 : vector<16xf32> to vector<1x16xf32>
    tpu.vector_store %arg18[%swap3A_12, %swap3A_13], %swap3A_16 {strides = array<i32>} : memref<16x128xf32, #tpu.memory_space<vmem>>, vector<1x16xf32>,
    %broadcast_in_dim3A_17 = arith.constant 0.000000e+00 : f32
    %broadcast_in_dim3A_18 = vector.broadcast %broadcast_in_dim3A_17 : f32 to vector<16xf32>
    %swap3A_19 = arith.constant 0 : i32
    %swap3A_20 = arith.index_cast %swap3A_19 : i32 to index
    %swap3A_21 = arith.constant 32 : index
    %swap3A_22 = tpu.vector_load %arg18[%swap3A_20, %swap3A_21] {strides = array<i32>} : memref<16x128xf32, #tpu.memory_space<vmem>>, vector<1x16xf32>,
    %swap3A_23 = vector.shape_cast %swap3A_22 : vector<1x16xf32> to vector<16xf32>
    %swap3A_24 = vector.shape_cast %broadcast_in_dim3A_18 : vector<16xf32> to vector<1x16xf32>
    tpu.vector_store %arg18[%swap3A_20, %swap3A_21], %swap3A_24 {strides = array<i32>} : memref<16x128xf32, #tpu.memory_space<vmem>>, vector<1x16xf32>,
    %broadcast_in_dim3A_25 = arith.constant 0.000000e+00 : f32
    %broadcast_in_dim3A_26 = vector.broadcast %broadcast_in_dim3A_25 : f32 to vector<16xf32>
    %swap3A_27 = arith.constant 0 : i32
    %swap3A_28 = arith.index_cast %swap3A_27 : i32 to index
    %swap3A_29 = arith.constant 48 : index
    %swap3A_30 = tpu.vector_load %arg18[%swap3A_28, %swap3A_29] {strides = array<i32>} : memref<16x128xf32, #tpu.memory_space<vmem>>, vector<1x16xf32>,
    %swap3A_31 = vector.shape_cast %swap3A_30 : vector<1x16xf32> to vector<16xf32>
    %swap3A_32 = vector.shape_cast %broadcast_in_dim3A_26 : vector<16xf32> to vector<1x16xf32>
    tpu.vector_store %arg18[%swap3A_28, %swap3A_29], %swap3A_32 {strides = array<i32>} : memref<16x128xf32, #tpu.memory_space<vmem>>, vector<1x16xf32>,
    %broadcast_in_dim3A_33 = arith.constant 0.000000e+00 : f32
    %broadcast_in_dim3A_34 = vector.broadcast %broadcast_in_dim3A_33 : f32 to vector<16xf32>
    %swap3A_35 = arith.constant 0 : i32
    %swap3A_36 = arith.index_cast %swap3A_35 : i32 to index
    %swap3A_37 = arith.constant 64 : index
    %swap3A_38 = tpu.vector_load %arg18[%swap3A_36, %swap3A_37] {strides = array<i32>} : memref<16x128xf32, #tpu.memory_space<vmem>>, vector<1x16xf32>,
    %swap3A_39 = vector.shape_cast %swap3A_38 : vector<1x16xf32> to vector<16xf32>
    %swap3A_40 = vector.shape_cast %broadcast_in_dim3A_34 : vector<16xf32> to vector<1x16xf32>
    tpu.vector_store %arg18[%swap3A_36, %swap3A_37], %swap3A_40 {strides = array<i32>} : memref<16x128xf32, #tpu.memory_space<vmem>>, vector<1x16xf32>,
    %broadcast_in_dim3A_41 = arith.constant 0.000000e+00 : f32
    %broadcast_in_dim3A_42 = vector.broadcast %broadcast_in_dim3A_41 : f32 to vector<16xf32>
    %swap3A_43 = arith.constant 0 : i32
    %swap3A_44 = arith.index_cast %swap3A_43 : i32 to index
    %swap3A_45 = arith.constant 80 : index
    %swap3A_46 = tpu.vector_load %arg18[%swap3A_44, %swap3A_45] {strides = array<i32>} : memref<16x128xf32, #tpu.memory_space<vmem>>, vector<1x16xf32>,
    %swap3A_47 = vector.shape_cast %swap3A_46 : vector<1x16xf32> to vector<16xf32>
    %swap3A_48 = vector.shape_cast %broadcast_in_dim3A_42 : vector<16xf32> to vector<1x16xf32>
    tpu.vector_store %arg18[%swap3A_44, %swap3A_45], %swap3A_48 {strides = array<i32>} : memref<16x128xf32, #tpu.memory_space<vmem>>, vector<1x16xf32>,
    %broadcast_in_dim3A_49 = arith.constant 0.000000e+00 : f32
    %broadcast_in_dim3A_50 = vector.broadcast %broadcast_in_dim3A_49 : f32 to vector<16xf32>
    %swap3A_51 = arith.constant 0 : i32
    %swap3A_52 = arith.index_cast %swap3A_51 : i32 to index
    %swap3A_53 = arith.constant 96 : index
    %swap3A_54 = tpu.vector_load %arg18[%swap3A_52, %swap3A_53] {strides = array<i32>} : memref<16x128xf32, #tpu.memory_space<vmem>>, vector<1x16xf32>,
    %swap3A_55 = vector.shape_cast %swap3A_54 : vector<1x16xf32> to vector<16xf32>
    %swap3A_56 = vector.shape_cast %broadcast_in_dim3A_50 : vector<16xf32> to vector<1x16xf32>
    tpu.vector_store %arg18[%swap3A_52, %swap3A_53], %swap3A_56 {strides = array<i32>} : memref<16x128xf32, #tpu.memory_space<vmem>>, vector<1x16xf32>,
    %broadcast_in_dim3A_57 = arith.constant 0.000000e+00 : f32
    %broadcast_in_dim3A_58 = vector.broadcast %broadcast_in_dim3A_57 : f32 to vector<16xf32>
    %swap3A_59 = arith.constant 0 : i32
    %swap3A_60 = arith.index_cast %swap3A_59 : i32 to index
    %swap3A_61 = arith.constant 112 : index
    %swap3A_62 = tpu.vector_load %arg18[%swap3A_60, %swap3A_61] {strides = array<i32>} : memref<16x128xf32, #tpu.memory_space<vmem>>, vector<1x16xf32>,
    %swap3A_63 = vector.shape_cast %swap3A_62 : vector<1x16xf32> to vector<16xf32>
    %swap3A_64 = vector.shape_cast %broadcast_in_dim3A_58 : vector<16xf32> to vector<1x16xf32>
    tpu.vector_store %arg18[%swap3A_60, %swap3A_61], %swap3A_64 {strides = array<i32>} : memref<16x128xf32, #tpu.memory_space<vmem>>, vector<1x16xf32>,
    %broadcast_in_dim3A_65 = arith.constant 0.000000e+00 : f32
    %broadcast_in_dim3A_66 = vector.broadcast %broadcast_in_dim3A_65 : f32 to vector<16xf32>
    %swap3A_67 = arith.constant 1 : i32
    %swap3A_68 = arith.index_cast %swap3A_67 : i32 to index
    %swap3A_69 = arith.constant 0 : index
    %swap3A_70 = tpu.vector_load %arg18[%swap3A_68, %swap3A_69] {strides = array<i32>} : memref<16x128xf32, #tpu.memory_space<vmem>>, vector<1x16xf32>,
    %swap3A_71 = vector.shape_cast %swap3A_70 : vector<1x16xf32> to vector<16xf32>
    %swap3A_72 = vector.shape_cast %broadcast_in_dim3A_66 : vector<16xf32> to vector<1x16xf32>
    tpu.vector_store %arg18[%swap3A_68, %swap3A_69], %swap3A_72 {strides = array<i32>} : memref<16x128xf32, #tpu.memory_space<vmem>>, vector<1x16xf32>,
    %broadcast_in_dim3A_73 = arith.constant 0.000000e+00 : f32
    %broadcast_in_dim3A_74 = vector.broadcast %broadcast_in_dim3A_73 : f32 to vector<16xf32>
    %swap3A_75 = arith.constant 1 : i32
    %swap3A_76 = arith.index_cast %swap3A_75 : i32 to index
    %swap3A_77 = arith.constant 16 : index
    %swap3A_78 = tpu.vector_load %arg18[%swap3A_76, %swap3A_77] {strides = array<i32>} : memref<16x128xf32, #tpu.memory_space<vmem>>, vector<1x16xf32>,
    %swap3A_79 = vector.shape_cast %swap3A_78 : vector<1x16xf32> to vector<16xf32>
    %swap3A_80 = vector.shape_cast %broadcast_in_dim3A_74 : vector<16xf32> to vector<1x16xf32>
    tpu.vector_store %arg18[%swap3A_76, %swap3A_77], %swap3A_80 {strides = array<i32>} : memref<16x128xf32, #tpu.memory_space<vmem>>, vector<1x16xf32>,
    %broadcast_in_dim3A_81 = arith.constant 0.000000e+00 : f32
    %broadcast_in_dim3A_82 = vector.broadcast %broadcast_in_dim3A_81 : f32 to vector<16xf32>
    %swap3A_83 = arith.constant 1 : i32
    %swap3A_84 = arith.index_cast %swap3A_83 : i32 to index
    %swap3A_85 = arith.constant 32 : index
    %swap3A_86 = tpu.vector_load %arg18[%swap3A_84, %swap3A_85] {strides = array<i32>} : memref<16x128xf32, #tpu.memory_space<vmem>>, vector<1x16xf32>,
    %swap3A_87 = vector.shape_cast %swap3A_86 : vector<1x16xf32> to vector<16xf32>
    %swap3A_88 = vector.shape_cast %broadcast_in_dim3A_82 : vector<16xf32> to vector<1x16xf32>
    tpu.vector_store %arg18[%swap3A_84, %swap3A_85], %swap3A_88 {strides = array<i32>} : memref<16x128xf32, #tpu.memory_space<vmem>>, vector<1x16xf32>,
    %broadcast_in_dim3A_89 = arith.constant 0.000000e+00 : f32
    %broadcast_in_dim3A_90 = vector.broadcast %broadcast_in_dim3A_89 : f32 to vector<16xf32>
    %swap3A_91 = arith.constant 1 : i32
    %swap3A_92 = arith.index_cast %swap3A_91 : i32 to index
    %swap3A_93 = arith.constant 48 : index
    %swap3A_94 = tpu.vector_load %arg18[%swap3A_92, %swap3A_93] {strides = array<i32>} : memref<16x128xf32, #tpu.memory_space<vmem>>, vector<1x16xf32>,
    %swap3A_95 = vector.shape_cast %swap3A_94 : vector<1x16xf32> to vector<16xf32>
    %swap3A_96 = vector.shape_cast %broadcast_in_dim3A_90 : vector<16xf32> to vector<1x16xf32>
    tpu.vector_store %arg18[%swap3A_92, %swap3A_93], %swap3A_96 {strides = array<i32>} : memref<16x128xf32, #tpu.memory_space<vmem>>, vector<1x16xf32>,
    %broadcast_in_dim3A_97 = arith.constant 0.000000e+00 : f32
    %broadcast_in_dim3A_98 = vector.broadcast %broadcast_in_dim3A_97 : f32 to vector<16xf32>
    %swap3A_99 = arith.constant 1 : i32
    %swap3A_100 = arith.index_cast %swap3A_99 : i32 to index
    %swap3A_101 = arith.constant 64 : index
    %swap3A_102 = tpu.vector_load %arg18[%swap3A_100, %swap3A_101] {strides = array<i32>} : memref<16x128xf32, #tpu.memory_space<vmem>>, vector<1x16xf32>,
    %swap3A_103 = vector.shape_cast %swap3A_102 : vector<1x16xf32> to vector<16xf32>
    %swap3A_104 = vector.shape_cast %broadcast_in_dim3A_98 : vector<16xf32> to vector<1x16xf32>
    tpu.vector_store %arg18[%swap3A_100, %swap3A_101], %swap3A_104 {strides = array<i32>} : memref<16x128xf32, #tpu.memory_space<vmem>>, vector<1x16xf32>,
    %broadcast_in_dim3A_105 = arith.constant 0.000000e+00 : f32
    %broadcast_in_dim3A_106 = vector.broadcast %broadcast_in_dim3A_105 : f32 to vector<16xf32>
    %swap3A_107 = arith.constant 1 : i32
    %swap3A_108 = arith.index_cast %swap3A_107 : i32 to index
    %swap3A_109 = arith.constant 80 : index
    %swap3A_110 = tpu.vector_load %arg18[%swap3A_108, %swap3A_109] {strides = array<i32>} : memref<16x128xf32, #tpu.memory_space<vmem>>, vector<1x16xf32>,
    %swap3A_111 = vector.shape_cast %swap3A_110 : vector<1x16xf32> to vector<16xf32>
    %swap3A_112 = vector.shape_cast %broadcast_in_dim3A_106 : vector<16xf32> to vector<1x16xf32>
    tpu.vector_store %arg18[%swap3A_108, %swap3A_109], %swap3A_112 {strides = array<i32>} : memref<16x128xf32, #tpu.memory_space<vmem>>, vector<1x16xf32>,
    %broadcast_in_dim3A_113 = arith.constant 0.000000e+00 : f32
    %broadcast_in_dim3A_114 = vector.broadcast %broadcast_in_dim3A_113 : f32 to vector<16xf32>
    %swap3A_115 = arith.constant 1 : i32
    %swap3A_116 = arith.index_cast %swap3A_115 : i32 to index
    %swap3A_117 = arith.constant 96 : index
    %swap3A_118 = tpu.vector_load %arg18[%swap3A_116, %swap3A_117] {strides = array<i32>} : memref<16x128xf32, #tpu.memory_space<vmem>>, vector<1x16xf32>,
    %swap3A_119 = vector.shape_cast %swap3A_118 : vector<1x16xf32> to vector<16xf32>
    %swap3A_120 = vector.shape_cast %broadcast_in_dim3A_114 : vector<16xf32> to vector<1x16xf32>
    tpu.vector_store %arg18[%swap3A_116, %swap3A_117], %swap3A_120 {strides = array<i32>} : memref<16x128xf32, #tpu.memory_space<vmem>>, vector<1x16xf32>,
    %broadcast_in_dim3A_121 = arith.constant 0.000000e+00 : f32
    %broadcast_in_dim3A_122 = vector.broadcast %broadcast_in_dim3A_121 : f32 to vector<16xf32>
    %swap3A_123 = arith.constant 1 : i32
    %swap3A_124 = arith.index_cast %swap3A_123 : i32 to index
    %swap3A_125 = arith.constant 112 : index
    %swap3A_126 = tpu.vector_load %arg18[%swap3A_124, %swap3A_125] {strides = array<i32>} : memref<16x128xf32, #tpu.memory_space<vmem>>, vector<1x16xf32>,
    %swap3A_127 = vector.shape_cast %swap3A_126 : vector<1x16xf32> to vector<16xf32>
    %swap3A_128 = vector.shape_cast %broadcast_in_dim3A_122 : vector<16xf32> to vector<1x16xf32>
    tpu.vector_store %arg18[%swap3A_124, %swap3A_125], %swap3A_128 {strides = array<i32>} : memref<16x128xf32, #tpu.memory_space<vmem>>, vector<1x16xf32>,
    %broadcast_in_dim3A_129 = arith.constant 0.000000e+00 : f32
    %broadcast_in_dim3A_130 = vector.broadcast %broadcast_in_dim3A_129 : f32 to vector<16xf32>
    %swap3A_131 = arith.constant 2 : i32
    %swap3A_132 = arith.index_cast %swap3A_131 : i32 to index
    %swap3A_133 = arith.constant 0 : index
    %swap3A_134 = tpu.vector_load %arg18[%swap3A_132, %swap3A_133] {strides = array<i32>} : memref<16x128xf32, #tpu.memory_space<vmem>>, vector<1x16xf32>,
    %swap3A_135 = vector.shape_cast %swap3A_134 : vector<1x16xf32> to vector<16xf32>
    %swap3A_136 = vector.shape_cast %broadcast_in_dim3A_130 : vector<16xf32> to vector<1x16xf32>
    tpu.vector_store %arg18[%swap3A_132, %swap3A_133], %swap3A_136 {strides = array<i32>} : memref<16x128xf32, #tpu.memory_space<vmem>>, vector<1x16xf32>,
    %broadcast_in_dim3A_137 = arith.constant 0.000000e+00 : f32
    %broadcast_in_dim3A_138 = vector.broadcast %broadcast_in_dim3A_137 : f32 to vector<16xf32>
    %swap3A_139 = arith.constant 2 : i32
    %swap3A_140 = arith.index_cast %swap3A_139 : i32 to index
    %swap3A_141 = arith.constant 16 : index
    %swap3A_142 = tpu.vector_load %arg18[%swap3A_140, %swap3A_141] {strides = array<i32>} : memref<16x128xf32, #tpu.memory_space<vmem>>, vector<1x16xf32>,
    %swap3A_143 = vector.shape_cast %swap3A_142 : vector<1x16xf32> to vector<16xf32>
    %swap3A_144 = vector.shape_cast %broadcast_in_dim3A_138 : vector<16xf32> to vector<1x16xf32>
    tpu.vector_store %arg18[%swap3A_140, %swap3A_141], %swap3A_144 {strides = array<i32>} : memref<16x128xf32, #tpu.memory_space<vmem>>, vector<1x16xf32>,
    %broadcast_in_dim3A_145 = arith.constant 0.000000e+00 : f32
    %broadcast_in_dim3A_146 = vector.broadcast %broadcast_in_dim3A_145 : f32 to vector<16xf32>
    %swap3A_147 = arith.constant 2 : i32
    %swap3A_148 = arith.index_cast %swap3A_147 : i32 to index
    %swap3A_149 = arith.constant 32 : index
    %swap3A_150 = tpu.vector_load %arg18[%swap3A_148, %swap3A_149] {strides = array<i32>} : memref<16x128xf32, #tpu.memory_space<vmem>>, vector<1x16xf32>,
    %swap3A_151 = vector.shape_cast %swap3A_150 : vector<1x16xf32> to vector<16xf32>
    %swap3A_152 = vector.shape_cast %broadcast_in_dim3A_146 : vector<16xf32> to vector<1x16xf32>
    tpu.vector_store %arg18[%swap3A_148, %swap3A_149], %swap3A_152 {strides = array<i32>} : memref<16x128xf32, #tpu.memory_space<vmem>>, vector<1x16xf32>,
    %broadcast_in_dim3A_153 = arith.constant 0.000000e+00 : f32
    %broadcast_in_dim3A_154 = vector.broadcast %broadcast_in_dim3A_153 : f32 to vector<16xf32>
    %swap3A_155 = arith.constant 2 : i32
    %swap3A_156 = arith.index_cast %swap3A_155 : i32 to index
    %swap3A_157 = arith.constant 48 : index
    %swap3A_158 = tpu.vector_load %arg18[%swap3A_156, %swap3A_157] {strides = array<i32>} : memref<16x128xf32, #tpu.memory_space<vmem>>, vector<1x16xf32>,
    %swap3A_159 = vector.shape_cast %swap3A_158 : vector<1x16xf32> to vector<16xf32>
    %swap3A_160 = vector.shape_cast %broadcast_in_dim3A_154 : vector<16xf32> to vector<1x16xf32>
    tpu.vector_store %arg18[%swap3A_156, %swap3A_157], %swap3A_160 {strides = array<i32>} : memref<16x128xf32, #tpu.memory_space<vmem>>, vector<1x16xf32>,
    %broadcast_in_dim3A_161 = arith.constant 0.000000e+00 : f32
    %broadcast_in_dim3A_162 = vector.broadcast %broadcast_in_dim3A_161 : f32 to vector<16xf32>
    %swap3A_163 = arith.constant 2 : i32
    %swap3A_164 = arith.index_cast %swap3A_163 : i32 to index
    %swap3A_165 = arith.constant 64 : index
    %swap3A_166 = tpu.vector_load %arg18[%swap3A_164, %swap3A_165] {strides = array<i32>} : memref<16x128xf32, #tpu.memory_space<vmem>>, vector<1x16xf32>,
    %swap3A_167 = vector.shape_cast %swap3A_166 : vector<1x16xf32> to vector<16xf32>
    %swap3A_168 = vector.shape_cast %broadcast_in_dim3A_162 : vector<16xf32> to vector<1x16xf32>
    tpu.vector_store %arg18[%swap3A_164, %swap3A_165], %swap3A_168 {strides = array<i32>} : memref<16x128xf32, #tpu.memory_space<vmem>>, vector<1x16xf32>,
    %broadcast_in_dim3A_169 = arith.constant 0.000000e+00 : f32
    %broadcast_in_dim3A_170 = vector.broadcast %broadcast_in_dim3A_169 : f32 to vector<16xf32>
    %swap3A_171 = arith.constant 2 : i32
    %swap3A_172 = arith.index_cast %swap3A_171 : i32 to index
    %swap3A_173 = arith.constant 80 : index
    %swap3A_174 = tpu.vector_load %arg18[%swap3A_172, %swap3A_173] {strides = array<i32>} : memref<16x128xf32, #tpu.memory_space<vmem>>, vector<1x16xf32>,
    %swap3A_175 = vector.shape_cast %swap3A_174 : vector<1x16xf32> to vector<16xf32>
    %swap3A_176 = vector.shape_cast %broadcast_in_dim3A_170 : vector<16xf32> to vector<1x16xf32>
    tpu.vector_store %arg18[%swap3A_172, %swap3A_173], %swap3A_176 {strides = array<i32>} : memref<16x128xf32, #tpu.memory_space<vmem>>, vector<1x16xf32>,
    %broadcast_in_dim3A_177 = arith.constant 0.000000e+00 : f32
    %broadcast_in_dim3A_178 = vector.broadcast %broadcast_in_dim3A_177 : f32 to vector<16xf32>
    %swap3A_179 = arith.constant 2 : i32
    %swap3A_180 = arith.index_cast %swap3A_179 : i32 to index
    %swap3A_181 = arith.constant 96 : index
    %swap3A_182 = tpu.vector_load %arg18[%swap3A_180, %swap3A_181] {strides = array<i32>} : memref<16x128xf32, #tpu.memory_space<vmem>>, vector<1x16xf32>,
    %swap3A_183 = vector.shape_cast %swap3A_182 : vector<1x16xf32> to vector<16xf32>
    %swap3A_184 = vector.shape_cast %broadcast_in_dim3A_178 : vector<16xf32> to vector<1x16xf32>
    tpu.vector_store %arg18[%swap3A_180, %swap3A_181], %swap3A_184 {strides = array<i32>} : memref<16x128xf32, #tpu.memory_space<vmem>>, vector<1x16xf32>,
    %broadcast_in_dim3A_185 = arith.constant 0.000000e+00 : f32
    %broadcast_in_dim3A_186 = vector.broadcast %broadcast_in_dim3A_185 : f32 to vector<16xf32>
    %swap3A_187 = arith.constant 2 : i32
    %swap3A_188 = arith.index_cast %swap3A_187 : i32 to index
    %swap3A_189 = arith.constant 112 : index
    %swap3A_190 = tpu.vector_load %arg18[%swap3A_188, %swap3A_189] {strides = array<i32>} : memref<16x128xf32, #tpu.memory_space<vmem>>, vector<1x16xf32>,
    %swap3A_191 = vector.shape_cast %swap3A_190 : vector<1x16xf32> to vector<16xf32>
    %swap3A_192 = vector.shape_cast %broadcast_in_dim3A_186 : vector<16xf32> to vector<1x16xf32>
    tpu.vector_store %arg18[%swap3A_188, %swap3A_189], %swap3A_192 {strides = array<i32>} : memref<16x128xf32, #tpu.memory_space<vmem>>, vector<1x16xf32>,
    %broadcast_in_dim3A_193 = arith.constant 0.000000e+00 : f32
    %broadcast_in_dim3A_194 = vector.broadcast %broadcast_in_dim3A_193 : f32 to vector<16xf32>
    %swap3A_195 = arith.constant 3 : i32
    %swap3A_196 = arith.index_cast %swap3A_195 : i32 to index
    %swap3A_197 = arith.constant 0 : index
    %swap3A_198 = tpu.vector_load %arg18[%swap3A_196, %swap3A_197] {strides = array<i32>} : memref<16x128xf32, #tpu.memory_space<vmem>>, vector<1x16xf32>,
    %swap3A_199 = vector.shape_cast %swap3A_198 : vector<1x16xf32> to vector<16xf32>
    %swap3A_200 = vector.shape_cast %broadcast_in_dim3A_194 : vector<16xf32> to vector<1x16xf32>
    tpu.vector_store %arg18[%swap3A_196, %swap3A_197], %swap3A_200 {strides = array<i32>} : memref<16x128xf32, #tpu.memory_space<vmem>>, vector<1x16xf32>,
    %broadcast_in_dim3A_201 = arith.constant 0.000000e+00 : f32
    %broadcast_in_dim3A_202 = vector.broadcast %broadcast_in_dim3A_201 : f32 to vector<16xf32>
    %swap3A_203 = arith.constant 3 : i32
    %swap3A_204 = arith.index_cast %swap3A_203 : i32 to index
    %swap3A_205 = arith.constant 16 : index
    %swap3A_206 = tpu.vector_load %arg18[%swap3A_204, %swap3A_205] {strides = array<i32>} : memref<16x128xf32, #tpu.memory_space<vmem>>, vector<1x16xf32>,
    %swap3A_207 = vector.shape_cast %swap3A_206 : vector<1x16xf32> to vector<16xf32>
    %swap3A_208 = vector.shape_cast %broadcast_in_dim3A_202 : vector<16xf32> to vector<1x16xf32>
    tpu.vector_store %arg18[%swap3A_204, %swap3A_205], %swap3A_208 {strides = array<i32>} : memref<16x128xf32, #tpu.memory_space<vmem>>, vector<1x16xf32>,
    %broadcast_in_dim3A_209 = arith.constant 0.000000e+00 : f32
    %broadcast_in_dim3A_210 = vector.broadcast %broadcast_in_dim3A_209 : f32 to vector<16xf32>
    %swap3A_211 = arith.constant 3 : i32
    %swap3A_212 = arith.index_cast %swap3A_211 : i32 to index
    %swap3A_213 = arith.constant 32 : index
    %swap3A_214 = tpu.vector_load %arg18[%swap3A_212, %swap3A_213] {strides = array<i32>} : memref<16x128xf32, #tpu.memory_space<vmem>>, vector<1x16xf32>,
    %swap3A_215 = vector.shape_cast %swap3A_214 : vector<1x16xf32> to vector<16xf32>
    %swap3A_216 = vector.shape_cast %broadcast_in_dim3A_210 : vector<16xf32> to vector<1x16xf32>
    tpu.vector_store %arg18[%swap3A_212, %swap3A_213], %swap3A_216 {strides = array<i32>} : memref<16x128xf32, #tpu.memory_space<vmem>>, vector<1x16xf32>,
    %broadcast_in_dim3A_217 = arith.constant 0.000000e+00 : f32
    %broadcast_in_dim3A_218 = vector.broadcast %broadcast_in_dim3A_217 : f32 to vector<16xf32>
    %swap3A_219 = arith.constant 3 : i32
    %swap3A_220 = arith.index_cast %swap3A_219 : i32 to index
    %swap3A_221 = arith.constant 48 : index
    %swap3A_222 = tpu.vector_load %arg18[%swap3A_220, %swap3A_221] {strides = array<i32>} : memref<16x128xf32, #tpu.memory_space<vmem>>, vector<1x16xf32>,
    %swap3A_223 = vector.shape_cast %swap3A_222 : vector<1x16xf32> to vector<16xf32>
    %swap3A_224 = vector.shape_cast %broadcast_in_dim3A_218 : vector<16xf32> to vector<1x16xf32>
    tpu.vector_store %arg18[%swap3A_220, %swap3A_221], %swap3A_224 {strides = array<i32>} : memref<16x128xf32, #tpu.memory_space<vmem>>, vector<1x16xf32>,
    %broadcast_in_dim3A_225 = arith.constant 0.000000e+00 : f32
    %broadcast_in_dim3A_226 = vector.broadcast %broadcast_in_dim3A_225 : f32 to vector<16xf32>
    %swap3A_227 = arith.constant 3 : i32
    %swap3A_228 = arith.index_cast %swap3A_227 : i32 to index
    %swap3A_229 = arith.constant 64 : index
    %swap3A_230 = tpu.vector_load %arg18[%swap3A_228, %swap3A_229] {strides = array<i32>} : memref<16x128xf32, #tpu.memory_space<vmem>>, vector<1x16xf32>,
    %swap3A_231 = vector.shape_cast %swap3A_230 : vector<1x16xf32> to vector<16xf32>
    %swap3A_232 = vector.shape_cast %broadcast_in_dim3A_226 : vector<16xf32> to vector<1x16xf32>
    tpu.vector_store %arg18[%swap3A_228, %swap3A_229], %swap3A_232 {strides = array<i32>} : memref<16x128xf32, #tpu.memory_space<vmem>>, vector<1x16xf32>,
    %broadcast_in_dim3A_233 = arith.constant 0.000000e+00 : f32
    %broadcast_in_dim3A_234 = vector.broadcast %broadcast_in_dim3A_233 : f32 to vector<16xf32>
    %swap3A_235 = arith.constant 3 : i32
    %swap3A_236 = arith.index_cast %swap3A_235 : i32 to index
    %swap3A_237 = arith.constant 80 : index
    %swap3A_238 = tpu.vector_load %arg18[%swap3A_236, %swap3A_237] {strides = array<i32>} : memref<16x128xf32, #tpu.memory_space<vmem>>, vector<1x16xf32>,
    %swap3A_239 = vector.shape_cast %swap3A_238 : vector<1x16xf32> to vector<16xf32>
    %swap3A_240 = vector.shape_cast %broadcast_in_dim3A_234 : vector<16xf32> to vector<1x16xf32>
    tpu.vector_store %arg18[%swap3A_236, %swap3A_237], %swap3A_240 {strides = array<i32>} : memref<16x128xf32, #tpu.memory_space<vmem>>, vector<1x16xf32>,
    %broadcast_in_dim3A_241 = arith.constant 0.000000e+00 : f32
    %broadcast_in_dim3A_242 = vector.broadcast %broadcast_in_dim3A_241 : f32 to vector<16xf32>
    %swap3A_243 = arith.constant 3 : i32
    %swap3A_244 = arith.index_cast %swap3A_243 : i32 to index
    %swap3A_245 = arith.constant 96 : index
    %swap3A_246 = tpu.vector_load %arg18[%swap3A_244, %swap3A_245] {strides = array<i32>} : memref<16x128xf32, #tpu.memory_space<vmem>>, vector<1x16xf32>,
    %swap3A_247 = vector.shape_cast %swap3A_246 : vector<1x16xf32> to vector<16xf32>
    %swap3A_248 = vector.shape_cast %broadcast_in_dim3A_242 : vector<16xf32> to vector<1x16xf32>
    tpu.vector_store %arg18[%swap3A_244, %swap3A_245], %swap3A_248 {strides = array<i32>} : memref<16x128xf32, #tpu.memory_space<vmem>>, vector<1x16xf32>,
    %broadcast_in_dim3A_249 = arith.constant 0.000000e+00 : f32
    %broadcast_in_dim3A_250 = vector.broadcast %broadcast_in_dim3A_249 : f32 to vector<16xf32>
    %swap3A_251 = arith.constant 3 : i32
    %swap3A_252 = arith.index_cast %swap3A_251 : i32 to index
    %swap3A_253 = arith.constant 112 : index
    %swap3A_254 = tpu.vector_load %arg18[%swap3A_252, %swap3A_253] {strides = array<i32>} : memref<16x128xf32, #tpu.memory_space<vmem>>, vector<1x16xf32>,
    %swap3A_255 = vector.shape_cast %swap3A_254 : vector<1x16xf32> to vector<16xf32>
    %swap3A_256 = vector.shape_cast %broadcast_in_dim3A_250 : vector<16xf32> to vector<1x16xf32>
    tpu.vector_store %arg18[%swap3A_252, %swap3A_253], %swap3A_256 {strides = array<i32>} : memref<16x128xf32, #tpu.memory_space<vmem>>, vector<1x16xf32>,
    %broadcast_in_dim3A_257 = arith.constant 0.000000e+00 : f32
    %broadcast_in_dim3A_258 = vector.broadcast %broadcast_in_dim3A_257 : f32 to vector<16xf32>
    %swap3A_259 = arith.constant 4 : i32
    %swap3A_260 = arith.index_cast %swap3A_259 : i32 to index
    %swap3A_261 = arith.constant 0 : index
    %swap3A_262 = tpu.vector_load %arg18[%swap3A_260, %swap3A_261] {strides = array<i32>} : memref<16x128xf32, #tpu.memory_space<vmem>>, vector<1x16xf32>,
    %swap3A_263 = vector.shape_cast %swap3A_262 : vector<1x16xf32> to vector<16xf32>
    %swap3A_264 = vector.shape_cast %broadcast_in_dim3A_258 : vector<16xf32> to vector<1x16xf32>
    tpu.vector_store %arg18[%swap3A_260, %swap3A_261], %swap3A_264 {strides = array<i32>} : memref<16x128xf32, #tpu.memory_space<vmem>>, vector<1x16xf32>,
    %broadcast_in_dim3A_265 = arith.constant 0.000000e+00 : f32
    %broadcast_in_dim3A_266 = vector.broadcast %broadcast_in_dim3A_265 : f32 to vector<16xf32>
    %swap3A_267 = arith.constant 4 : i32
    %swap3A_268 = arith.index_cast %swap3A_267 : i32 to index
    %swap3A_269 = arith.constant 16 : index
    %swap3A_270 = tpu.vector_load %arg18[%swap3A_268, %swap3A_269] {strides = array<i32>} : memref<16x128xf32, #tpu.memory_space<vmem>>, vector<1x16xf32>,
    %swap3A_271 = vector.shape_cast %swap3A_270 : vector<1x16xf32> to vector<16xf32>
    %swap3A_272 = vector.shape_cast %broadcast_in_dim3A_266 : vector<16xf32> to vector<1x16xf32>
    tpu.vector_store %arg18[%swap3A_268, %swap3A_269], %swap3A_272 {strides = array<i32>} : memref<16x128xf32, #tpu.memory_space<vmem>>, vector<1x16xf32>,
    %broadcast_in_dim3A_273 = arith.constant 0.000000e+00 : f32
    %broadcast_in_dim3A_274 = vector.broadcast %broadcast_in_dim3A_273 : f32 to vector<16xf32>
    %swap3A_275 = arith.constant 4 : i32
    %swap3A_276 = arith.index_cast %swap3A_275 : i32 to index
    %swap3A_277 = arith.constant 32 : index
    %swap3A_278 = tpu.vector_load %arg18[%swap3A_276, %swap3A_277] {strides = array<i32>} : memref<16x128xf32, #tpu.memory_space<vmem>>, vector<1x16xf32>,
    %swap3A_279 = vector.shape_cast %swap3A_278 : vector<1x16xf32> to vector<16xf32>
    %swap3A_280 = vector.shape_cast %broadcast_in_dim3A_274 : vector<16xf32> to vector<1x16xf32>
    tpu.vector_store %arg18[%swap3A_276, %swap3A_277], %swap3A_280 {strides = array<i32>} : memref<16x128xf32, #tpu.memory_space<vmem>>, vector<1x16xf32>,
    %broadcast_in_dim3A_281 = arith.constant 0.000000e+00 : f32
    %broadcast_in_dim3A_282 = vector.broadcast %broadcast_in_dim3A_281 : f32 to vector<16xf32>
    %swap3A_283 = arith.constant 4 : i32
    %swap3A_284 = arith.index_cast %swap3A_283 : i32 to index
    %swap3A_285 = arith.constant 48 : index
    %swap3A_286 = tpu.vector_load %arg18[%swap3A_284, %swap3A_285] {strides = array<i32>} : memref<16x128xf32, #tpu.memory_space<vmem>>, vector<1x16xf32>,
    %swap3A_287 = vector.shape_cast %swap3A_286 : vector<1x16xf32> to vector<16xf32>
    %swap3A_288 = vector.shape_cast %broadcast_in_dim3A_282 : vector<16xf32> to vector<1x16xf32>
    tpu.vector_store %arg18[%swap3A_284, %swap3A_285], %swap3A_288 {strides = array<i32>} : memref<16x128xf32, #tpu.memory_space<vmem>>, vector<1x16xf32>,
    %broadcast_in_dim3A_289 = arith.constant 0.000000e+00 : f32
    %broadcast_in_dim3A_290 = vector.broadcast %broadcast_in_dim3A_289 : f32 to vector<16xf32>
    %swap3A_291 = arith.constant 4 : i32
    %swap3A_292 = arith.index_cast %swap3A_291 : i32 to index
    %swap3A_293 = arith.constant 64 : index
    %swap3A_294 = tpu.vector_load %arg18[%swap3A_292, %swap3A_293] {strides = array<i32>} : memref<16x128xf32, #tpu.memory_space<vmem>>, vector<1x16xf32>,
    %swap3A_295 = vector.shape_cast %swap3A_294 : vector<1x16xf32> to vector<16xf32>
    %swap3A_296 = vector.shape_cast %broadcast_in_dim3A_290 : vector<16xf32> to vector<1x16xf32>
    tpu.vector_store %arg18[%swap3A_292, %swap3A_293], %swap3A_296 {strides = array<i32>} : memref<16x128xf32, #tpu.memory_space<vmem>>, vector<1x16xf32>,
    %broadcast_in_dim3A_297 = arith.constant 0.000000e+00 : f32
    %broadcast_in_dim3A_298 = vector.broadcast %broadcast_in_dim3A_297 : f32 to vector<16xf32>
    %swap3A_299 = arith.constant 4 : i32
    %swap3A_300 = arith.index_cast %swap3A_299 : i32 to index
    %swap3A_301 = arith.constant 80 : index
    %swap3A_302 = tpu.vector_load %arg18[%swap3A_300, %swap3A_301] {strides = array<i32>} : memref<16x128xf32, #tpu.memory_space<vmem>>, vector<1x16xf32>,
    %swap3A_303 = vector.shape_cast %swap3A_302 : vector<1x16xf32> to vector<16xf32>
    %swap3A_304 = vector.shape_cast %broadcast_in_dim3A_298 : vector<16xf32> to vector<1x16xf32>
    tpu.vector_store %arg18[%swap3A_300, %swap3A_301], %swap3A_304 {strides = array<i32>} : memref<16x128xf32, #tpu.memory_space<vmem>>, vector<1x16xf32>,
    %broadcast_in_dim3A_305 = arith.constant 0.000000e+00 : f32
    %broadcast_in_dim3A_306 = vector.broadcast %broadcast_in_dim3A_305 : f32 to vector<16xf32>
    %swap3A_307 = arith.constant 4 : i32
    %swap3A_308 = arith.index_cast %swap3A_307 : i32 to index
    %swap3A_309 = arith.constant 96 : index
    %swap3A_310 = tpu.vector_load %arg18[%swap3A_308, %swap3A_309] {strides = array<i32>} : memref<16x128xf32, #tpu.memory_space<vmem>>, vector<1x16xf32>,
    %swap3A_311 = vector.shape_cast %swap3A_310 : vector<1x16xf32> to vector<16xf32>
    %swap3A_312 = vector.shape_cast %broadcast_in_dim3A_306 : vector<16xf32> to vector<1x16xf32>
    tpu.vector_store %arg18[%swap3A_308, %swap3A_309], %swap3A_312 {strides = array<i32>} : memref<16x128xf32, #tpu.memory_space<vmem>>, vector<1x16xf32>,
    %broadcast_in_dim3A_313 = arith.constant 0.000000e+00 : f32
    %broadcast_in_dim3A_314 = vector.broadcast %broadcast_in_dim3A_313 : f32 to vector<16xf32>
    %swap3A_315 = arith.constant 4 : i32
    %swap3A_316 = arith.index_cast %swap3A_315 : i32 to index
    %swap3A_317 = arith.constant 112 : index
    %swap3A_318 = tpu.vector_load %arg18[%swap3A_316, %swap3A_317] {strides = array<i32>} : memref<16x128xf32, #tpu.memory_space<vmem>>, vector<1x16xf32>,
    %swap3A_319 = vector.shape_cast %swap3A_318 : vector<1x16xf32> to vector<16xf32>
    %swap3A_320 = vector.shape_cast %broadcast_in_dim3A_314 : vector<16xf32> to vector<1x16xf32>
    tpu.vector_store %arg18[%swap3A_316, %swap3A_317], %swap3A_320 {strides = array<i32>} : memref<16x128xf32, #tpu.memory_space<vmem>>, vector<1x16xf32>,
    %broadcast_in_dim3A_321 = arith.constant 0.000000e+00 : f32
    %broadcast_in_dim3A_322 = vector.broadcast %broadcast_in_dim3A_321 : f32 to vector<16xf32>
    %swap3A_323 = arith.constant 5 : i32
    %swap3A_324 = arith.index_cast %swap3A_323 : i32 to index
    %swap3A_325 = arith.constant 0 : index
    %swap3A_326 = tpu.vector_load %arg18[%swap3A_324, %swap3A_325] {strides = array<i32>} : memref<16x128xf32, #tpu.memory_space<vmem>>, vector<1x16xf32>,
    %swap3A_327 = vector.shape_cast %swap3A_326 : vector<1x16xf32> to vector<16xf32>
    %swap3A_328 = vector.shape_cast %broadcast_in_dim3A_322 : vector<16xf32> to vector<1x16xf32>
    tpu.vector_store %arg18[%swap3A_324, %swap3A_325], %swap3A_328 {strides = array<i32>} : memref<16x128xf32, #tpu.memory_space<vmem>>, vector<1x16xf32>,
    %broadcast_in_dim3A_329 = arith.constant 0.000000e+00 : f32
    %broadcast_in_dim3A_330 = vector.broadcast %broadcast_in_dim3A_329 : f32 to vector<16xf32>
    %swap3A_331 = arith.constant 5 : i32
    %swap3A_332 = arith.index_cast %swap3A_331 : i32 to index
    %swap3A_333 = arith.constant 16 : index
    %swap3A_334 = tpu.vector_load %arg18[%swap3A_332, %swap3A_333] {strides = array<i32>} : memref<16x128xf32, #tpu.memory_space<vmem>>, vector<1x16xf32>,
    %swap3A_335 = vector.shape_cast %swap3A_334 : vector<1x16xf32> to vector<16xf32>
    %swap3A_336 = vector.shape_cast %broadcast_in_dim3A_330 : vector<16xf32> to vector<1x16xf32>
    tpu.vector_store %arg18[%swap3A_332, %swap3A_333], %swap3A_336 {strides = array<i32>} : memref<16x128xf32, #tpu.memory_space<vmem>>, vector<1x16xf32>,
    %broadcast_in_dim3A_337 = arith.constant 0.000000e+00 : f32
    %broadcast_in_dim3A_338 = vector.broadcast %broadcast_in_dim3A_337 : f32 to vector<16xf32>
    %swap3A_339 = arith.constant 5 : i32
    %swap3A_340 = arith.index_cast %swap3A_339 : i32 to index
    %swap3A_341 = arith.constant 32 : index
    %swap3A_342 = tpu.vector_load %arg18[%swap3A_340, %swap3A_341] {strides = array<i32>} : memref<16x128xf32, #tpu.memory_space<vmem>>, vector<1x16xf32>,
    %swap3A_343 = vector.shape_cast %swap3A_342 : vector<1x16xf32> to vector<16xf32>
    %swap3A_344 = vector.shape_cast %broadcast_in_dim3A_338 : vector<16xf32> to vector<1x16xf32>
    tpu.vector_store %arg18[%swap3A_340, %swap3A_341], %swap3A_344 {strides = array<i32>} : memref<16x128xf32, #tpu.memory_space<vmem>>, vector<1x16xf32>,
    %broadcast_in_dim3A_345 = arith.constant 0.000000e+00 : f32
    %broadcast_in_dim3A_346 = vector.broadcast %broadcast_in_dim3A_345 : f32 to vector<16xf32>
    %swap3A_347 = arith.constant 5 : i32
    %swap3A_348 = arith.index_cast %swap3A_347 : i32 to index
    %swap3A_349 = arith.constant 48 : index
    %swap3A_350 = tpu.vector_load %arg18[%swap3A_348, %swap3A_349] {strides = array<i32>} : memref<16x128xf32, #tpu.memory_space<vmem>>, vector<1x16xf32>,
    %swap3A_351 = vector.shape_cast %swap3A_350 : vector<1x16xf32> to vector<16xf32>
    %swap3A_352 = vector.shape_cast %broadcast_in_dim3A_346 : vector<16xf32> to vector<1x16xf32>
    tpu.vector_store %arg18[%swap3A_348, %swap3A_349], %swap3A_352 {strides = array<i32>} : memref<16x128xf32, #tpu.memory_space<vmem>>, vector<1x16xf32>,
    %broadcast_in_dim3A_353 = arith.constant 0.000000e+00 : f32
    %broadcast_in_dim3A_354 = vector.broadcast %broadcast_in_dim3A_353 : f32 to vector<16xf32>
    %swap3A_355 = arith.constant 5 : i32
    %swap3A_356 = arith.index_cast %swap3A_355 : i32 to index
    %swap3A_357 = arith.constant 64 : index
    %swap3A_358 = tpu.vector_load %arg18[%swap3A_356, %swap3A_357] {strides = array<i32>} : memref<16x128xf32, #tpu.memory_space<vmem>>, vector<1x16xf32>,
    %swap3A_359 = vector.shape_cast %swap3A_358 : vector<1x16xf32> to vector<16xf32>
    %swap3A_360 = vector.shape_cast %broadcast_in_dim3A_354 : vector<16xf32> to vector<1x16xf32>
    tpu.vector_store %arg18[%swap3A_356, %swap3A_357], %swap3A_360 {strides = array<i32>} : memref<16x128xf32, #tpu.memory_space<vmem>>, vector<1x16xf32>,
    %broadcast_in_dim3A_361 = arith.constant 0.000000e+00 : f32
    %broadcast_in_dim3A_362 = vector.broadcast %broadcast_in_dim3A_361 : f32 to vector<16xf32>
    %swap3A_363 = arith.constant 5 : i32
    %swap3A_364 = arith.index_cast %swap3A_363 : i32 to index
    %swap3A_365 = arith.constant 80 : index
    %swap3A_366 = tpu.vector_load %arg18[%swap3A_364, %swap3A_365] {strides = array<i32>} : memref<16x128xf32, #tpu.memory_space<vmem>>, vector<1x16xf32>,
    %swap3A_367 = vector.shape_cast %swap3A_366 : vector<1x16xf32> to vector<16xf32>
    %swap3A_368 = vector.shape_cast %broadcast_in_dim3A_362 : vector<16xf32> to vector<1x16xf32>
    tpu.vector_store %arg18[%swap3A_364, %swap3A_365], %swap3A_368 {strides = array<i32>} : memref<16x128xf32, #tpu.memory_space<vmem>>, vector<1x16xf32>,
    %broadcast_in_dim3A_369 = arith.constant 0.000000e+00 : f32
    %broadcast_in_dim3A_370 = vector.broadcast %broadcast_in_dim3A_369 : f32 to vector<16xf32>
    %swap3A_371 = arith.constant 5 : i32
    %swap3A_372 = arith.index_cast %swap3A_371 : i32 to index
    %swap3A_373 = arith.constant 96 : index
    %swap3A_374 = tpu.vector_load %arg18[%swap3A_372, %swap3A_373] {strides = array<i32>} : memref<16x128xf32, #tpu.memory_space<vmem>>, vector<1x16xf32>,
    %swap3A_375 = vector.shape_cast %swap3A_374 : vector<1x16xf32> to vector<16xf32>
    %swap3A_376 = vector.shape_cast %broadcast_in_dim3A_370 : vector<16xf32> to vector<1x16xf32>
    tpu.vector_store %arg18[%swap3A_372, %swap3A_373], %swap3A_376 {strides = array<i32>} : memref<16x128xf32, #tpu.memory_space<vmem>>, vector<1x16xf32>,
    %broadcast_in_dim3A_377 = arith.constant 0.000000e+00 : f32
    %broadcast_in_dim3A_378 = vector.broadcast %broadcast_in_dim3A_377 : f32 to vector<16xf32>
    %swap3A_379 = arith.constant 5 : i32
    %swap3A_380 = arith.index_cast %swap3A_379 : i32 to index
    %swap3A_381 = arith.constant 112 : index
    %swap3A_382 = tpu.vector_load %arg18[%swap3A_380, %swap3A_381] {strides = array<i32>} : memref<16x128xf32, #tpu.memory_space<vmem>>, vector<1x16xf32>,
    %swap3A_383 = vector.shape_cast %swap3A_382 : vector<1x16xf32> to vector<16xf32>
    %swap3A_384 = vector.shape_cast %broadcast_in_dim3A_378 : vector<16xf32> to vector<1x16xf32>
    tpu.vector_store %arg18[%swap3A_380, %swap3A_381], %swap3A_384 {strides = array<i32>} : memref<16x128xf32, #tpu.memory_space<vmem>>, vector<1x16xf32>,
    %broadcast_in_dim3A_385 = arith.constant 0.000000e+00 : f32
    %broadcast_in_dim3A_386 = vector.broadcast %broadcast_in_dim3A_385 : f32 to vector<16xf32>
    %swap3A_387 = arith.constant 6 : i32
    %swap3A_388 = arith.index_cast %swap3A_387 : i32 to index
    %swap3A_389 = arith.constant 0 : index
    %swap3A_390 = tpu.vector_load %arg18[%swap3A_388, %swap3A_389] {strides = array<i32>} : memref<16x128xf32, #tpu.memory_space<vmem>>, vector<1x16xf32>,
    %swap3A_391 = vector.shape_cast %swap3A_390 : vector<1x16xf32> to vector<16xf32>
    %swap3A_392 = vector.shape_cast %broadcast_in_dim3A_386 : vector<16xf32> to vector<1x16xf32>
    tpu.vector_store %arg18[%swap3A_388, %swap3A_389], %swap3A_392 {strides = array<i32>} : memref<16x128xf32, #tpu.memory_space<vmem>>, vector<1x16xf32>,
    %broadcast_in_dim3A_393 = arith.constant 0.000000e+00 : f32
    %broadcast_in_dim3A_394 = vector.broadcast %broadcast_in_dim3A_393 : f32 to vector<16xf32>
    %swap3A_395 = arith.constant 6 : i32
    %swap3A_396 = arith.index_cast %swap3A_395 : i32 to index
    %swap3A_397 = arith.constant 16 : index
    %swap3A_398 = tpu.vector_load %arg18[%swap3A_396, %swap3A_397] {strides = array<i32>} : memref<16x128xf32, #tpu.memory_space<vmem>>, vector<1x16xf32>,
    %swap3A_399 = vector.shape_cast %swap3A_398 : vector<1x16xf32> to vector<16xf32>
    %swap3A_400 = vector.shape_cast %broadcast_in_dim3A_394 : vector<16xf32> to vector<1x16xf32>
    tpu.vector_store %arg18[%swap3A_396, %swap3A_397], %swap3A_400 {strides = array<i32>} : memref<16x128xf32, #tpu.memory_space<vmem>>, vector<1x16xf32>,
    %broadcast_in_dim3A_401 = arith.constant 0.000000e+00 : f32
    %broadcast_in_dim3A_402 = vector.broadcast %broadcast_in_dim3A_401 : f32 to vector<16xf32>
    %swap3A_403 = arith.constant 6 : i32
    %swap3A_404 = arith.index_cast %swap3A_403 : i32 to index
    %swap3A_405 = arith.constant 32 : index
    %swap3A_406 = tpu.vector_load %arg18[%swap3A_404, %swap3A_405] {strides = array<i32>} : memref<16x128xf32, #tpu.memory_space<vmem>>, vector<1x16xf32>,
    %swap3A_407 = vector.shape_cast %swap3A_406 : vector<1x16xf32> to vector<16xf32>
    %swap3A_408 = vector.shape_cast %broadcast_in_dim3A_402 : vector<16xf32> to vector<1x16xf32>
    tpu.vector_store %arg18[%swap3A_404, %swap3A_405], %swap3A_408 {strides = array<i32>} : memref<16x128xf32, #tpu.memory_space<vmem>>, vector<1x16xf32>,
    %broadcast_in_dim3A_409 = arith.constant 0.000000e+00 : f32
    %broadcast_in_dim3A_410 = vector.broadcast %broadcast_in_dim3A_409 : f32 to vector<16xf32>
    %swap3A_411 = arith.constant 6 : i32
    %swap3A_412 = arith.index_cast %swap3A_411 : i32 to index
    %swap3A_413 = arith.constant 48 : index
    %swap3A_414 = tpu.vector_load %arg18[%swap3A_412, %swap3A_413] {strides = array<i32>} : memref<16x128xf32, #tpu.memory_space<vmem>>, vector<1x16xf32>,
    %swap3A_415 = vector.shape_cast %swap3A_414 : vector<1x16xf32> to vector<16xf32>
    %swap3A_416 = vector.shape_cast %broadcast_in_dim3A_410 : vector<16xf32> to vector<1x16xf32>
    tpu.vector_store %arg18[%swap3A_412, %swap3A_413], %swap3A_416 {strides = array<i32>} : memref<16x128xf32, #tpu.memory_space<vmem>>, vector<1x16xf32>,
    %broadcast_in_dim3A_417 = arith.constant 0.000000e+00 : f32
    %broadcast_in_dim3A_418 = vector.broadcast %broadcast_in_dim3A_417 : f32 to vector<16xf32>
    %swap3A_419 = arith.constant 6 : i32
    %swap3A_420 = arith.index_cast %swap3A_419 : i32 to index
    %swap3A_421 = arith.constant 64 : index
    %swap3A_422 = tpu.vector_load %arg18[%swap3A_420, %swap3A_421] {strides = array<i32>} : memref<16x128xf32, #tpu.memory_space<vmem>>, vector<1x16xf32>,
    %swap3A_423 = vector.shape_cast %swap3A_422 : vector<1x16xf32> to vector<16xf32>
    %swap3A_424 = vector.shape_cast %broadcast_in_dim3A_418 : vector<16xf32> to vector<1x16xf32>
    tpu.vector_store %arg18[%swap3A_420, %swap3A_421], %swap3A_424 {strides = array<i32>} : memref<16x128xf32, #tpu.memory_space<vmem>>, vector<1x16xf32>,
    %broadcast_in_dim3A_425 = arith.constant 0.000000e+00 : f32
    %broadcast_in_dim3A_426 = vector.broadcast %broadcast_in_dim3A_425 : f32 to vector<16xf32>
    %swap3A_427 = arith.constant 6 : i32
    %swap3A_428 = arith.index_cast %swap3A_427 : i32 to index
    %swap3A_429 = arith.constant 80 : index
    %swap3A_430 = tpu.vector_load %arg18[%swap3A_428, %swap3A_429] {strides = array<i32>} : memref<16x128xf32, #tpu.memory_space<vmem>>, vector<1x16xf32>,
    %swap3A_431 = vector.shape_cast %swap3A_430 : vector<1x16xf32> to vector<16xf32>
    %swap3A_432 = vector.shape_cast %broadcast_in_dim3A_426 : vector<16xf32> to vector<1x16xf32>
    tpu.vector_store %arg18[%swap3A_428, %swap3A_429], %swap3A_432 {strides = array<i32>} : memref<16x128xf32, #tpu.memory_space<vmem>>, vector<1x16xf32>,
    %broadcast_in_dim3A_433 = arith.constant 0.000000e+00 : f32
    %broadcast_in_dim3A_434 = vector.broadcast %broadcast_in_dim3A_433 : f32 to vector<16xf32>
    %swap3A_435 = arith.constant 6 : i32
    %swap3A_436 = arith.index_cast %swap3A_435 : i32 to index
    %swap3A_437 = arith.constant 96 : index
    %swap3A_438 = tpu.vector_load %arg18[%swap3A_436, %swap3A_437] {strides = array<i32>} : memref<16x128xf32, #tpu.memory_space<vmem>>, vector<1x16xf32>,
    %swap3A_439 = vector.shape_cast %swap3A_438 : vector<1x16xf32> to vector<16xf32>
    %swap3A_440 = vector.shape_cast %broadcast_in_dim3A_434 : vector<16xf32> to vector<1x16xf32>
    tpu.vector_store %arg18[%swap3A_436, %swap3A_437], %swap3A_440 {strides = array<i32>} : memref<16x128xf32, #tpu.memory_space<vmem>>, vector<1x16xf32>,
    %broadcast_in_dim3A_441 = arith.constant 0.000000e+00 : f32
    %broadcast_in_dim3A_442 = vector.broadcast %broadcast_in_dim3A_441 : f32 to vector<16xf32>
    %swap3A_443 = arith.constant 6 : i32
    %swap3A_444 = arith.index_cast %swap3A_443 : i32 to index
    %swap3A_445 = arith.constant 112 : index
    %swap3A_446 = tpu.vector_load %arg18[%swap3A_444, %swap3A_445] {strides = array<i32>} : memref<16x128xf32, #tpu.memory_space<vmem>>, vector<1x16xf32>,
    %swap3A_447 = vector.shape_cast %swap3A_446 : vector<1x16xf32> to vector<16xf32>
    %swap3A_448 = vector.shape_cast %broadcast_in_dim3A_442 : vector<16xf32> to vector<1x16xf32>
    tpu.vector_store %arg18[%swap3A_444, %swap3A_445], %swap3A_448 {strides = array<i32>} : memref<16x128xf32, #tpu.memory_space<vmem>>, vector<1x16xf32>,
    %broadcast_in_dim3A_449 = arith.constant 0.000000e+00 : f32
    %broadcast_in_dim3A_450 = vector.broadcast %broadcast_in_dim3A_449 : f32 to vector<16xf32>
    %swap3A_451 = arith.constant 7 : i32
    %swap3A_452 = arith.index_cast %swap3A_451 : i32 to index
    %swap3A_453 = arith.constant 0 : index
    %swap3A_454 = tpu.vector_load %arg18[%swap3A_452, %swap3A_453] {strides = array<i32>} : memref<16x128xf32, #tpu.memory_space<vmem>>, vector<1x16xf32>,
    %swap3A_455 = vector.shape_cast %swap3A_454 : vector<1x16xf32> to vector<16xf32>
    %swap3A_456 = vector.shape_cast %broadcast_in_dim3A_450 : vector<16xf32> to vector<1x16xf32>
    tpu.vector_store %arg18[%swap3A_452, %swap3A_453], %swap3A_456 {strides = array<i32>} : memref<16x128xf32, #tpu.memory_space<vmem>>, vector<1x16xf32>,
    %broadcast_in_dim3A_457 = arith.constant 0.000000e+00 : f32
    %broadcast_in_dim3A_458 = vector.broadcast %broadcast_in_dim3A_457 : f32 to vector<16xf32>
    %swap3A_459 = arith.constant 7 : i32
    %swap3A_460 = arith.index_cast %swap3A_459 : i32 to index
    %swap3A_461 = arith.constant 16 : index
    %swap3A_462 = tpu.vector_load %arg18[%swap3A_460, %swap3A_461] {strides = array<i32>} : memref<16x128xf32, #tpu.memory_space<vmem>>, vector<1x16xf32>,
    %swap3A_463 = vector.shape_cast %swap3A_462 : vector<1x16xf32> to vector<16xf32>
    %swap3A_464 = vector.shape_cast %broadcast_in_dim3A_458 : vector<16xf32> to vector<1x16xf32>
    tpu.vector_store %arg18[%swap3A_460, %swap3A_461], %swap3A_464 {strides = array<i32>} : memref<16x128xf32, #tpu.memory_space<vmem>>, vector<1x16xf32>,
    %broadcast_in_dim3A_465 = arith.constant 0.000000e+00 : f32
    %broadcast_in_dim3A_466 = vector.broadcast %broadcast_in_dim3A_465 : f32 to vector<16xf32>
    %swap3A_467 = arith.constant 7 : i32
    %swap3A_468 = arith.index_cast %swap3A_467 : i32 to index
    %swap3A_469 = arith.constant 32 : index
    %swap3A_470 = tpu.vector_load %arg18[%swap3A_468, %swap3A_469] {strides = array<i32>} : memref<16x128xf32, #tpu.memory_space<vmem>>, vector<1x16xf32>,
    %swap3A_471 = vector.shape_cast %swap3A_470 : vector<1x16xf32> to vector<16xf32>
    %swap3A_472 = vector.shape_cast %broadcast_in_dim3A_466 : vector<16xf32> to vector<1x16xf32>
    tpu.vector_store %arg18[%swap3A_468, %swap3A_469], %swap3A_472 {strides = array<i32>} : memref<16x128xf32, #tpu.memory_space<vmem>>, vector<1x16xf32>,
    %broadcast_in_dim3A_473 = arith.constant 0.000000e+00 : f32
    %broadcast_in_dim3A_474 = vector.broadcast %broadcast_in_dim3A_473 : f32 to vector<16xf32>
    %swap3A_475 = arith.constant 7 : i32
    %swap3A_476 = arith.index_cast %swap3A_475 : i32 to index
    %swap3A_477 = arith.constant 48 : index
    %swap3A_478 = tpu.vector_load %arg18[%swap3A_476, %swap3A_477] {strides = array<i32>} : memref<16x128xf32, #tpu.memory_space<vmem>>, vector<1x16xf32>,
    %swap3A_479 = vector.shape_cast %swap3A_478 : vector<1x16xf32> to vector<16xf32>
    %swap3A_480 = vector.shape_cast %broadcast_in_dim3A_474 : vector<16xf32> to vector<1x16xf32>
    tpu.vector_store %arg18[%swap3A_476, %swap3A_477], %swap3A_480 {strides = array<i32>} : memref<16x128xf32, #tpu.memory_space<vmem>>, vector<1x16xf32>,
    %broadcast_in_dim3A_481 = arith.constant 0.000000e+00 : f32
    %broadcast_in_dim3A_482 = vector.broadcast %broadcast_in_dim3A_481 : f32 to vector<16xf32>
    %swap3A_483 = arith.constant 7 : i32
    %swap3A_484 = arith.index_cast %swap3A_483 : i32 to index
    %swap3A_485 = arith.constant 64 : index
    %swap3A_486 = tpu.vector_load %arg18[%swap3A_484, %swap3A_485] {strides = array<i32>} : memref<16x128xf32, #tpu.memory_space<vmem>>, vector<1x16xf32>,
    %swap3A_487 = vector.shape_cast %swap3A_486 : vector<1x16xf32> to vector<16xf32>
    %swap3A_488 = vector.shape_cast %broadcast_in_dim3A_482 : vector<16xf32> to vector<1x16xf32>
    tpu.vector_store %arg18[%swap3A_484, %swap3A_485], %swap3A_488 {strides = array<i32>} : memref<16x128xf32, #tpu.memory_space<vmem>>, vector<1x16xf32>,
    %broadcast_in_dim3A_489 = arith.constant 0.000000e+00 : f32
    %broadcast_in_dim3A_490 = vector.broadcast %broadcast_in_dim3A_489 : f32 to vector<16xf32>
    %swap3A_491 = arith.constant 7 : i32
    %swap3A_492 = arith.index_cast %swap3A_491 : i32 to index
    %swap3A_493 = arith.constant 80 : index
    %swap3A_494 = tpu.vector_load %arg18[%swap3A_492, %swap3A_493] {strides = array<i32>} : memref<16x128xf32, #tpu.memory_space<vmem>>, vector<1x16xf32>,
    %swap3A_495 = vector.shape_cast %swap3A_494 : vector<1x16xf32> to vector<16xf32>
    %swap3A_496 = vector.shape_cast %broadcast_in_dim3A_490 : vector<16xf32> to vector<1x16xf32>
    tpu.vector_store %arg18[%swap3A_492, %swap3A_493], %swap3A_496 {strides = array<i32>} : memref<16x128xf32, #tpu.memory_space<vmem>>, vector<1x16xf32>,
    %broadcast_in_dim3A_497 = arith.constant 0.000000e+00 : f32
    %broadcast_in_dim3A_498 = vector.broadcast %broadcast_in_dim3A_497 : f32 to vector<16xf32>
    %swap3A_499 = arith.constant 7 : i32
    %swap3A_500 = arith.index_cast %swap3A_499 : i32 to index
    %swap3A_501 = arith.constant 96 : index
    %swap3A_502 = tpu.vector_load %arg18[%swap3A_500, %swap3A_501] {strides = array<i32>} : memref<16x128xf32, #tpu.memory_space<vmem>>, vector<1x16xf32>,
    %swap3A_503 = vector.shape_cast %swap3A_502 : vector<1x16xf32> to vector<16xf32>
    %swap3A_504 = vector.shape_cast %broadcast_in_dim3A_498 : vector<16xf32> to vector<1x16xf32>
    tpu.vector_store %arg18[%swap3A_500, %swap3A_501], %swap3A_504 {strides = array<i32>} : memref<16x128xf32, #tpu.memory_space<vmem>>, vector<1x16xf32>,
    %broadcast_in_dim3A_505 = arith.constant 0.000000e+00 : f32
    %broadcast_in_dim3A_506 = vector.broadcast %broadcast_in_dim3A_505 : f32 to vector<16xf32>
    %swap3A_507 = arith.constant 7 : i32
    %swap3A_508 = arith.index_cast %swap3A_507 : i32 to index
    %swap3A_509 = arith.constant 112 : index
    %swap3A_510 = tpu.vector_load %arg18[%swap3A_508, %swap3A_509] {strides = array<i32>} : memref<16x128xf32, #tpu.memory_space<vmem>>, vector<1x16xf32>,
    %swap3A_511 = vector.shape_cast %swap3A_510 : vector<1x16xf32> to vector<16xf32>
    %swap3A_512 = vector.shape_cast %broadcast_in_dim3A_506 : vector<16xf32> to vector<1x16xf32>
    tpu.vector_store %arg18[%swap3A_508, %swap3A_509], %swap3A_512 {strides = array<i32>} : memref<16x128xf32, #tpu.memory_space<vmem>>, vector<1x16xf32>,
    %broadcast_in_dim3A_513 = arith.constant 0.000000e+00 : f32
    %broadcast_in_dim3A_514 = vector.broadcast %broadcast_in_dim3A_513 : f32 to vector<16xf32>
    %swap3A_515 = arith.constant 8 : i32
    %swap3A_516 = arith.index_cast %swap3A_515 : i32 to index
    %swap3A_517 = arith.constant 0 : index
    %swap3A_518 = tpu.vector_load %arg18[%swap3A_516, %swap3A_517] {strides = array<i32>} : memref<16x128xf32, #tpu.memory_space<vmem>>, vector<1x16xf32>,
    %swap3A_519 = vector.shape_cast %swap3A_518 : vector<1x16xf32> to vector<16xf32>
    %swap3A_520 = vector.shape_cast %broadcast_in_dim3A_514 : vector<16xf32> to vector<1x16xf32>
    tpu.vector_store %arg18[%swap3A_516, %swap3A_517], %swap3A_520 {strides = array<i32>} : memref<16x128xf32, #tpu.memory_space<vmem>>, vector<1x16xf32>,
    %broadcast_in_dim3A_521 = arith.constant 0.000000e+00 : f32
    %broadcast_in_dim3A_522 = vector.broadcast %broadcast_in_dim3A_521 : f32 to vector<16xf32>
    %swap3A_523 = arith.constant 8 : i32
    %swap3A_524 = arith.index_cast %swap3A_523 : i32 to index
    %swap3A_525 = arith.constant 16 : index
    %swap3A_526 = tpu.vector_load %arg18[%swap3A_524, %swap3A_525] {strides = array<i32>} : memref<16x128xf32, #tpu.memory_space<vmem>>, vector<1x16xf32>,
    %swap3A_527 = vector.shape_cast %swap3A_526 : vector<1x16xf32> to vector<16xf32>
    %swap3A_528 = vector.shape_cast %broadcast_in_dim3A_522 : vector<16xf32> to vector<1x16xf32>
    tpu.vector_store %arg18[%swap3A_524, %swap3A_525], %swap3A_528 {strides = array<i32>} : memref<16x128xf32, #tpu.memory_space<vmem>>, vector<1x16xf32>,
    %broadcast_in_dim3A_529 = arith.constant 0.000000e+00 : f32
    %broadcast_in_dim3A_530 = vector.broadcast %broadcast_in_dim3A_529 : f32 to vector<16xf32>
    %swap3A_531 = arith.constant 8 : i32
    %swap3A_532 = arith.index_cast %swap3A_531 : i32 to index
    %swap3A_533 = arith.constant 32 : index
    %swap3A_534 = tpu.vector_load %arg18[%swap3A_532, %swap3A_533] {strides = array<i32>} : memref<16x128xf32, #tpu.memory_space<vmem>>, vector<1x16xf32>,
    %swap3A_535 = vector.shape_cast %swap3A_534 : vector<1x16xf32> to vector<16xf32>
    %swap3A_536 = vector.shape_cast %broadcast_in_dim3A_530 : vector<16xf32> to vector<1x16xf32>
    tpu.vector_store %arg18[%swap3A_532, %swap3A_533], %swap3A_536 {strides = array<i32>} : memref<16x128xf32, #tpu.memory_space<vmem>>, vector<1x16xf32>,
    %broadcast_in_dim3A_537 = arith.constant 0.000000e+00 : f32
    %broadcast_in_dim3A_538 = vector.broadcast %broadcast_in_dim3A_537 : f32 to vector<16xf32>
    %swap3A_539 = arith.constant 8 : i32
    %swap3A_540 = arith.index_cast %swap3A_539 : i32 to index
    %swap3A_541 = arith.constant 48 : index
    %swap3A_542 = tpu.vector_load %arg18[%swap3A_540, %swap3A_541] {strides = array<i32>} : memref<16x128xf32, #tpu.memory_space<vmem>>, vector<1x16xf32>,
    %swap3A_543 = vector.shape_cast %swap3A_542 : vector<1x16xf32> to vector<16xf32>
    %swap3A_544 = vector.shape_cast %broadcast_in_dim3A_538 : vector<16xf32> to vector<1x16xf32>
    tpu.vector_store %arg18[%swap3A_540, %swap3A_541], %swap3A_544 {strides = array<i32>} : memref<16x128xf32, #tpu.memory_space<vmem>>, vector<1x16xf32>,
    %broadcast_in_dim3A_545 = arith.constant 0.000000e+00 : f32
    %broadcast_in_dim3A_546 = vector.broadcast %broadcast_in_dim3A_545 : f32 to vector<16xf32>
    %swap3A_547 = arith.constant 8 : i32
    %swap3A_548 = arith.index_cast %swap3A_547 : i32 to index
    %swap3A_549 = arith.constant 64 : index
    %swap3A_550 = tpu.vector_load %arg18[%swap3A_548, %swap3A_549] {strides = array<i32>} : memref<16x128xf32, #tpu.memory_space<vmem>>, vector<1x16xf32>,
    %swap3A_551 = vector.shape_cast %swap3A_550 : vector<1x16xf32> to vector<16xf32>
    %swap3A_552 = vector.shape_cast %broadcast_in_dim3A_546 : vector<16xf32> to vector<1x16xf32>
    tpu.vector_store %arg18[%swap3A_548, %swap3A_549], %swap3A_552 {strides = array<i32>} : memref<16x128xf32, #tpu.memory_space<vmem>>, vector<1x16xf32>,
    %broadcast_in_dim3A_553 = arith.constant 0.000000e+00 : f32
    %broadcast_in_dim3A_554 = vector.broadcast %broadcast_in_dim3A_553 : f32 to vector<16xf32>
    %swap3A_555 = arith.constant 8 : i32
    %swap3A_556 = arith.index_cast %swap3A_555 : i32 to index
    %swap3A_557 = arith.constant 80 : index
    %swap3A_558 = tpu.vector_load %arg18[%swap3A_556, %swap3A_557] {strides = array<i32>} : memref<16x128xf32, #tpu.memory_space<vmem>>, vector<1x16xf32>,
    %swap3A_559 = vector.shape_cast %swap3A_558 : vector<1x16xf32> to vector<16xf32>
    %swap3A_560 = vector.shape_cast %broadcast_in_dim3A_554 : vector<16xf32> to vector<1x16xf32>
    tpu.vector_store %arg18[%swap3A_556, %swap3A_557], %swap3A_560 {strides = array<i32>} : memref<16x128xf32, #tpu.memory_space<vmem>>, vector<1x16xf32>,
    %broadcast_in_dim3A_561 = arith.constant 0.000000e+00 : f32
    %broadcast_in_dim3A_562 = vector.broadcast %broadcast_in_dim3A_561 : f32 to vector<16xf32>
    %swap3A_563 = arith.constant 8 : i32
    %swap3A_564 = arith.index_cast %swap3A_563 : i32 to index
    %swap3A_565 = arith.constant 96 : index
    %swap3A_566 = tpu.vector_load %arg18[%swap3A_564, %swap3A_565] {strides = array<i32>} : memref<16x128xf32, #tpu.memory_space<vmem>>, vector<1x16xf32>,
    %swap3A_567 = vector.shape_cast %swap3A_566 : vector<1x16xf32> to vector<16xf32>
    %swap3A_568 = vector.shape_cast %broadcast_in_dim3A_562 : vector<16xf32> to vector<1x16xf32>
    tpu.vector_store %arg18[%swap3A_564, %swap3A_565], %swap3A_568 {strides = array<i32>} : memref<16x128xf32, #tpu.memory_space<vmem>>, vector<1x16xf32>,
    %broadcast_in_dim3A_569 = arith.constant 0.000000e+00 : f32
    %broadcast_in_dim3A_570 = vector.broadcast %broadcast_in_dim3A_569 : f32 to vector<16xf32>
    %swap3A_571 = arith.constant 8 : i32
    %swap3A_572 = arith.index_cast %swap3A_571 : i32 to index
    %swap3A_573 = arith.constant 112 : index
    %swap3A_574 = tpu.vector_load %arg18[%swap3A_572, %swap3A_573] {strides = array<i32>} : memref<16x128xf32, #tpu.memory_space<vmem>>, vector<1x16xf32>,
    %swap3A_575 = vector.shape_cast %swap3A_574 : vector<1x16xf32> to vector<16xf32>
    %swap3A_576 = vector.shape_cast %broadcast_in_dim3A_570 : vector<16xf32> to vector<1x16xf32>
    tpu.vector_store %arg18[%swap3A_572, %swap3A_573], %swap3A_576 {strides = array<i32>} : memref<16x128xf32, #tpu.memory_space<vmem>>, vector<1x16xf32>,
    %broadcast_in_dim3A_577 = arith.constant 0.000000e+00 : f32
    %broadcast_in_dim3A_578 = vector.broadcast %broadcast_in_dim3A_577 : f32 to vector<16xf32>
    %swap3A_579 = arith.constant 9 : i32
    %swap3A_580 = arith.index_cast %swap3A_579 : i32 to index
    %swap3A_581 = arith.constant 0 : index
    %swap3A_582 = tpu.vector_load %arg18[%swap3A_580, %swap3A_581] {strides = array<i32>} : memref<16x128xf32, #tpu.memory_space<vmem>>, vector<1x16xf32>,
    %swap3A_583 = vector.shape_cast %swap3A_582 : vector<1x16xf32> to vector<16xf32>
    %swap3A_584 = vector.shape_cast %broadcast_in_dim3A_578 : vector<16xf32> to vector<1x16xf32>
    tpu.vector_store %arg18[%swap3A_580, %swap3A_581], %swap3A_584 {strides = array<i32>} : memref<16x128xf32, #tpu.memory_space<vmem>>, vector<1x16xf32>,
    %broadcast_in_dim3A_585 = arith.constant 0.000000e+00 : f32
    %broadcast_in_dim3A_586 = vector.broadcast %broadcast_in_dim3A_585 : f32 to vector<16xf32>
    %swap3A_587 = arith.constant 9 : i32
    %swap3A_588 = arith.index_cast %swap3A_587 : i32 to index
    %swap3A_589 = arith.constant 16 : index
    %swap3A_590 = tpu.vector_load %arg18[%swap3A_588, %swap3A_589] {strides = array<i32>} : memref<16x128xf32, #tpu.memory_space<vmem>>, vector<1x16xf32>,
    %swap3A_591 = vector.shape_cast %swap3A_590 : vector<1x16xf32> to vector<16xf32>
    %swap3A_592 = vector.shape_cast %broadcast_in_dim3A_586 : vector<16xf32> to vector<1x16xf32>
    tpu.vector_store %arg18[%swap3A_588, %swap3A_589], %swap3A_592 {strides = array<i32>} : memref<16x128xf32, #tpu.memory_space<vmem>>, vector<1x16xf32>,
    %broadcast_in_dim3A_593 = arith.constant 0.000000e+00 : f32
    %broadcast_in_dim3A_594 = vector.broadcast %broadcast_in_dim3A_593 : f32 to vector<16xf32>
    %swap3A_595 = arith.constant 9 : i32
    %swap3A_596 = arith.index_cast %swap3A_595 : i32 to index
    %swap3A_597 = arith.constant 32 : index
    %swap3A_598 = tpu.vector_load %arg18[%swap3A_596, %swap3A_597] {strides = array<i32>} : memref<16x128xf32, #tpu.memory_space<vmem>>, vector<1x16xf32>,
    %swap3A_599 = vector.shape_cast %swap3A_598 : vector<1x16xf32> to vector<16xf32>
    %swap3A_600 = vector.shape_cast %broadcast_in_dim3A_594 : vector<16xf32> to vector<1x16xf32>
    tpu.vector_store %arg18[%swap3A_596, %swap3A_597], %swap3A_600 {strides = array<i32>} : memref<16x128xf32, #tpu.memory_space<vmem>>, vector<1x16xf32>,
    %broadcast_in_dim3A_601 = arith.constant 0.000000e+00 : f32
    %broadcast_in_dim3A_602 = vector.broadcast %broadcast_in_dim3A_601 : f32 to vector<16xf32>
    %swap3A_603 = arith.constant 9 : i32
    %swap3A_604 = arith.index_cast %swap3A_603 : i32 to index
    %swap3A_605 = arith.constant 48 : index
    %swap3A_606 = tpu.vector_load %arg18[%swap3A_604, %swap3A_605] {strides = array<i32>} : memref<16x128xf32, #tpu.memory_space<vmem>>, vector<1x16xf32>,
    %swap3A_607 = vector.shape_cast %swap3A_606 : vector<1x16xf32> to vector<16xf32>
    %swap3A_608 = vector.shape_cast %broadcast_in_dim3A_602 : vector<16xf32> to vector<1x16xf32>
    tpu.vector_store %arg18[%swap3A_604, %swap3A_605], %swap3A_608 {strides = array<i32>} : memref<16x128xf32, #tpu.memory_space<vmem>>, vector<1x16xf32>,
    %broadcast_in_dim3A_609 = arith.constant 0.000000e+00 : f32
    %broadcast_in_dim3A_610 = vector.broadcast %broadcast_in_dim3A_609 : f32 to vector<16xf32>
    %swap3A_611 = arith.constant 9 : i32
    %swap3A_612 = arith.index_cast %swap3A_611 : i32 to index
    %swap3A_613 = arith.constant 64 : index
    %swap3A_614 = tpu.vector_load %arg18[%swap3A_612, %swap3A_613] {strides = array<i32>} : memref<16x128xf32, #tpu.memory_space<vmem>>, vector<1x16xf32>,
    %swap3A_615 = vector.shape_cast %swap3A_614 : vector<1x16xf32> to vector<16xf32>
    %swap3A_616 = vector.shape_cast %broadcast_in_dim3A_610 : vector<16xf32> to vector<1x16xf32>
    tpu.vector_store %arg18[%swap3A_612, %swap3A_613], %swap3A_616 {strides = array<i32>} : memref<16x128xf32, #tpu.memory_space<vmem>>, vector<1x16xf32>,
    %broadcast_in_dim3A_617 = arith.constant 0.000000e+00 : f32
    %broadcast_in_dim3A_618 = vector.broadcast %broadcast_in_dim3A_617 : f32 to vector<16xf32>
    %swap3A_619 = arith.constant 9 : i32
    %swap3A_620 = arith.index_cast %swap3A_619 : i32 to index
    %swap3A_621 = arith.constant 80 : index
    %swap3A_622 = tpu.vector_load %arg18[%swap3A_620, %swap3A_621] {strides = array<i32>} : memref<16x128xf32, #tpu.memory_space<vmem>>, vector<1x16xf32>,
    %swap3A_623 = vector.shape_cast %swap3A_622 : vector<1x16xf32> to vector<16xf32>
    %swap3A_624 = vector.shape_cast %broadcast_in_dim3A_618 : vector<16xf32> to vector<1x16xf32>
    tpu.vector_store %arg18[%swap3A_620, %swap3A_621], %swap3A_624 {strides = array<i32>} : memref<16x128xf32, #tpu.memory_space<vmem>>, vector<1x16xf32>,
    %broadcast_in_dim3A_625 = arith.constant 0.000000e+00 : f32
    %broadcast_in_dim3A_626 = vector.broadcast %broadcast_in_dim3A_625 : f32 to vector<16xf32>
    %swap3A_627 = arith.constant 9 : i32
    %swap3A_628 = arith.index_cast %swap3A_627 : i32 to index
    %swap3A_629 = arith.constant 96 : index
    %swap3A_630 = tpu.vector_load %arg18[%swap3A_628, %swap3A_629] {strides = array<i32>} : memref<16x128xf32, #tpu.memory_space<vmem>>, vector<1x16xf32>,
    %swap3A_631 = vector.shape_cast %swap3A_630 : vector<1x16xf32> to vector<16xf32>
    %swap3A_632 = vector.shape_cast %broadcast_in_dim3A_626 : vector<16xf32> to vector<1x16xf32>
    tpu.vector_store %arg18[%swap3A_628, %swap3A_629], %swap3A_632 {strides = array<i32>} : memref<16x128xf32, #tpu.memory_space<vmem>>, vector<1x16xf32>,
    %broadcast_in_dim3A_633 = arith.constant 0.000000e+00 : f32
    %broadcast_in_dim3A_634 = vector.broadcast %broadcast_in_dim3A_633 : f32 to vector<16xf32>
    %swap3A_635 = arith.constant 9 : i32
    %swap3A_636 = arith.index_cast %swap3A_635 : i32 to index
    %swap3A_637 = arith.constant 112 : index
    %swap3A_638 = tpu.vector_load %arg18[%swap3A_636, %swap3A_637] {strides = array<i32>} : memref<16x128xf32, #tpu.memory_space<vmem>>, vector<1x16xf32>,
    %swap3A_639 = vector.shape_cast %swap3A_638 : vector<1x16xf32> to vector<16xf32>
    %swap3A_640 = vector.shape_cast %broadcast_in_dim3A_634 : vector<16xf32> to vector<1x16xf32>
    tpu.vector_store %arg18[%swap3A_636, %swap3A_637], %swap3A_640 {strides = array<i32>} : memref<16x128xf32, #tpu.memory_space<vmem>>, vector<1x16xf32>,
    %broadcast_in_dim3A_641 = arith.constant 0.000000e+00 : f32
    %broadcast_in_dim3A_642 = vector.broadcast %broadcast_in_dim3A_641 : f32 to vector<16xf32>
    %swap3A_643 = arith.constant 10 : i32
    %swap3A_644 = arith.index_cast %swap3A_643 : i32 to index
    %swap3A_645 = arith.constant 0 : index
    %swap3A_646 = tpu.vector_load %arg18[%swap3A_644, %swap3A_645] {strides = array<i32>} : memref<16x128xf32, #tpu.memory_space<vmem>>, vector<1x16xf32>,
    %swap3A_647 = vector.shape_cast %swap3A_646 : vector<1x16xf32> to vector<16xf32>
    %swap3A_648 = vector.shape_cast %broadcast_in_dim3A_642 : vector<16xf32> to vector<1x16xf32>
    tpu.vector_store %arg18[%swap3A_644, %swap3A_645], %swap3A_648 {strides = array<i32>} : memref<16x128xf32, #tpu.memory_space<vmem>>, vector<1x16xf32>,
    %broadcast_in_dim3A_649 = arith.constant 0.000000e+00 : f32
    %broadcast_in_dim3A_650 = vector.broadcast %broadcast_in_dim3A_649 : f32 to vector<16xf32>
    %swap3A_651 = arith.constant 10 : i32
    %swap3A_652 = arith.index_cast %swap3A_651 : i32 to index
    %swap3A_653 = arith.constant 16 : index
    %swap3A_654 = tpu.vector_load %arg18[%swap3A_652, %swap3A_653] {strides = array<i32>} : memref<16x128xf32, #tpu.memory_space<vmem>>, vector<1x16xf32>,
    %swap3A_655 = vector.shape_cast %swap3A_654 : vector<1x16xf32> to vector<16xf32>
    %swap3A_656 = vector.shape_cast %broadcast_in_dim3A_650 : vector<16xf32> to vector<1x16xf32>
    tpu.vector_store %arg18[%swap3A_652, %swap3A_653], %swap3A_656 {strides = array<i32>} : memref<16x128xf32, #tpu.memory_space<vmem>>, vector<1x16xf32>,
    %broadcast_in_dim3A_657 = arith.constant 0.000000e+00 : f32
    %broadcast_in_dim3A_658 = vector.broadcast %broadcast_in_dim3A_657 : f32 to vector<16xf32>
    %swap3A_659 = arith.constant 10 : i32
    %swap3A_660 = arith.index_cast %swap3A_659 : i32 to index
    %swap3A_661 = arith.constant 32 : index
    %swap3A_662 = tpu.vector_load %arg18[%swap3A_660, %swap3A_661] {strides = array<i32>} : memref<16x128xf32, #tpu.memory_space<vmem>>, vector<1x16xf32>,
    %swap3A_663 = vector.shape_cast %swap3A_662 : vector<1x16xf32> to vector<16xf32>
    %swap3A_664 = vector.shape_cast %broadcast_in_dim3A_658 : vector<16xf32> to vector<1x16xf32>
    tpu.vector_store %arg18[%swap3A_660, %swap3A_661], %swap3A_664 {strides = array<i32>} : memref<16x128xf32, #tpu.memory_space<vmem>>, vector<1x16xf32>,
    %broadcast_in_dim3A_665 = arith.constant 0.000000e+00 : f32
    %broadcast_in_dim3A_666 = vector.broadcast %broadcast_in_dim3A_665 : f32 to vector<16xf32>
    %swap3A_667 = arith.constant 10 : i32
    %swap3A_668 = arith.index_cast %swap3A_667 : i32 to index
    %swap3A_669 = arith.constant 48 : index
    %swap3A_670 = tpu.vector_load %arg18[%swap3A_668, %swap3A_669] {strides = array<i32>} : memref<16x128xf32, #tpu.memory_space<vmem>>, vector<1x16xf32>,
    %swap3A_671 = vector.shape_cast %swap3A_670 : vector<1x16xf32> to vector<16xf32>
    %swap3A_672 = vector.shape_cast %broadcast_in_dim3A_666 : vector<16xf32> to vector<1x16xf32>
    tpu.vector_store %arg18[%swap3A_668, %swap3A_669], %swap3A_672 {strides = array<i32>} : memref<16x128xf32, #tpu.memory_space<vmem>>, vector<1x16xf32>,
    %broadcast_in_dim3A_673 = arith.constant 0.000000e+00 : f32
    %broadcast_in_dim3A_674 = vector.broadcast %broadcast_in_dim3A_673 : f32 to vector<16xf32>
    %swap3A_675 = arith.constant 10 : i32
    %swap3A_676 = arith.index_cast %swap3A_675 : i32 to index
    %swap3A_677 = arith.constant 64 : index
    %swap3A_678 = tpu.vector_load %arg18[%swap3A_676, %swap3A_677] {strides = array<i32>} : memref<16x128xf32, #tpu.memory_space<vmem>>, vector<1x16xf32>,
    %swap3A_679 = vector.shape_cast %swap3A_678 : vector<1x16xf32> to vector<16xf32>
    %swap3A_680 = vector.shape_cast %broadcast_in_dim3A_674 : vector<16xf32> to vector<1x16xf32>
    tpu.vector_store %arg18[%swap3A_676, %swap3A_677], %swap3A_680 {strides = array<i32>} : memref<16x128xf32, #tpu.memory_space<vmem>>, vector<1x16xf32>,
    %broadcast_in_dim3A_681 = arith.constant 0.000000e+00 : f32
    %broadcast_in_dim3A_682 = vector.broadcast %broadcast_in_dim3A_681 : f32 to vector<16xf32>
    %swap3A_683 = arith.constant 10 : i32
    %swap3A_684 = arith.index_cast %swap3A_683 : i32 to index
    %swap3A_685 = arith.constant 80 : index
    %swap3A_686 = tpu.vector_load %arg18[%swap3A_684, %swap3A_685] {strides = array<i32>} : memref<16x128xf32, #tpu.memory_space<vmem>>, vector<1x16xf32>,
    %swap3A_687 = vector.shape_cast %swap3A_686 : vector<1x16xf32> to vector<16xf32>
    %swap3A_688 = vector.shape_cast %broadcast_in_dim3A_682 : vector<16xf32> to vector<1x16xf32>
    tpu.vector_store %arg18[%swap3A_684, %swap3A_685], %swap3A_688 {strides = array<i32>} : memref<16x128xf32, #tpu.memory_space<vmem>>, vector<1x16xf32>,
    %broadcast_in_dim3A_689 = arith.constant 0.000000e+00 : f32
    %broadcast_in_dim3A_690 = vector.broadcast %broadcast_in_dim3A_689 : f32 to vector<16xf32>
    %swap3A_691 = arith.constant 10 : i32
    %swap3A_692 = arith.index_cast %swap3A_691 : i32 to index
    %swap3A_693 = arith.constant 96 : index
    %swap3A_694 = tpu.vector_load %arg18[%swap3A_692, %swap3A_693] {strides = array<i32>} : memref<16x128xf32, #tpu.memory_space<vmem>>, vector<1x16xf32>,
    %swap3A_695 = vector.shape_cast %swap3A_694 : vector<1x16xf32> to vector<16xf32>
    %swap3A_696 = vector.shape_cast %broadcast_in_dim3A_690 : vector<16xf32> to vector<1x16xf32>
    tpu.vector_store %arg18[%swap3A_692, %swap3A_693], %swap3A_696 {strides = array<i32>} : memref<16x128xf32, #tpu.memory_space<vmem>>, vector<1x16xf32>,
    %broadcast_in_dim3A_697 = arith.constant 0.000000e+00 : f32
    %broadcast_in_dim3A_698 = vector.broadcast %broadcast_in_dim3A_697 : f32 to vector<16xf32>
    %swap3A_699 = arith.constant 10 : i32
    %swap3A_700 = arith.index_cast %swap3A_699 : i32 to index
    %swap3A_701 = arith.constant 112 : index
    %swap3A_702 = tpu.vector_load %arg18[%swap3A_700, %swap3A_701] {strides = array<i32>} : memref<16x128xf32, #tpu.memory_space<vmem>>, vector<1x16xf32>,
    %swap3A_703 = vector.shape_cast %swap3A_702 : vector<1x16xf32> to vector<16xf32>
    %swap3A_704 = vector.shape_cast %broadcast_in_dim3A_698 : vector<16xf32> to vector<1x16xf32>
    tpu.vector_store %arg18[%swap3A_700, %swap3A_701], %swap3A_704 {strides = array<i32>} : memref<16x128xf32, #tpu.memory_space<vmem>>, vector<1x16xf32>,
    %broadcast_in_dim3A_705 = arith.constant 0.000000e+00 : f32
    %broadcast_in_dim3A_706 = vector.broadcast %broadcast_in_dim3A_705 : f32 to vector<16xf32>
    %swap3A_707 = arith.constant 11 : i32
    %swap3A_708 = arith.index_cast %swap3A_707 : i32 to index
    %swap3A_709 = arith.constant 0 : index
    %swap3A_710 = tpu.vector_load %arg18[%swap3A_708, %swap3A_709] {strides = array<i32>} : memref<16x128xf32, #tpu.memory_space<vmem>>, vector<1x16xf32>,
    %swap3A_711 = vector.shape_cast %swap3A_710 : vector<1x16xf32> to vector<16xf32>
    %swap3A_712 = vector.shape_cast %broadcast_in_dim3A_706 : vector<16xf32> to vector<1x16xf32>
    tpu.vector_store %arg18[%swap3A_708, %swap3A_709], %swap3A_712 {strides = array<i32>} : memref<16x128xf32, #tpu.memory_space<vmem>>, vector<1x16xf32>,
    %broadcast_in_dim3A_713 = arith.constant 0.000000e+00 : f32
    %broadcast_in_dim3A_714 = vector.broadcast %broadcast_in_dim3A_713 : f32 to vector<16xf32>
    %swap3A_715 = arith.constant 11 : i32
    %swap3A_716 = arith.index_cast %swap3A_715 : i32 to index
    %swap3A_717 = arith.constant 16 : index
    %swap3A_718 = tpu.vector_load %arg18[%swap3A_716, %swap3A_717] {strides = array<i32>} : memref<16x128xf32, #tpu.memory_space<vmem>>, vector<1x16xf32>,
    %swap3A_719 = vector.shape_cast %swap3A_718 : vector<1x16xf32> to vector<16xf32>
    %swap3A_720 = vector.shape_cast %broadcast_in_dim3A_714 : vector<16xf32> to vector<1x16xf32>
    tpu.vector_store %arg18[%swap3A_716, %swap3A_717], %swap3A_720 {strides = array<i32>} : memref<16x128xf32, #tpu.memory_space<vmem>>, vector<1x16xf32>,
    %broadcast_in_dim3A_721 = arith.constant 0.000000e+00 : f32
    %broadcast_in_dim3A_722 = vector.broadcast %broadcast_in_dim3A_721 : f32 to vector<16xf32>
    %swap3A_723 = arith.constant 11 : i32
    %swap3A_724 = arith.index_cast %swap3A_723 : i32 to index
    %swap3A_725 = arith.constant 32 : index
    %swap3A_726 = tpu.vector_load %arg18[%swap3A_724, %swap3A_725] {strides = array<i32>} : memref<16x128xf32, #tpu.memory_space<vmem>>, vector<1x16xf32>,
    %swap3A_727 = vector.shape_cast %swap3A_726 : vector<1x16xf32> to vector<16xf32>
    %swap3A_728 = vector.shape_cast %broadcast_in_dim3A_722 : vector<16xf32> to vector<1x16xf32>
    tpu.vector_store %arg18[%swap3A_724, %swap3A_725], %swap3A_728 {strides = array<i32>} : memref<16x128xf32, #tpu.memory_space<vmem>>, vector<1x16xf32>,
    %broadcast_in_dim3A_729 = arith.constant 0.000000e+00 : f32
    %broadcast_in_dim3A_730 = vector.broadcast %broadcast_in_dim3A_729 : f32 to vector<16xf32>
    %swap3A_731 = arith.constant 11 : i32
    %swap3A_732 = arith.index_cast %swap3A_731 : i32 to index
    %swap3A_733 = arith.constant 48 : index
    %swap3A_734 = tpu.vector_load %arg18[%swap3A_732, %swap3A_733] {strides = array<i32>} : memref<16x128xf32, #tpu.memory_space<vmem>>, vector<1x16xf32>,
    %swap3A_735 = vector.shape_cast %swap3A_734 : vector<1x16xf32> to vector<16xf32>
    %swap3A_736 = vector.shape_cast %broadcast_in_dim3A_730 : vector<16xf32> to vector<1x16xf32>
    tpu.vector_store %arg18[%swap3A_732, %swap3A_733], %swap3A_736 {strides = array<i32>} : memref<16x128xf32, #tpu.memory_space<vmem>>, vector<1x16xf32>,
    %broadcast_in_dim3A_737 = arith.constant 0.000000e+00 : f32
    %broadcast_in_dim3A_738 = vector.broadcast %broadcast_in_dim3A_737 : f32 to vector<16xf32>
    %swap3A_739 = arith.constant 11 : i32
    %swap3A_740 = arith.index_cast %swap3A_739 : i32 to index
    %swap3A_741 = arith.constant 64 : index
    %swap3A_742 = tpu.vector_load %arg18[%swap3A_740, %swap3A_741] {strides = array<i32>} : memref<16x128xf32, #tpu.memory_space<vmem>>, vector<1x16xf32>,
    %swap3A_743 = vector.shape_cast %swap3A_742 : vector<1x16xf32> to vector<16xf32>
    %swap3A_744 = vector.shape_cast %broadcast_in_dim3A_738 : vector<16xf32> to vector<1x16xf32>
    tpu.vector_store %arg18[%swap3A_740, %swap3A_741], %swap3A_744 {strides = array<i32>} : memref<16x128xf32, #tpu.memory_space<vmem>>, vector<1x16xf32>,
    %broadcast_in_dim3A_745 = arith.constant 0.000000e+00 : f32
    %broadcast_in_dim3A_746 = vector.broadcast %broadcast_in_dim3A_745 : f32 to vector<16xf32>
    %swap3A_747 = arith.constant 11 : i32
    %swap3A_748 = arith.index_cast %swap3A_747 : i32 to index
    %swap3A_749 = arith.constant 80 : index
    %swap3A_750 = tpu.vector_load %arg18[%swap3A_748, %swap3A_749] {strides = array<i32>} : memref<16x128xf32, #tpu.memory_space<vmem>>, vector<1x16xf32>,
    %swap3A_751 = vector.shape_cast %swap3A_750 : vector<1x16xf32> to vector<16xf32>
    %swap3A_752 = vector.shape_cast %broadcast_in_dim3A_746 : vector<16xf32> to vector<1x16xf32>
    tpu.vector_store %arg18[%swap3A_748, %swap3A_749], %swap3A_752 {strides = array<i32>} : memref<16x128xf32, #tpu.memory_space<vmem>>, vector<1x16xf32>,
    %broadcast_in_dim3A_753 = arith.constant 0.000000e+00 : f32
    %broadcast_in_dim3A_754 = vector.broadcast %broadcast_in_dim3A_753 : f32 to vector<16xf32>
    %swap3A_755 = arith.constant 11 : i32
    %swap3A_756 = arith.index_cast %swap3A_755 : i32 to index
    %swap3A_757 = arith.constant 96 : index
    %swap3A_758 = tpu.vector_load %arg18[%swap3A_756, %swap3A_757] {strides = array<i32>} : memref<16x128xf32, #tpu.memory_space<vmem>>, vector<1x16xf32>,
    %swap3A_759 = vector.shape_cast %swap3A_758 : vector<1x16xf32> to vector<16xf32>
    %swap3A_760 = vector.shape_cast %broadcast_in_dim3A_754 : vector<16xf32> to vector<1x16xf32>
    tpu.vector_store %arg18[%swap3A_756, %swap3A_757], %swap3A_760 {strides = array<i32>} : memref<16x128xf32, #tpu.memory_space<vmem>>, vector<1x16xf32>,
    %broadcast_in_dim3A_761 = arith.constant 0.000000e+00 : f32
    %broadcast_in_dim3A_762 = vector.broadcast %broadcast_in_dim3A_761 : f32 to vector<16xf32>
    %swap3A_763 = arith.constant 11 : i32
    %swap3A_764 = arith.index_cast %swap3A_763 : i32 to index
    %swap3A_765 = arith.constant 112 : index
    %swap3A_766 = tpu.vector_load %arg18[%swap3A_764, %swap3A_765] {strides = array<i32>} : memref<16x128xf32, #tpu.memory_space<vmem>>, vector<1x16xf32>,
    %swap3A_767 = vector.shape_cast %swap3A_766 : vector<1x16xf32> to vector<16xf32>
    %swap3A_768 = vector.shape_cast %broadcast_in_dim3A_762 : vector<16xf32> to vector<1x16xf32>
    tpu.vector_store %arg18[%swap3A_764, %swap3A_765], %swap3A_768 {strides = array<i32>} : memref<16x128xf32, #tpu.memory_space<vmem>>, vector<1x16xf32>,
    %broadcast_in_dim3A_769 = arith.constant 0.000000e+00 : f32
    %broadcast_in_dim3A_770 = vector.broadcast %broadcast_in_dim3A_769 : f32 to vector<16xf32>
    %swap3A_771 = arith.constant 12 : i32
    %swap3A_772 = arith.index_cast %swap3A_771 : i32 to index
    %swap3A_773 = arith.constant 0 : index
    %swap3A_774 = tpu.vector_load %arg18[%swap3A_772, %swap3A_773] {strides = array<i32>} : memref<16x128xf32, #tpu.memory_space<vmem>>, vector<1x16xf32>,
    %swap3A_775 = vector.shape_cast %swap3A_774 : vector<1x16xf32> to vector<16xf32>
    %swap3A_776 = vector.shape_cast %broadcast_in_dim3A_770 : vector<16xf32> to vector<1x16xf32>
    tpu.vector_store %arg18[%swap3A_772, %swap3A_773], %swap3A_776 {strides = array<i32>} : memref<16x128xf32, #tpu.memory_space<vmem>>, vector<1x16xf32>,
    %broadcast_in_dim3A_777 = arith.constant 0.000000e+00 : f32
    %broadcast_in_dim3A_778 = vector.broadcast %broadcast_in_dim3A_777 : f32 to vector<16xf32>
    %swap3A_779 = arith.constant 12 : i32
    %swap3A_780 = arith.index_cast %swap3A_779 : i32 to index
    %swap3A_781 = arith.constant 16 : index
    %swap3A_782 = tpu.vector_load %arg18[%swap3A_780, %swap3A_781] {strides = array<i32>} : memref<16x128xf32, #tpu.memory_space<vmem>>, vector<1x16xf32>,
    %swap3A_783 = vector.shape_cast %swap3A_782 : vector<1x16xf32> to vector<16xf32>
    %swap3A_784 = vector.shape_cast %broadcast_in_dim3A_778 : vector<16xf32> to vector<1x16xf32>
    tpu.vector_store %arg18[%swap3A_780, %swap3A_781], %swap3A_784 {strides = array<i32>} : memref<16x128xf32, #tpu.memory_space<vmem>>, vector<1x16xf32>,
    %broadcast_in_dim3A_785 = arith.constant 0.000000e+00 : f32
    %broadcast_in_dim3A_786 = vector.broadcast %broadcast_in_dim3A_785 : f32 to vector<16xf32>
    %swap3A_787 = arith.constant 12 : i32
    %swap3A_788 = arith.index_cast %swap3A_787 : i32 to index
    %swap3A_789 = arith.constant 32 : index
    %swap3A_790 = tpu.vector_load %arg18[%swap3A_788, %swap3A_789] {strides = array<i32>} : memref<16x128xf32, #tpu.memory_space<vmem>>, vector<1x16xf32>,
    %swap3A_791 = vector.shape_cast %swap3A_790 : vector<1x16xf32> to vector<16xf32>
    %swap3A_792 = vector.shape_cast %broadcast_in_dim3A_786 : vector<16xf32> to vector<1x16xf32>
    tpu.vector_store %arg18[%swap3A_788, %swap3A_789], %swap3A_792 {strides = array<i32>} : memref<16x128xf32, #tpu.memory_space<vmem>>, vector<1x16xf32>,
    %broadcast_in_dim3A_793 = arith.constant 0.000000e+00 : f32
    %broadcast_in_dim3A_794 = vector.broadcast %broadcast_in_dim3A_793 : f32 to vector<16xf32>
    %swap3A_795 = arith.constant 12 : i32
    %swap3A_796 = arith.index_cast %swap3A_795 : i32 to index
    %swap3A_797 = arith.constant 48 : index
    %swap3A_798 = tpu.vector_load %arg18[%swap3A_796, %swap3A_797] {strides = array<i32>} : memref<16x128xf32, #tpu.memory_space<vmem>>, vector<1x16xf32>,
    %swap3A_799 = vector.shape_cast %swap3A_798 : vector<1x16xf32> to vector<16xf32>
    %swap3A_800 = vector.shape_cast %broadcast_in_dim3A_794 : vector<16xf32> to vector<1x16xf32>
    tpu.vector_store %arg18[%swap3A_796, %swap3A_797], %swap3A_800 {strides = array<i32>} : memref<16x128xf32, #tpu.memory_space<vmem>>, vector<1x16xf32>,
    %broadcast_in_dim3A_801 = arith.constant 0.000000e+00 : f32
    %broadcast_in_dim3A_802 = vector.broadcast %broadcast_in_dim3A_801 : f32 to vector<16xf32>
    %swap3A_803 = arith.constant 12 : i32
    %swap3A_804 = arith.index_cast %swap3A_803 : i32 to index
    %swap3A_805 = arith.constant 64 : index
    %swap3A_806 = tpu.vector_load %arg18[%swap3A_804, %swap3A_805] {strides = array<i32>} : memref<16x128xf32, #tpu.memory_space<vmem>>, vector<1x16xf32>,
    %swap3A_807 = vector.shape_cast %swap3A_806 : vector<1x16xf32> to vector<16xf32>
    %swap3A_808 = vector.shape_cast %broadcast_in_dim3A_802 : vector<16xf32> to vector<1x16xf32>
    tpu.vector_store %arg18[%swap3A_804, %swap3A_805], %swap3A_808 {strides = array<i32>} : memref<16x128xf32, #tpu.memory_space<vmem>>, vector<1x16xf32>,
    %broadcast_in_dim3A_809 = arith.constant 0.000000e+00 : f32
    %broadcast_in_dim3A_810 = vector.broadcast %broadcast_in_dim3A_809 : f32 to vector<16xf32>
    %swap3A_811 = arith.constant 12 : i32
    %swap3A_812 = arith.index_cast %swap3A_811 : i32 to index
    %swap3A_813 = arith.constant 80 : index
    %swap3A_814 = tpu.vector_load %arg18[%swap3A_812, %swap3A_813] {strides = array<i32>} : memref<16x128xf32, #tpu.memory_space<vmem>>, vector<1x16xf32>,
    %swap3A_815 = vector.shape_cast %swap3A_814 : vector<1x16xf32> to vector<16xf32>
    %swap3A_816 = vector.shape_cast %broadcast_in_dim3A_810 : vector<16xf32> to vector<1x16xf32>
    tpu.vector_store %arg18[%swap3A_812, %swap3A_813], %swap3A_816 {strides = array<i32>} : memref<16x128xf32, #tpu.memory_space<vmem>>, vector<1x16xf32>,
    %broadcast_in_dim3A_817 = arith.constant 0.000000e+00 : f32
    %broadcast_in_dim3A_818 = vector.broadcast %broadcast_in_dim3A_817 : f32 to vector<16xf32>
    %swap3A_819 = arith.constant 12 : i32
    %swap3A_820 = arith.index_cast %swap3A_819 : i32 to index
    %swap3A_821 = arith.constant 96 : index
    %swap3A_822 = tpu.vector_load %arg18[%swap3A_820, %swap3A_821] {strides = array<i32>} : memref<16x128xf32, #tpu.memory_space<vmem>>, vector<1x16xf32>,
    %swap3A_823 = vector.shape_cast %swap3A_822 : vector<1x16xf32> to vector<16xf32>
    %swap3A_824 = vector.shape_cast %broadcast_in_dim3A_818 : vector<16xf32> to vector<1x16xf32>
    tpu.vector_store %arg18[%swap3A_820, %swap3A_821], %swap3A_824 {strides = array<i32>} : memref<16x128xf32, #tpu.memory_space<vmem>>, vector<1x16xf32>,
    %broadcast_in_dim3A_825 = arith.constant 0.000000e+00 : f32
    %broadcast_in_dim3A_826 = vector.broadcast %broadcast_in_dim3A_825 : f32 to vector<16xf32>
    %swap3A_827 = arith.constant 12 : i32
    %swap3A_828 = arith.index_cast %swap3A_827 : i32 to index
    %swap3A_829 = arith.constant 112 : index
    %swap3A_830 = tpu.vector_load %arg18[%swap3A_828, %swap3A_829] {strides = array<i32>} : memref<16x128xf32, #tpu.memory_space<vmem>>, vector<1x16xf32>,
    %swap3A_831 = vector.shape_cast %swap3A_830 : vector<1x16xf32> to vector<16xf32>
    %swap3A_832 = vector.shape_cast %broadcast_in_dim3A_826 : vector<16xf32> to vector<1x16xf32>
    tpu.vector_store %arg18[%swap3A_828, %swap3A_829], %swap3A_832 {strides = array<i32>} : memref<16x128xf32, #tpu.memory_space<vmem>>, vector<1x16xf32>,
    %broadcast_in_dim3A_833 = arith.constant 0.000000e+00 : f32
    %broadcast_in_dim3A_834 = vector.broadcast %broadcast_in_dim3A_833 : f32 to vector<16xf32>
    %swap3A_835 = arith.constant 13 : i32
    %swap3A_836 = arith.index_cast %swap3A_835 : i32 to index
    %swap3A_837 = arith.constant 0 : index
    %swap3A_838 = tpu.vector_load %arg18[%swap3A_836, %swap3A_837] {strides = array<i32>} : memref<16x128xf32, #tpu.memory_space<vmem>>, vector<1x16xf32>,
    %swap3A_839 = vector.shape_cast %swap3A_838 : vector<1x16xf32> to vector<16xf32>
    %swap3A_840 = vector.shape_cast %broadcast_in_dim3A_834 : vector<16xf32> to vector<1x16xf32>
    tpu.vector_store %arg18[%swap3A_836, %swap3A_837], %swap3A_840 {strides = array<i32>} : memref<16x128xf32, #tpu.memory_space<vmem>>, vector<1x16xf32>,
    %broadcast_in_dim3A_841 = arith.constant 0.000000e+00 : f32
    %broadcast_in_dim3A_842 = vector.broadcast %broadcast_in_dim3A_841 : f32 to vector<16xf32>
    %swap3A_843 = arith.constant 13 : i32
    %swap3A_844 = arith.index_cast %swap3A_843 : i32 to index
    %swap3A_845 = arith.constant 16 : index
    %swap3A_846 = tpu.vector_load %arg18[%swap3A_844, %swap3A_845] {strides = array<i32>} : memref<16x128xf32, #tpu.memory_space<vmem>>, vector<1x16xf32>,
    %swap3A_847 = vector.shape_cast %swap3A_846 : vector<1x16xf32> to vector<16xf32>
    %swap3A_848 = vector.shape_cast %broadcast_in_dim3A_842 : vector<16xf32> to vector<1x16xf32>
    tpu.vector_store %arg18[%swap3A_844, %swap3A_845], %swap3A_848 {strides = array<i32>} : memref<16x128xf32, #tpu.memory_space<vmem>>, vector<1x16xf32>,
    %broadcast_in_dim3A_849 = arith.constant 0.000000e+00 : f32
    %broadcast_in_dim3A_850 = vector.broadcast %broadcast_in_dim3A_849 : f32 to vector<16xf32>
    %swap3A_851 = arith.constant 13 : i32
    %swap3A_852 = arith.index_cast %swap3A_851 : i32 to index
    %swap3A_853 = arith.constant 32 : index
    %swap3A_854 = tpu.vector_load %arg18[%swap3A_852, %swap3A_853] {strides = array<i32>} : memref<16x128xf32, #tpu.memory_space<vmem>>, vector<1x16xf32>,
    %swap3A_855 = vector.shape_cast %swap3A_854 : vector<1x16xf32> to vector<16xf32>
    %swap3A_856 = vector.shape_cast %broadcast_in_dim3A_850 : vector<16xf32> to vector<1x16xf32>
    tpu.vector_store %arg18[%swap3A_852, %swap3A_853], %swap3A_856 {strides = array<i32>} : memref<16x128xf32, #tpu.memory_space<vmem>>, vector<1x16xf32>,
    %broadcast_in_dim3A_857 = arith.constant 0.000000e+00 : f32
    %broadcast_in_dim3A_858 = vector.broadcast %broadcast_in_dim3A_857 : f32 to vector<16xf32>
    %swap3A_859 = arith.constant 13 : i32
    %swap3A_860 = arith.index_cast %swap3A_859 : i32 to index
    %swap3A_861 = arith.constant 48 : index
    %swap3A_862 = tpu.vector_load %arg18[%swap3A_860, %swap3A_861] {strides = array<i32>} : memref<16x128xf32, #tpu.memory_space<vmem>>, vector<1x16xf32>,
    %swap3A_863 = vector.shape_cast %swap3A_862 : vector<1x16xf32> to vector<16xf32>
    %swap3A_864 = vector.shape_cast %broadcast_in_dim3A_858 : vector<16xf32> to vector<1x16xf32>
    tpu.vector_store %arg18[%swap3A_860, %swap3A_861], %swap3A_864 {strides = array<i32>} : memref<16x128xf32, #tpu.memory_space<vmem>>, vector<1x16xf32>,
    %broadcast_in_dim3A_865 = arith.constant 0.000000e+00 : f32
    %broadcast_in_dim3A_866 = vector.broadcast %broadcast_in_dim3A_865 : f32 to vector<16xf32>
    %swap3A_867 = arith.constant 13 : i32
    %swap3A_868 = arith.index_cast %swap3A_867 : i32 to index
    %swap3A_869 = arith.constant 64 : index
    %swap3A_870 = tpu.vector_load %arg18[%swap3A_868, %swap3A_869] {strides = array<i32>} : memref<16x128xf32, #tpu.memory_space<vmem>>, vector<1x16xf32>,
    %swap3A_871 = vector.shape_cast %swap3A_870 : vector<1x16xf32> to vector<16xf32>
    %swap3A_872 = vector.shape_cast %broadcast_in_dim3A_866 : vector<16xf32> to vector<1x16xf32>
    tpu.vector_store %arg18[%swap3A_868, %swap3A_869], %swap3A_872 {strides = array<i32>} : memref<16x128xf32, #tpu.memory_space<vmem>>, vector<1x16xf32>,
    %broadcast_in_dim3A_873 = arith.constant 0.000000e+00 : f32
    %broadcast_in_dim3A_874 = vector.broadcast %broadcast_in_dim3A_873 : f32 to vector<16xf32>
    %swap3A_875 = arith.constant 13 : i32
    %swap3A_876 = arith.index_cast %swap3A_875 : i32 to index
    %swap3A_877 = arith.constant 80 : index
    %swap3A_878 = tpu.vector_load %arg18[%swap3A_876, %swap3A_877] {strides = array<i32>} : memref<16x128xf32, #tpu.memory_space<vmem>>, vector<1x16xf32>,
    %swap3A_879 = vector.shape_cast %swap3A_878 : vector<1x16xf32> to vector<16xf32>
    %swap3A_880 = vector.shape_cast %broadcast_in_dim3A_874 : vector<16xf32> to vector<1x16xf32>
    tpu.vector_store %arg18[%swap3A_876, %swap3A_877], %swap3A_880 {strides = array<i32>} : memref<16x128xf32, #tpu.memory_space<vmem>>, vector<1x16xf32>,
    %broadcast_in_dim3A_881 = arith.constant 0.000000e+00 : f32
    %broadcast_in_dim3A_882 = vector.broadcast %broadcast_in_dim3A_881 : f32 to vector<16xf32>
    %swap3A_883 = arith.constant 13 : i32
    %swap3A_884 = arith.index_cast %swap3A_883 : i32 to index
    %swap3A_885 = arith.constant 96 : index
    %swap3A_886 = tpu.vector_load %arg18[%swap3A_884, %swap3A_885] {strides = array<i32>} : memref<16x128xf32, #tpu.memory_space<vmem>>, vector<1x16xf32>,
    %swap3A_887 = vector.shape_cast %swap3A_886 : vector<1x16xf32> to vector<16xf32>
    %swap3A_888 = vector.shape_cast %broadcast_in_dim3A_882 : vector<16xf32> to vector<1x16xf32>
    tpu.vector_store %arg18[%swap3A_884, %swap3A_885], %swap3A_888 {strides = array<i32>} : memref<16x128xf32, #tpu.memory_space<vmem>>, vector<1x16xf32>,
    %broadcast_in_dim3A_889 = arith.constant 0.000000e+00 : f32
    %broadcast_in_dim3A_890 = vector.broadcast %broadcast_in_dim3A_889 : f32 to vector<16xf32>
    %swap3A_891 = arith.constant 13 : i32
    %swap3A_892 = arith.index_cast %swap3A_891 : i32 to index
    %swap3A_893 = arith.constant 112 : index
    %swap3A_894 = tpu.vector_load %arg18[%swap3A_892, %swap3A_893] {strides = array<i32>} : memref<16x128xf32, #tpu.memory_space<vmem>>, vector<1x16xf32>,
    %swap3A_895 = vector.shape_cast %swap3A_894 : vector<1x16xf32> to vector<16xf32>
    %swap3A_896 = vector.shape_cast %broadcast_in_dim3A_890 : vector<16xf32> to vector<1x16xf32>
    tpu.vector_store %arg18[%swap3A_892, %swap3A_893], %swap3A_896 {strides = array<i32>} : memref<16x128xf32, #tpu.memory_space<vmem>>, vector<1x16xf32>,
    %broadcast_in_dim3A_897 = arith.constant 0.000000e+00 : f32
    %broadcast_in_dim3A_898 = vector.broadcast %broadcast_in_dim3A_897 : f32 to vector<16xf32>
    %swap3A_899 = arith.constant 14 : i32
    %swap3A_900 = arith.index_cast %swap3A_899 : i32 to index
    %swap3A_901 = arith.constant 0 : index
    %swap3A_902 = tpu.vector_load %arg18[%swap3A_900, %swap3A_901] {strides = array<i32>} : memref<16x128xf32, #tpu.memory_space<vmem>>, vector<1x16xf32>,
    %swap3A_903 = vector.shape_cast %swap3A_902 : vector<1x16xf32> to vector<16xf32>
    %swap3A_904 = vector.shape_cast %broadcast_in_dim3A_898 : vector<16xf32> to vector<1x16xf32>
    tpu.vector_store %arg18[%swap3A_900, %swap3A_901], %swap3A_904 {strides = array<i32>} : memref<16x128xf32, #tpu.memory_space<vmem>>, vector<1x16xf32>,
    %broadcast_in_dim3A_905 = arith.constant 0.000000e+00 : f32
    %broadcast_in_dim3A_906 = vector.broadcast %broadcast_in_dim3A_905 : f32 to vector<16xf32>
    %swap3A_907 = arith.constant 14 : i32
    %swap3A_908 = arith.index_cast %swap3A_907 : i32 to index
    %swap3A_909 = arith.constant 16 : index
    %swap3A_910 = tpu.vector_load %arg18[%swap3A_908, %swap3A_909] {strides = array<i32>} : memref<16x128xf32, #tpu.memory_space<vmem>>, vector<1x16xf32>,
    %swap3A_911 = vector.shape_cast %swap3A_910 : vector<1x16xf32> to vector<16xf32>
    %swap3A_912 = vector.shape_cast %broadcast_in_dim3A_906 : vector<16xf32> to vector<1x16xf32>
    tpu.vector_store %arg18[%swap3A_908, %swap3A_909], %swap3A_912 {strides = array<i32>} : memref<16x128xf32, #tpu.memory_space<vmem>>, vector<1x16xf32>,
    %broadcast_in_dim3A_913 = arith.constant 0.000000e+00 : f32
    %broadcast_in_dim3A_914 = vector.broadcast %broadcast_in_dim3A_913 : f32 to vector<16xf32>
    %swap3A_915 = arith.constant 14 : i32
    %swap3A_916 = arith.index_cast %swap3A_915 : i32 to index
    %swap3A_917 = arith.constant 32 : index
    %swap3A_918 = tpu.vector_load %arg18[%swap3A_916, %swap3A_917] {strides = array<i32>} : memref<16x128xf32, #tpu.memory_space<vmem>>, vector<1x16xf32>,
    %swap3A_919 = vector.shape_cast %swap3A_918 : vector<1x16xf32> to vector<16xf32>
    %swap3A_920 = vector.shape_cast %broadcast_in_dim3A_914 : vector<16xf32> to vector<1x16xf32>
    tpu.vector_store %arg18[%swap3A_916, %swap3A_917], %swap3A_920 {strides = array<i32>} : memref<16x128xf32, #tpu.memory_space<vmem>>, vector<1x16xf32>,
    %broadcast_in_dim3A_921 = arith.constant 0.000000e+00 : f32
    %broadcast_in_dim3A_922 = vector.broadcast %broadcast_in_dim3A_921 : f32 to vector<16xf32>
    %swap3A_923 = arith.constant 14 : i32
    %swap3A_924 = arith.index_cast %swap3A_923 : i32 to index
    %swap3A_925 = arith.constant 48 : index
    %swap3A_926 = tpu.vector_load %arg18[%swap3A_924, %swap3A_925] {strides = array<i32>} : memref<16x128xf32, #tpu.memory_space<vmem>>, vector<1x16xf32>,
    %swap3A_927 = vector.shape_cast %swap3A_926 : vector<1x16xf32> to vector<16xf32>
    %swap3A_928 = vector.shape_cast %broadcast_in_dim3A_922 : vector<16xf32> to vector<1x16xf32>
    tpu.vector_store %arg18[%swap3A_924, %swap3A_925], %swap3A_928 {strides = array<i32>} : memref<16x128xf32, #tpu.memory_space<vmem>>, vector<1x16xf32>,
    %broadcast_in_dim3A_929 = arith.constant 0.000000e+00 : f32
    %broadcast_in_dim3A_930 = vector.broadcast %broadcast_in_dim3A_929 : f32 to vector<16xf32>
    %swap3A_931 = arith.constant 14 : i32
    %swap3A_932 = arith.index_cast %swap3A_931 : i32 to index
    %swap3A_933 = arith.constant 64 : index
    %swap3A_934 = tpu.vector_load %arg18[%swap3A_932, %swap3A_933] {strides = array<i32>} : memref<16x128xf32, #tpu.memory_space<vmem>>, vector<1x16xf32>,
    %swap3A_935 = vector.shape_cast %swap3A_934 : vector<1x16xf32> to vector<16xf32>
    %swap3A_936 = vector.shape_cast %broadcast_in_dim3A_930 : vector<16xf32> to vector<1x16xf32>
    tpu.vector_store %arg18[%swap3A_932, %swap3A_933], %swap3A_936 {strides = array<i32>} : memref<16x128xf32, #tpu.memory_space<vmem>>, vector<1x16xf32>,
    %broadcast_in_dim3A_937 = arith.constant 0.000000e+00 : f32
    %broadcast_in_dim3A_938 = vector.broadcast %broadcast_in_dim3A_937 : f32 to vector<16xf32>
    %swap3A_939 = arith.constant 14 : i32
    %swap3A_940 = arith.index_cast %swap3A_939 : i32 to index
    %swap3A_941 = arith.constant 80 : index
    %swap3A_942 = tpu.vector_load %arg18[%swap3A_940, %swap3A_941] {strides = array<i32>} : memref<16x128xf32, #tpu.memory_space<vmem>>, vector<1x16xf32>,
    %swap3A_943 = vector.shape_cast %swap3A_942 : vector<1x16xf32> to vector<16xf32>
    %swap3A_944 = vector.shape_cast %broadcast_in_dim3A_938 : vector<16xf32> to vector<1x16xf32>
    tpu.vector_store %arg18[%swap3A_940, %swap3A_941], %swap3A_944 {strides = array<i32>} : memref<16x128xf32, #tpu.memory_space<vmem>>, vector<1x16xf32>,
    %broadcast_in_dim3A_945 = arith.constant 0.000000e+00 : f32
    %broadcast_in_dim3A_946 = vector.broadcast %broadcast_in_dim3A_945 : f32 to vector<16xf32>
    %swap3A_947 = arith.constant 14 : i32
    %swap3A_948 = arith.index_cast %swap3A_947 : i32 to index
    %swap3A_949 = arith.constant 96 : index
    %swap3A_950 = tpu.vector_load %arg18[%swap3A_948, %swap3A_949] {strides = array<i32>} : memref<16x128xf32, #tpu.memory_space<vmem>>, vector<1x16xf32>,
    %swap3A_951 = vector.shape_cast %swap3A_950 : vector<1x16xf32> to vector<16xf32>
    %swap3A_952 = vector.shape_cast %broadcast_in_dim3A_946 : vector<16xf32> to vector<1x16xf32>
    tpu.vector_store %arg18[%swap3A_948, %swap3A_949], %swap3A_952 {strides = array<i32>} : memref<16x128xf32, #tpu.memory_space<vmem>>, vector<1x16xf32>,
    %broadcast_in_dim3A_953 = arith.constant 0.000000e+00 : f32
    %broadcast_in_dim3A_954 = vector.broadcast %broadcast_in_dim3A_953 : f32 to vector<16xf32>
    %swap3A_955 = arith.constant 14 : i32
    %swap3A_956 = arith.index_cast %swap3A_955 : i32 to index
    %swap3A_957 = arith.constant 112 : index
    %swap3A_958 = tpu.vector_load %arg18[%swap3A_956, %swap3A_957] {strides = array<i32>} : memref<16x128xf32, #tpu.memory_space<vmem>>, vector<1x16xf32>,
    %swap3A_959 = vector.shape_cast %swap3A_958 : vector<1x16xf32> to vector<16xf32>
    %swap3A_960 = vector.shape_cast %broadcast_in_dim3A_954 : vector<16xf32> to vector<1x16xf32>
    tpu.vector_store %arg18[%swap3A_956, %swap3A_957], %swap3A_960 {strides = array<i32>} : memref<16x128xf32, #tpu.memory_space<vmem>>, vector<1x16xf32>,
    %broadcast_in_dim3A_961 = arith.constant 0.000000e+00 : f32
    %broadcast_in_dim3A_962 = vector.broadcast %broadcast_in_dim3A_961 : f32 to vector<16xf32>
    %swap3A_963 = arith.constant 15 : i32
    %swap3A_964 = arith.index_cast %swap3A_963 : i32 to index
    %swap3A_965 = arith.constant 0 : index
    %swap3A_966 = tpu.vector_load %arg18[%swap3A_964, %swap3A_965] {strides = array<i32>} : memref<16x128xf32, #tpu.memory_space<vmem>>, vector<1x16xf32>,
    %swap3A_967 = vector.shape_cast %swap3A_966 : vector<1x16xf32> to vector<16xf32>
    %swap3A_968 = vector.shape_cast %broadcast_in_dim3A_962 : vector<16xf32> to vector<1x16xf32>
    tpu.vector_store %arg18[%swap3A_964, %swap3A_965], %swap3A_968 {strides = array<i32>} : memref<16x128xf32, #tpu.memory_space<vmem>>, vector<1x16xf32>,
    %broadcast_in_dim3A_969 = arith.constant 0.000000e+00 : f32
    %broadcast_in_dim3A_970 = vector.broadcast %broadcast_in_dim3A_969 : f32 to vector<16xf32>
    %swap3A_971 = arith.constant 15 : i32
    %swap3A_972 = arith.index_cast %swap3A_971 : i32 to index
    %swap3A_973 = arith.constant 16 : index
    %swap3A_974 = tpu.vector_load %arg18[%swap3A_972, %swap3A_973] {strides = array<i32>} : memref<16x128xf32, #tpu.memory_space<vmem>>, vector<1x16xf32>,
    %swap3A_975 = vector.shape_cast %swap3A_974 : vector<1x16xf32> to vector<16xf32>
    %swap3A_976 = vector.shape_cast %broadcast_in_dim3A_970 : vector<16xf32> to vector<1x16xf32>
    tpu.vector_store %arg18[%swap3A_972, %swap3A_973], %swap3A_976 {strides = array<i32>} : memref<16x128xf32, #tpu.memory_space<vmem>>, vector<1x16xf32>,
    %broadcast_in_dim3A_977 = arith.constant 0.000000e+00 : f32
    %broadcast_in_dim3A_978 = vector.broadcast %broadcast_in_dim3A_977 : f32 to vector<16xf32>
    %swap3A_979 = arith.constant 15 : i32
    %swap3A_980 = arith.index_cast %swap3A_979 : i32 to index
    %swap3A_981 = arith.constant 32 : index
    %swap3A_982 = tpu.vector_load %arg18[%swap3A_980, %swap3A_981] {strides = array<i32>} : memref<16x128xf32, #tpu.memory_space<vmem>>, vector<1x16xf32>,
    %swap3A_983 = vector.shape_cast %swap3A_982 : vector<1x16xf32> to vector<16xf32>
    %swap3A_984 = vector.shape_cast %broadcast_in_dim3A_978 : vector<16xf32> to vector<1x16xf32>
    tpu.vector_store %arg18[%swap3A_980, %swap3A_981], %swap3A_984 {strides = array<i32>} : memref<16x128xf32, #tpu.memory_space<vmem>>, vector<1x16xf32>,
    %broadcast_in_dim3A_985 = arith.constant 0.000000e+00 : f32
    %broadcast_in_dim3A_986 = vector.broadcast %broadcast_in_dim3A_985 : f32 to vector<16xf32>
    %swap3A_987 = arith.constant 15 : i32
    %swap3A_988 = arith.index_cast %swap3A_987 : i32 to index
    %swap3A_989 = arith.constant 48 : index
    %swap3A_990 = tpu.vector_load %arg18[%swap3A_988, %swap3A_989] {strides = array<i32>} : memref<16x128xf32, #tpu.memory_space<vmem>>, vector<1x16xf32>,
    %swap3A_991 = vector.shape_cast %swap3A_990 : vector<1x16xf32> to vector<16xf32>
    %swap3A_992 = vector.shape_cast %broadcast_in_dim3A_986 : vector<16xf32> to vector<1x16xf32>
    tpu.vector_store %arg18[%swap3A_988, %swap3A_989], %swap3A_992 {strides = array<i32>} : memref<16x128xf32, #tpu.memory_space<vmem>>, vector<1x16xf32>,
    %broadcast_in_dim3A_993 = arith.constant 0.000000e+00 : f32
    %broadcast_in_dim3A_994 = vector.broadcast %broadcast_in_dim3A_993 : f32 to vector<16xf32>
    %swap3A_995 = arith.constant 15 : i32
    %swap3A_996 = arith.index_cast %swap3A_995 : i32 to index
    %swap3A_997 = arith.constant 64 : index
    %swap3A_998 = tpu.vector_load %arg18[%swap3A_996, %swap3A_997] {strides = array<i32>} : memref<16x128xf32, #tpu.memory_space<vmem>>, vector<1x16xf32>,
    %swap3A_999 = vector.shape_cast %swap3A_998 : vector<1x16xf32> to vector<16xf32>
    %swap3A_1000 = vector.shape_cast %broadcast_in_dim3A_994 : vector<16xf32> to vector<1x16xf32>
    tpu.vector_store %arg18[%swap3A_996, %swap3A_997], %swap3A_1000 {strides = array<i32>} : memref<16x128xf32, #tpu.memory_space<vmem>>, vector<1x16xf32>,
    %broadcast_in_dim3A_1001 = arith.constant 0.000000e+00 : f32
    %broadcast_in_dim3A_1002 = vector.broadcast %broadcast_in_dim3A_1001 : f32 to vector<16xf32>
    %swap3A_1003 = arith.constant 15 : i32
    %swap3A_1004 = arith.index_cast %swap3A_1003 : i32 to index
    %swap3A_1005 = arith.constant 80 : index
    %swap3A_1006 = tpu.vector_load %arg18[%swap3A_1004, %swap3A_1005] {strides = array<i32>} : memref<16x128xf32, #tpu.memory_space<vmem>>, vector<1x16xf32>,
    %swap3A_1007 = vector.shape_cast %swap3A_1006 : vector<1x16xf32> to vector<16xf32>
    %swap3A_1008 = vector.shape_cast %broadcast_in_dim3A_1002 : vector<16xf32> to vector<1x16xf32>
    tpu.vector_store %arg18[%swap3A_1004, %swap3A_1005], %swap3A_1008 {strides = array<i32>} : memref<16x128xf32, #tpu.memory_space<vmem>>, vector<1x16xf32>,
    %broadcast_in_dim3A_1009 = arith.constant 0.000000e+00 : f32
    %broadcast_in_dim3A_1010 = vector.broadcast %broadcast_in_dim3A_1009 : f32 to vector<16xf32>
    %swap3A_1011 = arith.constant 15 : i32
    %swap3A_1012 = arith.index_cast %swap3A_1011 : i32 to index
    %swap3A_1013 = arith.constant 96 : index
    %swap3A_1014 = tpu.vector_load %arg18[%swap3A_1012, %swap3A_1013] {strides = array<i32>} : memref<16x128xf32, #tpu.memory_space<vmem>>, vector<1x16xf32>,
    %swap3A_1015 = vector.shape_cast %swap3A_1014 : vector<1x16xf32> to vector<16xf32>
    %swap3A_1016 = vector.shape_cast %broadcast_in_dim3A_1010 : vector<16xf32> to vector<1x16xf32>
    tpu.vector_store %arg18[%swap3A_1012, %swap3A_1013], %swap3A_1016 {strides = array<i32>} : memref<16x128xf32, #tpu.memory_space<vmem>>, vector<1x16xf32>,
    %broadcast_in_dim3A_1017 = arith.constant 0.000000e+00 : f32
    %broadcast_in_dim3A_1018 = vector.broadcast %broadcast_in_dim3A_1017 : f32 to vector<16xf32>
    %swap3A_1019 = arith.constant 15 : i32
    %swap3A_1020 = arith.index_cast %swap3A_1019 : i32 to index
    %swap3A_1021 = arith.constant 112 : index
    %swap3A_1022 = tpu.vector_load %arg18[%swap3A_1020, %swap3A_1021] {strides = array<i32>} : memref<16x128xf32, #tpu.memory_space<vmem>>, vector<1x16xf32>,
    %swap3A_1023 = vector.shape_cast %swap3A_1022 : vector<1x16xf32> to vector<16xf32>
    %swap3A_1024 = vector.shape_cast %broadcast_in_dim3A_1018 : vector<16xf32> to vector<1x16xf32>
    tpu.vector_store %arg18[%swap3A_1020, %swap3A_1021], %swap3A_1024 {strides = array<i32>} : memref<16x128xf32, #tpu.memory_space<vmem>>, vector<1x16xf32>,
    %scan3A = arith.constant 0 : i32
    %scan3A_1025 = arith.constant 0 : i32
    %scan3A_1026 = arith.constant 39 : i32
    %scan3A_1027 = arith.addi %scan3A_1025, %scan3A_1026 : i32
    %scan3A_1028 = arith.constant 1 : i32
    scf.for %scan3A_1092 = %scan3A_1025 to %scan3A_1027 step %scan3A_1028  : i32 {
      %mul3A_1093 = arith.constant 624 : i32
      %mul3A_1094 = arith.muli %arg1, %mul3A_1093 : i32
      %mul3A_1095 = arith.constant 16 : i32
      %mul3A_1096 = arith.muli %scan3A_1092, %mul3A_1095 : i32
      %add3A_1097 = arith.addi %mul3A_1094, %mul3A_1096 : i32
      "tpu.region"() ({
        %run_scoped3A = tpu.sem_alloc : memref<!tpu.dma_semaphore, #tpu.memory_space<semaphore_mem>>
        %dma_start3A_1098 = arith.constant 0 : i32
        %dma_start3A_1099 = tpu.memref_slice %arg19[%add3A_1097, %dma_start3A_1098] : memref<10000x128xf32, #tpu.memory_space<vmem_shared>> -> memref<16x128xf32, #tpu.memory_space<vmem_shared>>
        %dma_start3A_1100 = arith.constant 0 : i32
        %dma_start3A_1101 = tpu.memref_slice %arg19[%add3A_1097, %dma_start3A_1100] : memref<10000x128xf32, #tpu.memory_space<vmem_shared>> -> memref<16x128xf32, #tpu.memory_space<vmem_shared>>
        tpu.enqueue_dma source(%arg18 : memref<16x128xf32, #tpu.memory_space<vmem>>) target(%dma_start3A_1101 : memref<16x128xf32, #tpu.memory_space<vmem_shared>>) target_semaphore(%run_scoped3A : memref<!tpu.dma_semaphore, #tpu.memory_space<semaphore_mem>>)
        %dma_wait3A_1102 = arith.constant 0 : i32
        %dma_wait3A_1103 = tpu.memref_slice %arg19[%add3A_1097, %dma_wait3A_1102] : memref<10000x128xf32, #tpu.memory_space<vmem_shared>> -> memref<16x128xf32, #tpu.memory_space<vmem_shared>>
        %dma_wait3A_1104 = arith.constant 0 : i32
        %dma_wait3A_1105 = tpu.memref_slice %arg19[%add3A_1097, %dma_wait3A_1104] : memref<10000x128xf32, #tpu.memory_space<vmem_shared>> -> memref<16x128xf32, #tpu.memory_space<vmem_shared>>
        tpu.wait_dma2 semaphore(%run_scoped3A : memref<!tpu.dma_semaphore, #tpu.memory_space<semaphore_mem>>) src(%arg18 : memref<16x128xf32, #tpu.memory_space<vmem>>) dst(%dma_wait3A_1105 : memref<16x128xf32, #tpu.memory_space<vmem_shared>>)
        tpu.yield
      }) : () -> ()
    }
    %scan3A_1029 = arith.constant 39 : i32
    %eq3A = arith.constant 15 : i32
    %eq3A_1030 = arith.cmpi eq, %arg1, %eq3A : i32
    %convert_element_type3A = arith.extui %eq3A_1030 : i1 to i32
    %cond3A = arith.constant 0 : i32
    %cond3A_1031 = arith.cmpi ne, %convert_element_type3A, %cond3A : i32
    scf.if %cond3A_1031 {
      "tpu.region"() ({
        %run_scoped3A = tpu.sem_alloc : memref<!tpu.dma_semaphore, #tpu.memory_space<semaphore_mem>>
        %dma_start3A_1092 = arith.constant 9984 : i32
        %dma_start3A_1093 = arith.constant 0 : i32
        %dma_start3A_1094 = tpu.memref_slice %arg19[%dma_start3A_1092, %dma_start3A_1093] : memref<10000x128xf32, #tpu.memory_space<vmem_shared>> -> memref<16x128xf32, #tpu.memory_space<vmem_shared>>
        %dma_start3A_1095 = arith.constant 9984 : i32
        %dma_start3A_1096 = arith.constant 0 : i32
        %dma_start3A_1097 = tpu.memref_slice %arg19[%dma_start3A_1095, %dma_start3A_1096] : memref<10000x128xf32, #tpu.memory_space<vmem_shared>> -> memref<16x128xf32, #tpu.memory_space<vmem_shared>>
        tpu.enqueue_dma source(%arg18 : memref<16x128xf32, #tpu.memory_space<vmem>>) target(%dma_start3A_1097 : memref<16x128xf32, #tpu.memory_space<vmem_shared>>) target_semaphore(%run_scoped3A : memref<!tpu.dma_semaphore, #tpu.memory_space<semaphore_mem>>)
        %dma_wait3A_1098 = arith.constant 9984 : i32
        %dma_wait3A_1099 = arith.constant 0 : i32
        %dma_wait3A_1100 = tpu.memref_slice %arg19[%dma_wait3A_1098, %dma_wait3A_1099] : memref<10000x128xf32, #tpu.memory_space<vmem_shared>> -> memref<16x128xf32, #tpu.memory_space<vmem_shared>>
        %dma_wait3A_1101 = arith.constant 9984 : i32
        %dma_wait3A_1102 = arith.constant 0 : i32
        %dma_wait3A_1103 = tpu.memref_slice %arg19[%dma_wait3A_1101, %dma_wait3A_1102] : memref<10000x128xf32, #tpu.memory_space<vmem_shared>> -> memref<16x128xf32, #tpu.memory_space<vmem_shared>>
        tpu.wait_dma2 semaphore(%run_scoped3A : memref<!tpu.dma_semaphore, #tpu.memory_space<semaphore_mem>>) src(%arg18 : memref<16x128xf32, #tpu.memory_space<vmem>>) dst(%dma_wait3A_1103 : memref<16x128xf32, #tpu.memory_space<vmem_shared>>)
        tpu.yield
      }) : () -> ()
    } else {
    }
    %barrier3A = arith.constant 0 : index
    tpu.barrier barrier_id(%barrier3A)
    %add3A_1032 = arith.constant 0 : i32
    %add3A_1033 = arith.addi %mul3A_2, %add3A_1032 : i32
    %dma_start3A = tpu.memref_slice %arg3[%add3A_1033] : memref<320000xi32, #tpu.memory_space<hbm>> -> memref<80xi32, #tpu.memory_space<hbm>>
    %dma_start3A_1034 = tpu.memref_slice %arg3[%add3A_1033] : memref<320000xi32, #tpu.memory_space<hbm>> -> memref<80xi32, #tpu.memory_space<hbm>>
    tpu.enqueue_dma source(%dma_start3A_1034 : memref<80xi32, #tpu.memory_space<hbm>>) target(%arg6 : memref<80xi32, #tpu.memory_space<vmem>>) target_semaphore(%arg28 : memref<!tpu.dma_semaphore, #tpu.memory_space<semaphore_mem>>)
    %add3A_1035 = arith.constant 0 : i32
    %add3A_1036 = arith.addi %mul3A_2, %add3A_1035 : i32
    %dma_start3A_1037 = tpu.memref_slice %arg4[%add3A_1036] : memref<320000xi32, #tpu.memory_space<hbm>> -> memref<80xi32, #tpu.memory_space<hbm>>
    %dma_start3A_1038 = tpu.memref_slice %arg4[%add3A_1036] : memref<320000xi32, #tpu.memory_space<hbm>> -> memref<80xi32, #tpu.memory_space<hbm>>
    tpu.enqueue_dma source(%dma_start3A_1038 : memref<80xi32, #tpu.memory_space<hbm>>) target(%arg10 : memref<80xi32, #tpu.memory_space<vmem>>) target_semaphore(%arg32 : memref<!tpu.dma_semaphore, #tpu.memory_space<semaphore_mem>>)
    %add3A_1039 = arith.constant 80 : i32
    %add3A_1040 = arith.addi %mul3A_2, %add3A_1039 : i32
    %dma_start3A_1041 = tpu.memref_slice %arg3[%add3A_1040] : memref<320000xi32, #tpu.memory_space<hbm>> -> memref<80xi32, #tpu.memory_space<hbm>>
    %dma_start3A_1042 = tpu.memref_slice %arg3[%add3A_1040] : memref<320000xi32, #tpu.memory_space<hbm>> -> memref<80xi32, #tpu.memory_space<hbm>>
    tpu.enqueue_dma source(%dma_start3A_1042 : memref<80xi32, #tpu.memory_space<hbm>>) target(%arg7 : memref<80xi32, #tpu.memory_space<vmem>>) target_semaphore(%arg29 : memref<!tpu.dma_semaphore, #tpu.memory_space<semaphore_mem>>)
    %add3A_1043 = arith.constant 80 : i32
    %add3A_1044 = arith.addi %mul3A_2, %add3A_1043 : i32
    %dma_start3A_1045 = tpu.memref_slice %arg4[%add3A_1044] : memref<320000xi32, #tpu.memory_space<hbm>> -> memref<80xi32, #tpu.memory_space<hbm>>
    %dma_start3A_1046 = tpu.memref_slice %arg4[%add3A_1044] : memref<320000xi32, #tpu.memory_space<hbm>> -> memref<80xi32, #tpu.memory_space<hbm>>
    tpu.enqueue_dma source(%dma_start3A_1046 : memref<80xi32, #tpu.memory_space<hbm>>) target(%arg11 : memref<80xi32, #tpu.memory_space<vmem>>) target_semaphore(%arg33 : memref<!tpu.dma_semaphore, #tpu.memory_space<semaphore_mem>>)
    %add3A_1047 = arith.constant 160 : i32
    %add3A_1048 = arith.addi %mul3A_2, %add3A_1047 : i32
    %dma_start3A_1049 = tpu.memref_slice %arg3[%add3A_1048] : memref<320000xi32, #tpu.memory_space<hbm>> -> memref<80xi32, #tpu.memory_space<hbm>>
    %dma_start3A_1050 = tpu.memref_slice %arg3[%add3A_1048] : memref<320000xi32, #tpu.memory_space<hbm>> -> memref<80xi32, #tpu.memory_space<hbm>>
    tpu.enqueue_dma source(%dma_start3A_1050 : memref<80xi32, #tpu.memory_space<hbm>>) target(%arg8 : memref<80xi32, #tpu.memory_space<vmem>>) target_semaphore(%arg30 : memref<!tpu.dma_semaphore, #tpu.memory_space<semaphore_mem>>)
    %add3A_1051 = arith.constant 160 : i32
    %add3A_1052 = arith.addi %mul3A_2, %add3A_1051 : i32
    %dma_start3A_1053 = tpu.memref_slice %arg4[%add3A_1052] : memref<320000xi32, #tpu.memory_space<hbm>> -> memref<80xi32, #tpu.memory_space<hbm>>
    %dma_start3A_1054 = tpu.memref_slice %arg4[%add3A_1052] : memref<320000xi32, #tpu.memory_space<hbm>> -> memref<80xi32, #tpu.memory_space<hbm>>
    tpu.enqueue_dma source(%dma_start3A_1054 : memref<80xi32, #tpu.memory_space<hbm>>) target(%arg12 : memref<80xi32, #tpu.memory_space<vmem>>) target_semaphore(%arg34 : memref<!tpu.dma_semaphore, #tpu.memory_space<semaphore_mem>>)
    %add3A_1055 = arith.constant 240 : i32
    %add3A_1056 = arith.addi %mul3A_2, %add3A_1055 : i32
    %dma_start3A_1057 = tpu.memref_slice %arg3[%add3A_1056] : memref<320000xi32, #tpu.memory_space<hbm>> -> memref<80xi32, #tpu.memory_space<hbm>>
    %dma_start3A_1058 = tpu.memref_slice %arg3[%add3A_1056] : memref<320000xi32, #tpu.memory_space<hbm>> -> memref<80xi32, #tpu.memory_space<hbm>>
    tpu.enqueue_dma source(%dma_start3A_1058 : memref<80xi32, #tpu.memory_space<hbm>>) target(%arg9 : memref<80xi32, #tpu.memory_space<vmem>>) target_semaphore(%arg31 : memref<!tpu.dma_semaphore, #tpu.memory_space<semaphore_mem>>)
    %add3A_1059 = arith.constant 240 : i32
    %add3A_1060 = arith.addi %mul3A_2, %add3A_1059 : i32
    %dma_start3A_1061 = tpu.memref_slice %arg4[%add3A_1060] : memref<320000xi32, #tpu.memory_space<hbm>> -> memref<80xi32, #tpu.memory_space<hbm>>
    %dma_start3A_1062 = tpu.memref_slice %arg4[%add3A_1060] : memref<320000xi32, #tpu.memory_space<hbm>> -> memref<80xi32, #tpu.memory_space<hbm>>
    tpu.enqueue_dma source(%dma_start3A_1062 : memref<80xi32, #tpu.memory_space<hbm>>) target(%arg13 : memref<80xi32, #tpu.memory_space<vmem>>) target_semaphore(%arg35 : memref<!tpu.dma_semaphore, #tpu.memory_space<semaphore_mem>>)
    %scan3A_1063 = arith.constant 0 : i32
    %scan3A_1064 = arith.constant 0 : i32
    %scan3A_1065 = arith.constant 31 : i32
    %scan3A_1066 = arith.addi %scan3A_1064, %scan3A_1065 : i32
    %scan3A_1067 = arith.constant 1 : i32
    scf.for %scan3A_1092 = %scan3A_1064 to %scan3A_1066 step %scan3A_1067  : i32 {
      %mul3A_1093 = arith.constant 4 : i32
      %mul3A_1094 = arith.muli %mul3A_1093, %scan3A_1092 : i32
      %add3A_1095 = arith.constant 0 : i32
      %add3A_1096 = arith.addi %mul3A_1094, %add3A_1095 : i32
      %mul3A_1097 = arith.constant 80 : i32
      %mul3A_1098 = arith.muli %add3A_1096, %mul3A_1097 : i32
      %add3A_1099 = arith.addi %mul3A_2, %mul3A_1098 : i32
      %dma_wait3A_1100 = tpu.memref_slice %arg3[%add3A_1099] : memref<320000xi32, #tpu.memory_space<hbm>> -> memref<80xi32, #tpu.memory_space<hbm>>
      %dma_wait3A_1101 = tpu.memref_slice %arg3[%add3A_1099] : memref<320000xi32, #tpu.memory_space<hbm>> -> memref<80xi32, #tpu.memory_space<hbm>>
      tpu.wait_dma2 semaphore(%arg28 : memref<!tpu.dma_semaphore, #tpu.memory_space<semaphore_mem>>) src(%dma_wait3A_1101 : memref<80xi32, #tpu.memory_space<hbm>>) dst(%arg6 : memref<80xi32, #tpu.memory_space<vmem>>)
      %dma_start3A_1102 = arith.constant 0 : i32
      %dma_start3A_1103 = arith.constant 0 : i32
      %dma_start3A_1104 = tpu.memref_slice %arg2[%dma_start3A_1102, %dma_start3A_1103] : memref<10000x128xf32, #tpu.memory_space<hbm>> -> memref<10000x128xf32, #tpu.memory_space<hbm>>
      tpu.enqueue_indirect_dma source(%dma_start3A_1104 : memref<10000x128xf32, #tpu.memory_space<hbm>>) target(%arg14 : memref<80x128xf32, #tpu.memory_space<vmem>>) offsets(%arg6 : memref<80xi32, #tpu.memory_space<vmem>>) semaphore(%arg20 : memref<!tpu.dma_semaphore, #tpu.memory_space<semaphore_mem>>)
      %mul3A_1105 = arith.constant 4 : i32
      %mul3A_1106 = arith.muli %mul3A_1105, %scan3A_1092 : i32
      %add3A_1107 = arith.constant 1 : i32
      %add3A_1108 = arith.addi %mul3A_1106, %add3A_1107 : i32
      %mul3A_1109 = arith.constant 80 : i32
      %mul3A_1110 = arith.muli %add3A_1108, %mul3A_1109 : i32
      %add3A_1111 = arith.addi %mul3A_2, %mul3A_1110 : i32
      %dma_wait3A_1112 = tpu.memref_slice %arg3[%add3A_1111] : memref<320000xi32, #tpu.memory_space<hbm>> -> memref<80xi32, #tpu.memory_space<hbm>>
      %dma_wait3A_1113 = tpu.memref_slice %arg3[%add3A_1111] : memref<320000xi32, #tpu.memory_space<hbm>> -> memref<80xi32, #tpu.memory_space<hbm>>
      tpu.wait_dma2 semaphore(%arg29 : memref<!tpu.dma_semaphore, #tpu.memory_space<semaphore_mem>>) src(%dma_wait3A_1113 : memref<80xi32, #tpu.memory_space<hbm>>) dst(%arg7 : memref<80xi32, #tpu.memory_space<vmem>>)
      %dma_start3A_1114 = arith.constant 0 : i32
      %dma_start3A_1115 = arith.constant 0 : i32
      %dma_start3A_1116 = tpu.memref_slice %arg2[%dma_start3A_1114, %dma_start3A_1115] : memref<10000x128xf32, #tpu.memory_space<hbm>> -> memref<10000x128xf32, #tpu.memory_space<hbm>>
      tpu.enqueue_indirect_dma source(%dma_start3A_1116 : memref<10000x128xf32, #tpu.memory_space<hbm>>) target(%arg15 : memref<80x128xf32, #tpu.memory_space<vmem>>) offsets(%arg7 : memref<80xi32, #tpu.memory_space<vmem>>) semaphore(%arg21 : memref<!tpu.dma_semaphore, #tpu.memory_space<semaphore_mem>>)
      %mul3A_1117 = arith.constant 4 : i32
      %mul3A_1118 = arith.muli %mul3A_1117, %scan3A_1092 : i32
      %add3A_1119 = arith.constant 2 : i32
      %add3A_1120 = arith.addi %mul3A_1118, %add3A_1119 : i32
      %mul3A_1121 = arith.constant 80 : i32
      %mul3A_1122 = arith.muli %add3A_1120, %mul3A_1121 : i32
      %add3A_1123 = arith.addi %mul3A_2, %mul3A_1122 : i32
      %dma_wait3A_1124 = tpu.memref_slice %arg3[%add3A_1123] : memref<320000xi32, #tpu.memory_space<hbm>> -> memref<80xi32, #tpu.memory_space<hbm>>
      %dma_wait3A_1125 = tpu.memref_slice %arg3[%add3A_1123] : memref<320000xi32, #tpu.memory_space<hbm>> -> memref<80xi32, #tpu.memory_space<hbm>>
      tpu.wait_dma2 semaphore(%arg30 : memref<!tpu.dma_semaphore, #tpu.memory_space<semaphore_mem>>) src(%dma_wait3A_1125 : memref<80xi32, #tpu.memory_space<hbm>>) dst(%arg8 : memref<80xi32, #tpu.memory_space<vmem>>)
      %dma_start3A_1126 = arith.constant 0 : i32
      %dma_start3A_1127 = arith.constant 0 : i32
      %dma_start3A_1128 = tpu.memref_slice %arg2[%dma_start3A_1126, %dma_start3A_1127] : memref<10000x128xf32, #tpu.memory_space<hbm>> -> memref<10000x128xf32, #tpu.memory_space<hbm>>
      tpu.enqueue_indirect_dma source(%dma_start3A_1128 : memref<10000x128xf32, #tpu.memory_space<hbm>>) target(%arg16 : memref<80x128xf32, #tpu.memory_space<vmem>>) offsets(%arg8 : memref<80xi32, #tpu.memory_space<vmem>>) semaphore(%arg22 : memref<!tpu.dma_semaphore, #tpu.memory_space<semaphore_mem>>)
      %mul3A_1129 = arith.constant 4 : i32
      %mul3A_1130 = arith.muli %mul3A_1129, %scan3A_1092 : i32
      %add3A_1131 = arith.constant 3 : i32
      %add3A_1132 = arith.addi %mul3A_1130, %add3A_1131 : i32
      %mul3A_1133 = arith.constant 80 : i32
      %mul3A_1134 = arith.muli %add3A_1132, %mul3A_1133 : i32
      %add3A_1135 = arith.addi %mul3A_2, %mul3A_1134 : i32
      %dma_wait3A_1136 = tpu.memref_slice %arg3[%add3A_1135] : memref<320000xi32, #tpu.memory_space<hbm>> -> memref<80xi32, #tpu.memory_space<hbm>>
      %dma_wait3A_1137 = tpu.memref_slice %arg3[%add3A_1135] : memref<320000xi32, #tpu.memory_space<hbm>> -> memref<80xi32, #tpu.memory_space<hbm>>
      tpu.wait_dma2 semaphore(%arg31 : memref<!tpu.dma_semaphore, #tpu.memory_space<semaphore_mem>>) src(%dma_wait3A_1137 : memref<80xi32, #tpu.memory_space<hbm>>) dst(%arg9 : memref<80xi32, #tpu.memory_space<vmem>>)
      %dma_start3A_1138 = arith.constant 0 : i32
      %dma_start3A_1139 = arith.constant 0 : i32
      %dma_start3A_1140 = tpu.memref_slice %arg2[%dma_start3A_1138, %dma_start3A_1139] : memref<10000x128xf32, #tpu.memory_space<hbm>> -> memref<10000x128xf32, #tpu.memory_space<hbm>>
      tpu.enqueue_indirect_dma source(%dma_start3A_1140 : memref<10000x128xf32, #tpu.memory_space<hbm>>) target(%arg17 : memref<80x128xf32, #tpu.memory_space<vmem>>) offsets(%arg9 : memref<80xi32, #tpu.memory_space<vmem>>) semaphore(%arg23 : memref<!tpu.dma_semaphore, #tpu.memory_space<semaphore_mem>>)
      %mul3A_1141 = arith.constant 4 : i32
      %mul3A_1142 = arith.muli %mul3A_1141, %scan3A_1092 : i32
      %add3A_1143 = arith.constant 0 : i32
      %add3A_1144 = arith.addi %mul3A_1142, %add3A_1143 : i32
      %dma_wait3A_1145 = arith.constant 0 : i32
      %dma_wait3A_1146 = arith.constant 0 : i32
      %dma_wait3A_1147 = tpu.memref_slice %arg2[%dma_wait3A_1145, %dma_wait3A_1146] : memref<10000x128xf32, #tpu.memory_space<hbm>> -> memref<10000x128xf32, #tpu.memory_space<hbm>>
      tpu.wait_indirect_dma semaphore(%arg20 : memref<!tpu.dma_semaphore, #tpu.memory_space<semaphore_mem>>) src(%dma_wait3A_1147 : memref<10000x128xf32, #tpu.memory_space<hbm>>) dst(%arg14 : memref<80x128xf32, #tpu.memory_space<vmem>>)
      %mul3A_1148 = arith.constant 80 : i32
      %mul3A_1149 = arith.muli %add3A_1144, %mul3A_1148 : i32
      %add3A_1150 = arith.addi %mul3A_2, %mul3A_1149 : i32
      %dma_wait3A_1151 = tpu.memref_slice %arg4[%add3A_1150] : memref<320000xi32, #tpu.memory_space<hbm>> -> memref<80xi32, #tpu.memory_space<hbm>>
      %dma_wait3A_1152 = tpu.memref_slice %arg4[%add3A_1150] : memref<320000xi32, #tpu.memory_space<hbm>> -> memref<80xi32, #tpu.memory_space<hbm>>
      tpu.wait_dma2 semaphore(%arg32 : memref<!tpu.dma_semaphore, #tpu.memory_space<semaphore_mem>>) src(%dma_wait3A_1152 : memref<80xi32, #tpu.memory_space<hbm>>) dst(%arg10 : memref<80xi32, #tpu.memory_space<vmem>>)
      %dma_start3A_1153 = arith.constant 0 : i32
      %dma_start3A_1154 = arith.constant 0 : i32
      %dma_start3A_1155 = tpu.memref_slice %arg19[%dma_start3A_1153, %dma_start3A_1154] : memref<10000x128xf32, #tpu.memory_space<vmem_shared>> -> memref<10000x128xf32, #tpu.memory_space<vmem_shared>>
      tpu.enqueue_indirect_dma source(%arg14 : memref<80x128xf32, #tpu.memory_space<vmem>>) target(%dma_start3A_1155 : memref<10000x128xf32, #tpu.memory_space<vmem_shared>>) offsets(%arg10 : memref<80xi32, #tpu.memory_space<vmem>>) semaphore(%arg24 : memref<!tpu.dma_semaphore, #tpu.memory_space<semaphore_mem>>) {add = true}
      %mul3A_1156 = arith.constant 4 : i32
      %mul3A_1157 = arith.muli %mul3A_1156, %scan3A_1092 : i32
      %add3A_1158 = arith.constant 1 : i32
      %add3A_1159 = arith.addi %mul3A_1157, %add3A_1158 : i32
      %dma_wait3A_1160 = arith.constant 0 : i32
      %dma_wait3A_1161 = arith.constant 0 : i32
      %dma_wait3A_1162 = tpu.memref_slice %arg2[%dma_wait3A_1160, %dma_wait3A_1161] : memref<10000x128xf32, #tpu.memory_space<hbm>> -> memref<10000x128xf32, #tpu.memory_space<hbm>>
      tpu.wait_indirect_dma semaphore(%arg21 : memref<!tpu.dma_semaphore, #tpu.memory_space<semaphore_mem>>) src(%dma_wait3A_1162 : memref<10000x128xf32, #tpu.memory_space<hbm>>) dst(%arg15 : memref<80x128xf32, #tpu.memory_space<vmem>>)
      %mul3A_1163 = arith.constant 80 : i32
      %mul3A_1164 = arith.muli %add3A_1159, %mul3A_1163 : i32
      %add3A_1165 = arith.addi %mul3A_2, %mul3A_1164 : i32
      %dma_wait3A_1166 = tpu.memref_slice %arg4[%add3A_1165] : memref<320000xi32, #tpu.memory_space<hbm>> -> memref<80xi32, #tpu.memory_space<hbm>>
      %dma_wait3A_1167 = tpu.memref_slice %arg4[%add3A_1165] : memref<320000xi32, #tpu.memory_space<hbm>> -> memref<80xi32, #tpu.memory_space<hbm>>
      tpu.wait_dma2 semaphore(%arg33 : memref<!tpu.dma_semaphore, #tpu.memory_space<semaphore_mem>>) src(%dma_wait3A_1167 : memref<80xi32, #tpu.memory_space<hbm>>) dst(%arg11 : memref<80xi32, #tpu.memory_space<vmem>>)
      %dma_start3A_1168 = arith.constant 0 : i32
      %dma_start3A_1169 = arith.constant 0 : i32
      %dma_start3A_1170 = tpu.memref_slice %arg19[%dma_start3A_1168, %dma_start3A_1169] : memref<10000x128xf32, #tpu.memory_space<vmem_shared>> -> memref<10000x128xf32, #tpu.memory_space<vmem_shared>>
      tpu.enqueue_indirect_dma source(%arg15 : memref<80x128xf32, #tpu.memory_space<vmem>>) target(%dma_start3A_1170 : memref<10000x128xf32, #tpu.memory_space<vmem_shared>>) offsets(%arg11 : memref<80xi32, #tpu.memory_space<vmem>>) semaphore(%arg25 : memref<!tpu.dma_semaphore, #tpu.memory_space<semaphore_mem>>) {add = true}
      %mul3A_1171 = arith.constant 4 : i32
      %mul3A_1172 = arith.muli %mul3A_1171, %scan3A_1092 : i32
      %add3A_1173 = arith.constant 2 : i32
      %add3A_1174 = arith.addi %mul3A_1172, %add3A_1173 : i32
      %dma_wait3A_1175 = arith.constant 0 : i32
      %dma_wait3A_1176 = arith.constant 0 : i32
      %dma_wait3A_1177 = tpu.memref_slice %arg2[%dma_wait3A_1175, %dma_wait3A_1176] : memref<10000x128xf32, #tpu.memory_space<hbm>> -> memref<10000x128xf32, #tpu.memory_space<hbm>>
      tpu.wait_indirect_dma semaphore(%arg22 : memref<!tpu.dma_semaphore, #tpu.memory_space<semaphore_mem>>) src(%dma_wait3A_1177 : memref<10000x128xf32, #tpu.memory_space<hbm>>) dst(%arg16 : memref<80x128xf32, #tpu.memory_space<vmem>>)
      %mul3A_1178 = arith.constant 80 : i32
      %mul3A_1179 = arith.muli %add3A_1174, %mul3A_1178 : i32
      %add3A_1180 = arith.addi %mul3A_2, %mul3A_1179 : i32
      %dma_wait3A_1181 = tpu.memref_slice %arg4[%add3A_1180] : memref<320000xi32, #tpu.memory_space<hbm>> -> memref<80xi32, #tpu.memory_space<hbm>>
      %dma_wait3A_1182 = tpu.memref_slice %arg4[%add3A_1180] : memref<320000xi32, #tpu.memory_space<hbm>> -> memref<80xi32, #tpu.memory_space<hbm>>
      tpu.wait_dma2 semaphore(%arg34 : memref<!tpu.dma_semaphore, #tpu.memory_space<semaphore_mem>>) src(%dma_wait3A_1182 : memref<80xi32, #tpu.memory_space<hbm>>) dst(%arg12 : memref<80xi32, #tpu.memory_space<vmem>>)
      %dma_start3A_1183 = arith.constant 0 : i32
      %dma_start3A_1184 = arith.constant 0 : i32
      %dma_start3A_1185 = tpu.memref_slice %arg19[%dma_start3A_1183, %dma_start3A_1184] : memref<10000x128xf32, #tpu.memory_space<vmem_shared>> -> memref<10000x128xf32, #tpu.memory_space<vmem_shared>>
      tpu.enqueue_indirect_dma source(%arg16 : memref<80x128xf32, #tpu.memory_space<vmem>>) target(%dma_start3A_1185 : memref<10000x128xf32, #tpu.memory_space<vmem_shared>>) offsets(%arg12 : memref<80xi32, #tpu.memory_space<vmem>>) semaphore(%arg26 : memref<!tpu.dma_semaphore, #tpu.memory_space<semaphore_mem>>) {add = true}
      %mul3A_1186 = arith.constant 4 : i32
      %mul3A_1187 = arith.muli %mul3A_1186, %scan3A_1092 : i32
      %add3A_1188 = arith.constant 3 : i32
      %add3A_1189 = arith.addi %mul3A_1187, %add3A_1188 : i32
      %dma_wait3A_1190 = arith.constant 0 : i32
      %dma_wait3A_1191 = arith.constant 0 : i32
      %dma_wait3A_1192 = tpu.memref_slice %arg2[%dma_wait3A_1190, %dma_wait3A_1191] : memref<10000x128xf32, #tpu.memory_space<hbm>> -> memref<10000x128xf32, #tpu.memory_space<hbm>>
      tpu.wait_indirect_dma semaphore(%arg23 : memref<!tpu.dma_semaphore, #tpu.memory_space<semaphore_mem>>) src(%dma_wait3A_1192 : memref<10000x128xf32, #tpu.memory_space<hbm>>) dst(%arg17 : memref<80x128xf32, #tpu.memory_space<vmem>>)
      %mul3A_1193 = arith.constant 80 : i32
      %mul3A_1194 = arith.muli %add3A_1189, %mul3A_1193 : i32
      %add3A_1195 = arith.addi %mul3A_2, %mul3A_1194 : i32
      %dma_wait3A_1196 = tpu.memref_slice %arg4[%add3A_1195] : memref<320000xi32, #tpu.memory_space<hbm>> -> memref<80xi32, #tpu.memory_space<hbm>>
      %dma_wait3A_1197 = tpu.memref_slice %arg4[%add3A_1195] : memref<320000xi32, #tpu.memory_space<hbm>> -> memref<80xi32, #tpu.memory_space<hbm>>
      tpu.wait_dma2 semaphore(%arg35 : memref<!tpu.dma_semaphore, #tpu.memory_space<semaphore_mem>>) src(%dma_wait3A_1197 : memref<80xi32, #tpu.memory_space<hbm>>) dst(%arg13 : memref<80xi32, #tpu.memory_space<vmem>>)
      %dma_start3A_1198 = arith.constant 0 : i32
      %dma_start3A_1199 = arith.constant 0 : i32
      %dma_start3A_1200 = tpu.memref_slice %arg19[%dma_start3A_1198, %dma_start3A_1199] : memref<10000x128xf32, #tpu.memory_space<vmem_shared>> -> memref<10000x128xf32, #tpu.memory_space<vmem_shared>>
      tpu.enqueue_indirect_dma source(%arg17 : memref<80x128xf32, #tpu.memory_space<vmem>>) target(%dma_start3A_1200 : memref<10000x128xf32, #tpu.memory_space<vmem_shared>>) offsets(%arg13 : memref<80xi32, #tpu.memory_space<vmem>>) semaphore(%arg27 : memref<!tpu.dma_semaphore, #tpu.memory_space<semaphore_mem>>) {add = true}
      %dma_wait3A_1201 = arith.constant 0 : i32
      %dma_wait3A_1202 = arith.constant 0 : i32
      %dma_wait3A_1203 = tpu.memref_slice %arg19[%dma_wait3A_1201, %dma_wait3A_1202] : memref<10000x128xf32, #tpu.memory_space<vmem_shared>> -> memref<10000x128xf32, #tpu.memory_space<vmem_shared>>
      tpu.wait_indirect_dma semaphore(%arg24 : memref<!tpu.dma_semaphore, #tpu.memory_space<semaphore_mem>>) src(%arg14 : memref<80x128xf32, #tpu.memory_space<vmem>>) dst(%dma_wait3A_1203 : memref<10000x128xf32, #tpu.memory_space<vmem_shared>>)
      %dma_wait3A_1204 = arith.constant 0 : i32
      %dma_wait3A_1205 = arith.constant 0 : i32
      %dma_wait3A_1206 = tpu.memref_slice %arg19[%dma_wait3A_1204, %dma_wait3A_1205] : memref<10000x128xf32, #tpu.memory_space<vmem_shared>> -> memref<10000x128xf32, #tpu.memory_space<vmem_shared>>
      tpu.wait_indirect_dma semaphore(%arg25 : memref<!tpu.dma_semaphore, #tpu.memory_space<semaphore_mem>>) src(%arg15 : memref<80x128xf32, #tpu.memory_space<vmem>>) dst(%dma_wait3A_1206 : memref<10000x128xf32, #tpu.memory_space<vmem_shared>>)
      %dma_wait3A_1207 = arith.constant 0 : i32
      %dma_wait3A_1208 = arith.constant 0 : i32
      %dma_wait3A_1209 = tpu.memref_slice %arg19[%dma_wait3A_1207, %dma_wait3A_1208] : memref<10000x128xf32, #tpu.memory_space<vmem_shared>> -> memref<10000x128xf32, #tpu.memory_space<vmem_shared>>
      tpu.wait_indirect_dma semaphore(%arg26 : memref<!tpu.dma_semaphore, #tpu.memory_space<semaphore_mem>>) src(%arg16 : memref<80x128xf32, #tpu.memory_space<vmem>>) dst(%dma_wait3A_1209 : memref<10000x128xf32, #tpu.memory_space<vmem_shared>>)
      %dma_wait3A_1210 = arith.constant 0 : i32
      %dma_wait3A_1211 = arith.constant 0 : i32
      %dma_wait3A_1212 = tpu.memref_slice %arg19[%dma_wait3A_1210, %dma_wait3A_1211] : memref<10000x128xf32, #tpu.memory_space<vmem_shared>> -> memref<10000x128xf32, #tpu.memory_space<vmem_shared>>
      tpu.wait_indirect_dma semaphore(%arg27 : memref<!tpu.dma_semaphore, #tpu.memory_space<semaphore_mem>>) src(%arg17 : memref<80x128xf32, #tpu.memory_space<vmem>>) dst(%dma_wait3A_1212 : memref<10000x128xf32, #tpu.memory_space<vmem_shared>>)
      %add3A_1213 = arith.constant 1 : i32
      %add3A_1214 = arith.addi %scan3A_1092, %add3A_1213 : i32
      %mul3A_1215 = arith.constant 4 : i32
      %mul3A_1216 = arith.muli %mul3A_1215, %add3A_1214 : i32
      %add3A_1217 = arith.constant 0 : i32
      %add3A_1218 = arith.addi %mul3A_1216, %add3A_1217 : i32
      %lt3A = arith.constant 125 : i32
      %lt3A_1219 = arith.cmpi slt, %add3A_1218, %lt3A : i32
      %convert_element_type3A_1220 = arith.extui %lt3A_1219 : i1 to i32
      %cond3A_1221 = arith.constant 0 : i32
      %cond3A_1222 = arith.cmpi ne, %convert_element_type3A_1220, %cond3A_1221 : i32
      scf.if %cond3A_1222 {
        %mul3A_1256 = arith.constant 80 : i32
        %mul3A_1257 = arith.muli %add3A_1218, %mul3A_1256 : i32
        %add3A_1258 = arith.addi %mul3A_2, %mul3A_1257 : i32
        %dma_start3A_1259 = tpu.memref_slice %arg3[%add3A_1258] : memref<320000xi32, #tpu.memory_space<hbm>> -> memref<80xi32, #tpu.memory_space<hbm>>
        %dma_start3A_1260 = tpu.memref_slice %arg3[%add3A_1258] : memref<320000xi32, #tpu.memory_space<hbm>> -> memref<80xi32, #tpu.memory_space<hbm>>
        tpu.enqueue_dma source(%dma_start3A_1260 : memref<80xi32, #tpu.memory_space<hbm>>) target(%arg6 : memref<80xi32, #tpu.memory_space<vmem>>) target_semaphore(%arg28 : memref<!tpu.dma_semaphore, #tpu.memory_space<semaphore_mem>>)
        %mul3A_1261 = arith.constant 80 : i32
        %mul3A_1262 = arith.muli %add3A_1218, %mul3A_1261 : i32
        %add3A_1263 = arith.addi %mul3A_2, %mul3A_1262 : i32
        %dma_start3A_1264 = tpu.memref_slice %arg4[%add3A_1263] : memref<320000xi32, #tpu.memory_space<hbm>> -> memref<80xi32, #tpu.memory_space<hbm>>
        %dma_start3A_1265 = tpu.memref_slice %arg4[%add3A_1263] : memref<320000xi32, #tpu.memory_space<hbm>> -> memref<80xi32, #tpu.memory_space<hbm>>
        tpu.enqueue_dma source(%dma_start3A_1265 : memref<80xi32, #tpu.memory_space<hbm>>) target(%arg10 : memref<80xi32, #tpu.memory_space<vmem>>) target_semaphore(%arg32 : memref<!tpu.dma_semaphore, #tpu.memory_space<semaphore_mem>>)
      } else {
      }
      %add3A_1223 = arith.constant 1 : i32
      %add3A_1224 = arith.addi %scan3A_1092, %add3A_1223 : i32
      %mul3A_1225 = arith.constant 4 : i32
      %mul3A_1226 = arith.muli %mul3A_1225, %add3A_1224 : i32
      %add3A_1227 = arith.constant 1 : i32
      %add3A_1228 = arith.addi %mul3A_1226, %add3A_1227 : i32
      %lt3A_1229 = arith.constant 125 : i32
      %lt3A_1230 = arith.cmpi slt, %add3A_1228, %lt3A_1229 : i32
      %convert_element_type3A_1231 = arith.extui %lt3A_1230 : i1 to i32
      %cond3A_1232 = arith.constant 0 : i32
      %cond3A_1233 = arith.cmpi ne, %convert_element_type3A_1231, %cond3A_1232 : i32
      scf.if %cond3A_1233 {
        %mul3A_1256 = arith.constant 80 : i32
        %mul3A_1257 = arith.muli %add3A_1228, %mul3A_1256 : i32
        %add3A_1258 = arith.addi %mul3A_2, %mul3A_1257 : i32
        %dma_start3A_1259 = tpu.memref_slice %arg3[%add3A_1258] : memref<320000xi32, #tpu.memory_space<hbm>> -> memref<80xi32, #tpu.memory_space<hbm>>
        %dma_start3A_1260 = tpu.memref_slice %arg3[%add3A_1258] : memref<320000xi32, #tpu.memory_space<hbm>> -> memref<80xi32, #tpu.memory_space<hbm>>
        tpu.enqueue_dma source(%dma_start3A_1260 : memref<80xi32, #tpu.memory_space<hbm>>) target(%arg7 : memref<80xi32, #tpu.memory_space<vmem>>) target_semaphore(%arg29 : memref<!tpu.dma_semaphore, #tpu.memory_space<semaphore_mem>>)
        %mul3A_1261 = arith.constant 80 : i32
        %mul3A_1262 = arith.muli %add3A_1228, %mul3A_1261 : i32
        %add3A_1263 = arith.addi %mul3A_2, %mul3A_1262 : i32
        %dma_start3A_1264 = tpu.memref_slice %arg4[%add3A_1263] : memref<320000xi32, #tpu.memory_space<hbm>> -> memref<80xi32, #tpu.memory_space<hbm>>
        %dma_start3A_1265 = tpu.memref_slice %arg4[%add3A_1263] : memref<320000xi32, #tpu.memory_space<hbm>> -> memref<80xi32, #tpu.memory_space<hbm>>
        tpu.enqueue_dma source(%dma_start3A_1265 : memref<80xi32, #tpu.memory_space<hbm>>) target(%arg11 : memref<80xi32, #tpu.memory_space<vmem>>) target_semaphore(%arg33 : memref<!tpu.dma_semaphore, #tpu.memory_space<semaphore_mem>>)
      } else {
      }
      %add3A_1234 = arith.constant 1 : i32
      %add3A_1235 = arith.addi %scan3A_1092, %add3A_1234 : i32
      %mul3A_1236 = arith.constant 4 : i32
      %mul3A_1237 = arith.muli %mul3A_1236, %add3A_1235 : i32
      %add3A_1238 = arith.constant 2 : i32
      %add3A_1239 = arith.addi %mul3A_1237, %add3A_1238 : i32
      %lt3A_1240 = arith.constant 125 : i32
      %lt3A_1241 = arith.cmpi slt, %add3A_1239, %lt3A_1240 : i32
      %convert_element_type3A_1242 = arith.extui %lt3A_1241 : i1 to i32
      %cond3A_1243 = arith.constant 0 : i32
      %cond3A_1244 = arith.cmpi ne, %convert_element_type3A_1242, %cond3A_1243 : i32
      scf.if %cond3A_1244 {
        %mul3A_1256 = arith.constant 80 : i32
        %mul3A_1257 = arith.muli %add3A_1239, %mul3A_1256 : i32
        %add3A_1258 = arith.addi %mul3A_2, %mul3A_1257 : i32
        %dma_start3A_1259 = tpu.memref_slice %arg3[%add3A_1258] : memref<320000xi32, #tpu.memory_space<hbm>> -> memref<80xi32, #tpu.memory_space<hbm>>
        %dma_start3A_1260 = tpu.memref_slice %arg3[%add3A_1258] : memref<320000xi32, #tpu.memory_space<hbm>> -> memref<80xi32, #tpu.memory_space<hbm>>
        tpu.enqueue_dma source(%dma_start3A_1260 : memref<80xi32, #tpu.memory_space<hbm>>) target(%arg8 : memref<80xi32, #tpu.memory_space<vmem>>) target_semaphore(%arg30 : memref<!tpu.dma_semaphore, #tpu.memory_space<semaphore_mem>>)
        %mul3A_1261 = arith.constant 80 : i32
        %mul3A_1262 = arith.muli %add3A_1239, %mul3A_1261 : i32
        %add3A_1263 = arith.addi %mul3A_2, %mul3A_1262 : i32
        %dma_start3A_1264 = tpu.memref_slice %arg4[%add3A_1263] : memref<320000xi32, #tpu.memory_space<hbm>> -> memref<80xi32, #tpu.memory_space<hbm>>
        %dma_start3A_1265 = tpu.memref_slice %arg4[%add3A_1263] : memref<320000xi32, #tpu.memory_space<hbm>> -> memref<80xi32, #tpu.memory_space<hbm>>
        tpu.enqueue_dma source(%dma_start3A_1265 : memref<80xi32, #tpu.memory_space<hbm>>) target(%arg12 : memref<80xi32, #tpu.memory_space<vmem>>) target_semaphore(%arg34 : memref<!tpu.dma_semaphore, #tpu.memory_space<semaphore_mem>>)
      } else {
      }
      %add3A_1245 = arith.constant 1 : i32
      %add3A_1246 = arith.addi %scan3A_1092, %add3A_1245 : i32
      %mul3A_1247 = arith.constant 4 : i32
      %mul3A_1248 = arith.muli %mul3A_1247, %add3A_1246 : i32
      %add3A_1249 = arith.constant 3 : i32
      %add3A_1250 = arith.addi %mul3A_1248, %add3A_1249 : i32
      %lt3A_1251 = arith.constant 125 : i32
      %lt3A_1252 = arith.cmpi slt, %add3A_1250, %lt3A_1251 : i32
      %convert_element_type3A_1253 = arith.extui %lt3A_1252 : i1 to i32
      %cond3A_1254 = arith.constant 0 : i32
      %cond3A_1255 = arith.cmpi ne, %convert_element_type3A_1253, %cond3A_1254 : i32
      scf.if %cond3A_1255 {
        %mul3A_1256 = arith.constant 80 : i32
        %mul3A_1257 = arith.muli %add3A_1250, %mul3A_1256 : i32
        %add3A_1258 = arith.addi %mul3A_2, %mul3A_1257 : i32
        %dma_start3A_1259 = tpu.memref_slice %arg3[%add3A_1258] : memref<320000xi32, #tpu.memory_space<hbm>> -> memref<80xi32, #tpu.memory_space<hbm>>
        %dma_start3A_1260 = tpu.memref_slice %arg3[%add3A_1258] : memref<320000xi32, #tpu.memory_space<hbm>> -> memref<80xi32, #tpu.memory_space<hbm>>
        tpu.enqueue_dma source(%dma_start3A_1260 : memref<80xi32, #tpu.memory_space<hbm>>) target(%arg9 : memref<80xi32, #tpu.memory_space<vmem>>) target_semaphore(%arg31 : memref<!tpu.dma_semaphore, #tpu.memory_space<semaphore_mem>>)
        %mul3A_1261 = arith.constant 80 : i32
        %mul3A_1262 = arith.muli %add3A_1250, %mul3A_1261 : i32
        %add3A_1263 = arith.addi %mul3A_2, %mul3A_1262 : i32
        %dma_start3A_1264 = tpu.memref_slice %arg4[%add3A_1263] : memref<320000xi32, #tpu.memory_space<hbm>> -> memref<80xi32, #tpu.memory_space<hbm>>
        %dma_start3A_1265 = tpu.memref_slice %arg4[%add3A_1263] : memref<320000xi32, #tpu.memory_space<hbm>> -> memref<80xi32, #tpu.memory_space<hbm>>
        tpu.enqueue_dma source(%dma_start3A_1265 : memref<80xi32, #tpu.memory_space<hbm>>) target(%arg13 : memref<80xi32, #tpu.memory_space<vmem>>) target_semaphore(%arg35 : memref<!tpu.dma_semaphore, #tpu.memory_space<semaphore_mem>>)
      } else {
      }
    }
    %scan3A_1068 = arith.constant 31 : i32
    %add3A_1069 = arith.constant 9920 : i32
    %add3A_1070 = arith.addi %mul3A_2, %add3A_1069 : i32
    %dma_wait3A = tpu.memref_slice %arg3[%add3A_1070] : memref<320000xi32, #tpu.memory_space<hbm>> -> memref<80xi32, #tpu.memory_space<hbm>>
    %dma_wait3A_1071 = tpu.memref_slice %arg3[%add3A_1070] : memref<320000xi32, #tpu.memory_space<hbm>> -> memref<80xi32, #tpu.memory_space<hbm>>
    tpu.wait_dma2 semaphore(%arg28 : memref<!tpu.dma_semaphore, #tpu.memory_space<semaphore_mem>>) src(%dma_wait3A_1071 : memref<80xi32, #tpu.memory_space<hbm>>) dst(%arg6 : memref<80xi32, #tpu.memory_space<vmem>>)
    %dma_start3A_1072 = arith.constant 0 : i32
    %dma_start3A_1073 = arith.constant 0 : i32
    %dma_start3A_1074 = tpu.memref_slice %arg2[%dma_start3A_1072, %dma_start3A_1073] : memref<10000x128xf32, #tpu.memory_space<hbm>> -> memref<10000x128xf32, #tpu.memory_space<hbm>>
    tpu.enqueue_indirect_dma source(%dma_start3A_1074 : memref<10000x128xf32, #tpu.memory_space<hbm>>) target(%arg14 : memref<80x128xf32, #tpu.memory_space<vmem>>) offsets(%arg6 : memref<80xi32, #tpu.memory_space<vmem>>) semaphore(%arg20 : memref<!tpu.dma_semaphore, #tpu.memory_space<semaphore_mem>>)
    %dma_wait3A_1075 = arith.constant 0 : i32
    %dma_wait3A_1076 = arith.constant 0 : i32
    %dma_wait3A_1077 = tpu.memref_slice %arg2[%dma_wait3A_1075, %dma_wait3A_1076] : memref<10000x128xf32, #tpu.memory_space<hbm>> -> memref<10000x128xf32, #tpu.memory_space<hbm>>
    tpu.wait_indirect_dma semaphore(%arg20 : memref<!tpu.dma_semaphore, #tpu.memory_space<semaphore_mem>>) src(%dma_wait3A_1077 : memref<10000x128xf32, #tpu.memory_space<hbm>>) dst(%arg14 : memref<80x128xf32, #tpu.memory_space<vmem>>)
    %add3A_1078 = arith.constant 9920 : i32
    %add3A_1079 = arith.addi %mul3A_2, %add3A_1078 : i32
    %dma_wait3A_1080 = tpu.memref_slice %arg4[%add3A_1079] : memref<320000xi32, #tpu.memory_space<hbm>> -> memref<80xi32, #tpu.memory_space<hbm>>
    %dma_wait3A_1081 = tpu.memref_slice %arg4[%add3A_1079] : memref<320000xi32, #tpu.memory_space<hbm>> -> memref<80xi32, #tpu.memory_space<hbm>>
    tpu.wait_dma2 semaphore(%arg32 : memref<!tpu.dma_semaphore, #tpu.memory_space<semaphore_mem>>) src(%dma_wait3A_1081 : memref<80xi32, #tpu.memory_space<hbm>>) dst(%arg10 : memref<80xi32, #tpu.memory_space<vmem>>)
    "tpu.region"() ({
      %run_scoped3A = tpu.sem_alloc : memref<!tpu.dma_semaphore, #tpu.memory_space<semaphore_mem>>
      %dma_start3A_1092 = arith.constant 0 : i32
      %dma_start3A_1093 = arith.constant 0 : i32
      %dma_start3A_1094 = tpu.memref_slice %arg19[%dma_start3A_1092, %dma_start3A_1093] : memref<10000x128xf32, #tpu.memory_space<vmem_shared>> -> memref<10000x128xf32, #tpu.memory_space<vmem_shared>>
      tpu.enqueue_indirect_dma source(%arg14 : memref<80x128xf32, #tpu.memory_space<vmem>>) target(%dma_start3A_1094 : memref<10000x128xf32, #tpu.memory_space<vmem_shared>>) offsets(%arg10 : memref<80xi32, #tpu.memory_space<vmem>>) semaphore(%run_scoped3A : memref<!tpu.dma_semaphore, #tpu.memory_space<semaphore_mem>>) {add = true}
      %dma_wait3A_1095 = arith.constant 0 : i32
      %dma_wait3A_1096 = arith.constant 0 : i32
      %dma_wait3A_1097 = tpu.memref_slice %arg19[%dma_wait3A_1095, %dma_wait3A_1096] : memref<10000x128xf32, #tpu.memory_space<vmem_shared>> -> memref<10000x128xf32, #tpu.memory_space<vmem_shared>>
      tpu.wait_indirect_dma semaphore(%run_scoped3A : memref<!tpu.dma_semaphore, #tpu.memory_space<semaphore_mem>>) src(%arg14 : memref<80x128xf32, #tpu.memory_space<vmem>>) dst(%dma_wait3A_1097 : memref<10000x128xf32, #tpu.memory_space<vmem_shared>>)
      tpu.yield
    }) : () -> ()
    %barrier3A_1082 = arith.constant 0 : index
    tpu.barrier barrier_id(%barrier3A_1082)
    %mul3A_1083 = arith.constant 624 : i32
    %mul3A_1084 = arith.muli %arg1, %mul3A_1083 : i32
    %mul3A_1085 = arith.constant 624 : i32
    %mul3A_1086 = arith.muli %arg1, %mul3A_1085 : i32
    "tpu.region"() ({
      %run_scoped3A = tpu.sem_alloc : memref<!tpu.dma_semaphore, #tpu.memory_space<semaphore_mem>>
      %dma_start3A_1092 = arith.constant 0 : i32
      %dma_start3A_1093 = tpu.memref_slice %arg5[%arg0, %mul3A_1086, %dma_start3A_1092] : memref<2x10000x128xf32, #tpu.memory_space<hbm>> -> memref<1x624x128xf32, #tpu.memory_space<hbm>>
      %dma_start3A_1094 = tpu.memref_squeeze %dma_start3A_1093 : memref<1x624x128xf32, #tpu.memory_space<hbm>> -> memref<624x128xf32, #tpu.memory_space<hbm>>
      %dma_start3A_1095 = arith.constant 0 : i32
      %dma_start3A_1096 = tpu.memref_slice %arg19[%mul3A_1084, %dma_start3A_1095] : memref<10000x128xf32, #tpu.memory_space<vmem_shared>> -> memref<624x128xf32, #tpu.memory_space<vmem_shared>>
      tpu.enqueue_dma source(%dma_start3A_1096 : memref<624x128xf32, #tpu.memory_space<vmem_shared>>) target(%dma_start3A_1094 : memref<624x128xf32, #tpu.memory_space<hbm>>) target_semaphore(%run_scoped3A : memref<!tpu.dma_semaphore, #tpu.memory_space<semaphore_mem>>)
      %dma_wait3A_1097 = arith.constant 0 : i32
      %dma_wait3A_1098 = tpu.memref_slice %arg5[%arg0, %mul3A_1086, %dma_wait3A_1097] : memref<2x10000x128xf32, #tpu.memory_space<hbm>> -> memref<1x624x128xf32, #tpu.memory_space<hbm>>
      %dma_wait3A_1099 = tpu.memref_squeeze %dma_wait3A_1098 : memref<1x624x128xf32, #tpu.memory_space<hbm>> -> memref<624x128xf32, #tpu.memory_space<hbm>>
      %dma_wait3A_1100 = arith.constant 0 : i32
      %dma_wait3A_1101 = tpu.memref_slice %arg19[%mul3A_1084, %dma_wait3A_1100] : memref<10000x128xf32, #tpu.memory_space<vmem_shared>> -> memref<624x128xf32, #tpu.memory_space<vmem_shared>>
      tpu.wait_dma2 semaphore(%run_scoped3A : memref<!tpu.dma_semaphore, #tpu.memory_space<semaphore_mem>>) src(%dma_wait3A_1101 : memref<624x128xf32, #tpu.memory_space<vmem_shared>>) dst(%dma_wait3A_1099 : memref<624x128xf32, #tpu.memory_space<hbm>>)
      tpu.yield
    }) : () -> ()
    %eq3A_1087 = arith.constant 15 : i32
    %eq3A_1088 = arith.cmpi eq, %arg1, %eq3A_1087 : i32
    %convert_element_type3A_1089 = arith.extui %eq3A_1088 : i1 to i32
    %cond3A_1090 = arith.constant 0 : i32
    %cond3A_1091 = arith.cmpi ne, %convert_element_type3A_1089, %cond3A_1090 : i32
    scf.if %cond3A_1091 {
      "tpu.region"() ({
        %run_scoped3A = tpu.sem_alloc : memref<!tpu.dma_semaphore, #tpu.memory_space<semaphore_mem>>
        %dma_start3A_1092 = arith.constant 9984 : i32
        %dma_start3A_1093 = arith.constant 0 : i32
        %dma_start3A_1094 = tpu.memref_slice %arg5[%arg0, %dma_start3A_1092, %dma_start3A_1093] : memref<2x10000x128xf32, #tpu.memory_space<hbm>> -> memref<1x16x128xf32, #tpu.memory_space<hbm>>
        %dma_start3A_1095 = tpu.memref_squeeze %dma_start3A_1094 : memref<1x16x128xf32, #tpu.memory_space<hbm>> -> memref<16x128xf32, #tpu.memory_space<hbm>>
        %dma_start3A_1096 = arith.constant 9984 : i32
        %dma_start3A_1097 = arith.constant 0 : i32
        %dma_start3A_1098 = tpu.memref_slice %arg19[%dma_start3A_1096, %dma_start3A_1097] : memref<10000x128xf32, #tpu.memory_space<vmem_shared>> -> memref<16x128xf32, #tpu.memory_space<vmem_shared>>
        tpu.enqueue_dma source(%dma_start3A_1098 : memref<16x128xf32, #tpu.memory_space<vmem_shared>>) target(%dma_start3A_1095 : memref<16x128xf32, #tpu.memory_space<hbm>>) target_semaphore(%run_scoped3A : memref<!tpu.dma_semaphore, #tpu.memory_space<semaphore_mem>>)
        %dma_wait3A_1099 = arith.constant 9984 : i32
        %dma_wait3A_1100 = arith.constant 0 : i32
        %dma_wait3A_1101 = tpu.memref_slice %arg5[%arg0, %dma_wait3A_1099, %dma_wait3A_1100] : memref<2x10000x128xf32, #tpu.memory_space<hbm>> -> memref<1x16x128xf32, #tpu.memory_space<hbm>>
        %dma_wait3A_1102 = tpu.memref_squeeze %dma_wait3A_1101 : memref<1x16x128xf32, #tpu.memory_space<hbm>> -> memref<16x128xf32, #tpu.memory_space<hbm>>
        %dma_wait3A_1103 = arith.constant 9984 : i32
        %dma_wait3A_1104 = arith.constant 0 : i32
        %dma_wait3A_1105 = tpu.memref_slice %arg19[%dma_wait3A_1103, %dma_wait3A_1104] : memref<10000x128xf32, #tpu.memory_space<vmem_shared>> -> memref<16x128xf32, #tpu.memory_space<vmem_shared>>
        tpu.wait_dma2 semaphore(%run_scoped3A : memref<!tpu.dma_semaphore, #tpu.memory_space<semaphore_mem>>) src(%dma_wait3A_1105 : memref<16x128xf32, #tpu.memory_space<vmem_shared>>) dst(%dma_wait3A_1102 : memref<16x128xf32, #tpu.memory_space<hbm>>)
        tpu.yield
      }) : () -> ()
    } else {
    }
    return
  }
}

#map = affine_map<(d0, d1) -> (0, 0)>
#map1 = affine_map<(d0, d1) -> (0)>
#map2 = affine_map<(d0, d1) -> (0, 0, 0)>
module attributes {stable_mosaic.version = 14 : i64} {
  func.func @scat_kernel(%arg0: i32, %arg1: i32, %arg2: memref<10000x128xf32, #tpu.memory_space<hbm>>, %arg3: memref<320000xi32, #tpu.memory_space<hbm>>, %arg4: memref<320000xi32, #tpu.memory_space<hbm>>, %arg5: memref<2x10000x128xf32, #tpu.memory_space<hbm>>, %arg6: memref<80xi32, #tpu.memory_space<vmem>>, %arg7: memref<80xi32, #tpu.memory_space<vmem>>, %arg8: memref<80xi32, #tpu.memory_space<vmem>>, %arg9: memref<80xi32, #tpu.memory_space<vmem>>, %arg10: memref<80xi32, #tpu.memory_space<vmem>>, %arg11: memref<80xi32, #tpu.memory_space<vmem>>, %arg12: memref<80xi32, #tpu.memory_space<vmem>>, %arg13: memref<80xi32, #tpu.memory_space<vmem>>, %arg14: memref<80x128xf32, #tpu.memory_space<vmem>>, %arg15: memref<80x128xf32, #tpu.memory_space<vmem>>, %arg16: memref<80x128xf32, #tpu.memory_space<vmem>>, %arg17: memref<80x128xf32, #tpu.memory_space<vmem>>, %arg18: memref<16x128xf32, #tpu.memory_space<vmem>>, %arg19: memref<10000x128xf32, #tpu.memory_space<vmem_shared>>, %arg20: memref<!tpu.dma_semaphore, #tpu.memory_space<semaphore_mem>>, %arg21: memref<!tpu.dma_semaphore, #tpu.memory_space<semaphore_mem>>, %arg22: memref<!tpu.dma_semaphore, #tpu.memory_space<semaphore_mem>>, %arg23: memref<!tpu.dma_semaphore, #tpu.memory_space<semaphore_mem>>, %arg24: memref<!tpu.dma_semaphore, #tpu.memory_space<semaphore_mem>>, %arg25: memref<!tpu.dma_semaphore, #tpu.memory_space<semaphore_mem>>, %arg26: memref<!tpu.dma_semaphore, #tpu.memory_space<semaphore_mem>>, %arg27: memref<!tpu.dma_semaphore, #tpu.memory_space<semaphore_mem>>, %arg28: memref<!tpu.dma_semaphore, #tpu.memory_space<semaphore_mem>>, %arg29: memref<!tpu.dma_semaphore, #tpu.memory_space<semaphore_mem>>, %arg30: memref<!tpu.dma_semaphore, #tpu.memory_space<semaphore_mem>>, %arg31: memref<!tpu.dma_semaphore, #tpu.memory_space<semaphore_mem>>, %arg32: memref<!tpu.dma_semaphore, #tpu.memory_space<semaphore_mem>>, %arg33: memref<!tpu.dma_semaphore, #tpu.memory_space<semaphore_mem>>, %arg34: memref<!tpu.dma_semaphore, #tpu.memory_space<semaphore_mem>>, %arg35: memref<!tpu.dma_semaphore, #tpu.memory_space<semaphore_mem>>) attributes {dimension_semantics = [#tpu.dimension_semantics<core_parallel>, #tpu.dimension_semantics<subcore_parallel>], iteration_bounds = array<i64: 2, 16>, scalar_prefetch = 0 : i64, scratch_operands = 30 : i64, tpu.core_type = #tpu.core_type<sc_vector_subcore>, window_params = [{transform_indices = #map}, {transform_indices = #map1}, {transform_indices = #map1}, {transform_indices = #map2}]} {
    %mul3A = arith.constant 16 : i32
    %mul3A_0 = arith.muli %arg0, %mul3A : i32
    %add3A = arith.addi %mul3A_0, %arg1 : i32
    %mul3A_1 = arith.constant 10000 : i32
    %mul3A_2 = arith.muli %add3A, %mul3A_1 : i32
    %broadcast_in_dim3A = arith.constant 0.000000e+00 : f32
    %broadcast_in_dim3A_3 = vector.broadcast %broadcast_in_dim3A : f32 to vector<16xf32>
    %swap3A = arith.constant 0 : i32
    %swap3A_4 = arith.index_cast %swap3A : i32 to index
    %swap3A_5 = arith.constant 0 : index
    %swap3A_6 = tpu.vector_load %arg18[%swap3A_4, %swap3A_5] {strides = array<i32>} : memref<16x128xf32, #tpu.memory_space<vmem>>, vector<1x16xf32>,
    %swap3A_7 = vector.shape_cast %swap3A_6 : vector<1x16xf32> to vector<16xf32>
    %swap3A_8 = vector.shape_cast %broadcast_in_dim3A_3 : vector<16xf32> to vector<1x16xf32>
    tpu.vector_store %arg18[%swap3A_4, %swap3A_5], %swap3A_8 {strides = array<i32>} : memref<16x128xf32, #tpu.memory_space<vmem>>, vector<1x16xf32>,
    %broadcast_in_dim3A_9 = arith.constant 0.000000e+00 : f32
    %broadcast_in_dim3A_10 = vector.broadcast %broadcast_in_dim3A_9 : f32 to vector<16xf32>
    %swap3A_11 = arith.constant 0 : i32
    %swap3A_12 = arith.index_cast %swap3A_11 : i32 to index
    %swap3A_13 = arith.constant 16 : index
    %swap3A_14 = tpu.vector_load %arg18[%swap3A_12, %swap3A_13] {strides = array<i32>} : memref<16x128xf32, #tpu.memory_space<vmem>>, vector<1x16xf32>,
    %swap3A_15 = vector.shape_cast %swap3A_14 : vector<1x16xf32> to vector<16xf32>
    %swap3A_16 = vector.shape_cast %broadcast_in_dim3A_10 : vector<16xf32> to vector<1x16xf32>
    tpu.vector_store %arg18[%swap3A_12, %swap3A_13], %swap3A_16 {strides = array<i32>} : memref<16x128xf32, #tpu.memory_space<vmem>>, vector<1x16xf32>,
    %broadcast_in_dim3A_17 = arith.constant 0.000000e+00 : f32
    %broadcast_in_dim3A_18 = vector.broadcast %broadcast_in_dim3A_17 : f32 to vector<16xf32>
    %swap3A_19 = arith.constant 0 : i32
    %swap3A_20 = arith.index_cast %swap3A_19 : i32 to index
    %swap3A_21 = arith.constant 32 : index
    %swap3A_22 = tpu.vector_load %arg18[%swap3A_20, %swap3A_21] {strides = array<i32>} : memref<16x128xf32, #tpu.memory_space<vmem>>, vector<1x16xf32>,
    %swap3A_23 = vector.shape_cast %swap3A_22 : vector<1x16xf32> to vector<16xf32>
    %swap3A_24 = vector.shape_cast %broadcast_in_dim3A_18 : vector<16xf32> to vector<1x16xf32>
    tpu.vector_store %arg18[%swap3A_20, %swap3A_21], %swap3A_24 {strides = array<i32>} : memref<16x128xf32, #tpu.memory_space<vmem>>, vector<1x16xf32>,
    %broadcast_in_dim3A_25 = arith.constant 0.000000e+00 : f32
    %broadcast_in_dim3A_26 = vector.broadcast %broadcast_in_dim3A_25 : f32 to vector<16xf32>
    %swap3A_27 = arith.constant 0 : i32
    %swap3A_28 = arith.index_cast %swap3A_27 : i32 to index
    %swap3A_29 = arith.constant 48 : index
    %swap3A_30 = tpu.vector_load %arg18[%swap3A_28, %swap3A_29] {strides = array<i32>} : memref<16x128xf32, #tpu.memory_space<vmem>>, vector<1x16xf32>,
    %swap3A_31 = vector.shape_cast %swap3A_30 : vector<1x16xf32> to vector<16xf32>
    %swap3A_32 = vector.shape_cast %broadcast_in_dim3A_26 : vector<16xf32> to vector<1x16xf32>
    tpu.vector_store %arg18[%swap3A_28, %swap3A_29], %swap3A_32 {strides = array<i32>} : memref<16x128xf32, #tpu.memory_space<vmem>>, vector<1x16xf32>,
    %broadcast_in_dim3A_33 = arith.constant 0.000000e+00 : f32
    %broadcast_in_dim3A_34 = vector.broadcast %broadcast_in_dim3A_33 : f32 to vector<16xf32>
    %swap3A_35 = arith.constant 0 : i32
    %swap3A_36 = arith.index_cast %swap3A_35 : i32 to index
    %swap3A_37 = arith.constant 64 : index
    %swap3A_38 = tpu.vector_load %arg18[%swap3A_36, %swap3A_37] {strides = array<i32>} : memref<16x128xf32, #tpu.memory_space<vmem>>, vector<1x16xf32>,
    %swap3A_39 = vector.shape_cast %swap3A_38 : vector<1x16xf32> to vector<16xf32>
    %swap3A_40 = vector.shape_cast %broadcast_in_dim3A_34 : vector<16xf32> to vector<1x16xf32>
    tpu.vector_store %arg18[%swap3A_36, %swap3A_37], %swap3A_40 {strides = array<i32>} : memref<16x128xf32, #tpu.memory_space<vmem>>, vector<1x16xf32>,
    %broadcast_in_dim3A_41 = arith.constant 0.000000e+00 : f32
    %broadcast_in_dim3A_42 = vector.broadcast %broadcast_in_dim3A_41 : f32 to vector<16xf32>
    %swap3A_43 = arith.constant 0 : i32
    %swap3A_44 = arith.index_cast %swap3A_43 : i32 to index
    %swap3A_45 = arith.constant 80 : index
    %swap3A_46 = tpu.vector_load %arg18[%swap3A_44, %swap3A_45] {strides = array<i32>} : memref<16x128xf32, #tpu.memory_space<vmem>>, vector<1x16xf32>,
    %swap3A_47 = vector.shape_cast %swap3A_46 : vector<1x16xf32> to vector<16xf32>
    %swap3A_48 = vector.shape_cast %broadcast_in_dim3A_42 : vector<16xf32> to vector<1x16xf32>
    tpu.vector_store %arg18[%swap3A_44, %swap3A_45], %swap3A_48 {strides = array<i32>} : memref<16x128xf32, #tpu.memory_space<vmem>>, vector<1x16xf32>,
    %broadcast_in_dim3A_49 = arith.constant 0.000000e+00 : f32
    %broadcast_in_dim3A_50 = vector.broadcast %broadcast_in_dim3A_49 : f32 to vector<16xf32>
    %swap3A_51 = arith.constant 0 : i32
    %swap3A_52 = arith.index_cast %swap3A_51 : i32 to index
    %swap3A_53 = arith.constant 96 : index
    %swap3A_54 = tpu.vector_load %arg18[%swap3A_52, %swap3A_53] {strides = array<i32>} : memref<16x128xf32, #tpu.memory_space<vmem>>, vector<1x16xf32>,
    %swap3A_55 = vector.shape_cast %swap3A_54 : vector<1x16xf32> to vector<16xf32>
    %swap3A_56 = vector.shape_cast %broadcast_in_dim3A_50 : vector<16xf32> to vector<1x16xf32>
    tpu.vector_store %arg18[%swap3A_52, %swap3A_53], %swap3A_56 {strides = array<i32>} : memref<16x128xf32, #tpu.memory_space<vmem>>, vector<1x16xf32>,
    %broadcast_in_dim3A_57 = arith.constant 0.000000e+00 : f32
    %broadcast_in_dim3A_58 = vector.broadcast %broadcast_in_dim3A_57 : f32 to vector<16xf32>
    %swap3A_59 = arith.constant 0 : i32
    %swap3A_60 = arith.index_cast %swap3A_59 : i32 to index
    %swap3A_61 = arith.constant 112 : index
    %swap3A_62 = tpu.vector_load %arg18[%swap3A_60, %swap3A_61] {strides = array<i32>} : memref<16x128xf32, #tpu.memory_space<vmem>>, vector<1x16xf32>,
    %swap3A_63 = vector.shape_cast %swap3A_62 : vector<1x16xf32> to vector<16xf32>
    %swap3A_64 = vector.shape_cast %broadcast_in_dim3A_58 : vector<16xf32> to vector<1x16xf32>
    tpu.vector_store %arg18[%swap3A_60, %swap3A_61], %swap3A_64 {strides = array<i32>} : memref<16x128xf32, #tpu.memory_space<vmem>>, vector<1x16xf32>,
    %broadcast_in_dim3A_65 = arith.constant 0.000000e+00 : f32
    %broadcast_in_dim3A_66 = vector.broadcast %broadcast_in_dim3A_65 : f32 to vector<16xf32>
    %swap3A_67 = arith.constant 1 : i32
    %swap3A_68 = arith.index_cast %swap3A_67 : i32 to index
    %swap3A_69 = arith.constant 0 : index
    %swap3A_70 = tpu.vector_load %arg18[%swap3A_68, %swap3A_69] {strides = array<i32>} : memref<16x128xf32, #tpu.memory_space<vmem>>, vector<1x16xf32>,
    %swap3A_71 = vector.shape_cast %swap3A_70 : vector<1x16xf32> to vector<16xf32>
    %swap3A_72 = vector.shape_cast %broadcast_in_dim3A_66 : vector<16xf32> to vector<1x16xf32>
    tpu.vector_store %arg18[%swap3A_68, %swap3A_69], %swap3A_72 {strides = array<i32>} : memref<16x128xf32, #tpu.memory_space<vmem>>, vector<1x16xf32>,
    %broadcast_in_dim3A_73 = arith.constant 0.000000e+00 : f32
    %broadcast_in_dim3A_74 = vector.broadcast %broadcast_in_dim3A_73 : f32 to vector<16xf32>
    %swap3A_75 = arith.constant 1 : i32
    %swap3A_76 = arith.index_cast %swap3A_75 : i32 to index
    %swap3A_77 = arith.constant 16 : index
    %swap3A_78 = tpu.vector_load %arg18[%swap3A_76, %swap3A_77] {strides = array<i32>} : memref<16x128xf32, #tpu.memory_space<vmem>>, vector<1x16xf32>,
    %swap3A_79 = vector.shape_cast %swap3A_78 : vector<1x16xf32> to vector<16xf32>
    %swap3A_80 = vector.shape_cast %broadcast_in_dim3A_74 : vector<16xf32> to vector<1x16xf32>
    tpu.vector_store %arg18[%swap3A_76, %swap3A_77], %swap3A_80 {strides = array<i32>} : memref<16x128xf32, #tpu.memory_space<vmem>>, vector<1x16xf32>,
    %broadcast_in_dim3A_81 = arith.constant 0.000000e+00 : f32
    %broadcast_in_dim3A_82 = vector.broadcast %broadcast_in_dim3A_81 : f32 to vector<16xf32>
    %swap3A_83 = arith.constant 1 : i32
    %swap3A_84 = arith.index_cast %swap3A_83 : i32 to index
    %swap3A_85 = arith.constant 32 : index
    %swap3A_86 = tpu.vector_load %arg18[%swap3A_84, %swap3A_85] {strides = array<i32>} : memref<16x128xf32, #tpu.memory_space<vmem>>, vector<1x16xf32>,
    %swap3A_87 = vector.shape_cast %swap3A_86 : vector<1x16xf32> to vector<16xf32>
    %swap3A_88 = vector.shape_cast %broadcast_in_dim3A_82 : vector<16xf32> to vector<1x16xf32>
    tpu.vector_store %arg18[%swap3A_84, %swap3A_85], %swap3A_88 {strides = array<i32>} : memref<16x128xf32, #tpu.memory_space<vmem>>, vector<1x16xf32>,
    %broadcast_in_dim3A_89 = arith.constant 0.000000e+00 : f32
    %broadcast_in_dim3A_90 = vector.broadcast %broadcast_in_dim3A_89 : f32 to vector<16xf32>
    %swap3A_91 = arith.constant 1 : i32
    %swap3A_92 = arith.index_cast %swap3A_91 : i32 to index
    %swap3A_93 = arith.constant 48 : index
    %swap3A_94 = tpu.vector_load %arg18[%swap3A_92, %swap3A_93] {strides = array<i32>} : memref<16x128xf32, #tpu.memory_space<vmem>>, vector<1x16xf32>,
    %swap3A_95 = vector.shape_cast %swap3A_94 : vector<1x16xf32> to vector<16xf32>
    %swap3A_96 = vector.shape_cast %broadcast_in_dim3A_90 : vector<16xf32> to vector<1x16xf32>
    tpu.vector_store %arg18[%swap3A_92, %swap3A_93], %swap3A_96 {strides = array<i32>} : memref<16x128xf32, #tpu.memory_space<vmem>>, vector<1x16xf32>,
    %broadcast_in_dim3A_97 = arith.constant 0.000000e+00 : f32
    %broadcast_in_dim3A_98 = vector.broadcast %broadcast_in_dim3A_97 : f32 to vector<16xf32>
    %swap3A_99 = arith.constant 1 : i32
    %swap3A_100 = arith.index_cast %swap3A_99 : i32 to index
    %swap3A_101 = arith.constant 64 : index
    %swap3A_102 = tpu.vector_load %arg18[%swap3A_100, %swap3A_101] {strides = array<i32>} : memref<16x128xf32, #tpu.memory_space<vmem>>, vector<1x16xf32>,
    %swap3A_103 = vector.shape_cast %swap3A_102 : vector<1x16xf32> to vector<16xf32>
    %swap3A_104 = vector.shape_cast %broadcast_in_dim3A_98 : vector<16xf32> to vector<1x16xf32>
    tpu.vector_store %arg18[%swap3A_100, %swap3A_101], %swap3A_104 {strides = array<i32>} : memref<16x128xf32, #tpu.memory_space<vmem>>, vector<1x16xf32>,
    %broadcast_in_dim3A_105 = arith.constant 0.000000e+00 : f32
    %broadcast_in_dim3A_106 = vector.broadcast %broadcast_in_dim3A_105 : f32 to vector<16xf32>
    %swap3A_107 = arith.constant 1 : i32
    %swap3A_108 = arith.index_cast %swap3A_107 : i32 to index
    %swap3A_109 = arith.constant 80 : index
    %swap3A_110 = tpu.vector_load %arg18[%swap3A_108, %swap3A_109] {strides = array<i32>} : memref<16x128xf32, #tpu.memory_space<vmem>>, vector<1x16xf32>,
    %swap3A_111 = vector.shape_cast %swap3A_110 : vector<1x16xf32> to vector<16xf32>
    %swap3A_112 = vector.shape_cast %broadcast_in_dim3A_106 : vector<16xf32> to vector<1x16xf32>
    tpu.vector_store %arg18[%swap3A_108, %swap3A_109], %swap3A_112 {strides = array<i32>} : memref<16x128xf32, #tpu.memory_space<vmem>>, vector<1x16xf32>,
    %broadcast_in_dim3A_113 = arith.constant 0.000000e+00 : f32
    %broadcast_in_dim3A_114 = vector.broadcast %broadcast_in_dim3A_113 : f32 to vector<16xf32>
    %swap3A_115 = arith.constant 1 : i32
    %swap3A_116 = arith.index_cast %swap3A_115 : i32 to index
    %swap3A_117 = arith.constant 96 : index
    %swap3A_118 = tpu.vector_load %arg18[%swap3A_116, %swap3A_117] {strides = array<i32>} : memref<16x128xf32, #tpu.memory_space<vmem>>, vector<1x16xf32>,
    %swap3A_119 = vector.shape_cast %swap3A_118 : vector<1x16xf32> to vector<16xf32>
    %swap3A_120 = vector.shape_cast %broadcast_in_dim3A_114 : vector<16xf32> to vector<1x16xf32>
    tpu.vector_store %arg18[%swap3A_116, %swap3A_117], %swap3A_120 {strides = array<i32>} : memref<16x128xf32, #tpu.memory_space<vmem>>, vector<1x16xf32>,
    %broadcast_in_dim3A_121 = arith.constant 0.000000e+00 : f32
    %broadcast_in_dim3A_122 = vector.broadcast %broadcast_in_dim3A_121 : f32 to vector<16xf32>
    %swap3A_123 = arith.constant 1 : i32
    %swap3A_124 = arith.index_cast %swap3A_123 : i32 to index
    %swap3A_125 = arith.constant 112 : index
    %swap3A_126 = tpu.vector_load %arg18[%swap3A_124, %swap3A_125] {strides = array<i32>} : memref<16x128xf32, #tpu.memory_space<vmem>>, vector<1x16xf32>,
    %swap3A_127 = vector.shape_cast %swap3A_126 : vector<1x16xf32> to vector<16xf32>
    %swap3A_128 = vector.shape_cast %broadcast_in_dim3A_122 : vector<16xf32> to vector<1x16xf32>
    tpu.vector_store %arg18[%swap3A_124, %swap3A_125], %swap3A_128 {strides = array<i32>} : memref<16x128xf32, #tpu.memory_space<vmem>>, vector<1x16xf32>,
    %broadcast_in_dim3A_129 = arith.constant 0.000000e+00 : f32
    %broadcast_in_dim3A_130 = vector.broadcast %broadcast_in_dim3A_129 : f32 to vector<16xf32>
    %swap3A_131 = arith.constant 2 : i32
    %swap3A_132 = arith.index_cast %swap3A_131 : i32 to index
    %swap3A_133 = arith.constant 0 : index
    %swap3A_134 = tpu.vector_load %arg18[%swap3A_132, %swap3A_133] {strides = array<i32>} : memref<16x128xf32, #tpu.memory_space<vmem>>, vector<1x16xf32>,
    %swap3A_135 = vector.shape_cast %swap3A_134 : vector<1x16xf32> to vector<16xf32>
    %swap3A_136 = vector.shape_cast %broadcast_in_dim3A_130 : vector<16xf32> to vector<1x16xf32>
    tpu.vector_store %arg18[%swap3A_132, %swap3A_133], %swap3A_136 {strides = array<i32>} : memref<16x128xf32, #tpu.memory_space<vmem>>, vector<1x16xf32>,
    %broadcast_in_dim3A_137 = arith.constant 0.000000e+00 : f32
    %broadcast_in_dim3A_138 = vector.broadcast %broadcast_in_dim3A_137 : f32 to vector<16xf32>
    %swap3A_139 = arith.constant 2 : i32
    %swap3A_140 = arith.index_cast %swap3A_139 : i32 to index
    %swap3A_141 = arith.constant 16 : index
    %swap3A_142 = tpu.vector_load %arg18[%swap3A_140, %swap3A_141] {strides = array<i32>} : memref<16x128xf32, #tpu.memory_space<vmem>>, vector<1x16xf32>,
    %swap3A_143 = vector.shape_cast %swap3A_142 : vector<1x16xf32> to vector<16xf32>
    %swap3A_144 = vector.shape_cast %broadcast_in_dim3A_138 : vector<16xf32> to vector<1x16xf32>
    tpu.vector_store %arg18[%swap3A_140, %swap3A_141], %swap3A_144 {strides = array<i32>} : memref<16x128xf32, #tpu.memory_space<vmem>>, vector<1x16xf32>,
    %broadcast_in_dim3A_145 = arith.constant 0.000000e+00 : f32
    %broadcast_in_dim3A_146 = vector.broadcast %broadcast_in_dim3A_145 : f32 to vector<16xf32>
    %swap3A_147 = arith.constant 2 : i32
    %swap3A_148 = arith.index_cast %swap3A_147 : i32 to index
    %swap3A_149 = arith.constant 32 : index
    %swap3A_150 = tpu.vector_load %arg18[%swap3A_148, %swap3A_149] {strides = array<i32>} : memref<16x128xf32, #tpu.memory_space<vmem>>, vector<1x16xf32>,
    %swap3A_151 = vector.shape_cast %swap3A_150 : vector<1x16xf32> to vector<16xf32>
    %swap3A_152 = vector.shape_cast %broadcast_in_dim3A_146 : vector<16xf32> to vector<1x16xf32>
    tpu.vector_store %arg18[%swap3A_148, %swap3A_149], %swap3A_152 {strides = array<i32>} : memref<16x128xf32, #tpu.memory_space<vmem>>, vector<1x16xf32>,
    %broadcast_in_dim3A_153 = arith.constant 0.000000e+00 : f32
    %broadcast_in_dim3A_154 = vector.broadcast %broadcast_in_dim3A_153 : f32 to vector<16xf32>
    %swap3A_155 = arith.constant 2 : i32
    %swap3A_156 = arith.index_cast %swap3A_155 : i32 to index
    %swap3A_157 = arith.constant 48 : index
    %swap3A_158 = tpu.vector_load %arg18[%swap3A_156, %swap3A_157] {strides = array<i32>} : memref<16x128xf32, #tpu.memory_space<vmem>>, vector<1x16xf32>,
    %swap3A_159 = vector.shape_cast %swap3A_158 : vector<1x16xf32> to vector<16xf32>
    %swap3A_160 = vector.shape_cast %broadcast_in_dim3A_154 : vector<16xf32> to vector<1x16xf32>
    tpu.vector_store %arg18[%swap3A_156, %swap3A_157], %swap3A_160 {strides = array<i32>} : memref<16x128xf32, #tpu.memory_space<vmem>>, vector<1x16xf32>,
    %broadcast_in_dim3A_161 = arith.constant 0.000000e+00 : f32
    %broadcast_in_dim3A_162 = vector.broadcast %broadcast_in_dim3A_161 : f32 to vector<16xf32>
    %swap3A_163 = arith.constant 2 : i32
    %swap3A_164 = arith.index_cast %swap3A_163 : i32 to index
    %swap3A_165 = arith.constant 64 : index
    %swap3A_166 = tpu.vector_load %arg18[%swap3A_164, %swap3A_165] {strides = array<i32>} : memref<16x128xf32, #tpu.memory_space<vmem>>, vector<1x16xf32>,
    %swap3A_167 = vector.shape_cast %swap3A_166 : vector<1x16xf32> to vector<16xf32>
    %swap3A_168 = vector.shape_cast %broadcast_in_dim3A_162 : vector<16xf32> to vector<1x16xf32>
    tpu.vector_store %arg18[%swap3A_164, %swap3A_165], %swap3A_168 {strides = array<i32>} : memref<16x128xf32, #tpu.memory_space<vmem>>, vector<1x16xf32>,
    %broadcast_in_dim3A_169 = arith.constant 0.000000e+00 : f32
    %broadcast_in_dim3A_170 = vector.broadcast %broadcast_in_dim3A_169 : f32 to vector<16xf32>
    %swap3A_171 = arith.constant 2 : i32
    %swap3A_172 = arith.index_cast %swap3A_171 : i32 to index
    %swap3A_173 = arith.constant 80 : index
    %swap3A_174 = tpu.vector_load %arg18[%swap3A_172, %swap3A_173] {strides = array<i32>} : memref<16x128xf32, #tpu.memory_space<vmem>>, vector<1x16xf32>,
    %swap3A_175 = vector.shape_cast %swap3A_174 : vector<1x16xf32> to vector<16xf32>
    %swap3A_176 = vector.shape_cast %broadcast_in_dim3A_170 : vector<16xf32> to vector<1x16xf32>
    tpu.vector_store %arg18[%swap3A_172, %swap3A_173], %swap3A_176 {strides = array<i32>} : memref<16x128xf32, #tpu.memory_space<vmem>>, vector<1x16xf32>,
    %broadcast_in_dim3A_177 = arith.constant 0.000000e+00 : f32
    %broadcast_in_dim3A_178 = vector.broadcast %broadcast_in_dim3A_177 : f32 to vector<16xf32>
    %swap3A_179 = arith.constant 2 : i32
    %swap3A_180 = arith.index_cast %swap3A_179 : i32 to index
    %swap3A_181 = arith.constant 96 : index
    %swap3A_182 = tpu.vector_load %arg18[%swap3A_180, %swap3A_181] {strides = array<i32>} : memref<16x128xf32, #tpu.memory_space<vmem>>, vector<1x16xf32>,
    %swap3A_183 = vector.shape_cast %swap3A_182 : vector<1x16xf32> to vector<16xf32>
    %swap3A_184 = vector.shape_cast %broadcast_in_dim3A_178 : vector<16xf32> to vector<1x16xf32>
    tpu.vector_store %arg18[%swap3A_180, %swap3A_181], %swap3A_184 {strides = array<i32>} : memref<16x128xf32, #tpu.memory_space<vmem>>, vector<1x16xf32>,
    %broadcast_in_dim3A_185 = arith.constant 0.000000e+00 : f32
    %broadcast_in_dim3A_186 = vector.broadcast %broadcast_in_dim3A_185 : f32 to vector<16xf32>
    %swap3A_187 = arith.constant 2 : i32
    %swap3A_188 = arith.index_cast %swap3A_187 : i32 to index
    %swap3A_189 = arith.constant 112 : index
    %swap3A_190 = tpu.vector_load %arg18[%swap3A_188, %swap3A_189] {strides = array<i32>} : memref<16x128xf32, #tpu.memory_space<vmem>>, vector<1x16xf32>,
    %swap3A_191 = vector.shape_cast %swap3A_190 : vector<1x16xf32> to vector<16xf32>
    %swap3A_192 = vector.shape_cast %broadcast_in_dim3A_186 : vector<16xf32> to vector<1x16xf32>
    tpu.vector_store %arg18[%swap3A_188, %swap3A_189], %swap3A_192 {strides = array<i32>} : memref<16x128xf32, #tpu.memory_space<vmem>>, vector<1x16xf32>,
    %broadcast_in_dim3A_193 = arith.constant 0.000000e+00 : f32
    %broadcast_in_dim3A_194 = vector.broadcast %broadcast_in_dim3A_193 : f32 to vector<16xf32>
    %swap3A_195 = arith.constant 3 : i32
    %swap3A_196 = arith.index_cast %swap3A_195 : i32 to index
    %swap3A_197 = arith.constant 0 : index
    %swap3A_198 = tpu.vector_load %arg18[%swap3A_196, %swap3A_197] {strides = array<i32>} : memref<16x128xf32, #tpu.memory_space<vmem>>, vector<1x16xf32>,
    %swap3A_199 = vector.shape_cast %swap3A_198 : vector<1x16xf32> to vector<16xf32>
    %swap3A_200 = vector.shape_cast %broadcast_in_dim3A_194 : vector<16xf32> to vector<1x16xf32>
    tpu.vector_store %arg18[%swap3A_196, %swap3A_197], %swap3A_200 {strides = array<i32>} : memref<16x128xf32, #tpu.memory_space<vmem>>, vector<1x16xf32>,
    %broadcast_in_dim3A_201 = arith.constant 0.000000e+00 : f32
    %broadcast_in_dim3A_202 = vector.broadcast %broadcast_in_dim3A_201 : f32 to vector<16xf32>
    %swap3A_203 = arith.constant 3 : i32
    %swap3A_204 = arith.index_cast %swap3A_203 : i32 to index
    %swap3A_205 = arith.constant 16 : index
    %swap3A_206 = tpu.vector_load %arg18[%swap3A_204, %swap3A_205] {strides = array<i32>} : memref<16x128xf32, #tpu.memory_space<vmem>>, vector<1x16xf32>,
    %swap3A_207 = vector.shape_cast %swap3A_206 : vector<1x16xf32> to vector<16xf32>
    %swap3A_208 = vector.shape_cast %broadcast_in_dim3A_202 : vector<16xf32> to vector<1x16xf32>
    tpu.vector_store %arg18[%swap3A_204, %swap3A_205], %swap3A_208 {strides = array<i32>} : memref<16x128xf32, #tpu.memory_space<vmem>>, vector<1x16xf32>,
    %broadcast_in_dim3A_209 = arith.constant 0.000000e+00 : f32
    %broadcast_in_dim3A_210 = vector.broadcast %broadcast_in_dim3A_209 : f32 to vector<16xf32>
    %swap3A_211 = arith.constant 3 : i32
    %swap3A_212 = arith.index_cast %swap3A_211 : i32 to index
    %swap3A_213 = arith.constant 32 : index
    %swap3A_214 = tpu.vector_load %arg18[%swap3A_212, %swap3A_213] {strides = array<i32>} : memref<16x128xf32, #tpu.memory_space<vmem>>, vector<1x16xf32>,
    %swap3A_215 = vector.shape_cast %swap3A_214 : vector<1x16xf32> to vector<16xf32>
    %swap3A_216 = vector.shape_cast %broadcast_in_dim3A_210 : vector<16xf32> to vector<1x16xf32>
    tpu.vector_store %arg18[%swap3A_212, %swap3A_213], %swap3A_216 {strides = array<i32>} : memref<16x128xf32, #tpu.memory_space<vmem>>, vector<1x16xf32>,
    %broadcast_in_dim3A_217 = arith.constant 0.000000e+00 : f32
    %broadcast_in_dim3A_218 = vector.broadcast %broadcast_in_dim3A_217 : f32 to vector<16xf32>
    %swap3A_219 = arith.constant 3 : i32
    %swap3A_220 = arith.index_cast %swap3A_219 : i32 to index
    %swap3A_221 = arith.constant 48 : index
    %swap3A_222 = tpu.vector_load %arg18[%swap3A_220, %swap3A_221] {strides = array<i32>} : memref<16x128xf32, #tpu.memory_space<vmem>>, vector<1x16xf32>,
    %swap3A_223 = vector.shape_cast %swap3A_222 : vector<1x16xf32> to vector<16xf32>
    %swap3A_224 = vector.shape_cast %broadcast_in_dim3A_218 : vector<16xf32> to vector<1x16xf32>
    tpu.vector_store %arg18[%swap3A_220, %swap3A_221], %swap3A_224 {strides = array<i32>} : memref<16x128xf32, #tpu.memory_space<vmem>>, vector<1x16xf32>,
    %broadcast_in_dim3A_225 = arith.constant 0.000000e+00 : f32
    %broadcast_in_dim3A_226 = vector.broadcast %broadcast_in_dim3A_225 : f32 to vector<16xf32>
    %swap3A_227 = arith.constant 3 : i32
    %swap3A_228 = arith.index_cast %swap3A_227 : i32 to index
    %swap3A_229 = arith.constant 64 : index
    %swap3A_230 = tpu.vector_load %arg18[%swap3A_228, %swap3A_229] {strides = array<i32>} : memref<16x128xf32, #tpu.memory_space<vmem>>, vector<1x16xf32>,
    %swap3A_231 = vector.shape_cast %swap3A_230 : vector<1x16xf32> to vector<16xf32>
    %swap3A_232 = vector.shape_cast %broadcast_in_dim3A_226 : vector<16xf32> to vector<1x16xf32>
    tpu.vector_store %arg18[%swap3A_228, %swap3A_229], %swap3A_232 {strides = array<i32>} : memref<16x128xf32, #tpu.memory_space<vmem>>, vector<1x16xf32>,
    %broadcast_in_dim3A_233 = arith.constant 0.000000e+00 : f32
    %broadcast_in_dim3A_234 = vector.broadcast %broadcast_in_dim3A_233 : f32 to vector<16xf32>
    %swap3A_235 = arith.constant 3 : i32
    %swap3A_236 = arith.index_cast %swap3A_235 : i32 to index
    %swap3A_237 = arith.constant 80 : index
    %swap3A_238 = tpu.vector_load %arg18[%swap3A_236, %swap3A_237] {strides = array<i32>} : memref<16x128xf32, #tpu.memory_space<vmem>>, vector<1x16xf32>,
    %swap3A_239 = vector.shape_cast %swap3A_238 : vector<1x16xf32> to vector<16xf32>
    %swap3A_240 = vector.shape_cast %broadcast_in_dim3A_234 : vector<16xf32> to vector<1x16xf32>
    tpu.vector_store %arg18[%swap3A_236, %swap3A_237], %swap3A_240 {strides = array<i32>} : memref<16x128xf32, #tpu.memory_space<vmem>>, vector<1x16xf32>,
    %broadcast_in_dim3A_241 = arith.constant 0.000000e+00 : f32
    %broadcast_in_dim3A_242 = vector.broadcast %broadcast_in_dim3A_241 : f32 to vector<16xf32>
    %swap3A_243 = arith.constant 3 : i32
    %swap3A_244 = arith.index_cast %swap3A_243 : i32 to index
    %swap3A_245 = arith.constant 96 : index
    %swap3A_246 = tpu.vector_load %arg18[%swap3A_244, %swap3A_245] {strides = array<i32>} : memref<16x128xf32, #tpu.memory_space<vmem>>, vector<1x16xf32>,
    %swap3A_247 = vector.shape_cast %swap3A_246 : vector<1x16xf32> to vector<16xf32>
    %swap3A_248 = vector.shape_cast %broadcast_in_dim3A_242 : vector<16xf32> to vector<1x16xf32>
    tpu.vector_store %arg18[%swap3A_244, %swap3A_245], %swap3A_248 {strides = array<i32>} : memref<16x128xf32, #tpu.memory_space<vmem>>, vector<1x16xf32>,
    %broadcast_in_dim3A_249 = arith.constant 0.000000e+00 : f32
    %broadcast_in_dim3A_250 = vector.broadcast %broadcast_in_dim3A_249 : f32 to vector<16xf32>
    %swap3A_251 = arith.constant 3 : i32
    %swap3A_252 = arith.index_cast %swap3A_251 : i32 to index
    %swap3A_253 = arith.constant 112 : index
    %swap3A_254 = tpu.vector_load %arg18[%swap3A_252, %swap3A_253] {strides = array<i32>} : memref<16x128xf32, #tpu.memory_space<vmem>>, vector<1x16xf32>,
    %swap3A_255 = vector.shape_cast %swap3A_254 : vector<1x16xf32> to vector<16xf32>
    %swap3A_256 = vector.shape_cast %broadcast_in_dim3A_250 : vector<16xf32> to vector<1x16xf32>
    tpu.vector_store %arg18[%swap3A_252, %swap3A_253], %swap3A_256 {strides = array<i32>} : memref<16x128xf32, #tpu.memory_space<vmem>>, vector<1x16xf32>,
    %broadcast_in_dim3A_257 = arith.constant 0.000000e+00 : f32
    %broadcast_in_dim3A_258 = vector.broadcast %broadcast_in_dim3A_257 : f32 to vector<16xf32>
    %swap3A_259 = arith.constant 4 : i32
    %swap3A_260 = arith.index_cast %swap3A_259 : i32 to index
    %swap3A_261 = arith.constant 0 : index
    %swap3A_262 = tpu.vector_load %arg18[%swap3A_260, %swap3A_261] {strides = array<i32>} : memref<16x128xf32, #tpu.memory_space<vmem>>, vector<1x16xf32>,
    %swap3A_263 = vector.shape_cast %swap3A_262 : vector<1x16xf32> to vector<16xf32>
    %swap3A_264 = vector.shape_cast %broadcast_in_dim3A_258 : vector<16xf32> to vector<1x16xf32>
    tpu.vector_store %arg18[%swap3A_260, %swap3A_261], %swap3A_264 {strides = array<i32>} : memref<16x128xf32, #tpu.memory_space<vmem>>, vector<1x16xf32>,
    %broadcast_in_dim3A_265 = arith.constant 0.000000e+00 : f32
    %broadcast_in_dim3A_266 = vector.broadcast %broadcast_in_dim3A_265 : f32 to vector<16xf32>
    %swap3A_267 = arith.constant 4 : i32
    %swap3A_268 = arith.index_cast %swap3A_267 : i32 to index
    %swap3A_269 = arith.constant 16 : index
    %swap3A_270 = tpu.vector_load %arg18[%swap3A_268, %swap3A_269] {strides = array<i32>} : memref<16x128xf32, #tpu.memory_space<vmem>>, vector<1x16xf32>,
    %swap3A_271 = vector.shape_cast %swap3A_270 : vector<1x16xf32> to vector<16xf32>
    %swap3A_272 = vector.shape_cast %broadcast_in_dim3A_266 : vector<16xf32> to vector<1x16xf32>
    tpu.vector_store %arg18[%swap3A_268, %swap3A_269], %swap3A_272 {strides = array<i32>} : memref<16x128xf32, #tpu.memory_space<vmem>>, vector<1x16xf32>,
    %broadcast_in_dim3A_273 = arith.constant 0.000000e+00 : f32
    %broadcast_in_dim3A_274 = vector.broadcast %broadcast_in_dim3A_273 : f32 to vector<16xf32>
    %swap3A_275 = arith.constant 4 : i32
    %swap3A_276 = arith.index_cast %swap3A_275 : i32 to index
    %swap3A_277 = arith.constant 32 : index
    %swap3A_278 = tpu.vector_load %arg18[%swap3A_276, %swap3A_277] {strides = array<i32>} : memref<16x128xf32, #tpu.memory_space<vmem>>, vector<1x16xf32>,
    %swap3A_279 = vector.shape_cast %swap3A_278 : vector<1x16xf32> to vector<16xf32>
    %swap3A_280 = vector.shape_cast %broadcast_in_dim3A_274 : vector<16xf32> to vector<1x16xf32>
    tpu.vector_store %arg18[%swap3A_276, %swap3A_277], %swap3A_280 {strides = array<i32>} : memref<16x128xf32, #tpu.memory_space<vmem>>, vector<1x16xf32>,
    %broadcast_in_dim3A_281 = arith.constant 0.000000e+00 : f32
    %broadcast_in_dim3A_282 = vector.broadcast %broadcast_in_dim3A_281 : f32 to vector<16xf32>
    %swap3A_283 = arith.constant 4 : i32
    %swap3A_284 = arith.index_cast %swap3A_283 : i32 to index
    %swap3A_285 = arith.constant 48 : index
    %swap3A_286 = tpu.vector_load %arg18[%swap3A_284, %swap3A_285] {strides = array<i32>} : memref<16x128xf32, #tpu.memory_space<vmem>>, vector<1x16xf32>,
    %swap3A_287 = vector.shape_cast %swap3A_286 : vector<1x16xf32> to vector<16xf32>
    %swap3A_288 = vector.shape_cast %broadcast_in_dim3A_282 : vector<16xf32> to vector<1x16xf32>
    tpu.vector_store %arg18[%swap3A_284, %swap3A_285], %swap3A_288 {strides = array<i32>} : memref<16x128xf32, #tpu.memory_space<vmem>>, vector<1x16xf32>,
    %broadcast_in_dim3A_289 = arith.constant 0.000000e+00 : f32
    %broadcast_in_dim3A_290 = vector.broadcast %broadcast_in_dim3A_289 : f32 to vector<16xf32>
    %swap3A_291 = arith.constant 4 : i32
    %swap3A_292 = arith.index_cast %swap3A_291 : i32 to index
    %swap3A_293 = arith.constant 64 : index
    %swap3A_294 = tpu.vector_load %arg18[%swap3A_292, %swap3A_293] {strides = array<i32>} : memref<16x128xf32, #tpu.memory_space<vmem>>, vector<1x16xf32>,
    %swap3A_295 = vector.shape_cast %swap3A_294 : vector<1x16xf32> to vector<16xf32>
    %swap3A_296 = vector.shape_cast %broadcast_in_dim3A_290 : vector<16xf32> to vector<1x16xf32>
    tpu.vector_store %arg18[%swap3A_292, %swap3A_293], %swap3A_296 {strides = array<i32>} : memref<16x128xf32, #tpu.memory_space<vmem>>, vector<1x16xf32>,
    %broadcast_in_dim3A_297 = arith.constant 0.000000e+00 : f32
    %broadcast_in_dim3A_298 = vector.broadcast %broadcast_in_dim3A_297 : f32 to vector<16xf32>
    %swap3A_299 = arith.constant 4 : i32
    %swap3A_300 = arith.index_cast %swap3A_299 : i32 to index
    %swap3A_301 = arith.constant 80 : index
    %swap3A_302 = tpu.vector_load %arg18[%swap3A_300, %swap3A_301] {strides = array<i32>} : memref<16x128xf32, #tpu.memory_space<vmem>>, vector<1x16xf32>,
    %swap3A_303 = vector.shape_cast %swap3A_302 : vector<1x16xf32> to vector<16xf32>
    %swap3A_304 = vector.shape_cast %broadcast_in_dim3A_298 : vector<16xf32> to vector<1x16xf32>
    tpu.vector_store %arg18[%swap3A_300, %swap3A_301], %swap3A_304 {strides = array<i32>} : memref<16x128xf32, #tpu.memory_space<vmem>>, vector<1x16xf32>,
    %broadcast_in_dim3A_305 = arith.constant 0.000000e+00 : f32
    %broadcast_in_dim3A_306 = vector.broadcast %broadcast_in_dim3A_305 : f32 to vector<16xf32>
    %swap3A_307 = arith.constant 4 : i32
    %swap3A_308 = arith.index_cast %swap3A_307 : i32 to index
    %swap3A_309 = arith.constant 96 : index
    %swap3A_310 = tpu.vector_load %arg18[%swap3A_308, %swap3A_309] {strides = array<i32>} : memref<16x128xf32, #tpu.memory_space<vmem>>, vector<1x16xf32>,
    %swap3A_311 = vector.shape_cast %swap3A_310 : vector<1x16xf32> to vector<16xf32>
    %swap3A_312 = vector.shape_cast %broadcast_in_dim3A_306 : vector<16xf32> to vector<1x16xf32>
    tpu.vector_store %arg18[%swap3A_308, %swap3A_309], %swap3A_312 {strides = array<i32>} : memref<16x128xf32, #tpu.memory_space<vmem>>, vector<1x16xf32>,
    %broadcast_in_dim3A_313 = arith.constant 0.000000e+00 : f32
    %broadcast_in_dim3A_314 = vector.broadcast %broadcast_in_dim3A_313 : f32 to vector<16xf32>
    %swap3A_315 = arith.constant 4 : i32
    %swap3A_316 = arith.index_cast %swap3A_315 : i32 to index
    %swap3A_317 = arith.constant 112 : index
    %swap3A_318 = tpu.vector_load %arg18[%swap3A_316, %swap3A_317] {strides = array<i32>} : memref<16x128xf32, #tpu.memory_space<vmem>>, vector<1x16xf32>,
    %swap3A_319 = vector.shape_cast %swap3A_318 : vector<1x16xf32> to vector<16xf32>
    %swap3A_320 = vector.shape_cast %broadcast_in_dim3A_314 : vector<16xf32> to vector<1x16xf32>
    tpu.vector_store %arg18[%swap3A_316, %swap3A_317], %swap3A_320 {strides = array<i32>} : memref<16x128xf32, #tpu.memory_space<vmem>>, vector<1x16xf32>,
    %broadcast_in_dim3A_321 = arith.constant 0.000000e+00 : f32
    %broadcast_in_dim3A_322 = vector.broadcast %broadcast_in_dim3A_321 : f32 to vector<16xf32>
    %swap3A_323 = arith.constant 5 : i32
    %swap3A_324 = arith.index_cast %swap3A_323 : i32 to index
    %swap3A_325 = arith.constant 0 : index
    %swap3A_326 = tpu.vector_load %arg18[%swap3A_324, %swap3A_325] {strides = array<i32>} : memref<16x128xf32, #tpu.memory_space<vmem>>, vector<1x16xf32>,
    %swap3A_327 = vector.shape_cast %swap3A_326 : vector<1x16xf32> to vector<16xf32>
    %swap3A_328 = vector.shape_cast %broadcast_in_dim3A_322 : vector<16xf32> to vector<1x16xf32>
    tpu.vector_store %arg18[%swap3A_324, %swap3A_325], %swap3A_328 {strides = array<i32>} : memref<16x128xf32, #tpu.memory_space<vmem>>, vector<1x16xf32>,
    %broadcast_in_dim3A_329 = arith.constant 0.000000e+00 : f32
    %broadcast_in_dim3A_330 = vector.broadcast %broadcast_in_dim3A_329 : f32 to vector<16xf32>
    %swap3A_331 = arith.constant 5 : i32
    %swap3A_332 = arith.index_cast %swap3A_331 : i32 to index
    %swap3A_333 = arith.constant 16 : index
    %swap3A_334 = tpu.vector_load %arg18[%swap3A_332, %swap3A_333] {strides = array<i32>} : memref<16x128xf32, #tpu.memory_space<vmem>>, vector<1x16xf32>,
    %swap3A_335 = vector.shape_cast %swap3A_334 : vector<1x16xf32> to vector<16xf32>
    %swap3A_336 = vector.shape_cast %broadcast_in_dim3A_330 : vector<16xf32> to vector<1x16xf32>
    tpu.vector_store %arg18[%swap3A_332, %swap3A_333], %swap3A_336 {strides = array<i32>} : memref<16x128xf32, #tpu.memory_space<vmem>>, vector<1x16xf32>,
    %broadcast_in_dim3A_337 = arith.constant 0.000000e+00 : f32
    %broadcast_in_dim3A_338 = vector.broadcast %broadcast_in_dim3A_337 : f32 to vector<16xf32>
    %swap3A_339 = arith.constant 5 : i32
    %swap3A_340 = arith.index_cast %swap3A_339 : i32 to index
    %swap3A_341 = arith.constant 32 : index
    %swap3A_342 = tpu.vector_load %arg18[%swap3A_340, %swap3A_341] {strides = array<i32>} : memref<16x128xf32, #tpu.memory_space<vmem>>, vector<1x16xf32>,
    %swap3A_343 = vector.shape_cast %swap3A_342 : vector<1x16xf32> to vector<16xf32>
    %swap3A_344 = vector.shape_cast %broadcast_in_dim3A_338 : vector<16xf32> to vector<1x16xf32>
    tpu.vector_store %arg18[%swap3A_340, %swap3A_341], %swap3A_344 {strides = array<i32>} : memref<16x128xf32, #tpu.memory_space<vmem>>, vector<1x16xf32>,
    %broadcast_in_dim3A_345 = arith.constant 0.000000e+00 : f32
    %broadcast_in_dim3A_346 = vector.broadcast %broadcast_in_dim3A_345 : f32 to vector<16xf32>
    %swap3A_347 = arith.constant 5 : i32
    %swap3A_348 = arith.index_cast %swap3A_347 : i32 to index
    %swap3A_349 = arith.constant 48 : index
    %swap3A_350 = tpu.vector_load %arg18[%swap3A_348, %swap3A_349] {strides = array<i32>} : memref<16x128xf32, #tpu.memory_space<vmem>>, vector<1x16xf32>,
    %swap3A_351 = vector.shape_cast %swap3A_350 : vector<1x16xf32> to vector<16xf32>
    %swap3A_352 = vector.shape_cast %broadcast_in_dim3A_346 : vector<16xf32> to vector<1x16xf32>
    tpu.vector_store %arg18[%swap3A_348, %swap3A_349], %swap3A_352 {strides = array<i32>} : memref<16x128xf32, #tpu.memory_space<vmem>>, vector<1x16xf32>,
    %broadcast_in_dim3A_353 = arith.constant 0.000000e+00 : f32
    %broadcast_in_dim3A_354 = vector.broadcast %broadcast_in_dim3A_353 : f32 to vector<16xf32>
    %swap3A_355 = arith.constant 5 : i32
    %swap3A_356 = arith.index_cast %swap3A_355 : i32 to index
    %swap3A_357 = arith.constant 64 : index
    %swap3A_358 = tpu.vector_load %arg18[%swap3A_356, %swap3A_357] {strides = array<i32>} : memref<16x128xf32, #tpu.memory_space<vmem>>, vector<1x16xf32>,
    %swap3A_359 = vector.shape_cast %swap3A_358 : vector<1x16xf32> to vector<16xf32>
    %swap3A_360 = vector.shape_cast %broadcast_in_dim3A_354 : vector<16xf32> to vector<1x16xf32>
    tpu.vector_store %arg18[%swap3A_356, %swap3A_357], %swap3A_360 {strides = array<i32>} : memref<16x128xf32, #tpu.memory_space<vmem>>, vector<1x16xf32>,
    %broadcast_in_dim3A_361 = arith.constant 0.000000e+00 : f32
    %broadcast_in_dim3A_362 = vector.broadcast %broadcast_in_dim3A_361 : f32 to vector<16xf32>
    %swap3A_363 = arith.constant 5 : i32
    %swap3A_364 = arith.index_cast %swap3A_363 : i32 to index
    %swap3A_365 = arith.constant 80 : index
    %swap3A_366 = tpu.vector_load %arg18[%swap3A_364, %swap3A_365] {strides = array<i32>} : memref<16x128xf32, #tpu.memory_space<vmem>>, vector<1x16xf32>,
    %swap3A_367 = vector.shape_cast %swap3A_366 : vector<1x16xf32> to vector<16xf32>
    %swap3A_368 = vector.shape_cast %broadcast_in_dim3A_362 : vector<16xf32> to vector<1x16xf32>
    tpu.vector_store %arg18[%swap3A_364, %swap3A_365], %swap3A_368 {strides = array<i32>} : memref<16x128xf32, #tpu.memory_space<vmem>>, vector<1x16xf32>,
    %broadcast_in_dim3A_369 = arith.constant 0.000000e+00 : f32
    %broadcast_in_dim3A_370 = vector.broadcast %broadcast_in_dim3A_369 : f32 to vector<16xf32>
    %swap3A_371 = arith.constant 5 : i32
    %swap3A_372 = arith.index_cast %swap3A_371 : i32 to index
    %swap3A_373 = arith.constant 96 : index
    %swap3A_374 = tpu.vector_load %arg18[%swap3A_372, %swap3A_373] {strides = array<i32>} : memref<16x128xf32, #tpu.memory_space<vmem>>, vector<1x16xf32>,
    %swap3A_375 = vector.shape_cast %swap3A_374 : vector<1x16xf32> to vector<16xf32>
    %swap3A_376 = vector.shape_cast %broadcast_in_dim3A_370 : vector<16xf32> to vector<1x16xf32>
    tpu.vector_store %arg18[%swap3A_372, %swap3A_373], %swap3A_376 {strides = array<i32>} : memref<16x128xf32, #tpu.memory_space<vmem>>, vector<1x16xf32>,
    %broadcast_in_dim3A_377 = arith.constant 0.000000e+00 : f32
    %broadcast_in_dim3A_378 = vector.broadcast %broadcast_in_dim3A_377 : f32 to vector<16xf32>
    %swap3A_379 = arith.constant 5 : i32
    %swap3A_380 = arith.index_cast %swap3A_379 : i32 to index
    %swap3A_381 = arith.constant 112 : index
    %swap3A_382 = tpu.vector_load %arg18[%swap3A_380, %swap3A_381] {strides = array<i32>} : memref<16x128xf32, #tpu.memory_space<vmem>>, vector<1x16xf32>,
    %swap3A_383 = vector.shape_cast %swap3A_382 : vector<1x16xf32> to vector<16xf32>
    %swap3A_384 = vector.shape_cast %broadcast_in_dim3A_378 : vector<16xf32> to vector<1x16xf32>
    tpu.vector_store %arg18[%swap3A_380, %swap3A_381], %swap3A_384 {strides = array<i32>} : memref<16x128xf32, #tpu.memory_space<vmem>>, vector<1x16xf32>,
    %broadcast_in_dim3A_385 = arith.constant 0.000000e+00 : f32
    %broadcast_in_dim3A_386 = vector.broadcast %broadcast_in_dim3A_385 : f32 to vector<16xf32>
    %swap3A_387 = arith.constant 6 : i32
    %swap3A_388 = arith.index_cast %swap3A_387 : i32 to index
    %swap3A_389 = arith.constant 0 : index
    %swap3A_390 = tpu.vector_load %arg18[%swap3A_388, %swap3A_389] {strides = array<i32>} : memref<16x128xf32, #tpu.memory_space<vmem>>, vector<1x16xf32>,
    %swap3A_391 = vector.shape_cast %swap3A_390 : vector<1x16xf32> to vector<16xf32>
    %swap3A_392 = vector.shape_cast %broadcast_in_dim3A_386 : vector<16xf32> to vector<1x16xf32>
    tpu.vector_store %arg18[%swap3A_388, %swap3A_389], %swap3A_392 {strides = array<i32>} : memref<16x128xf32, #tpu.memory_space<vmem>>, vector<1x16xf32>,
    %broadcast_in_dim3A_393 = arith.constant 0.000000e+00 : f32
    %broadcast_in_dim3A_394 = vector.broadcast %broadcast_in_dim3A_393 : f32 to vector<16xf32>
    %swap3A_395 = arith.constant 6 : i32
    %swap3A_396 = arith.index_cast %swap3A_395 : i32 to index
    %swap3A_397 = arith.constant 16 : index
    %swap3A_398 = tpu.vector_load %arg18[%swap3A_396, %swap3A_397] {strides = array<i32>} : memref<16x128xf32, #tpu.memory_space<vmem>>, vector<1x16xf32>,
    %swap3A_399 = vector.shape_cast %swap3A_398 : vector<1x16xf32> to vector<16xf32>
    %swap3A_400 = vector.shape_cast %broadcast_in_dim3A_394 : vector<16xf32> to vector<1x16xf32>
    tpu.vector_store %arg18[%swap3A_396, %swap3A_397], %swap3A_400 {strides = array<i32>} : memref<16x128xf32, #tpu.memory_space<vmem>>, vector<1x16xf32>,
    %broadcast_in_dim3A_401 = arith.constant 0.000000e+00 : f32
    %broadcast_in_dim3A_402 = vector.broadcast %broadcast_in_dim3A_401 : f32 to vector<16xf32>
    %swap3A_403 = arith.constant 6 : i32
    %swap3A_404 = arith.index_cast %swap3A_403 : i32 to index
    %swap3A_405 = arith.constant 32 : index
    %swap3A_406 = tpu.vector_load %arg18[%swap3A_404, %swap3A_405] {strides = array<i32>} : memref<16x128xf32, #tpu.memory_space<vmem>>, vector<1x16xf32>,
    %swap3A_407 = vector.shape_cast %swap3A_406 : vector<1x16xf32> to vector<16xf32>
    %swap3A_408 = vector.shape_cast %broadcast_in_dim3A_402 : vector<16xf32> to vector<1x16xf32>
    tpu.vector_store %arg18[%swap3A_404, %swap3A_405], %swap3A_408 {strides = array<i32>} : memref<16x128xf32, #tpu.memory_space<vmem>>, vector<1x16xf32>,
    %broadcast_in_dim3A_409 = arith.constant 0.000000e+00 : f32
    %broadcast_in_dim3A_410 = vector.broadcast %broadcast_in_dim3A_409 : f32 to vector<16xf32>
    %swap3A_411 = arith.constant 6 : i32
    %swap3A_412 = arith.index_cast %swap3A_411 : i32 to index
    %swap3A_413 = arith.constant 48 : index
    %swap3A_414 = tpu.vector_load %arg18[%swap3A_412, %swap3A_413] {strides = array<i32>} : memref<16x128xf32, #tpu.memory_space<vmem>>, vector<1x16xf32>,
    %swap3A_415 = vector.shape_cast %swap3A_414 : vector<1x16xf32> to vector<16xf32>
    %swap3A_416 = vector.shape_cast %broadcast_in_dim3A_410 : vector<16xf32> to vector<1x16xf32>
    tpu.vector_store %arg18[%swap3A_412, %swap3A_413], %swap3A_416 {strides = array<i32>} : memref<16x128xf32, #tpu.memory_space<vmem>>, vector<1x16xf32>,
    %broadcast_in_dim3A_417 = arith.constant 0.000000e+00 : f32
    %broadcast_in_dim3A_418 = vector.broadcast %broadcast_in_dim3A_417 : f32 to vector<16xf32>
    %swap3A_419 = arith.constant 6 : i32
    %swap3A_420 = arith.index_cast %swap3A_419 : i32 to index
    %swap3A_421 = arith.constant 64 : index
    %swap3A_422 = tpu.vector_load %arg18[%swap3A_420, %swap3A_421] {strides = array<i32>} : memref<16x128xf32, #tpu.memory_space<vmem>>, vector<1x16xf32>,
    %swap3A_423 = vector.shape_cast %swap3A_422 : vector<1x16xf32> to vector<16xf32>
    %swap3A_424 = vector.shape_cast %broadcast_in_dim3A_418 : vector<16xf32> to vector<1x16xf32>
    tpu.vector_store %arg18[%swap3A_420, %swap3A_421], %swap3A_424 {strides = array<i32>} : memref<16x128xf32, #tpu.memory_space<vmem>>, vector<1x16xf32>,
    %broadcast_in_dim3A_425 = arith.constant 0.000000e+00 : f32
    %broadcast_in_dim3A_426 = vector.broadcast %broadcast_in_dim3A_425 : f32 to vector<16xf32>
    %swap3A_427 = arith.constant 6 : i32
    %swap3A_428 = arith.index_cast %swap3A_427 : i32 to index
    %swap3A_429 = arith.constant 80 : index
    %swap3A_430 = tpu.vector_load %arg18[%swap3A_428, %swap3A_429] {strides = array<i32>} : memref<16x128xf32, #tpu.memory_space<vmem>>, vector<1x16xf32>,
    %swap3A_431 = vector.shape_cast %swap3A_430 : vector<1x16xf32> to vector<16xf32>
    %swap3A_432 = vector.shape_cast %broadcast_in_dim3A_426 : vector<16xf32> to vector<1x16xf32>
    tpu.vector_store %arg18[%swap3A_428, %swap3A_429], %swap3A_432 {strides = array<i32>} : memref<16x128xf32, #tpu.memory_space<vmem>>, vector<1x16xf32>,
    %broadcast_in_dim3A_433 = arith.constant 0.000000e+00 : f32
    %broadcast_in_dim3A_434 = vector.broadcast %broadcast_in_dim3A_433 : f32 to vector<16xf32>
    %swap3A_435 = arith.constant 6 : i32
    %swap3A_436 = arith.index_cast %swap3A_435 : i32 to index
    %swap3A_437 = arith.constant 96 : index
    %swap3A_438 = tpu.vector_load %arg18[%swap3A_436, %swap3A_437] {strides = array<i32>} : memref<16x128xf32, #tpu.memory_space<vmem>>, vector<1x16xf32>,
    %swap3A_439 = vector.shape_cast %swap3A_438 : vector<1x16xf32> to vector<16xf32>
    %swap3A_440 = vector.shape_cast %broadcast_in_dim3A_434 : vector<16xf32> to vector<1x16xf32>
    tpu.vector_store %arg18[%swap3A_436, %swap3A_437], %swap3A_440 {strides = array<i32>} : memref<16x128xf32, #tpu.memory_space<vmem>>, vector<1x16xf32>,
    %broadcast_in_dim3A_441 = arith.constant 0.000000e+00 : f32
    %broadcast_in_dim3A_442 = vector.broadcast %broadcast_in_dim3A_441 : f32 to vector<16xf32>
    %swap3A_443 = arith.constant 6 : i32
    %swap3A_444 = arith.index_cast %swap3A_443 : i32 to index
    %swap3A_445 = arith.constant 112 : index
    %swap3A_446 = tpu.vector_load %arg18[%swap3A_444, %swap3A_445] {strides = array<i32>} : memref<16x128xf32, #tpu.memory_space<vmem>>, vector<1x16xf32>,
    %swap3A_447 = vector.shape_cast %swap3A_446 : vector<1x16xf32> to vector<16xf32>
    %swap3A_448 = vector.shape_cast %broadcast_in_dim3A_442 : vector<16xf32> to vector<1x16xf32>
    tpu.vector_store %arg18[%swap3A_444, %swap3A_445], %swap3A_448 {strides = array<i32>} : memref<16x128xf32, #tpu.memory_space<vmem>>, vector<1x16xf32>,
    %broadcast_in_dim3A_449 = arith.constant 0.000000e+00 : f32
    %broadcast_in_dim3A_450 = vector.broadcast %broadcast_in_dim3A_449 : f32 to vector<16xf32>
    %swap3A_451 = arith.constant 7 : i32
    %swap3A_452 = arith.index_cast %swap3A_451 : i32 to index
    %swap3A_453 = arith.constant 0 : index
    %swap3A_454 = tpu.vector_load %arg18[%swap3A_452, %swap3A_453] {strides = array<i32>} : memref<16x128xf32, #tpu.memory_space<vmem>>, vector<1x16xf32>,
    %swap3A_455 = vector.shape_cast %swap3A_454 : vector<1x16xf32> to vector<16xf32>
    %swap3A_456 = vector.shape_cast %broadcast_in_dim3A_450 : vector<16xf32> to vector<1x16xf32>
    tpu.vector_store %arg18[%swap3A_452, %swap3A_453], %swap3A_456 {strides = array<i32>} : memref<16x128xf32, #tpu.memory_space<vmem>>, vector<1x16xf32>,
    %broadcast_in_dim3A_457 = arith.constant 0.000000e+00 : f32
    %broadcast_in_dim3A_458 = vector.broadcast %broadcast_in_dim3A_457 : f32 to vector<16xf32>
    %swap3A_459 = arith.constant 7 : i32
    %swap3A_460 = arith.index_cast %swap3A_459 : i32 to index
    %swap3A_461 = arith.constant 16 : index
    %swap3A_462 = tpu.vector_load %arg18[%swap3A_460, %swap3A_461] {strides = array<i32>} : memref<16x128xf32, #tpu.memory_space<vmem>>, vector<1x16xf32>,
    %swap3A_463 = vector.shape_cast %swap3A_462 : vector<1x16xf32> to vector<16xf32>
    %swap3A_464 = vector.shape_cast %broadcast_in_dim3A_458 : vector<16xf32> to vector<1x16xf32>
    tpu.vector_store %arg18[%swap3A_460, %swap3A_461], %swap3A_464 {strides = array<i32>} : memref<16x128xf32, #tpu.memory_space<vmem>>, vector<1x16xf32>,
    %broadcast_in_dim3A_465 = arith.constant 0.000000e+00 : f32
    %broadcast_in_dim3A_466 = vector.broadcast %broadcast_in_dim3A_465 : f32 to vector<16xf32>
    %swap3A_467 = arith.constant 7 : i32
    %swap3A_468 = arith.index_cast %swap3A_467 : i32 to index
    %swap3A_469 = arith.constant 32 : index
    %swap3A_470 = tpu.vector_load %arg18[%swap3A_468, %swap3A_469] {strides = array<i32>} : memref<16x128xf32, #tpu.memory_space<vmem>>, vector<1x16xf32>,
    %swap3A_471 = vector.shape_cast %swap3A_470 : vector<1x16xf32> to vector<16xf32>
    %swap3A_472 = vector.shape_cast %broadcast_in_dim3A_466 : vector<16xf32> to vector<1x16xf32>
    tpu.vector_store %arg18[%swap3A_468, %swap3A_469], %swap3A_472 {strides = array<i32>} : memref<16x128xf32, #tpu.memory_space<vmem>>, vector<1x16xf32>,
    %broadcast_in_dim3A_473 = arith.constant 0.000000e+00 : f32
    %broadcast_in_dim3A_474 = vector.broadcast %broadcast_in_dim3A_473 : f32 to vector<16xf32>
    %swap3A_475 = arith.constant 7 : i32
    %swap3A_476 = arith.index_cast %swap3A_475 : i32 to index
    %swap3A_477 = arith.constant 48 : index
    %swap3A_478 = tpu.vector_load %arg18[%swap3A_476, %swap3A_477] {strides = array<i32>} : memref<16x128xf32, #tpu.memory_space<vmem>>, vector<1x16xf32>,
    %swap3A_479 = vector.shape_cast %swap3A_478 : vector<1x16xf32> to vector<16xf32>
    %swap3A_480 = vector.shape_cast %broadcast_in_dim3A_474 : vector<16xf32> to vector<1x16xf32>
    tpu.vector_store %arg18[%swap3A_476, %swap3A_477], %swap3A_480 {strides = array<i32>} : memref<16x128xf32, #tpu.memory_space<vmem>>, vector<1x16xf32>,
    %broadcast_in_dim3A_481 = arith.constant 0.000000e+00 : f32
    %broadcast_in_dim3A_482 = vector.broadcast %broadcast_in_dim3A_481 : f32 to vector<16xf32>
    %swap3A_483 = arith.constant 7 : i32
    %swap3A_484 = arith.index_cast %swap3A_483 : i32 to index
    %swap3A_485 = arith.constant 64 : index
    %swap3A_486 = tpu.vector_load %arg18[%swap3A_484, %swap3A_485] {strides = array<i32>} : memref<16x128xf32, #tpu.memory_space<vmem>>, vector<1x16xf32>,
    %swap3A_487 = vector.shape_cast %swap3A_486 : vector<1x16xf32> to vector<16xf32>
    %swap3A_488 = vector.shape_cast %broadcast_in_dim3A_482 : vector<16xf32> to vector<1x16xf32>
    tpu.vector_store %arg18[%swap3A_484, %swap3A_485], %swap3A_488 {strides = array<i32>} : memref<16x128xf32, #tpu.memory_space<vmem>>, vector<1x16xf32>,
    %broadcast_in_dim3A_489 = arith.constant 0.000000e+00 : f32
    %broadcast_in_dim3A_490 = vector.broadcast %broadcast_in_dim3A_489 : f32 to vector<16xf32>
    %swap3A_491 = arith.constant 7 : i32
    %swap3A_492 = arith.index_cast %swap3A_491 : i32 to index
    %swap3A_493 = arith.constant 80 : index
    %swap3A_494 = tpu.vector_load %arg18[%swap3A_492, %swap3A_493] {strides = array<i32>} : memref<16x128xf32, #tpu.memory_space<vmem>>, vector<1x16xf32>,
    %swap3A_495 = vector.shape_cast %swap3A_494 : vector<1x16xf32> to vector<16xf32>
    %swap3A_496 = vector.shape_cast %broadcast_in_dim3A_490 : vector<16xf32> to vector<1x16xf32>
    tpu.vector_store %arg18[%swap3A_492, %swap3A_493], %swap3A_496 {strides = array<i32>} : memref<16x128xf32, #tpu.memory_space<vmem>>, vector<1x16xf32>,
    %broadcast_in_dim3A_497 = arith.constant 0.000000e+00 : f32
    %broadcast_in_dim3A_498 = vector.broadcast %broadcast_in_dim3A_497 : f32 to vector<16xf32>
    %swap3A_499 = arith.constant 7 : i32
    %swap3A_500 = arith.index_cast %swap3A_499 : i32 to index
    %swap3A_501 = arith.constant 96 : index
    %swap3A_502 = tpu.vector_load %arg18[%swap3A_500, %swap3A_501] {strides = array<i32>} : memref<16x128xf32, #tpu.memory_space<vmem>>, vector<1x16xf32>,
    %swap3A_503 = vector.shape_cast %swap3A_502 : vector<1x16xf32> to vector<16xf32>
    %swap3A_504 = vector.shape_cast %broadcast_in_dim3A_498 : vector<16xf32> to vector<1x16xf32>
    tpu.vector_store %arg18[%swap3A_500, %swap3A_501], %swap3A_504 {strides = array<i32>} : memref<16x128xf32, #tpu.memory_space<vmem>>, vector<1x16xf32>,
    %broadcast_in_dim3A_505 = arith.constant 0.000000e+00 : f32
    %broadcast_in_dim3A_506 = vector.broadcast %broadcast_in_dim3A_505 : f32 to vector<16xf32>
    %swap3A_507 = arith.constant 7 : i32
    %swap3A_508 = arith.index_cast %swap3A_507 : i32 to index
    %swap3A_509 = arith.constant 112 : index
    %swap3A_510 = tpu.vector_load %arg18[%swap3A_508, %swap3A_509] {strides = array<i32>} : memref<16x128xf32, #tpu.memory_space<vmem>>, vector<1x16xf32>,
    %swap3A_511 = vector.shape_cast %swap3A_510 : vector<1x16xf32> to vector<16xf32>
    %swap3A_512 = vector.shape_cast %broadcast_in_dim3A_506 : vector<16xf32> to vector<1x16xf32>
    tpu.vector_store %arg18[%swap3A_508, %swap3A_509], %swap3A_512 {strides = array<i32>} : memref<16x128xf32, #tpu.memory_space<vmem>>, vector<1x16xf32>,
    %broadcast_in_dim3A_513 = arith.constant 0.000000e+00 : f32
    %broadcast_in_dim3A_514 = vector.broadcast %broadcast_in_dim3A_513 : f32 to vector<16xf32>
    %swap3A_515 = arith.constant 8 : i32
    %swap3A_516 = arith.index_cast %swap3A_515 : i32 to index
    %swap3A_517 = arith.constant 0 : index
    %swap3A_518 = tpu.vector_load %arg18[%swap3A_516, %swap3A_517] {strides = array<i32>} : memref<16x128xf32, #tpu.memory_space<vmem>>, vector<1x16xf32>,
    %swap3A_519 = vector.shape_cast %swap3A_518 : vector<1x16xf32> to vector<16xf32>
    %swap3A_520 = vector.shape_cast %broadcast_in_dim3A_514 : vector<16xf32> to vector<1x16xf32>
    tpu.vector_store %arg18[%swap3A_516, %swap3A_517], %swap3A_520 {strides = array<i32>} : memref<16x128xf32, #tpu.memory_space<vmem>>, vector<1x16xf32>,
    %broadcast_in_dim3A_521 = arith.constant 0.000000e+00 : f32
    %broadcast_in_dim3A_522 = vector.broadcast %broadcast_in_dim3A_521 : f32 to vector<16xf32>
    %swap3A_523 = arith.constant 8 : i32
    %swap3A_524 = arith.index_cast %swap3A_523 : i32 to index
    %swap3A_525 = arith.constant 16 : index
    %swap3A_526 = tpu.vector_load %arg18[%swap3A_524, %swap3A_525] {strides = array<i32>} : memref<16x128xf32, #tpu.memory_space<vmem>>, vector<1x16xf32>,
    %swap3A_527 = vector.shape_cast %swap3A_526 : vector<1x16xf32> to vector<16xf32>
    %swap3A_528 = vector.shape_cast %broadcast_in_dim3A_522 : vector<16xf32> to vector<1x16xf32>
    tpu.vector_store %arg18[%swap3A_524, %swap3A_525], %swap3A_528 {strides = array<i32>} : memref<16x128xf32, #tpu.memory_space<vmem>>, vector<1x16xf32>,
    %broadcast_in_dim3A_529 = arith.constant 0.000000e+00 : f32
    %broadcast_in_dim3A_530 = vector.broadcast %broadcast_in_dim3A_529 : f32 to vector<16xf32>
    %swap3A_531 = arith.constant 8 : i32
    %swap3A_532 = arith.index_cast %swap3A_531 : i32 to index
    %swap3A_533 = arith.constant 32 : index
    %swap3A_534 = tpu.vector_load %arg18[%swap3A_532, %swap3A_533] {strides = array<i32>} : memref<16x128xf32, #tpu.memory_space<vmem>>, vector<1x16xf32>,
    %swap3A_535 = vector.shape_cast %swap3A_534 : vector<1x16xf32> to vector<16xf32>
    %swap3A_536 = vector.shape_cast %broadcast_in_dim3A_530 : vector<16xf32> to vector<1x16xf32>
    tpu.vector_store %arg18[%swap3A_532, %swap3A_533], %swap3A_536 {strides = array<i32>} : memref<16x128xf32, #tpu.memory_space<vmem>>, vector<1x16xf32>,
    %broadcast_in_dim3A_537 = arith.constant 0.000000e+00 : f32
    %broadcast_in_dim3A_538 = vector.broadcast %broadcast_in_dim3A_537 : f32 to vector<16xf32>
    %swap3A_539 = arith.constant 8 : i32
    %swap3A_540 = arith.index_cast %swap3A_539 : i32 to index
    %swap3A_541 = arith.constant 48 : index
    %swap3A_542 = tpu.vector_load %arg18[%swap3A_540, %swap3A_541] {strides = array<i32>} : memref<16x128xf32, #tpu.memory_space<vmem>>, vector<1x16xf32>,
    %swap3A_543 = vector.shape_cast %swap3A_542 : vector<1x16xf32> to vector<16xf32>
    %swap3A_544 = vector.shape_cast %broadcast_in_dim3A_538 : vector<16xf32> to vector<1x16xf32>
    tpu.vector_store %arg18[%swap3A_540, %swap3A_541], %swap3A_544 {strides = array<i32>} : memref<16x128xf32, #tpu.memory_space<vmem>>, vector<1x16xf32>,
    %broadcast_in_dim3A_545 = arith.constant 0.000000e+00 : f32
    %broadcast_in_dim3A_546 = vector.broadcast %broadcast_in_dim3A_545 : f32 to vector<16xf32>
    %swap3A_547 = arith.constant 8 : i32
    %swap3A_548 = arith.index_cast %swap3A_547 : i32 to index
    %swap3A_549 = arith.constant 64 : index
    %swap3A_550 = tpu.vector_load %arg18[%swap3A_548, %swap3A_549] {strides = array<i32>} : memref<16x128xf32, #tpu.memory_space<vmem>>, vector<1x16xf32>,
    %swap3A_551 = vector.shape_cast %swap3A_550 : vector<1x16xf32> to vector<16xf32>
    %swap3A_552 = vector.shape_cast %broadcast_in_dim3A_546 : vector<16xf32> to vector<1x16xf32>
    tpu.vector_store %arg18[%swap3A_548, %swap3A_549], %swap3A_552 {strides = array<i32>} : memref<16x128xf32, #tpu.memory_space<vmem>>, vector<1x16xf32>,
    %broadcast_in_dim3A_553 = arith.constant 0.000000e+00 : f32
    %broadcast_in_dim3A_554 = vector.broadcast %broadcast_in_dim3A_553 : f32 to vector<16xf32>
    %swap3A_555 = arith.constant 8 : i32
    %swap3A_556 = arith.index_cast %swap3A_555 : i32 to index
    %swap3A_557 = arith.constant 80 : index
    %swap3A_558 = tpu.vector_load %arg18[%swap3A_556, %swap3A_557] {strides = array<i32>} : memref<16x128xf32, #tpu.memory_space<vmem>>, vector<1x16xf32>,
    %swap3A_559 = vector.shape_cast %swap3A_558 : vector<1x16xf32> to vector<16xf32>
    %swap3A_560 = vector.shape_cast %broadcast_in_dim3A_554 : vector<16xf32> to vector<1x16xf32>
    tpu.vector_store %arg18[%swap3A_556, %swap3A_557], %swap3A_560 {strides = array<i32>} : memref<16x128xf32, #tpu.memory_space<vmem>>, vector<1x16xf32>,
    %broadcast_in_dim3A_561 = arith.constant 0.000000e+00 : f32
    %broadcast_in_dim3A_562 = vector.broadcast %broadcast_in_dim3A_561 : f32 to vector<16xf32>
    %swap3A_563 = arith.constant 8 : i32
    %swap3A_564 = arith.index_cast %swap3A_563 : i32 to index
    %swap3A_565 = arith.constant 96 : index
    %swap3A_566 = tpu.vector_load %arg18[%swap3A_564, %swap3A_565] {strides = array<i32>} : memref<16x128xf32, #tpu.memory_space<vmem>>, vector<1x16xf32>,
    %swap3A_567 = vector.shape_cast %swap3A_566 : vector<1x16xf32> to vector<16xf32>
    %swap3A_568 = vector.shape_cast %broadcast_in_dim3A_562 : vector<16xf32> to vector<1x16xf32>
    tpu.vector_store %arg18[%swap3A_564, %swap3A_565], %swap3A_568 {strides = array<i32>} : memref<16x128xf32, #tpu.memory_space<vmem>>, vector<1x16xf32>,
    %broadcast_in_dim3A_569 = arith.constant 0.000000e+00 : f32
    %broadcast_in_dim3A_570 = vector.broadcast %broadcast_in_dim3A_569 : f32 to vector<16xf32>
    %swap3A_571 = arith.constant 8 : i32
    %swap3A_572 = arith.index_cast %swap3A_571 : i32 to index
    %swap3A_573 = arith.constant 112 : index
    %swap3A_574 = tpu.vector_load %arg18[%swap3A_572, %swap3A_573] {strides = array<i32>} : memref<16x128xf32, #tpu.memory_space<vmem>>, vector<1x16xf32>,
    %swap3A_575 = vector.shape_cast %swap3A_574 : vector<1x16xf32> to vector<16xf32>
    %swap3A_576 = vector.shape_cast %broadcast_in_dim3A_570 : vector<16xf32> to vector<1x16xf32>
    tpu.vector_store %arg18[%swap3A_572, %swap3A_573], %swap3A_576 {strides = array<i32>} : memref<16x128xf32, #tpu.memory_space<vmem>>, vector<1x16xf32>,
    %broadcast_in_dim3A_577 = arith.constant 0.000000e+00 : f32
    %broadcast_in_dim3A_578 = vector.broadcast %broadcast_in_dim3A_577 : f32 to vector<16xf32>
    %swap3A_579 = arith.constant 9 : i32
    %swap3A_580 = arith.index_cast %swap3A_579 : i32 to index
    %swap3A_581 = arith.constant 0 : index
    %swap3A_582 = tpu.vector_load %arg18[%swap3A_580, %swap3A_581] {strides = array<i32>} : memref<16x128xf32, #tpu.memory_space<vmem>>, vector<1x16xf32>,
    %swap3A_583 = vector.shape_cast %swap3A_582 : vector<1x16xf32> to vector<16xf32>
    %swap3A_584 = vector.shape_cast %broadcast_in_dim3A_578 : vector<16xf32> to vector<1x16xf32>
    tpu.vector_store %arg18[%swap3A_580, %swap3A_581], %swap3A_584 {strides = array<i32>} : memref<16x128xf32, #tpu.memory_space<vmem>>, vector<1x16xf32>,
    %broadcast_in_dim3A_585 = arith.constant 0.000000e+00 : f32
    %broadcast_in_dim3A_586 = vector.broadcast %broadcast_in_dim3A_585 : f32 to vector<16xf32>
    %swap3A_587 = arith.constant 9 : i32
    %swap3A_588 = arith.index_cast %swap3A_587 : i32 to index
    %swap3A_589 = arith.constant 16 : index
    %swap3A_590 = tpu.vector_load %arg18[%swap3A_588, %swap3A_589] {strides = array<i32>} : memref<16x128xf32, #tpu.memory_space<vmem>>, vector<1x16xf32>,
    %swap3A_591 = vector.shape_cast %swap3A_590 : vector<1x16xf32> to vector<16xf32>
    %swap3A_592 = vector.shape_cast %broadcast_in_dim3A_586 : vector<16xf32> to vector<1x16xf32>
    tpu.vector_store %arg18[%swap3A_588, %swap3A_589], %swap3A_592 {strides = array<i32>} : memref<16x128xf32, #tpu.memory_space<vmem>>, vector<1x16xf32>,
    %broadcast_in_dim3A_593 = arith.constant 0.000000e+00 : f32
    %broadcast_in_dim3A_594 = vector.broadcast %broadcast_in_dim3A_593 : f32 to vector<16xf32>
    %swap3A_595 = arith.constant 9 : i32
    %swap3A_596 = arith.index_cast %swap3A_595 : i32 to index
    %swap3A_597 = arith.constant 32 : index
    %swap3A_598 = tpu.vector_load %arg18[%swap3A_596, %swap3A_597] {strides = array<i32>} : memref<16x128xf32, #tpu.memory_space<vmem>>, vector<1x16xf32>,
    %swap3A_599 = vector.shape_cast %swap3A_598 : vector<1x16xf32> to vector<16xf32>
    %swap3A_600 = vector.shape_cast %broadcast_in_dim3A_594 : vector<16xf32> to vector<1x16xf32>
    tpu.vector_store %arg18[%swap3A_596, %swap3A_597], %swap3A_600 {strides = array<i32>} : memref<16x128xf32, #tpu.memory_space<vmem>>, vector<1x16xf32>,
    %broadcast_in_dim3A_601 = arith.constant 0.000000e+00 : f32
    %broadcast_in_dim3A_602 = vector.broadcast %broadcast_in_dim3A_601 : f32 to vector<16xf32>
    %swap3A_603 = arith.constant 9 : i32
    %swap3A_604 = arith.index_cast %swap3A_603 : i32 to index
    %swap3A_605 = arith.constant 48 : index
    %swap3A_606 = tpu.vector_load %arg18[%swap3A_604, %swap3A_605] {strides = array<i32>} : memref<16x128xf32, #tpu.memory_space<vmem>>, vector<1x16xf32>,
    %swap3A_607 = vector.shape_cast %swap3A_606 : vector<1x16xf32> to vector<16xf32>
    %swap3A_608 = vector.shape_cast %broadcast_in_dim3A_602 : vector<16xf32> to vector<1x16xf32>
    tpu.vector_store %arg18[%swap3A_604, %swap3A_605], %swap3A_608 {strides = array<i32>} : memref<16x128xf32, #tpu.memory_space<vmem>>, vector<1x16xf32>,
    %broadcast_in_dim3A_609 = arith.constant 0.000000e+00 : f32
    %broadcast_in_dim3A_610 = vector.broadcast %broadcast_in_dim3A_609 : f32 to vector<16xf32>
    %swap3A_611 = arith.constant 9 : i32
    %swap3A_612 = arith.index_cast %swap3A_611 : i32 to index
    %swap3A_613 = arith.constant 64 : index
    %swap3A_614 = tpu.vector_load %arg18[%swap3A_612, %swap3A_613] {strides = array<i32>} : memref<16x128xf32, #tpu.memory_space<vmem>>, vector<1x16xf32>,
    %swap3A_615 = vector.shape_cast %swap3A_614 : vector<1x16xf32> to vector<16xf32>
    %swap3A_616 = vector.shape_cast %broadcast_in_dim3A_610 : vector<16xf32> to vector<1x16xf32>
    tpu.vector_store %arg18[%swap3A_612, %swap3A_613], %swap3A_616 {strides = array<i32>} : memref<16x128xf32, #tpu.memory_space<vmem>>, vector<1x16xf32>,
    %broadcast_in_dim3A_617 = arith.constant 0.000000e+00 : f32
    %broadcast_in_dim3A_618 = vector.broadcast %broadcast_in_dim3A_617 : f32 to vector<16xf32>
    %swap3A_619 = arith.constant 9 : i32
    %swap3A_620 = arith.index_cast %swap3A_619 : i32 to index
    %swap3A_621 = arith.constant 80 : index
    %swap3A_622 = tpu.vector_load %arg18[%swap3A_620, %swap3A_621] {strides = array<i32>} : memref<16x128xf32, #tpu.memory_space<vmem>>, vector<1x16xf32>,
    %swap3A_623 = vector.shape_cast %swap3A_622 : vector<1x16xf32> to vector<16xf32>
    %swap3A_624 = vector.shape_cast %broadcast_in_dim3A_618 : vector<16xf32> to vector<1x16xf32>
    tpu.vector_store %arg18[%swap3A_620, %swap3A_621], %swap3A_624 {strides = array<i32>} : memref<16x128xf32, #tpu.memory_space<vmem>>, vector<1x16xf32>,
    %broadcast_in_dim3A_625 = arith.constant 0.000000e+00 : f32
    %broadcast_in_dim3A_626 = vector.broadcast %broadcast_in_dim3A_625 : f32 to vector<16xf32>
    %swap3A_627 = arith.constant 9 : i32
    %swap3A_628 = arith.index_cast %swap3A_627 : i32 to index
    %swap3A_629 = arith.constant 96 : index
    %swap3A_630 = tpu.vector_load %arg18[%swap3A_628, %swap3A_629] {strides = array<i32>} : memref<16x128xf32, #tpu.memory_space<vmem>>, vector<1x16xf32>,
    %swap3A_631 = vector.shape_cast %swap3A_630 : vector<1x16xf32> to vector<16xf32>
    %swap3A_632 = vector.shape_cast %broadcast_in_dim3A_626 : vector<16xf32> to vector<1x16xf32>
    tpu.vector_store %arg18[%swap3A_628, %swap3A_629], %swap3A_632 {strides = array<i32>} : memref<16x128xf32, #tpu.memory_space<vmem>>, vector<1x16xf32>,
    %broadcast_in_dim3A_633 = arith.constant 0.000000e+00 : f32
    %broadcast_in_dim3A_634 = vector.broadcast %broadcast_in_dim3A_633 : f32 to vector<16xf32>
    %swap3A_635 = arith.constant 9 : i32
    %swap3A_636 = arith.index_cast %swap3A_635 : i32 to index
    %swap3A_637 = arith.constant 112 : index
    %swap3A_638 = tpu.vector_load %arg18[%swap3A_636, %swap3A_637] {strides = array<i32>} : memref<16x128xf32, #tpu.memory_space<vmem>>, vector<1x16xf32>,
    %swap3A_639 = vector.shape_cast %swap3A_638 : vector<1x16xf32> to vector<16xf32>
    %swap3A_640 = vector.shape_cast %broadcast_in_dim3A_634 : vector<16xf32> to vector<1x16xf32>
    tpu.vector_store %arg18[%swap3A_636, %swap3A_637], %swap3A_640 {strides = array<i32>} : memref<16x128xf32, #tpu.memory_space<vmem>>, vector<1x16xf32>,
    %broadcast_in_dim3A_641 = arith.constant 0.000000e+00 : f32
    %broadcast_in_dim3A_642 = vector.broadcast %broadcast_in_dim3A_641 : f32 to vector<16xf32>
    %swap3A_643 = arith.constant 10 : i32
    %swap3A_644 = arith.index_cast %swap3A_643 : i32 to index
    %swap3A_645 = arith.constant 0 : index
    %swap3A_646 = tpu.vector_load %arg18[%swap3A_644, %swap3A_645] {strides = array<i32>} : memref<16x128xf32, #tpu.memory_space<vmem>>, vector<1x16xf32>,
    %swap3A_647 = vector.shape_cast %swap3A_646 : vector<1x16xf32> to vector<16xf32>
    %swap3A_648 = vector.shape_cast %broadcast_in_dim3A_642 : vector<16xf32> to vector<1x16xf32>
    tpu.vector_store %arg18[%swap3A_644, %swap3A_645], %swap3A_648 {strides = array<i32>} : memref<16x128xf32, #tpu.memory_space<vmem>>, vector<1x16xf32>,
    %broadcast_in_dim3A_649 = arith.constant 0.000000e+00 : f32
    %broadcast_in_dim3A_650 = vector.broadcast %broadcast_in_dim3A_649 : f32 to vector<16xf32>
    %swap3A_651 = arith.constant 10 : i32
    %swap3A_652 = arith.index_cast %swap3A_651 : i32 to index
    %swap3A_653 = arith.constant 16 : index
    %swap3A_654 = tpu.vector_load %arg18[%swap3A_652, %swap3A_653] {strides = array<i32>} : memref<16x128xf32, #tpu.memory_space<vmem>>, vector<1x16xf32>,
    %swap3A_655 = vector.shape_cast %swap3A_654 : vector<1x16xf32> to vector<16xf32>
    %swap3A_656 = vector.shape_cast %broadcast_in_dim3A_650 : vector<16xf32> to vector<1x16xf32>
    tpu.vector_store %arg18[%swap3A_652, %swap3A_653], %swap3A_656 {strides = array<i32>} : memref<16x128xf32, #tpu.memory_space<vmem>>, vector<1x16xf32>,
    %broadcast_in_dim3A_657 = arith.constant 0.000000e+00 : f32
    %broadcast_in_dim3A_658 = vector.broadcast %broadcast_in_dim3A_657 : f32 to vector<16xf32>
    %swap3A_659 = arith.constant 10 : i32
    %swap3A_660 = arith.index_cast %swap3A_659 : i32 to index
    %swap3A_661 = arith.constant 32 : index
    %swap3A_662 = tpu.vector_load %arg18[%swap3A_660, %swap3A_661] {strides = array<i32>} : memref<16x128xf32, #tpu.memory_space<vmem>>, vector<1x16xf32>,
    %swap3A_663 = vector.shape_cast %swap3A_662 : vector<1x16xf32> to vector<16xf32>
    %swap3A_664 = vector.shape_cast %broadcast_in_dim3A_658 : vector<16xf32> to vector<1x16xf32>
    tpu.vector_store %arg18[%swap3A_660, %swap3A_661], %swap3A_664 {strides = array<i32>} : memref<16x128xf32, #tpu.memory_space<vmem>>, vector<1x16xf32>,
    %broadcast_in_dim3A_665 = arith.constant 0.000000e+00 : f32
    %broadcast_in_dim3A_666 = vector.broadcast %broadcast_in_dim3A_665 : f32 to vector<16xf32>
    %swap3A_667 = arith.constant 10 : i32
    %swap3A_668 = arith.index_cast %swap3A_667 : i32 to index
    %swap3A_669 = arith.constant 48 : index
    %swap3A_670 = tpu.vector_load %arg18[%swap3A_668, %swap3A_669] {strides = array<i32>} : memref<16x128xf32, #tpu.memory_space<vmem>>, vector<1x16xf32>,
    %swap3A_671 = vector.shape_cast %swap3A_670 : vector<1x16xf32> to vector<16xf32>
    %swap3A_672 = vector.shape_cast %broadcast_in_dim3A_666 : vector<16xf32> to vector<1x16xf32>
    tpu.vector_store %arg18[%swap3A_668, %swap3A_669], %swap3A_672 {strides = array<i32>} : memref<16x128xf32, #tpu.memory_space<vmem>>, vector<1x16xf32>,
    %broadcast_in_dim3A_673 = arith.constant 0.000000e+00 : f32
    %broadcast_in_dim3A_674 = vector.broadcast %broadcast_in_dim3A_673 : f32 to vector<16xf32>
    %swap3A_675 = arith.constant 10 : i32
    %swap3A_676 = arith.index_cast %swap3A_675 : i32 to index
    %swap3A_677 = arith.constant 64 : index
    %swap3A_678 = tpu.vector_load %arg18[%swap3A_676, %swap3A_677] {strides = array<i32>} : memref<16x128xf32, #tpu.memory_space<vmem>>, vector<1x16xf32>,
    %swap3A_679 = vector.shape_cast %swap3A_678 : vector<1x16xf32> to vector<16xf32>
    %swap3A_680 = vector.shape_cast %broadcast_in_dim3A_674 : vector<16xf32> to vector<1x16xf32>
    tpu.vector_store %arg18[%swap3A_676, %swap3A_677], %swap3A_680 {strides = array<i32>} : memref<16x128xf32, #tpu.memory_space<vmem>>, vector<1x16xf32>,
    %broadcast_in_dim3A_681 = arith.constant 0.000000e+00 : f32
    %broadcast_in_dim3A_682 = vector.broadcast %broadcast_in_dim3A_681 : f32 to vector<16xf32>
    %swap3A_683 = arith.constant 10 : i32
    %swap3A_684 = arith.index_cast %swap3A_683 : i32 to index
    %swap3A_685 = arith.constant 80 : index
    %swap3A_686 = tpu.vector_load %arg18[%swap3A_684, %swap3A_685] {strides = array<i32>} : memref<16x128xf32, #tpu.memory_space<vmem>>, vector<1x16xf32>,
    %swap3A_687 = vector.shape_cast %swap3A_686 : vector<1x16xf32> to vector<16xf32>
    %swap3A_688 = vector.shape_cast %broadcast_in_dim3A_682 : vector<16xf32> to vector<1x16xf32>
    tpu.vector_store %arg18[%swap3A_684, %swap3A_685], %swap3A_688 {strides = array<i32>} : memref<16x128xf32, #tpu.memory_space<vmem>>, vector<1x16xf32>,
    %broadcast_in_dim3A_689 = arith.constant 0.000000e+00 : f32
    %broadcast_in_dim3A_690 = vector.broadcast %broadcast_in_dim3A_689 : f32 to vector<16xf32>
    %swap3A_691 = arith.constant 10 : i32
    %swap3A_692 = arith.index_cast %swap3A_691 : i32 to index
    %swap3A_693 = arith.constant 96 : index
    %swap3A_694 = tpu.vector_load %arg18[%swap3A_692, %swap3A_693] {strides = array<i32>} : memref<16x128xf32, #tpu.memory_space<vmem>>, vector<1x16xf32>,
    %swap3A_695 = vector.shape_cast %swap3A_694 : vector<1x16xf32> to vector<16xf32>
    %swap3A_696 = vector.shape_cast %broadcast_in_dim3A_690 : vector<16xf32> to vector<1x16xf32>
    tpu.vector_store %arg18[%swap3A_692, %swap3A_693], %swap3A_696 {strides = array<i32>} : memref<16x128xf32, #tpu.memory_space<vmem>>, vector<1x16xf32>,
    %broadcast_in_dim3A_697 = arith.constant 0.000000e+00 : f32
    %broadcast_in_dim3A_698 = vector.broadcast %broadcast_in_dim3A_697 : f32 to vector<16xf32>
    %swap3A_699 = arith.constant 10 : i32
    %swap3A_700 = arith.index_cast %swap3A_699 : i32 to index
    %swap3A_701 = arith.constant 112 : index
    %swap3A_702 = tpu.vector_load %arg18[%swap3A_700, %swap3A_701] {strides = array<i32>} : memref<16x128xf32, #tpu.memory_space<vmem>>, vector<1x16xf32>,
    %swap3A_703 = vector.shape_cast %swap3A_702 : vector<1x16xf32> to vector<16xf32>
    %swap3A_704 = vector.shape_cast %broadcast_in_dim3A_698 : vector<16xf32> to vector<1x16xf32>
    tpu.vector_store %arg18[%swap3A_700, %swap3A_701], %swap3A_704 {strides = array<i32>} : memref<16x128xf32, #tpu.memory_space<vmem>>, vector<1x16xf32>,
    %broadcast_in_dim3A_705 = arith.constant 0.000000e+00 : f32
    %broadcast_in_dim3A_706 = vector.broadcast %broadcast_in_dim3A_705 : f32 to vector<16xf32>
    %swap3A_707 = arith.constant 11 : i32
    %swap3A_708 = arith.index_cast %swap3A_707 : i32 to index
    %swap3A_709 = arith.constant 0 : index
    %swap3A_710 = tpu.vector_load %arg18[%swap3A_708, %swap3A_709] {strides = array<i32>} : memref<16x128xf32, #tpu.memory_space<vmem>>, vector<1x16xf32>,
    %swap3A_711 = vector.shape_cast %swap3A_710 : vector<1x16xf32> to vector<16xf32>
    %swap3A_712 = vector.shape_cast %broadcast_in_dim3A_706 : vector<16xf32> to vector<1x16xf32>
    tpu.vector_store %arg18[%swap3A_708, %swap3A_709], %swap3A_712 {strides = array<i32>} : memref<16x128xf32, #tpu.memory_space<vmem>>, vector<1x16xf32>,
    %broadcast_in_dim3A_713 = arith.constant 0.000000e+00 : f32
    %broadcast_in_dim3A_714 = vector.broadcast %broadcast_in_dim3A_713 : f32 to vector<16xf32>
    %swap3A_715 = arith.constant 11 : i32
    %swap3A_716 = arith.index_cast %swap3A_715 : i32 to index
    %swap3A_717 = arith.constant 16 : index
    %swap3A_718 = tpu.vector_load %arg18[%swap3A_716, %swap3A_717] {strides = array<i32>} : memref<16x128xf32, #tpu.memory_space<vmem>>, vector<1x16xf32>,
    %swap3A_719 = vector.shape_cast %swap3A_718 : vector<1x16xf32> to vector<16xf32>
    %swap3A_720 = vector.shape_cast %broadcast_in_dim3A_714 : vector<16xf32> to vector<1x16xf32>
    tpu.vector_store %arg18[%swap3A_716, %swap3A_717], %swap3A_720 {strides = array<i32>} : memref<16x128xf32, #tpu.memory_space<vmem>>, vector<1x16xf32>,
    %broadcast_in_dim3A_721 = arith.constant 0.000000e+00 : f32
    %broadcast_in_dim3A_722 = vector.broadcast %broadcast_in_dim3A_721 : f32 to vector<16xf32>
    %swap3A_723 = arith.constant 11 : i32
    %swap3A_724 = arith.index_cast %swap3A_723 : i32 to index
    %swap3A_725 = arith.constant 32 : index
    %swap3A_726 = tpu.vector_load %arg18[%swap3A_724, %swap3A_725] {strides = array<i32>} : memref<16x128xf32, #tpu.memory_space<vmem>>, vector<1x16xf32>,
    %swap3A_727 = vector.shape_cast %swap3A_726 : vector<1x16xf32> to vector<16xf32>
    %swap3A_728 = vector.shape_cast %broadcast_in_dim3A_722 : vector<16xf32> to vector<1x16xf32>
    tpu.vector_store %arg18[%swap3A_724, %swap3A_725], %swap3A_728 {strides = array<i32>} : memref<16x128xf32, #tpu.memory_space<vmem>>, vector<1x16xf32>,
    %broadcast_in_dim3A_729 = arith.constant 0.000000e+00 : f32
    %broadcast_in_dim3A_730 = vector.broadcast %broadcast_in_dim3A_729 : f32 to vector<16xf32>
    %swap3A_731 = arith.constant 11 : i32
    %swap3A_732 = arith.index_cast %swap3A_731 : i32 to index
    %swap3A_733 = arith.constant 48 : index
    %swap3A_734 = tpu.vector_load %arg18[%swap3A_732, %swap3A_733] {strides = array<i32>} : memref<16x128xf32, #tpu.memory_space<vmem>>, vector<1x16xf32>,
    %swap3A_735 = vector.shape_cast %swap3A_734 : vector<1x16xf32> to vector<16xf32>
    %swap3A_736 = vector.shape_cast %broadcast_in_dim3A_730 : vector<16xf32> to vector<1x16xf32>
    tpu.vector_store %arg18[%swap3A_732, %swap3A_733], %swap3A_736 {strides = array<i32>} : memref<16x128xf32, #tpu.memory_space<vmem>>, vector<1x16xf32>,
    %broadcast_in_dim3A_737 = arith.constant 0.000000e+00 : f32
    %broadcast_in_dim3A_738 = vector.broadcast %broadcast_in_dim3A_737 : f32 to vector<16xf32>
    %swap3A_739 = arith.constant 11 : i32
    %swap3A_740 = arith.index_cast %swap3A_739 : i32 to index
    %swap3A_741 = arith.constant 64 : index
    %swap3A_742 = tpu.vector_load %arg18[%swap3A_740, %swap3A_741] {strides = array<i32>} : memref<16x128xf32, #tpu.memory_space<vmem>>, vector<1x16xf32>,
    %swap3A_743 = vector.shape_cast %swap3A_742 : vector<1x16xf32> to vector<16xf32>
    %swap3A_744 = vector.shape_cast %broadcast_in_dim3A_738 : vector<16xf32> to vector<1x16xf32>
    tpu.vector_store %arg18[%swap3A_740, %swap3A_741], %swap3A_744 {strides = array<i32>} : memref<16x128xf32, #tpu.memory_space<vmem>>, vector<1x16xf32>,
    %broadcast_in_dim3A_745 = arith.constant 0.000000e+00 : f32
    %broadcast_in_dim3A_746 = vector.broadcast %broadcast_in_dim3A_745 : f32 to vector<16xf32>
    %swap3A_747 = arith.constant 11 : i32
    %swap3A_748 = arith.index_cast %swap3A_747 : i32 to index
    %swap3A_749 = arith.constant 80 : index
    %swap3A_750 = tpu.vector_load %arg18[%swap3A_748, %swap3A_749] {strides = array<i32>} : memref<16x128xf32, #tpu.memory_space<vmem>>, vector<1x16xf32>,
    %swap3A_751 = vector.shape_cast %swap3A_750 : vector<1x16xf32> to vector<16xf32>
    %swap3A_752 = vector.shape_cast %broadcast_in_dim3A_746 : vector<16xf32> to vector<1x16xf32>
    tpu.vector_store %arg18[%swap3A_748, %swap3A_749], %swap3A_752 {strides = array<i32>} : memref<16x128xf32, #tpu.memory_space<vmem>>, vector<1x16xf32>,
    %broadcast_in_dim3A_753 = arith.constant 0.000000e+00 : f32
    %broadcast_in_dim3A_754 = vector.broadcast %broadcast_in_dim3A_753 : f32 to vector<16xf32>
    %swap3A_755 = arith.constant 11 : i32
    %swap3A_756 = arith.index_cast %swap3A_755 : i32 to index
    %swap3A_757 = arith.constant 96 : index
    %swap3A_758 = tpu.vector_load %arg18[%swap3A_756, %swap3A_757] {strides = array<i32>} : memref<16x128xf32, #tpu.memory_space<vmem>>, vector<1x16xf32>,
    %swap3A_759 = vector.shape_cast %swap3A_758 : vector<1x16xf32> to vector<16xf32>
    %swap3A_760 = vector.shape_cast %broadcast_in_dim3A_754 : vector<16xf32> to vector<1x16xf32>
    tpu.vector_store %arg18[%swap3A_756, %swap3A_757], %swap3A_760 {strides = array<i32>} : memref<16x128xf32, #tpu.memory_space<vmem>>, vector<1x16xf32>,
    %broadcast_in_dim3A_761 = arith.constant 0.000000e+00 : f32
    %broadcast_in_dim3A_762 = vector.broadcast %broadcast_in_dim3A_761 : f32 to vector<16xf32>
    %swap3A_763 = arith.constant 11 : i32
    %swap3A_764 = arith.index_cast %swap3A_763 : i32 to index
    %swap3A_765 = arith.constant 112 : index
    %swap3A_766 = tpu.vector_load %arg18[%swap3A_764, %swap3A_765] {strides = array<i32>} : memref<16x128xf32, #tpu.memory_space<vmem>>, vector<1x16xf32>,
    %swap3A_767 = vector.shape_cast %swap3A_766 : vector<1x16xf32> to vector<16xf32>
    %swap3A_768 = vector.shape_cast %broadcast_in_dim3A_762 : vector<16xf32> to vector<1x16xf32>
    tpu.vector_store %arg18[%swap3A_764, %swap3A_765], %swap3A_768 {strides = array<i32>} : memref<16x128xf32, #tpu.memory_space<vmem>>, vector<1x16xf32>,
    %broadcast_in_dim3A_769 = arith.constant 0.000000e+00 : f32
    %broadcast_in_dim3A_770 = vector.broadcast %broadcast_in_dim3A_769 : f32 to vector<16xf32>
    %swap3A_771 = arith.constant 12 : i32
    %swap3A_772 = arith.index_cast %swap3A_771 : i32 to index
    %swap3A_773 = arith.constant 0 : index
    %swap3A_774 = tpu.vector_load %arg18[%swap3A_772, %swap3A_773] {strides = array<i32>} : memref<16x128xf32, #tpu.memory_space<vmem>>, vector<1x16xf32>,
    %swap3A_775 = vector.shape_cast %swap3A_774 : vector<1x16xf32> to vector<16xf32>
    %swap3A_776 = vector.shape_cast %broadcast_in_dim3A_770 : vector<16xf32> to vector<1x16xf32>
    tpu.vector_store %arg18[%swap3A_772, %swap3A_773], %swap3A_776 {strides = array<i32>} : memref<16x128xf32, #tpu.memory_space<vmem>>, vector<1x16xf32>,
    %broadcast_in_dim3A_777 = arith.constant 0.000000e+00 : f32
    %broadcast_in_dim3A_778 = vector.broadcast %broadcast_in_dim3A_777 : f32 to vector<16xf32>
    %swap3A_779 = arith.constant 12 : i32
    %swap3A_780 = arith.index_cast %swap3A_779 : i32 to index
    %swap3A_781 = arith.constant 16 : index
    %swap3A_782 = tpu.vector_load %arg18[%swap3A_780, %swap3A_781] {strides = array<i32>} : memref<16x128xf32, #tpu.memory_space<vmem>>, vector<1x16xf32>,
    %swap3A_783 = vector.shape_cast %swap3A_782 : vector<1x16xf32> to vector<16xf32>
    %swap3A_784 = vector.shape_cast %broadcast_in_dim3A_778 : vector<16xf32> to vector<1x16xf32>
    tpu.vector_store %arg18[%swap3A_780, %swap3A_781], %swap3A_784 {strides = array<i32>} : memref<16x128xf32, #tpu.memory_space<vmem>>, vector<1x16xf32>,
    %broadcast_in_dim3A_785 = arith.constant 0.000000e+00 : f32
    %broadcast_in_dim3A_786 = vector.broadcast %broadcast_in_dim3A_785 : f32 to vector<16xf32>
    %swap3A_787 = arith.constant 12 : i32
    %swap3A_788 = arith.index_cast %swap3A_787 : i32 to index
    %swap3A_789 = arith.constant 32 : index
    %swap3A_790 = tpu.vector_load %arg18[%swap3A_788, %swap3A_789] {strides = array<i32>} : memref<16x128xf32, #tpu.memory_space<vmem>>, vector<1x16xf32>,
    %swap3A_791 = vector.shape_cast %swap3A_790 : vector<1x16xf32> to vector<16xf32>
    %swap3A_792 = vector.shape_cast %broadcast_in_dim3A_786 : vector<16xf32> to vector<1x16xf32>
    tpu.vector_store %arg18[%swap3A_788, %swap3A_789], %swap3A_792 {strides = array<i32>} : memref<16x128xf32, #tpu.memory_space<vmem>>, vector<1x16xf32>,
    %broadcast_in_dim3A_793 = arith.constant 0.000000e+00 : f32
    %broadcast_in_dim3A_794 = vector.broadcast %broadcast_in_dim3A_793 : f32 to vector<16xf32>
    %swap3A_795 = arith.constant 12 : i32
    %swap3A_796 = arith.index_cast %swap3A_795 : i32 to index
    %swap3A_797 = arith.constant 48 : index
    %swap3A_798 = tpu.vector_load %arg18[%swap3A_796, %swap3A_797] {strides = array<i32>} : memref<16x128xf32, #tpu.memory_space<vmem>>, vector<1x16xf32>,
    %swap3A_799 = vector.shape_cast %swap3A_798 : vector<1x16xf32> to vector<16xf32>
    %swap3A_800 = vector.shape_cast %broadcast_in_dim3A_794 : vector<16xf32> to vector<1x16xf32>
    tpu.vector_store %arg18[%swap3A_796, %swap3A_797], %swap3A_800 {strides = array<i32>} : memref<16x128xf32, #tpu.memory_space<vmem>>, vector<1x16xf32>,
    %broadcast_in_dim3A_801 = arith.constant 0.000000e+00 : f32
    %broadcast_in_dim3A_802 = vector.broadcast %broadcast_in_dim3A_801 : f32 to vector<16xf32>
    %swap3A_803 = arith.constant 12 : i32
    %swap3A_804 = arith.index_cast %swap3A_803 : i32 to index
    %swap3A_805 = arith.constant 64 : index
    %swap3A_806 = tpu.vector_load %arg18[%swap3A_804, %swap3A_805] {strides = array<i32>} : memref<16x128xf32, #tpu.memory_space<vmem>>, vector<1x16xf32>,
    %swap3A_807 = vector.shape_cast %swap3A_806 : vector<1x16xf32> to vector<16xf32>
    %swap3A_808 = vector.shape_cast %broadcast_in_dim3A_802 : vector<16xf32> to vector<1x16xf32>
    tpu.vector_store %arg18[%swap3A_804, %swap3A_805], %swap3A_808 {strides = array<i32>} : memref<16x128xf32, #tpu.memory_space<vmem>>, vector<1x16xf32>,
    %broadcast_in_dim3A_809 = arith.constant 0.000000e+00 : f32
    %broadcast_in_dim3A_810 = vector.broadcast %broadcast_in_dim3A_809 : f32 to vector<16xf32>
    %swap3A_811 = arith.constant 12 : i32
    %swap3A_812 = arith.index_cast %swap3A_811 : i32 to index
    %swap3A_813 = arith.constant 80 : index
    %swap3A_814 = tpu.vector_load %arg18[%swap3A_812, %swap3A_813] {strides = array<i32>} : memref<16x128xf32, #tpu.memory_space<vmem>>, vector<1x16xf32>,
    %swap3A_815 = vector.shape_cast %swap3A_814 : vector<1x16xf32> to vector<16xf32>
    %swap3A_816 = vector.shape_cast %broadcast_in_dim3A_810 : vector<16xf32> to vector<1x16xf32>
    tpu.vector_store %arg18[%swap3A_812, %swap3A_813], %swap3A_816 {strides = array<i32>} : memref<16x128xf32, #tpu.memory_space<vmem>>, vector<1x16xf32>,
    %broadcast_in_dim3A_817 = arith.constant 0.000000e+00 : f32
    %broadcast_in_dim3A_818 = vector.broadcast %broadcast_in_dim3A_817 : f32 to vector<16xf32>
    %swap3A_819 = arith.constant 12 : i32
    %swap3A_820 = arith.index_cast %swap3A_819 : i32 to index
    %swap3A_821 = arith.constant 96 : index
    %swap3A_822 = tpu.vector_load %arg18[%swap3A_820, %swap3A_821] {strides = array<i32>} : memref<16x128xf32, #tpu.memory_space<vmem>>, vector<1x16xf32>,
    %swap3A_823 = vector.shape_cast %swap3A_822 : vector<1x16xf32> to vector<16xf32>
    %swap3A_824 = vector.shape_cast %broadcast_in_dim3A_818 : vector<16xf32> to vector<1x16xf32>
    tpu.vector_store %arg18[%swap3A_820, %swap3A_821], %swap3A_824 {strides = array<i32>} : memref<16x128xf32, #tpu.memory_space<vmem>>, vector<1x16xf32>,
    %broadcast_in_dim3A_825 = arith.constant 0.000000e+00 : f32
    %broadcast_in_dim3A_826 = vector.broadcast %broadcast_in_dim3A_825 : f32 to vector<16xf32>
    %swap3A_827 = arith.constant 12 : i32
    %swap3A_828 = arith.index_cast %swap3A_827 : i32 to index
    %swap3A_829 = arith.constant 112 : index
    %swap3A_830 = tpu.vector_load %arg18[%swap3A_828, %swap3A_829] {strides = array<i32>} : memref<16x128xf32, #tpu.memory_space<vmem>>, vector<1x16xf32>,
    %swap3A_831 = vector.shape_cast %swap3A_830 : vector<1x16xf32> to vector<16xf32>
    %swap3A_832 = vector.shape_cast %broadcast_in_dim3A_826 : vector<16xf32> to vector<1x16xf32>
    tpu.vector_store %arg18[%swap3A_828, %swap3A_829], %swap3A_832 {strides = array<i32>} : memref<16x128xf32, #tpu.memory_space<vmem>>, vector<1x16xf32>,
    %broadcast_in_dim3A_833 = arith.constant 0.000000e+00 : f32
    %broadcast_in_dim3A_834 = vector.broadcast %broadcast_in_dim3A_833 : f32 to vector<16xf32>
    %swap3A_835 = arith.constant 13 : i32
    %swap3A_836 = arith.index_cast %swap3A_835 : i32 to index
    %swap3A_837 = arith.constant 0 : index
    %swap3A_838 = tpu.vector_load %arg18[%swap3A_836, %swap3A_837] {strides = array<i32>} : memref<16x128xf32, #tpu.memory_space<vmem>>, vector<1x16xf32>,
    %swap3A_839 = vector.shape_cast %swap3A_838 : vector<1x16xf32> to vector<16xf32>
    %swap3A_840 = vector.shape_cast %broadcast_in_dim3A_834 : vector<16xf32> to vector<1x16xf32>
    tpu.vector_store %arg18[%swap3A_836, %swap3A_837], %swap3A_840 {strides = array<i32>} : memref<16x128xf32, #tpu.memory_space<vmem>>, vector<1x16xf32>,
    %broadcast_in_dim3A_841 = arith.constant 0.000000e+00 : f32
    %broadcast_in_dim3A_842 = vector.broadcast %broadcast_in_dim3A_841 : f32 to vector<16xf32>
    %swap3A_843 = arith.constant 13 : i32
    %swap3A_844 = arith.index_cast %swap3A_843 : i32 to index
    %swap3A_845 = arith.constant 16 : index
    %swap3A_846 = tpu.vector_load %arg18[%swap3A_844, %swap3A_845] {strides = array<i32>} : memref<16x128xf32, #tpu.memory_space<vmem>>, vector<1x16xf32>,
    %swap3A_847 = vector.shape_cast %swap3A_846 : vector<1x16xf32> to vector<16xf32>
    %swap3A_848 = vector.shape_cast %broadcast_in_dim3A_842 : vector<16xf32> to vector<1x16xf32>
    tpu.vector_store %arg18[%swap3A_844, %swap3A_845], %swap3A_848 {strides = array<i32>} : memref<16x128xf32, #tpu.memory_space<vmem>>, vector<1x16xf32>,
    %broadcast_in_dim3A_849 = arith.constant 0.000000e+00 : f32
    %broadcast_in_dim3A_850 = vector.broadcast %broadcast_in_dim3A_849 : f32 to vector<16xf32>
    %swap3A_851 = arith.constant 13 : i32
    %swap3A_852 = arith.index_cast %swap3A_851 : i32 to index
    %swap3A_853 = arith.constant 32 : index
    %swap3A_854 = tpu.vector_load %arg18[%swap3A_852, %swap3A_853] {strides = array<i32>} : memref<16x128xf32, #tpu.memory_space<vmem>>, vector<1x16xf32>,
    %swap3A_855 = vector.shape_cast %swap3A_854 : vector<1x16xf32> to vector<16xf32>
    %swap3A_856 = vector.shape_cast %broadcast_in_dim3A_850 : vector<16xf32> to vector<1x16xf32>
    tpu.vector_store %arg18[%swap3A_852, %swap3A_853], %swap3A_856 {strides = array<i32>} : memref<16x128xf32, #tpu.memory_space<vmem>>, vector<1x16xf32>,
    %broadcast_in_dim3A_857 = arith.constant 0.000000e+00 : f32
    %broadcast_in_dim3A_858 = vector.broadcast %broadcast_in_dim3A_857 : f32 to vector<16xf32>
    %swap3A_859 = arith.constant 13 : i32
    %swap3A_860 = arith.index_cast %swap3A_859 : i32 to index
    %swap3A_861 = arith.constant 48 : index
    %swap3A_862 = tpu.vector_load %arg18[%swap3A_860, %swap3A_861] {strides = array<i32>} : memref<16x128xf32, #tpu.memory_space<vmem>>, vector<1x16xf32>,
    %swap3A_863 = vector.shape_cast %swap3A_862 : vector<1x16xf32> to vector<16xf32>
    %swap3A_864 = vector.shape_cast %broadcast_in_dim3A_858 : vector<16xf32> to vector<1x16xf32>
    tpu.vector_store %arg18[%swap3A_860, %swap3A_861], %swap3A_864 {strides = array<i32>} : memref<16x128xf32, #tpu.memory_space<vmem>>, vector<1x16xf32>,
    %broadcast_in_dim3A_865 = arith.constant 0.000000e+00 : f32
    %broadcast_in_dim3A_866 = vector.broadcast %broadcast_in_dim3A_865 : f32 to vector<16xf32>
    %swap3A_867 = arith.constant 13 : i32
    %swap3A_868 = arith.index_cast %swap3A_867 : i32 to index
    %swap3A_869 = arith.constant 64 : index
    %swap3A_870 = tpu.vector_load %arg18[%swap3A_868, %swap3A_869] {strides = array<i32>} : memref<16x128xf32, #tpu.memory_space<vmem>>, vector<1x16xf32>,
    %swap3A_871 = vector.shape_cast %swap3A_870 : vector<1x16xf32> to vector<16xf32>
    %swap3A_872 = vector.shape_cast %broadcast_in_dim3A_866 : vector<16xf32> to vector<1x16xf32>
    tpu.vector_store %arg18[%swap3A_868, %swap3A_869], %swap3A_872 {strides = array<i32>} : memref<16x128xf32, #tpu.memory_space<vmem>>, vector<1x16xf32>,
    %broadcast_in_dim3A_873 = arith.constant 0.000000e+00 : f32
    %broadcast_in_dim3A_874 = vector.broadcast %broadcast_in_dim3A_873 : f32 to vector<16xf32>
    %swap3A_875 = arith.constant 13 : i32
    %swap3A_876 = arith.index_cast %swap3A_875 : i32 to index
    %swap3A_877 = arith.constant 80 : index
    %swap3A_878 = tpu.vector_load %arg18[%swap3A_876, %swap3A_877] {strides = array<i32>} : memref<16x128xf32, #tpu.memory_space<vmem>>, vector<1x16xf32>,
    %swap3A_879 = vector.shape_cast %swap3A_878 : vector<1x16xf32> to vector<16xf32>
    %swap3A_880 = vector.shape_cast %broadcast_in_dim3A_874 : vector<16xf32> to vector<1x16xf32>
    tpu.vector_store %arg18[%swap3A_876, %swap3A_877], %swap3A_880 {strides = array<i32>} : memref<16x128xf32, #tpu.memory_space<vmem>>, vector<1x16xf32>,
    %broadcast_in_dim3A_881 = arith.constant 0.000000e+00 : f32
    %broadcast_in_dim3A_882 = vector.broadcast %broadcast_in_dim3A_881 : f32 to vector<16xf32>
    %swap3A_883 = arith.constant 13 : i32
    %swap3A_884 = arith.index_cast %swap3A_883 : i32 to index
    %swap3A_885 = arith.constant 96 : index
    %swap3A_886 = tpu.vector_load %arg18[%swap3A_884, %swap3A_885] {strides = array<i32>} : memref<16x128xf32, #tpu.memory_space<vmem>>, vector<1x16xf32>,
    %swap3A_887 = vector.shape_cast %swap3A_886 : vector<1x16xf32> to vector<16xf32>
    %swap3A_888 = vector.shape_cast %broadcast_in_dim3A_882 : vector<16xf32> to vector<1x16xf32>
    tpu.vector_store %arg18[%swap3A_884, %swap3A_885], %swap3A_888 {strides = array<i32>} : memref<16x128xf32, #tpu.memory_space<vmem>>, vector<1x16xf32>,
    %broadcast_in_dim3A_889 = arith.constant 0.000000e+00 : f32
    %broadcast_in_dim3A_890 = vector.broadcast %broadcast_in_dim3A_889 : f32 to vector<16xf32>
    %swap3A_891 = arith.constant 13 : i32
    %swap3A_892 = arith.index_cast %swap3A_891 : i32 to index
    %swap3A_893 = arith.constant 112 : index
    %swap3A_894 = tpu.vector_load %arg18[%swap3A_892, %swap3A_893] {strides = array<i32>} : memref<16x128xf32, #tpu.memory_space<vmem>>, vector<1x16xf32>,
    %swap3A_895 = vector.shape_cast %swap3A_894 : vector<1x16xf32> to vector<16xf32>
    %swap3A_896 = vector.shape_cast %broadcast_in_dim3A_890 : vector<16xf32> to vector<1x16xf32>
    tpu.vector_store %arg18[%swap3A_892, %swap3A_893], %swap3A_896 {strides = array<i32>} : memref<16x128xf32, #tpu.memory_space<vmem>>, vector<1x16xf32>,
    %broadcast_in_dim3A_897 = arith.constant 0.000000e+00 : f32
    %broadcast_in_dim3A_898 = vector.broadcast %broadcast_in_dim3A_897 : f32 to vector<16xf32>
    %swap3A_899 = arith.constant 14 : i32
    %swap3A_900 = arith.index_cast %swap3A_899 : i32 to index
    %swap3A_901 = arith.constant 0 : index
    %swap3A_902 = tpu.vector_load %arg18[%swap3A_900, %swap3A_901] {strides = array<i32>} : memref<16x128xf32, #tpu.memory_space<vmem>>, vector<1x16xf32>,
    %swap3A_903 = vector.shape_cast %swap3A_902 : vector<1x16xf32> to vector<16xf32>
    %swap3A_904 = vector.shape_cast %broadcast_in_dim3A_898 : vector<16xf32> to vector<1x16xf32>
    tpu.vector_store %arg18[%swap3A_900, %swap3A_901], %swap3A_904 {strides = array<i32>} : memref<16x128xf32, #tpu.memory_space<vmem>>, vector<1x16xf32>,
    %broadcast_in_dim3A_905 = arith.constant 0.000000e+00 : f32
    %broadcast_in_dim3A_906 = vector.broadcast %broadcast_in_dim3A_905 : f32 to vector<16xf32>
    %swap3A_907 = arith.constant 14 : i32
    %swap3A_908 = arith.index_cast %swap3A_907 : i32 to index
    %swap3A_909 = arith.constant 16 : index
    %swap3A_910 = tpu.vector_load %arg18[%swap3A_908, %swap3A_909] {strides = array<i32>} : memref<16x128xf32, #tpu.memory_space<vmem>>, vector<1x16xf32>,
    %swap3A_911 = vector.shape_cast %swap3A_910 : vector<1x16xf32> to vector<16xf32>
    %swap3A_912 = vector.shape_cast %broadcast_in_dim3A_906 : vector<16xf32> to vector<1x16xf32>
    tpu.vector_store %arg18[%swap3A_908, %swap3A_909], %swap3A_912 {strides = array<i32>} : memref<16x128xf32, #tpu.memory_space<vmem>>, vector<1x16xf32>,
    %broadcast_in_dim3A_913 = arith.constant 0.000000e+00 : f32
    %broadcast_in_dim3A_914 = vector.broadcast %broadcast_in_dim3A_913 : f32 to vector<16xf32>
    %swap3A_915 = arith.constant 14 : i32
    %swap3A_916 = arith.index_cast %swap3A_915 : i32 to index
    %swap3A_917 = arith.constant 32 : index
    %swap3A_918 = tpu.vector_load %arg18[%swap3A_916, %swap3A_917] {strides = array<i32>} : memref<16x128xf32, #tpu.memory_space<vmem>>, vector<1x16xf32>,
    %swap3A_919 = vector.shape_cast %swap3A_918 : vector<1x16xf32> to vector<16xf32>
    %swap3A_920 = vector.shape_cast %broadcast_in_dim3A_914 : vector<16xf32> to vector<1x16xf32>
    tpu.vector_store %arg18[%swap3A_916, %swap3A_917], %swap3A_920 {strides = array<i32>} : memref<16x128xf32, #tpu.memory_space<vmem>>, vector<1x16xf32>,
    %broadcast_in_dim3A_921 = arith.constant 0.000000e+00 : f32
    %broadcast_in_dim3A_922 = vector.broadcast %broadcast_in_dim3A_921 : f32 to vector<16xf32>
    %swap3A_923 = arith.constant 14 : i32
    %swap3A_924 = arith.index_cast %swap3A_923 : i32 to index
    %swap3A_925 = arith.constant 48 : index
    %swap3A_926 = tpu.vector_load %arg18[%swap3A_924, %swap3A_925] {strides = array<i32>} : memref<16x128xf32, #tpu.memory_space<vmem>>, vector<1x16xf32>,
    %swap3A_927 = vector.shape_cast %swap3A_926 : vector<1x16xf32> to vector<16xf32>
    %swap3A_928 = vector.shape_cast %broadcast_in_dim3A_922 : vector<16xf32> to vector<1x16xf32>
    tpu.vector_store %arg18[%swap3A_924, %swap3A_925], %swap3A_928 {strides = array<i32>} : memref<16x128xf32, #tpu.memory_space<vmem>>, vector<1x16xf32>,
    %broadcast_in_dim3A_929 = arith.constant 0.000000e+00 : f32
    %broadcast_in_dim3A_930 = vector.broadcast %broadcast_in_dim3A_929 : f32 to vector<16xf32>
    %swap3A_931 = arith.constant 14 : i32
    %swap3A_932 = arith.index_cast %swap3A_931 : i32 to index
    %swap3A_933 = arith.constant 64 : index
    %swap3A_934 = tpu.vector_load %arg18[%swap3A_932, %swap3A_933] {strides = array<i32>} : memref<16x128xf32, #tpu.memory_space<vmem>>, vector<1x16xf32>,
    %swap3A_935 = vector.shape_cast %swap3A_934 : vector<1x16xf32> to vector<16xf32>
    %swap3A_936 = vector.shape_cast %broadcast_in_dim3A_930 : vector<16xf32> to vector<1x16xf32>
    tpu.vector_store %arg18[%swap3A_932, %swap3A_933], %swap3A_936 {strides = array<i32>} : memref<16x128xf32, #tpu.memory_space<vmem>>, vector<1x16xf32>,
    %broadcast_in_dim3A_937 = arith.constant 0.000000e+00 : f32
    %broadcast_in_dim3A_938 = vector.broadcast %broadcast_in_dim3A_937 : f32 to vector<16xf32>
    %swap3A_939 = arith.constant 14 : i32
    %swap3A_940 = arith.index_cast %swap3A_939 : i32 to index
    %swap3A_941 = arith.constant 80 : index
    %swap3A_942 = tpu.vector_load %arg18[%swap3A_940, %swap3A_941] {strides = array<i32>} : memref<16x128xf32, #tpu.memory_space<vmem>>, vector<1x16xf32>,
    %swap3A_943 = vector.shape_cast %swap3A_942 : vector<1x16xf32> to vector<16xf32>
    %swap3A_944 = vector.shape_cast %broadcast_in_dim3A_938 : vector<16xf32> to vector<1x16xf32>
    tpu.vector_store %arg18[%swap3A_940, %swap3A_941], %swap3A_944 {strides = array<i32>} : memref<16x128xf32, #tpu.memory_space<vmem>>, vector<1x16xf32>,
    %broadcast_in_dim3A_945 = arith.constant 0.000000e+00 : f32
    %broadcast_in_dim3A_946 = vector.broadcast %broadcast_in_dim3A_945 : f32 to vector<16xf32>
    %swap3A_947 = arith.constant 14 : i32
    %swap3A_948 = arith.index_cast %swap3A_947 : i32 to index
    %swap3A_949 = arith.constant 96 : index
    %swap3A_950 = tpu.vector_load %arg18[%swap3A_948, %swap3A_949] {strides = array<i32>} : memref<16x128xf32, #tpu.memory_space<vmem>>, vector<1x16xf32>,
    %swap3A_951 = vector.shape_cast %swap3A_950 : vector<1x16xf32> to vector<16xf32>
    %swap3A_952 = vector.shape_cast %broadcast_in_dim3A_946 : vector<16xf32> to vector<1x16xf32>
    tpu.vector_store %arg18[%swap3A_948, %swap3A_949], %swap3A_952 {strides = array<i32>} : memref<16x128xf32, #tpu.memory_space<vmem>>, vector<1x16xf32>,
    %broadcast_in_dim3A_953 = arith.constant 0.000000e+00 : f32
    %broadcast_in_dim3A_954 = vector.broadcast %broadcast_in_dim3A_953 : f32 to vector<16xf32>
    %swap3A_955 = arith.constant 14 : i32
    %swap3A_956 = arith.index_cast %swap3A_955 : i32 to index
    %swap3A_957 = arith.constant 112 : index
    %swap3A_958 = tpu.vector_load %arg18[%swap3A_956, %swap3A_957] {strides = array<i32>} : memref<16x128xf32, #tpu.memory_space<vmem>>, vector<1x16xf32>,
    %swap3A_959 = vector.shape_cast %swap3A_958 : vector<1x16xf32> to vector<16xf32>
    %swap3A_960 = vector.shape_cast %broadcast_in_dim3A_954 : vector<16xf32> to vector<1x16xf32>
    tpu.vector_store %arg18[%swap3A_956, %swap3A_957], %swap3A_960 {strides = array<i32>} : memref<16x128xf32, #tpu.memory_space<vmem>>, vector<1x16xf32>,
    %broadcast_in_dim3A_961 = arith.constant 0.000000e+00 : f32
    %broadcast_in_dim3A_962 = vector.broadcast %broadcast_in_dim3A_961 : f32 to vector<16xf32>
    %swap3A_963 = arith.constant 15 : i32
    %swap3A_964 = arith.index_cast %swap3A_963 : i32 to index
    %swap3A_965 = arith.constant 0 : index
    %swap3A_966 = tpu.vector_load %arg18[%swap3A_964, %swap3A_965] {strides = array<i32>} : memref<16x128xf32, #tpu.memory_space<vmem>>, vector<1x16xf32>,
    %swap3A_967 = vector.shape_cast %swap3A_966 : vector<1x16xf32> to vector<16xf32>
    %swap3A_968 = vector.shape_cast %broadcast_in_dim3A_962 : vector<16xf32> to vector<1x16xf32>
    tpu.vector_store %arg18[%swap3A_964, %swap3A_965], %swap3A_968 {strides = array<i32>} : memref<16x128xf32, #tpu.memory_space<vmem>>, vector<1x16xf32>,
    %broadcast_in_dim3A_969 = arith.constant 0.000000e+00 : f32
    %broadcast_in_dim3A_970 = vector.broadcast %broadcast_in_dim3A_969 : f32 to vector<16xf32>
    %swap3A_971 = arith.constant 15 : i32
    %swap3A_972 = arith.index_cast %swap3A_971 : i32 to index
    %swap3A_973 = arith.constant 16 : index
    %swap3A_974 = tpu.vector_load %arg18[%swap3A_972, %swap3A_973] {strides = array<i32>} : memref<16x128xf32, #tpu.memory_space<vmem>>, vector<1x16xf32>,
    %swap3A_975 = vector.shape_cast %swap3A_974 : vector<1x16xf32> to vector<16xf32>
    %swap3A_976 = vector.shape_cast %broadcast_in_dim3A_970 : vector<16xf32> to vector<1x16xf32>
    tpu.vector_store %arg18[%swap3A_972, %swap3A_973], %swap3A_976 {strides = array<i32>} : memref<16x128xf32, #tpu.memory_space<vmem>>, vector<1x16xf32>,
    %broadcast_in_dim3A_977 = arith.constant 0.000000e+00 : f32
    %broadcast_in_dim3A_978 = vector.broadcast %broadcast_in_dim3A_977 : f32 to vector<16xf32>
    %swap3A_979 = arith.constant 15 : i32
    %swap3A_980 = arith.index_cast %swap3A_979 : i32 to index
    %swap3A_981 = arith.constant 32 : index
    %swap3A_982 = tpu.vector_load %arg18[%swap3A_980, %swap3A_981] {strides = array<i32>} : memref<16x128xf32, #tpu.memory_space<vmem>>, vector<1x16xf32>,
    %swap3A_983 = vector.shape_cast %swap3A_982 : vector<1x16xf32> to vector<16xf32>
    %swap3A_984 = vector.shape_cast %broadcast_in_dim3A_978 : vector<16xf32> to vector<1x16xf32>
    tpu.vector_store %arg18[%swap3A_980, %swap3A_981], %swap3A_984 {strides = array<i32>} : memref<16x128xf32, #tpu.memory_space<vmem>>, vector<1x16xf32>,
    %broadcast_in_dim3A_985 = arith.constant 0.000000e+00 : f32
    %broadcast_in_dim3A_986 = vector.broadcast %broadcast_in_dim3A_985 : f32 to vector<16xf32>
    %swap3A_987 = arith.constant 15 : i32
    %swap3A_988 = arith.index_cast %swap3A_987 : i32 to index
    %swap3A_989 = arith.constant 48 : index
    %swap3A_990 = tpu.vector_load %arg18[%swap3A_988, %swap3A_989] {strides = array<i32>} : memref<16x128xf32, #tpu.memory_space<vmem>>, vector<1x16xf32>,
    %swap3A_991 = vector.shape_cast %swap3A_990 : vector<1x16xf32> to vector<16xf32>
    %swap3A_992 = vector.shape_cast %broadcast_in_dim3A_986 : vector<16xf32> to vector<1x16xf32>
    tpu.vector_store %arg18[%swap3A_988, %swap3A_989], %swap3A_992 {strides = array<i32>} : memref<16x128xf32, #tpu.memory_space<vmem>>, vector<1x16xf32>,
    %broadcast_in_dim3A_993 = arith.constant 0.000000e+00 : f32
    %broadcast_in_dim3A_994 = vector.broadcast %broadcast_in_dim3A_993 : f32 to vector<16xf32>
    %swap3A_995 = arith.constant 15 : i32
    %swap3A_996 = arith.index_cast %swap3A_995 : i32 to index
    %swap3A_997 = arith.constant 64 : index
    %swap3A_998 = tpu.vector_load %arg18[%swap3A_996, %swap3A_997] {strides = array<i32>} : memref<16x128xf32, #tpu.memory_space<vmem>>, vector<1x16xf32>,
    %swap3A_999 = vector.shape_cast %swap3A_998 : vector<1x16xf32> to vector<16xf32>
    %swap3A_1000 = vector.shape_cast %broadcast_in_dim3A_994 : vector<16xf32> to vector<1x16xf32>
    tpu.vector_store %arg18[%swap3A_996, %swap3A_997], %swap3A_1000 {strides = array<i32>} : memref<16x128xf32, #tpu.memory_space<vmem>>, vector<1x16xf32>,
    %broadcast_in_dim3A_1001 = arith.constant 0.000000e+00 : f32
    %broadcast_in_dim3A_1002 = vector.broadcast %broadcast_in_dim3A_1001 : f32 to vector<16xf32>
    %swap3A_1003 = arith.constant 15 : i32
    %swap3A_1004 = arith.index_cast %swap3A_1003 : i32 to index
    %swap3A_1005 = arith.constant 80 : index
    %swap3A_1006 = tpu.vector_load %arg18[%swap3A_1004, %swap3A_1005] {strides = array<i32>} : memref<16x128xf32, #tpu.memory_space<vmem>>, vector<1x16xf32>,
    %swap3A_1007 = vector.shape_cast %swap3A_1006 : vector<1x16xf32> to vector<16xf32>
    %swap3A_1008 = vector.shape_cast %broadcast_in_dim3A_1002 : vector<16xf32> to vector<1x16xf32>
    tpu.vector_store %arg18[%swap3A_1004, %swap3A_1005], %swap3A_1008 {strides = array<i32>} : memref<16x128xf32, #tpu.memory_space<vmem>>, vector<1x16xf32>,
    %broadcast_in_dim3A_1009 = arith.constant 0.000000e+00 : f32
    %broadcast_in_dim3A_1010 = vector.broadcast %broadcast_in_dim3A_1009 : f32 to vector<16xf32>
    %swap3A_1011 = arith.constant 15 : i32
    %swap3A_1012 = arith.index_cast %swap3A_1011 : i32 to index
    %swap3A_1013 = arith.constant 96 : index
    %swap3A_1014 = tpu.vector_load %arg18[%swap3A_1012, %swap3A_1013] {strides = array<i32>} : memref<16x128xf32, #tpu.memory_space<vmem>>, vector<1x16xf32>,
    %swap3A_1015 = vector.shape_cast %swap3A_1014 : vector<1x16xf32> to vector<16xf32>
    %swap3A_1016 = vector.shape_cast %broadcast_in_dim3A_1010 : vector<16xf32> to vector<1x16xf32>
    tpu.vector_store %arg18[%swap3A_1012, %swap3A_1013], %swap3A_1016 {strides = array<i32>} : memref<16x128xf32, #tpu.memory_space<vmem>>, vector<1x16xf32>,
    %broadcast_in_dim3A_1017 = arith.constant 0.000000e+00 : f32
    %broadcast_in_dim3A_1018 = vector.broadcast %broadcast_in_dim3A_1017 : f32 to vector<16xf32>
    %swap3A_1019 = arith.constant 15 : i32
    %swap3A_1020 = arith.index_cast %swap3A_1019 : i32 to index
    %swap3A_1021 = arith.constant 112 : index
    %swap3A_1022 = tpu.vector_load %arg18[%swap3A_1020, %swap3A_1021] {strides = array<i32>} : memref<16x128xf32, #tpu.memory_space<vmem>>, vector<1x16xf32>,
    %swap3A_1023 = vector.shape_cast %swap3A_1022 : vector<1x16xf32> to vector<16xf32>
    %swap3A_1024 = vector.shape_cast %broadcast_in_dim3A_1018 : vector<16xf32> to vector<1x16xf32>
    tpu.vector_store %arg18[%swap3A_1020, %swap3A_1021], %swap3A_1024 {strides = array<i32>} : memref<16x128xf32, #tpu.memory_space<vmem>>, vector<1x16xf32>,
    %scan3A = arith.constant 0 : i32
    %scan3A_1025 = arith.constant 0 : i32
    %scan3A_1026 = arith.constant 39 : i32
    %scan3A_1027 = arith.addi %scan3A_1025, %scan3A_1026 : i32
    %scan3A_1028 = arith.constant 1 : i32
    scf.for %scan3A_1092 = %scan3A_1025 to %scan3A_1027 step %scan3A_1028  : i32 {
      %mul3A_1093 = arith.constant 624 : i32
      %mul3A_1094 = arith.muli %arg1, %mul3A_1093 : i32
      %mul3A_1095 = arith.constant 16 : i32
      %mul3A_1096 = arith.muli %scan3A_1092, %mul3A_1095 : i32
      %add3A_1097 = arith.addi %mul3A_1094, %mul3A_1096 : i32
      "tpu.region"() ({
        %run_scoped3A = tpu.sem_alloc : memref<!tpu.dma_semaphore, #tpu.memory_space<semaphore_mem>>
        %dma_start3A_1098 = arith.constant 0 : i32
        %dma_start3A_1099 = tpu.memref_slice %arg19[%add3A_1097, %dma_start3A_1098] : memref<10000x128xf32, #tpu.memory_space<vmem_shared>> -> memref<16x128xf32, #tpu.memory_space<vmem_shared>>
        %dma_start3A_1100 = arith.constant 0 : i32
        %dma_start3A_1101 = tpu.memref_slice %arg19[%add3A_1097, %dma_start3A_1100] : memref<10000x128xf32, #tpu.memory_space<vmem_shared>> -> memref<16x128xf32, #tpu.memory_space<vmem_shared>>
        tpu.enqueue_dma source(%arg18 : memref<16x128xf32, #tpu.memory_space<vmem>>) target(%dma_start3A_1101 : memref<16x128xf32, #tpu.memory_space<vmem_shared>>) target_semaphore(%run_scoped3A : memref<!tpu.dma_semaphore, #tpu.memory_space<semaphore_mem>>)
        %dma_wait3A_1102 = arith.constant 0 : i32
        %dma_wait3A_1103 = tpu.memref_slice %arg19[%add3A_1097, %dma_wait3A_1102] : memref<10000x128xf32, #tpu.memory_space<vmem_shared>> -> memref<16x128xf32, #tpu.memory_space<vmem_shared>>
        %dma_wait3A_1104 = arith.constant 0 : i32
        %dma_wait3A_1105 = tpu.memref_slice %arg19[%add3A_1097, %dma_wait3A_1104] : memref<10000x128xf32, #tpu.memory_space<vmem_shared>> -> memref<16x128xf32, #tpu.memory_space<vmem_shared>>
        tpu.wait_dma2 semaphore(%run_scoped3A : memref<!tpu.dma_semaphore, #tpu.memory_space<semaphore_mem>>) src(%arg18 : memref<16x128xf32, #tpu.memory_space<vmem>>) dst(%dma_wait3A_1105 : memref<16x128xf32, #tpu.memory_space<vmem_shared>>)
        tpu.yield
      }) : () -> ()
    }
    %scan3A_1029 = arith.constant 39 : i32
    %eq3A = arith.constant 15 : i32
    %eq3A_1030 = arith.cmpi eq, %arg1, %eq3A : i32
    %convert_element_type3A = arith.extui %eq3A_1030 : i1 to i32
    %cond3A = arith.constant 0 : i32
    %cond3A_1031 = arith.cmpi ne, %convert_element_type3A, %cond3A : i32
    scf.if %cond3A_1031 {
      "tpu.region"() ({
        %run_scoped3A = tpu.sem_alloc : memref<!tpu.dma_semaphore, #tpu.memory_space<semaphore_mem>>
        %dma_start3A_1092 = arith.constant 9984 : i32
        %dma_start3A_1093 = arith.constant 0 : i32
        %dma_start3A_1094 = tpu.memref_slice %arg19[%dma_start3A_1092, %dma_start3A_1093] : memref<10000x128xf32, #tpu.memory_space<vmem_shared>> -> memref<16x128xf32, #tpu.memory_space<vmem_shared>>
        %dma_start3A_1095 = arith.constant 9984 : i32
        %dma_start3A_1096 = arith.constant 0 : i32
        %dma_start3A_1097 = tpu.memref_slice %arg19[%dma_start3A_1095, %dma_start3A_1096] : memref<10000x128xf32, #tpu.memory_space<vmem_shared>> -> memref<16x128xf32, #tpu.memory_space<vmem_shared>>
        tpu.enqueue_dma source(%arg18 : memref<16x128xf32, #tpu.memory_space<vmem>>) target(%dma_start3A_1097 : memref<16x128xf32, #tpu.memory_space<vmem_shared>>) target_semaphore(%run_scoped3A : memref<!tpu.dma_semaphore, #tpu.memory_space<semaphore_mem>>)
        %dma_wait3A_1098 = arith.constant 9984 : i32
        %dma_wait3A_1099 = arith.constant 0 : i32
        %dma_wait3A_1100 = tpu.memref_slice %arg19[%dma_wait3A_1098, %dma_wait3A_1099] : memref<10000x128xf32, #tpu.memory_space<vmem_shared>> -> memref<16x128xf32, #tpu.memory_space<vmem_shared>>
        %dma_wait3A_1101 = arith.constant 9984 : i32
        %dma_wait3A_1102 = arith.constant 0 : i32
        %dma_wait3A_1103 = tpu.memref_slice %arg19[%dma_wait3A_1101, %dma_wait3A_1102] : memref<10000x128xf32, #tpu.memory_space<vmem_shared>> -> memref<16x128xf32, #tpu.memory_space<vmem_shared>>
        tpu.wait_dma2 semaphore(%run_scoped3A : memref<!tpu.dma_semaphore, #tpu.memory_space<semaphore_mem>>) src(%arg18 : memref<16x128xf32, #tpu.memory_space<vmem>>) dst(%dma_wait3A_1103 : memref<16x128xf32, #tpu.memory_space<vmem_shared>>)
        tpu.yield
      }) : () -> ()
    } else {
    }
    %barrier3A = arith.constant 0 : index
    tpu.barrier barrier_id(%barrier3A)
    %add3A_1032 = arith.constant 0 : i32
    %add3A_1033 = arith.addi %mul3A_2, %add3A_1032 : i32
    %dma_start3A = tpu.memref_slice %arg3[%add3A_1033] : memref<320000xi32, #tpu.memory_space<hbm>> -> memref<80xi32, #tpu.memory_space<hbm>>
    %dma_start3A_1034 = tpu.memref_slice %arg3[%add3A_1033] : memref<320000xi32, #tpu.memory_space<hbm>> -> memref<80xi32, #tpu.memory_space<hbm>>
    tpu.enqueue_dma source(%dma_start3A_1034 : memref<80xi32, #tpu.memory_space<hbm>>) target(%arg6 : memref<80xi32, #tpu.memory_space<vmem>>) target_semaphore(%arg28 : memref<!tpu.dma_semaphore, #tpu.memory_space<semaphore_mem>>)
    %add3A_1035 = arith.constant 0 : i32
    %add3A_1036 = arith.addi %mul3A_2, %add3A_1035 : i32
    %dma_start3A_1037 = tpu.memref_slice %arg4[%add3A_1036] : memref<320000xi32, #tpu.memory_space<hbm>> -> memref<80xi32, #tpu.memory_space<hbm>>
    %dma_start3A_1038 = tpu.memref_slice %arg4[%add3A_1036] : memref<320000xi32, #tpu.memory_space<hbm>> -> memref<80xi32, #tpu.memory_space<hbm>>
    tpu.enqueue_dma source(%dma_start3A_1038 : memref<80xi32, #tpu.memory_space<hbm>>) target(%arg10 : memref<80xi32, #tpu.memory_space<vmem>>) target_semaphore(%arg32 : memref<!tpu.dma_semaphore, #tpu.memory_space<semaphore_mem>>)
    %add3A_1039 = arith.constant 80 : i32
    %add3A_1040 = arith.addi %mul3A_2, %add3A_1039 : i32
    %dma_start3A_1041 = tpu.memref_slice %arg3[%add3A_1040] : memref<320000xi32, #tpu.memory_space<hbm>> -> memref<80xi32, #tpu.memory_space<hbm>>
    %dma_start3A_1042 = tpu.memref_slice %arg3[%add3A_1040] : memref<320000xi32, #tpu.memory_space<hbm>> -> memref<80xi32, #tpu.memory_space<hbm>>
    tpu.enqueue_dma source(%dma_start3A_1042 : memref<80xi32, #tpu.memory_space<hbm>>) target(%arg7 : memref<80xi32, #tpu.memory_space<vmem>>) target_semaphore(%arg29 : memref<!tpu.dma_semaphore, #tpu.memory_space<semaphore_mem>>)
    %add3A_1043 = arith.constant 80 : i32
    %add3A_1044 = arith.addi %mul3A_2, %add3A_1043 : i32
    %dma_start3A_1045 = tpu.memref_slice %arg4[%add3A_1044] : memref<320000xi32, #tpu.memory_space<hbm>> -> memref<80xi32, #tpu.memory_space<hbm>>
    %dma_start3A_1046 = tpu.memref_slice %arg4[%add3A_1044] : memref<320000xi32, #tpu.memory_space<hbm>> -> memref<80xi32, #tpu.memory_space<hbm>>
    tpu.enqueue_dma source(%dma_start3A_1046 : memref<80xi32, #tpu.memory_space<hbm>>) target(%arg11 : memref<80xi32, #tpu.memory_space<vmem>>) target_semaphore(%arg33 : memref<!tpu.dma_semaphore, #tpu.memory_space<semaphore_mem>>)
    %add3A_1047 = arith.constant 160 : i32
    %add3A_1048 = arith.addi %mul3A_2, %add3A_1047 : i32
    %dma_start3A_1049 = tpu.memref_slice %arg3[%add3A_1048] : memref<320000xi32, #tpu.memory_space<hbm>> -> memref<80xi32, #tpu.memory_space<hbm>>
    %dma_start3A_1050 = tpu.memref_slice %arg3[%add3A_1048] : memref<320000xi32, #tpu.memory_space<hbm>> -> memref<80xi32, #tpu.memory_space<hbm>>
    tpu.enqueue_dma source(%dma_start3A_1050 : memref<80xi32, #tpu.memory_space<hbm>>) target(%arg8 : memref<80xi32, #tpu.memory_space<vmem>>) target_semaphore(%arg30 : memref<!tpu.dma_semaphore, #tpu.memory_space<semaphore_mem>>)
    %add3A_1051 = arith.constant 160 : i32
    %add3A_1052 = arith.addi %mul3A_2, %add3A_1051 : i32
    %dma_start3A_1053 = tpu.memref_slice %arg4[%add3A_1052] : memref<320000xi32, #tpu.memory_space<hbm>> -> memref<80xi32, #tpu.memory_space<hbm>>
    %dma_start3A_1054 = tpu.memref_slice %arg4[%add3A_1052] : memref<320000xi32, #tpu.memory_space<hbm>> -> memref<80xi32, #tpu.memory_space<hbm>>
    tpu.enqueue_dma source(%dma_start3A_1054 : memref<80xi32, #tpu.memory_space<hbm>>) target(%arg12 : memref<80xi32, #tpu.memory_space<vmem>>) target_semaphore(%arg34 : memref<!tpu.dma_semaphore, #tpu.memory_space<semaphore_mem>>)
    %add3A_1055 = arith.constant 240 : i32
    %add3A_1056 = arith.addi %mul3A_2, %add3A_1055 : i32
    %dma_start3A_1057 = tpu.memref_slice %arg3[%add3A_1056] : memref<320000xi32, #tpu.memory_space<hbm>> -> memref<80xi32, #tpu.memory_space<hbm>>
    %dma_start3A_1058 = tpu.memref_slice %arg3[%add3A_1056] : memref<320000xi32, #tpu.memory_space<hbm>> -> memref<80xi32, #tpu.memory_space<hbm>>
    tpu.enqueue_dma source(%dma_start3A_1058 : memref<80xi32, #tpu.memory_space<hbm>>) target(%arg9 : memref<80xi32, #tpu.memory_space<vmem>>) target_semaphore(%arg31 : memref<!tpu.dma_semaphore, #tpu.memory_space<semaphore_mem>>)
    %add3A_1059 = arith.constant 240 : i32
    %add3A_1060 = arith.addi %mul3A_2, %add3A_1059 : i32
    %dma_start3A_1061 = tpu.memref_slice %arg4[%add3A_1060] : memref<320000xi32, #tpu.memory_space<hbm>> -> memref<80xi32, #tpu.memory_space<hbm>>
    %dma_start3A_1062 = tpu.memref_slice %arg4[%add3A_1060] : memref<320000xi32, #tpu.memory_space<hbm>> -> memref<80xi32, #tpu.memory_space<hbm>>
    tpu.enqueue_dma source(%dma_start3A_1062 : memref<80xi32, #tpu.memory_space<hbm>>) target(%arg13 : memref<80xi32, #tpu.memory_space<vmem>>) target_semaphore(%arg35 : memref<!tpu.dma_semaphore, #tpu.memory_space<semaphore_mem>>)
    %scan3A_1063 = arith.constant 0 : i32
    %scan3A_1064 = arith.constant 0 : i32
    %scan3A_1065 = arith.constant 31 : i32
    %scan3A_1066 = arith.addi %scan3A_1064, %scan3A_1065 : i32
    %scan3A_1067 = arith.constant 1 : i32
    scf.for %scan3A_1092 = %scan3A_1064 to %scan3A_1066 step %scan3A_1067  : i32 {
      %mul3A_1093 = arith.constant 4 : i32
      %mul3A_1094 = arith.muli %mul3A_1093, %scan3A_1092 : i32
      %add3A_1095 = arith.constant 0 : i32
      %add3A_1096 = arith.addi %mul3A_1094, %add3A_1095 : i32
      %mul3A_1097 = arith.constant 80 : i32
      %mul3A_1098 = arith.muli %add3A_1096, %mul3A_1097 : i32
      %add3A_1099 = arith.addi %mul3A_2, %mul3A_1098 : i32
      %dma_wait3A_1100 = tpu.memref_slice %arg3[%add3A_1099] : memref<320000xi32, #tpu.memory_space<hbm>> -> memref<80xi32, #tpu.memory_space<hbm>>
      %dma_wait3A_1101 = tpu.memref_slice %arg3[%add3A_1099] : memref<320000xi32, #tpu.memory_space<hbm>> -> memref<80xi32, #tpu.memory_space<hbm>>
      tpu.wait_dma2 semaphore(%arg28 : memref<!tpu.dma_semaphore, #tpu.memory_space<semaphore_mem>>) src(%dma_wait3A_1101 : memref<80xi32, #tpu.memory_space<hbm>>) dst(%arg6 : memref<80xi32, #tpu.memory_space<vmem>>)
      %dma_start3A_1102 = arith.constant 0 : i32
      %dma_start3A_1103 = arith.constant 0 : i32
      %dma_start3A_1104 = tpu.memref_slice %arg2[%dma_start3A_1102, %dma_start3A_1103] : memref<10000x128xf32, #tpu.memory_space<hbm>> -> memref<10000x128xf32, #tpu.memory_space<hbm>>
      tpu.enqueue_indirect_dma source(%dma_start3A_1104 : memref<10000x128xf32, #tpu.memory_space<hbm>>) target(%arg14 : memref<80x128xf32, #tpu.memory_space<vmem>>) offsets(%arg6 : memref<80xi32, #tpu.memory_space<vmem>>) semaphore(%arg20 : memref<!tpu.dma_semaphore, #tpu.memory_space<semaphore_mem>>)
      %mul3A_1105 = arith.constant 4 : i32
      %mul3A_1106 = arith.muli %mul3A_1105, %scan3A_1092 : i32
      %add3A_1107 = arith.constant 1 : i32
      %add3A_1108 = arith.addi %mul3A_1106, %add3A_1107 : i32
      %mul3A_1109 = arith.constant 80 : i32
      %mul3A_1110 = arith.muli %add3A_1108, %mul3A_1109 : i32
      %add3A_1111 = arith.addi %mul3A_2, %mul3A_1110 : i32
      %dma_wait3A_1112 = tpu.memref_slice %arg3[%add3A_1111] : memref<320000xi32, #tpu.memory_space<hbm>> -> memref<80xi32, #tpu.memory_space<hbm>>
      %dma_wait3A_1113 = tpu.memref_slice %arg3[%add3A_1111] : memref<320000xi32, #tpu.memory_space<hbm>> -> memref<80xi32, #tpu.memory_space<hbm>>
      tpu.wait_dma2 semaphore(%arg29 : memref<!tpu.dma_semaphore, #tpu.memory_space<semaphore_mem>>) src(%dma_wait3A_1113 : memref<80xi32, #tpu.memory_space<hbm>>) dst(%arg7 : memref<80xi32, #tpu.memory_space<vmem>>)
      %dma_start3A_1114 = arith.constant 0 : i32
      %dma_start3A_1115 = arith.constant 0 : i32
      %dma_start3A_1116 = tpu.memref_slice %arg2[%dma_start3A_1114, %dma_start3A_1115] : memref<10000x128xf32, #tpu.memory_space<hbm>> -> memref<10000x128xf32, #tpu.memory_space<hbm>>
      tpu.enqueue_indirect_dma source(%dma_start3A_1116 : memref<10000x128xf32, #tpu.memory_space<hbm>>) target(%arg15 : memref<80x128xf32, #tpu.memory_space<vmem>>) offsets(%arg7 : memref<80xi32, #tpu.memory_space<vmem>>) semaphore(%arg21 : memref<!tpu.dma_semaphore, #tpu.memory_space<semaphore_mem>>)
      %mul3A_1117 = arith.constant 4 : i32
      %mul3A_1118 = arith.muli %mul3A_1117, %scan3A_1092 : i32
      %add3A_1119 = arith.constant 2 : i32
      %add3A_1120 = arith.addi %mul3A_1118, %add3A_1119 : i32
      %mul3A_1121 = arith.constant 80 : i32
      %mul3A_1122 = arith.muli %add3A_1120, %mul3A_1121 : i32
      %add3A_1123 = arith.addi %mul3A_2, %mul3A_1122 : i32
      %dma_wait3A_1124 = tpu.memref_slice %arg3[%add3A_1123] : memref<320000xi32, #tpu.memory_space<hbm>> -> memref<80xi32, #tpu.memory_space<hbm>>
      %dma_wait3A_1125 = tpu.memref_slice %arg3[%add3A_1123] : memref<320000xi32, #tpu.memory_space<hbm>> -> memref<80xi32, #tpu.memory_space<hbm>>
      tpu.wait_dma2 semaphore(%arg30 : memref<!tpu.dma_semaphore, #tpu.memory_space<semaphore_mem>>) src(%dma_wait3A_1125 : memref<80xi32, #tpu.memory_space<hbm>>) dst(%arg8 : memref<80xi32, #tpu.memory_space<vmem>>)
      %dma_start3A_1126 = arith.constant 0 : i32
      %dma_start3A_1127 = arith.constant 0 : i32
      %dma_start3A_1128 = tpu.memref_slice %arg2[%dma_start3A_1126, %dma_start3A_1127] : memref<10000x128xf32, #tpu.memory_space<hbm>> -> memref<10000x128xf32, #tpu.memory_space<hbm>>
      tpu.enqueue_indirect_dma source(%dma_start3A_1128 : memref<10000x128xf32, #tpu.memory_space<hbm>>) target(%arg16 : memref<80x128xf32, #tpu.memory_space<vmem>>) offsets(%arg8 : memref<80xi32, #tpu.memory_space<vmem>>) semaphore(%arg22 : memref<!tpu.dma_semaphore, #tpu.memory_space<semaphore_mem>>)
      %mul3A_1129 = arith.constant 4 : i32
      %mul3A_1130 = arith.muli %mul3A_1129, %scan3A_1092 : i32
      %add3A_1131 = arith.constant 3 : i32
      %add3A_1132 = arith.addi %mul3A_1130, %add3A_1131 : i32
      %mul3A_1133 = arith.constant 80 : i32
      %mul3A_1134 = arith.muli %add3A_1132, %mul3A_1133 : i32
      %add3A_1135 = arith.addi %mul3A_2, %mul3A_1134 : i32
      %dma_wait3A_1136 = tpu.memref_slice %arg3[%add3A_1135] : memref<320000xi32, #tpu.memory_space<hbm>> -> memref<80xi32, #tpu.memory_space<hbm>>
      %dma_wait3A_1137 = tpu.memref_slice %arg3[%add3A_1135] : memref<320000xi32, #tpu.memory_space<hbm>> -> memref<80xi32, #tpu.memory_space<hbm>>
      tpu.wait_dma2 semaphore(%arg31 : memref<!tpu.dma_semaphore, #tpu.memory_space<semaphore_mem>>) src(%dma_wait3A_1137 : memref<80xi32, #tpu.memory_space<hbm>>) dst(%arg9 : memref<80xi32, #tpu.memory_space<vmem>>)
      %dma_start3A_1138 = arith.constant 0 : i32
      %dma_start3A_1139 = arith.constant 0 : i32
      %dma_start3A_1140 = tpu.memref_slice %arg2[%dma_start3A_1138, %dma_start3A_1139] : memref<10000x128xf32, #tpu.memory_space<hbm>> -> memref<10000x128xf32, #tpu.memory_space<hbm>>
      tpu.enqueue_indirect_dma source(%dma_start3A_1140 : memref<10000x128xf32, #tpu.memory_space<hbm>>) target(%arg17 : memref<80x128xf32, #tpu.memory_space<vmem>>) offsets(%arg9 : memref<80xi32, #tpu.memory_space<vmem>>) semaphore(%arg23 : memref<!tpu.dma_semaphore, #tpu.memory_space<semaphore_mem>>)
      %mul3A_1141 = arith.constant 4 : i32
      %mul3A_1142 = arith.muli %mul3A_1141, %scan3A_1092 : i32
      %add3A_1143 = arith.constant 0 : i32
      %add3A_1144 = arith.addi %mul3A_1142, %add3A_1143 : i32
      %dma_wait3A_1145 = arith.constant 0 : i32
      %dma_wait3A_1146 = arith.constant 0 : i32
      %dma_wait3A_1147 = tpu.memref_slice %arg2[%dma_wait3A_1145, %dma_wait3A_1146] : memref<10000x128xf32, #tpu.memory_space<hbm>> -> memref<10000x128xf32, #tpu.memory_space<hbm>>
      tpu.wait_indirect_dma semaphore(%arg20 : memref<!tpu.dma_semaphore, #tpu.memory_space<semaphore_mem>>) src(%dma_wait3A_1147 : memref<10000x128xf32, #tpu.memory_space<hbm>>) dst(%arg14 : memref<80x128xf32, #tpu.memory_space<vmem>>)
      %mul3A_1148 = arith.constant 80 : i32
      %mul3A_1149 = arith.muli %add3A_1144, %mul3A_1148 : i32
      %add3A_1150 = arith.addi %mul3A_2, %mul3A_1149 : i32
      %dma_wait3A_1151 = tpu.memref_slice %arg4[%add3A_1150] : memref<320000xi32, #tpu.memory_space<hbm>> -> memref<80xi32, #tpu.memory_space<hbm>>
      %dma_wait3A_1152 = tpu.memref_slice %arg4[%add3A_1150] : memref<320000xi32, #tpu.memory_space<hbm>> -> memref<80xi32, #tpu.memory_space<hbm>>
      tpu.wait_dma2 semaphore(%arg32 : memref<!tpu.dma_semaphore, #tpu.memory_space<semaphore_mem>>) src(%dma_wait3A_1152 : memref<80xi32, #tpu.memory_space<hbm>>) dst(%arg10 : memref<80xi32, #tpu.memory_space<vmem>>)
      %dma_start3A_1153 = arith.constant 0 : i32
      %dma_start3A_1154 = arith.constant 0 : i32
      %dma_start3A_1155 = tpu.memref_slice %arg19[%dma_start3A_1153, %dma_start3A_1154] : memref<10000x128xf32, #tpu.memory_space<vmem_shared>> -> memref<10000x128xf32, #tpu.memory_space<vmem_shared>>
      tpu.enqueue_indirect_dma source(%arg14 : memref<80x128xf32, #tpu.memory_space<vmem>>) target(%dma_start3A_1155 : memref<10000x128xf32, #tpu.memory_space<vmem_shared>>) offsets(%arg10 : memref<80xi32, #tpu.memory_space<vmem>>) semaphore(%arg24 : memref<!tpu.dma_semaphore, #tpu.memory_space<semaphore_mem>>) {add = true}
      %mul3A_1156 = arith.constant 4 : i32
      %mul3A_1157 = arith.muli %mul3A_1156, %scan3A_1092 : i32
      %add3A_1158 = arith.constant 1 : i32
      %add3A_1159 = arith.addi %mul3A_1157, %add3A_1158 : i32
      %dma_wait3A_1160 = arith.constant 0 : i32
      %dma_wait3A_1161 = arith.constant 0 : i32
      %dma_wait3A_1162 = tpu.memref_slice %arg2[%dma_wait3A_1160, %dma_wait3A_1161] : memref<10000x128xf32, #tpu.memory_space<hbm>> -> memref<10000x128xf32, #tpu.memory_space<hbm>>
      tpu.wait_indirect_dma semaphore(%arg21 : memref<!tpu.dma_semaphore, #tpu.memory_space<semaphore_mem>>) src(%dma_wait3A_1162 : memref<10000x128xf32, #tpu.memory_space<hbm>>) dst(%arg15 : memref<80x128xf32, #tpu.memory_space<vmem>>)
      %mul3A_1163 = arith.constant 80 : i32
      %mul3A_1164 = arith.muli %add3A_1159, %mul3A_1163 : i32
      %add3A_1165 = arith.addi %mul3A_2, %mul3A_1164 : i32
      %dma_wait3A_1166 = tpu.memref_slice %arg4[%add3A_1165] : memref<320000xi32, #tpu.memory_space<hbm>> -> memref<80xi32, #tpu.memory_space<hbm>>
      %dma_wait3A_1167 = tpu.memref_slice %arg4[%add3A_1165] : memref<320000xi32, #tpu.memory_space<hbm>> -> memref<80xi32, #tpu.memory_space<hbm>>
      tpu.wait_dma2 semaphore(%arg33 : memref<!tpu.dma_semaphore, #tpu.memory_space<semaphore_mem>>) src(%dma_wait3A_1167 : memref<80xi32, #tpu.memory_space<hbm>>) dst(%arg11 : memref<80xi32, #tpu.memory_space<vmem>>)
      %dma_start3A_1168 = arith.constant 0 : i32
      %dma_start3A_1169 = arith.constant 0 : i32
      %dma_start3A_1170 = tpu.memref_slice %arg19[%dma_start3A_1168, %dma_start3A_1169] : memref<10000x128xf32, #tpu.memory_space<vmem_shared>> -> memref<10000x128xf32, #tpu.memory_space<vmem_shared>>
      tpu.enqueue_indirect_dma source(%arg15 : memref<80x128xf32, #tpu.memory_space<vmem>>) target(%dma_start3A_1170 : memref<10000x128xf32, #tpu.memory_space<vmem_shared>>) offsets(%arg11 : memref<80xi32, #tpu.memory_space<vmem>>) semaphore(%arg25 : memref<!tpu.dma_semaphore, #tpu.memory_space<semaphore_mem>>) {add = true}
      %mul3A_1171 = arith.constant 4 : i32
      %mul3A_1172 = arith.muli %mul3A_1171, %scan3A_1092 : i32
      %add3A_1173 = arith.constant 2 : i32
      %add3A_1174 = arith.addi %mul3A_1172, %add3A_1173 : i32
      %dma_wait3A_1175 = arith.constant 0 : i32
      %dma_wait3A_1176 = arith.constant 0 : i32
      %dma_wait3A_1177 = tpu.memref_slice %arg2[%dma_wait3A_1175, %dma_wait3A_1176] : memref<10000x128xf32, #tpu.memory_space<hbm>> -> memref<10000x128xf32, #tpu.memory_space<hbm>>
      tpu.wait_indirect_dma semaphore(%arg22 : memref<!tpu.dma_semaphore, #tpu.memory_space<semaphore_mem>>) src(%dma_wait3A_1177 : memref<10000x128xf32, #tpu.memory_space<hbm>>) dst(%arg16 : memref<80x128xf32, #tpu.memory_space<vmem>>)
      %mul3A_1178 = arith.constant 80 : i32
      %mul3A_1179 = arith.muli %add3A_1174, %mul3A_1178 : i32
      %add3A_1180 = arith.addi %mul3A_2, %mul3A_1179 : i32
      %dma_wait3A_1181 = tpu.memref_slice %arg4[%add3A_1180] : memref<320000xi32, #tpu.memory_space<hbm>> -> memref<80xi32, #tpu.memory_space<hbm>>
      %dma_wait3A_1182 = tpu.memref_slice %arg4[%add3A_1180] : memref<320000xi32, #tpu.memory_space<hbm>> -> memref<80xi32, #tpu.memory_space<hbm>>
      tpu.wait_dma2 semaphore(%arg34 : memref<!tpu.dma_semaphore, #tpu.memory_space<semaphore_mem>>) src(%dma_wait3A_1182 : memref<80xi32, #tpu.memory_space<hbm>>) dst(%arg12 : memref<80xi32, #tpu.memory_space<vmem>>)
      %dma_start3A_1183 = arith.constant 0 : i32
      %dma_start3A_1184 = arith.constant 0 : i32
      %dma_start3A_1185 = tpu.memref_slice %arg19[%dma_start3A_1183, %dma_start3A_1184] : memref<10000x128xf32, #tpu.memory_space<vmem_shared>> -> memref<10000x128xf32, #tpu.memory_space<vmem_shared>>
      tpu.enqueue_indirect_dma source(%arg16 : memref<80x128xf32, #tpu.memory_space<vmem>>) target(%dma_start3A_1185 : memref<10000x128xf32, #tpu.memory_space<vmem_shared>>) offsets(%arg12 : memref<80xi32, #tpu.memory_space<vmem>>) semaphore(%arg26 : memref<!tpu.dma_semaphore, #tpu.memory_space<semaphore_mem>>) {add = true}
      %mul3A_1186 = arith.constant 4 : i32
      %mul3A_1187 = arith.muli %mul3A_1186, %scan3A_1092 : i32
      %add3A_1188 = arith.constant 3 : i32
      %add3A_1189 = arith.addi %mul3A_1187, %add3A_1188 : i32
      %dma_wait3A_1190 = arith.constant 0 : i32
      %dma_wait3A_1191 = arith.constant 0 : i32
      %dma_wait3A_1192 = tpu.memref_slice %arg2[%dma_wait3A_1190, %dma_wait3A_1191] : memref<10000x128xf32, #tpu.memory_space<hbm>> -> memref<10000x128xf32, #tpu.memory_space<hbm>>
      tpu.wait_indirect_dma semaphore(%arg23 : memref<!tpu.dma_semaphore, #tpu.memory_space<semaphore_mem>>) src(%dma_wait3A_1192 : memref<10000x128xf32, #tpu.memory_space<hbm>>) dst(%arg17 : memref<80x128xf32, #tpu.memory_space<vmem>>)
      %mul3A_1193 = arith.constant 80 : i32
      %mul3A_1194 = arith.muli %add3A_1189, %mul3A_1193 : i32
      %add3A_1195 = arith.addi %mul3A_2, %mul3A_1194 : i32
      %dma_wait3A_1196 = tpu.memref_slice %arg4[%add3A_1195] : memref<320000xi32, #tpu.memory_space<hbm>> -> memref<80xi32, #tpu.memory_space<hbm>>
      %dma_wait3A_1197 = tpu.memref_slice %arg4[%add3A_1195] : memref<320000xi32, #tpu.memory_space<hbm>> -> memref<80xi32, #tpu.memory_space<hbm>>
      tpu.wait_dma2 semaphore(%arg35 : memref<!tpu.dma_semaphore, #tpu.memory_space<semaphore_mem>>) src(%dma_wait3A_1197 : memref<80xi32, #tpu.memory_space<hbm>>) dst(%arg13 : memref<80xi32, #tpu.memory_space<vmem>>)
      %dma_start3A_1198 = arith.constant 0 : i32
      %dma_start3A_1199 = arith.constant 0 : i32
      %dma_start3A_1200 = tpu.memref_slice %arg19[%dma_start3A_1198, %dma_start3A_1199] : memref<10000x128xf32, #tpu.memory_space<vmem_shared>> -> memref<10000x128xf32, #tpu.memory_space<vmem_shared>>
      tpu.enqueue_indirect_dma source(%arg17 : memref<80x128xf32, #tpu.memory_space<vmem>>) target(%dma_start3A_1200 : memref<10000x128xf32, #tpu.memory_space<vmem_shared>>) offsets(%arg13 : memref<80xi32, #tpu.memory_space<vmem>>) semaphore(%arg27 : memref<!tpu.dma_semaphore, #tpu.memory_space<semaphore_mem>>) {add = true}
      %dma_wait3A_1201 = arith.constant 0 : i32
      %dma_wait3A_1202 = arith.constant 0 : i32
      %dma_wait3A_1203 = tpu.memref_slice %arg19[%dma_wait3A_1201, %dma_wait3A_1202] : memref<10000x128xf32, #tpu.memory_space<vmem_shared>> -> memref<10000x128xf32, #tpu.memory_space<vmem_shared>>
      tpu.wait_indirect_dma semaphore(%arg24 : memref<!tpu.dma_semaphore, #tpu.memory_space<semaphore_mem>>) src(%arg14 : memref<80x128xf32, #tpu.memory_space<vmem>>) dst(%dma_wait3A_1203 : memref<10000x128xf32, #tpu.memory_space<vmem_shared>>)
      %dma_wait3A_1204 = arith.constant 0 : i32
      %dma_wait3A_1205 = arith.constant 0 : i32
      %dma_wait3A_1206 = tpu.memref_slice %arg19[%dma_wait3A_1204, %dma_wait3A_1205] : memref<10000x128xf32, #tpu.memory_space<vmem_shared>> -> memref<10000x128xf32, #tpu.memory_space<vmem_shared>>
      tpu.wait_indirect_dma semaphore(%arg25 : memref<!tpu.dma_semaphore, #tpu.memory_space<semaphore_mem>>) src(%arg15 : memref<80x128xf32, #tpu.memory_space<vmem>>) dst(%dma_wait3A_1206 : memref<10000x128xf32, #tpu.memory_space<vmem_shared>>)
      %dma_wait3A_1207 = arith.constant 0 : i32
      %dma_wait3A_1208 = arith.constant 0 : i32
      %dma_wait3A_1209 = tpu.memref_slice %arg19[%dma_wait3A_1207, %dma_wait3A_1208] : memref<10000x128xf32, #tpu.memory_space<vmem_shared>> -> memref<10000x128xf32, #tpu.memory_space<vmem_shared>>
      tpu.wait_indirect_dma semaphore(%arg26 : memref<!tpu.dma_semaphore, #tpu.memory_space<semaphore_mem>>) src(%arg16 : memref<80x128xf32, #tpu.memory_space<vmem>>) dst(%dma_wait3A_1209 : memref<10000x128xf32, #tpu.memory_space<vmem_shared>>)
      %dma_wait3A_1210 = arith.constant 0 : i32
      %dma_wait3A_1211 = arith.constant 0 : i32
      %dma_wait3A_1212 = tpu.memref_slice %arg19[%dma_wait3A_1210, %dma_wait3A_1211] : memref<10000x128xf32, #tpu.memory_space<vmem_shared>> -> memref<10000x128xf32, #tpu.memory_space<vmem_shared>>
      tpu.wait_indirect_dma semaphore(%arg27 : memref<!tpu.dma_semaphore, #tpu.memory_space<semaphore_mem>>) src(%arg17 : memref<80x128xf32, #tpu.memory_space<vmem>>) dst(%dma_wait3A_1212 : memref<10000x128xf32, #tpu.memory_space<vmem_shared>>)
      %add3A_1213 = arith.constant 1 : i32
      %add3A_1214 = arith.addi %scan3A_1092, %add3A_1213 : i32
      %mul3A_1215 = arith.constant 4 : i32
      %mul3A_1216 = arith.muli %mul3A_1215, %add3A_1214 : i32
      %add3A_1217 = arith.constant 0 : i32
      %add3A_1218 = arith.addi %mul3A_1216, %add3A_1217 : i32
      %lt3A = arith.constant 125 : i32
      %lt3A_1219 = arith.cmpi slt, %add3A_1218, %lt3A : i32
      %convert_element_type3A_1220 = arith.extui %lt3A_1219 : i1 to i32
      %cond3A_1221 = arith.constant 0 : i32
      %cond3A_1222 = arith.cmpi ne, %convert_element_type3A_1220, %cond3A_1221 : i32
      scf.if %cond3A_1222 {
        %mul3A_1256 = arith.constant 80 : i32
        %mul3A_1257 = arith.muli %add3A_1218, %mul3A_1256 : i32
        %add3A_1258 = arith.addi %mul3A_2, %mul3A_1257 : i32
        %dma_start3A_1259 = tpu.memref_slice %arg3[%add3A_1258] : memref<320000xi32, #tpu.memory_space<hbm>> -> memref<80xi32, #tpu.memory_space<hbm>>
        %dma_start3A_1260 = tpu.memref_slice %arg3[%add3A_1258] : memref<320000xi32, #tpu.memory_space<hbm>> -> memref<80xi32, #tpu.memory_space<hbm>>
        tpu.enqueue_dma source(%dma_start3A_1260 : memref<80xi32, #tpu.memory_space<hbm>>) target(%arg6 : memref<80xi32, #tpu.memory_space<vmem>>) target_semaphore(%arg28 : memref<!tpu.dma_semaphore, #tpu.memory_space<semaphore_mem>>)
        %mul3A_1261 = arith.constant 80 : i32
        %mul3A_1262 = arith.muli %add3A_1218, %mul3A_1261 : i32
        %add3A_1263 = arith.addi %mul3A_2, %mul3A_1262 : i32
        %dma_start3A_1264 = tpu.memref_slice %arg4[%add3A_1263] : memref<320000xi32, #tpu.memory_space<hbm>> -> memref<80xi32, #tpu.memory_space<hbm>>
        %dma_start3A_1265 = tpu.memref_slice %arg4[%add3A_1263] : memref<320000xi32, #tpu.memory_space<hbm>> -> memref<80xi32, #tpu.memory_space<hbm>>
        tpu.enqueue_dma source(%dma_start3A_1265 : memref<80xi32, #tpu.memory_space<hbm>>) target(%arg10 : memref<80xi32, #tpu.memory_space<vmem>>) target_semaphore(%arg32 : memref<!tpu.dma_semaphore, #tpu.memory_space<semaphore_mem>>)
      } else {
      }
      %add3A_1223 = arith.constant 1 : i32
      %add3A_1224 = arith.addi %scan3A_1092, %add3A_1223 : i32
      %mul3A_1225 = arith.constant 4 : i32
      %mul3A_1226 = arith.muli %mul3A_1225, %add3A_1224 : i32
      %add3A_1227 = arith.constant 1 : i32
      %add3A_1228 = arith.addi %mul3A_1226, %add3A_1227 : i32
      %lt3A_1229 = arith.constant 125 : i32
      %lt3A_1230 = arith.cmpi slt, %add3A_1228, %lt3A_1229 : i32
      %convert_element_type3A_1231 = arith.extui %lt3A_1230 : i1 to i32
      %cond3A_1232 = arith.constant 0 : i32
      %cond3A_1233 = arith.cmpi ne, %convert_element_type3A_1231, %cond3A_1232 : i32
      scf.if %cond3A_1233 {
        %mul3A_1256 = arith.constant 80 : i32
        %mul3A_1257 = arith.muli %add3A_1228, %mul3A_1256 : i32
        %add3A_1258 = arith.addi %mul3A_2, %mul3A_1257 : i32
        %dma_start3A_1259 = tpu.memref_slice %arg3[%add3A_1258] : memref<320000xi32, #tpu.memory_space<hbm>> -> memref<80xi32, #tpu.memory_space<hbm>>
        %dma_start3A_1260 = tpu.memref_slice %arg3[%add3A_1258] : memref<320000xi32, #tpu.memory_space<hbm>> -> memref<80xi32, #tpu.memory_space<hbm>>
        tpu.enqueue_dma source(%dma_start3A_1260 : memref<80xi32, #tpu.memory_space<hbm>>) target(%arg7 : memref<80xi32, #tpu.memory_space<vmem>>) target_semaphore(%arg29 : memref<!tpu.dma_semaphore, #tpu.memory_space<semaphore_mem>>)
        %mul3A_1261 = arith.constant 80 : i32
        %mul3A_1262 = arith.muli %add3A_1228, %mul3A_1261 : i32
        %add3A_1263 = arith.addi %mul3A_2, %mul3A_1262 : i32
        %dma_start3A_1264 = tpu.memref_slice %arg4[%add3A_1263] : memref<320000xi32, #tpu.memory_space<hbm>> -> memref<80xi32, #tpu.memory_space<hbm>>
        %dma_start3A_1265 = tpu.memref_slice %arg4[%add3A_1263] : memref<320000xi32, #tpu.memory_space<hbm>> -> memref<80xi32, #tpu.memory_space<hbm>>
        tpu.enqueue_dma source(%dma_start3A_1265 : memref<80xi32, #tpu.memory_space<hbm>>) target(%arg11 : memref<80xi32, #tpu.memory_space<vmem>>) target_semaphore(%arg33 : memref<!tpu.dma_semaphore, #tpu.memory_space<semaphore_mem>>)
      } else {
      }
      %add3A_1234 = arith.constant 1 : i32
      %add3A_1235 = arith.addi %scan3A_1092, %add3A_1234 : i32
      %mul3A_1236 = arith.constant 4 : i32
      %mul3A_1237 = arith.muli %mul3A_1236, %add3A_1235 : i32
      %add3A_1238 = arith.constant 2 : i32
      %add3A_1239 = arith.addi %mul3A_1237, %add3A_1238 : i32
      %lt3A_1240 = arith.constant 125 : i32
      %lt3A_1241 = arith.cmpi slt, %add3A_1239, %lt3A_1240 : i32
      %convert_element_type3A_1242 = arith.extui %lt3A_1241 : i1 to i32
      %cond3A_1243 = arith.constant 0 : i32
      %cond3A_1244 = arith.cmpi ne, %convert_element_type3A_1242, %cond3A_1243 : i32
      scf.if %cond3A_1244 {
        %mul3A_1256 = arith.constant 80 : i32
        %mul3A_1257 = arith.muli %add3A_1239, %mul3A_1256 : i32
        %add3A_1258 = arith.addi %mul3A_2, %mul3A_1257 : i32
        %dma_start3A_1259 = tpu.memref_slice %arg3[%add3A_1258] : memref<320000xi32, #tpu.memory_space<hbm>> -> memref<80xi32, #tpu.memory_space<hbm>>
        %dma_start3A_1260 = tpu.memref_slice %arg3[%add3A_1258] : memref<320000xi32, #tpu.memory_space<hbm>> -> memref<80xi32, #tpu.memory_space<hbm>>
        tpu.enqueue_dma source(%dma_start3A_1260 : memref<80xi32, #tpu.memory_space<hbm>>) target(%arg8 : memref<80xi32, #tpu.memory_space<vmem>>) target_semaphore(%arg30 : memref<!tpu.dma_semaphore, #tpu.memory_space<semaphore_mem>>)
        %mul3A_1261 = arith.constant 80 : i32
        %mul3A_1262 = arith.muli %add3A_1239, %mul3A_1261 : i32
        %add3A_1263 = arith.addi %mul3A_2, %mul3A_1262 : i32
        %dma_start3A_1264 = tpu.memref_slice %arg4[%add3A_1263] : memref<320000xi32, #tpu.memory_space<hbm>> -> memref<80xi32, #tpu.memory_space<hbm>>
        %dma_start3A_1265 = tpu.memref_slice %arg4[%add3A_1263] : memref<320000xi32, #tpu.memory_space<hbm>> -> memref<80xi32, #tpu.memory_space<hbm>>
        tpu.enqueue_dma source(%dma_start3A_1265 : memref<80xi32, #tpu.memory_space<hbm>>) target(%arg12 : memref<80xi32, #tpu.memory_space<vmem>>) target_semaphore(%arg34 : memref<!tpu.dma_semaphore, #tpu.memory_space<semaphore_mem>>)
      } else {
      }
      %add3A_1245 = arith.constant 1 : i32
      %add3A_1246 = arith.addi %scan3A_1092, %add3A_1245 : i32
      %mul3A_1247 = arith.constant 4 : i32
      %mul3A_1248 = arith.muli %mul3A_1247, %add3A_1246 : i32
      %add3A_1249 = arith.constant 3 : i32
      %add3A_1250 = arith.addi %mul3A_1248, %add3A_1249 : i32
      %lt3A_1251 = arith.constant 125 : i32
      %lt3A_1252 = arith.cmpi slt, %add3A_1250, %lt3A_1251 : i32
      %convert_element_type3A_1253 = arith.extui %lt3A_1252 : i1 to i32
      %cond3A_1254 = arith.constant 0 : i32
      %cond3A_1255 = arith.cmpi ne, %convert_element_type3A_1253, %cond3A_1254 : i32
      scf.if %cond3A_1255 {
        %mul3A_1256 = arith.constant 80 : i32
        %mul3A_1257 = arith.muli %add3A_1250, %mul3A_1256 : i32
        %add3A_1258 = arith.addi %mul3A_2, %mul3A_1257 : i32
        %dma_start3A_1259 = tpu.memref_slice %arg3[%add3A_1258] : memref<320000xi32, #tpu.memory_space<hbm>> -> memref<80xi32, #tpu.memory_space<hbm>>
        %dma_start3A_1260 = tpu.memref_slice %arg3[%add3A_1258] : memref<320000xi32, #tpu.memory_space<hbm>> -> memref<80xi32, #tpu.memory_space<hbm>>
        tpu.enqueue_dma source(%dma_start3A_1260 : memref<80xi32, #tpu.memory_space<hbm>>) target(%arg9 : memref<80xi32, #tpu.memory_space<vmem>>) target_semaphore(%arg31 : memref<!tpu.dma_semaphore, #tpu.memory_space<semaphore_mem>>)
        %mul3A_1261 = arith.constant 80 : i32
        %mul3A_1262 = arith.muli %add3A_1250, %mul3A_1261 : i32
        %add3A_1263 = arith.addi %mul3A_2, %mul3A_1262 : i32
        %dma_start3A_1264 = tpu.memref_slice %arg4[%add3A_1263] : memref<320000xi32, #tpu.memory_space<hbm>> -> memref<80xi32, #tpu.memory_space<hbm>>
        %dma_start3A_1265 = tpu.memref_slice %arg4[%add3A_1263] : memref<320000xi32, #tpu.memory_space<hbm>> -> memref<80xi32, #tpu.memory_space<hbm>>
        tpu.enqueue_dma source(%dma_start3A_1265 : memref<80xi32, #tpu.memory_space<hbm>>) target(%arg13 : memref<80xi32, #tpu.memory_space<vmem>>) target_semaphore(%arg35 : memref<!tpu.dma_semaphore, #tpu.memory_space<semaphore_mem>>)
      } else {
      }
    }
    %scan3A_1068 = arith.constant 31 : i32
    %add3A_1069 = arith.constant 9920 : i32
    %add3A_1070 = arith.addi %mul3A_2, %add3A_1069 : i32
    %dma_wait3A = tpu.memref_slice %arg3[%add3A_1070] : memref<320000xi32, #tpu.memory_space<hbm>> -> memref<80xi32, #tpu.memory_space<hbm>>
    %dma_wait3A_1071 = tpu.memref_slice %arg3[%add3A_1070] : memref<320000xi32, #tpu.memory_space<hbm>> -> memref<80xi32, #tpu.memory_space<hbm>>
    tpu.wait_dma2 semaphore(%arg28 : memref<!tpu.dma_semaphore, #tpu.memory_space<semaphore_mem>>) src(%dma_wait3A_1071 : memref<80xi32, #tpu.memory_space<hbm>>) dst(%arg6 : memref<80xi32, #tpu.memory_space<vmem>>)
    %dma_start3A_1072 = arith.constant 0 : i32
    %dma_start3A_1073 = arith.constant 0 : i32
    %dma_start3A_1074 = tpu.memref_slice %arg2[%dma_start3A_1072, %dma_start3A_1073] : memref<10000x128xf32, #tpu.memory_space<hbm>> -> memref<10000x128xf32, #tpu.memory_space<hbm>>
    tpu.enqueue_indirect_dma source(%dma_start3A_1074 : memref<10000x128xf32, #tpu.memory_space<hbm>>) target(%arg14 : memref<80x128xf32, #tpu.memory_space<vmem>>) offsets(%arg6 : memref<80xi32, #tpu.memory_space<vmem>>) semaphore(%arg20 : memref<!tpu.dma_semaphore, #tpu.memory_space<semaphore_mem>>)
    %dma_wait3A_1075 = arith.constant 0 : i32
    %dma_wait3A_1076 = arith.constant 0 : i32
    %dma_wait3A_1077 = tpu.memref_slice %arg2[%dma_wait3A_1075, %dma_wait3A_1076] : memref<10000x128xf32, #tpu.memory_space<hbm>> -> memref<10000x128xf32, #tpu.memory_space<hbm>>
    tpu.wait_indirect_dma semaphore(%arg20 : memref<!tpu.dma_semaphore, #tpu.memory_space<semaphore_mem>>) src(%dma_wait3A_1077 : memref<10000x128xf32, #tpu.memory_space<hbm>>) dst(%arg14 : memref<80x128xf32, #tpu.memory_space<vmem>>)
    %add3A_1078 = arith.constant 9920 : i32
    %add3A_1079 = arith.addi %mul3A_2, %add3A_1078 : i32
    %dma_wait3A_1080 = tpu.memref_slice %arg4[%add3A_1079] : memref<320000xi32, #tpu.memory_space<hbm>> -> memref<80xi32, #tpu.memory_space<hbm>>
    %dma_wait3A_1081 = tpu.memref_slice %arg4[%add3A_1079] : memref<320000xi32, #tpu.memory_space<hbm>> -> memref<80xi32, #tpu.memory_space<hbm>>
    tpu.wait_dma2 semaphore(%arg32 : memref<!tpu.dma_semaphore, #tpu.memory_space<semaphore_mem>>) src(%dma_wait3A_1081 : memref<80xi32, #tpu.memory_space<hbm>>) dst(%arg10 : memref<80xi32, #tpu.memory_space<vmem>>)
    "tpu.region"() ({
      %run_scoped3A = tpu.sem_alloc : memref<!tpu.dma_semaphore, #tpu.memory_space<semaphore_mem>>
      %dma_start3A_1092 = arith.constant 0 : i32
      %dma_start3A_1093 = arith.constant 0 : i32
      %dma_start3A_1094 = tpu.memref_slice %arg19[%dma_start3A_1092, %dma_start3A_1093] : memref<10000x128xf32, #tpu.memory_space<vmem_shared>> -> memref<10000x128xf32, #tpu.memory_space<vmem_shared>>
      tpu.enqueue_indirect_dma source(%arg14 : memref<80x128xf32, #tpu.memory_space<vmem>>) target(%dma_start3A_1094 : memref<10000x128xf32, #tpu.memory_space<vmem_shared>>) offsets(%arg10 : memref<80xi32, #tpu.memory_space<vmem>>) semaphore(%run_scoped3A : memref<!tpu.dma_semaphore, #tpu.memory_space<semaphore_mem>>) {add = true}
      %dma_wait3A_1095 = arith.constant 0 : i32
      %dma_wait3A_1096 = arith.constant 0 : i32
      %dma_wait3A_1097 = tpu.memref_slice %arg19[%dma_wait3A_1095, %dma_wait3A_1096] : memref<10000x128xf32, #tpu.memory_space<vmem_shared>> -> memref<10000x128xf32, #tpu.memory_space<vmem_shared>>
      tpu.wait_indirect_dma semaphore(%run_scoped3A : memref<!tpu.dma_semaphore, #tpu.memory_space<semaphore_mem>>) src(%arg14 : memref<80x128xf32, #tpu.memory_space<vmem>>) dst(%dma_wait3A_1097 : memref<10000x128xf32, #tpu.memory_space<vmem_shared>>)
      tpu.yield
    }) : () -> ()
    %barrier3A_1082 = arith.constant 0 : index
    tpu.barrier barrier_id(%barrier3A_1082)
    %mul3A_1083 = arith.constant 624 : i32
    %mul3A_1084 = arith.muli %arg1, %mul3A_1083 : i32
    %mul3A_1085 = arith.constant 624 : i32
    %mul3A_1086 = arith.muli %arg1, %mul3A_1085 : i32
    "tpu.region"() ({
      %run_scoped3A = tpu.sem_alloc : memref<!tpu.dma_semaphore, #tpu.memory_space<semaphore_mem>>
      %dma_start3A_1092 = arith.constant 0 : i32
      %dma_start3A_1093 = tpu.memref_slice %arg5[%arg0, %mul3A_1086, %dma_start3A_1092] : memref<2x10000x128xf32, #tpu.memory_space<hbm>> -> memref<1x624x128xf32, #tpu.memory_space<hbm>>
      %dma_start3A_1094 = tpu.memref_squeeze %dma_start3A_1093 : memref<1x624x128xf32, #tpu.memory_space<hbm>> -> memref<624x128xf32, #tpu.memory_space<hbm>>
      %dma_start3A_1095 = arith.constant 0 : i32
      %dma_start3A_1096 = tpu.memref_slice %arg19[%mul3A_1084, %dma_start3A_1095] : memref<10000x128xf32, #tpu.memory_space<vmem_shared>> -> memref<624x128xf32, #tpu.memory_space<vmem_shared>>
      tpu.enqueue_dma source(%dma_start3A_1096 : memref<624x128xf32, #tpu.memory_space<vmem_shared>>) target(%dma_start3A_1094 : memref<624x128xf32, #tpu.memory_space<hbm>>) target_semaphore(%run_scoped3A : memref<!tpu.dma_semaphore, #tpu.memory_space<semaphore_mem>>)
      %dma_wait3A_1097 = arith.constant 0 : i32
      %dma_wait3A_1098 = tpu.memref_slice %arg5[%arg0, %mul3A_1086, %dma_wait3A_1097] : memref<2x10000x128xf32, #tpu.memory_space<hbm>> -> memref<1x624x128xf32, #tpu.memory_space<hbm>>
      %dma_wait3A_1099 = tpu.memref_squeeze %dma_wait3A_1098 : memref<1x624x128xf32, #tpu.memory_space<hbm>> -> memref<624x128xf32, #tpu.memory_space<hbm>>
      %dma_wait3A_1100 = arith.constant 0 : i32
      %dma_wait3A_1101 = tpu.memref_slice %arg19[%mul3A_1084, %dma_wait3A_1100] : memref<10000x128xf32, #tpu.memory_space<vmem_shared>> -> memref<624x128xf32, #tpu.memory_space<vmem_shared>>
      tpu.wait_dma2 semaphore(%run_scoped3A : memref<!tpu.dma_semaphore, #tpu.memory_space<semaphore_mem>>) src(%dma_wait3A_1101 : memref<624x128xf32, #tpu.memory_space<vmem_shared>>) dst(%dma_wait3A_1099 : memref<624x128xf32, #tpu.memory_space<hbm>>)
      tpu.yield
    }) : () -> ()
    %eq3A_1087 = arith.constant 15 : i32
    %eq3A_1088 = arith.cmpi eq, %arg1, %eq3A_1087 : i32
    %convert_element_type3A_1089 = arith.extui %eq3A_1088 : i1 to i32
    %cond3A_1090 = arith.constant 0 : i32
    %cond3A_1091 = arith.cmpi ne, %convert_element_type3A_1089, %cond3A_1090 : i32
    scf.if %cond3A_1091 {
      "tpu.region"() ({
        %run_scoped3A = tpu.sem_alloc : memref<!tpu.dma_semaphore, #tpu.memory_space<semaphore_mem>>
        %dma_start3A_1092 = arith.constant 9984 : i32
        %dma_start3A_1093 = arith.constant 0 : i32
        %dma_start3A_1094 = tpu.memref_slice %arg5[%arg0, %dma_start3A_1092, %dma_start3A_1093] : memref<2x10000x128xf32, #tpu.memory_space<hbm>> -> memref<1x16x128xf32, #tpu.memory_space<hbm>>
        %dma_start3A_1095 = tpu.memref_squeeze %dma_start3A_1094 : memref<1x16x128xf32, #tpu.memory_space<hbm>> -> memref<16x128xf32, #tpu.memory_space<hbm>>
        %dma_start3A_1096 = arith.constant 9984 : i32
        %dma_start3A_1097 = arith.constant 0 : i32
        %dma_start3A_1098 = tpu.memref_slice %arg19[%dma_start3A_1096, %dma_start3A_1097] : memref<10000x128xf32, #tpu.memory_space<vmem_shared>> -> memref<16x128xf32, #tpu.memory_space<vmem_shared>>
        tpu.enqueue_dma source(%dma_start3A_1098 : memref<16x128xf32, #tpu.memory_space<vmem_shared>>) target(%dma_start3A_1095 : memref<16x128xf32, #tpu.memory_space<hbm>>) target_semaphore(%run_scoped3A : memref<!tpu.dma_semaphore, #tpu.memory_space<semaphore_mem>>)
        %dma_wait3A_1099 = arith.constant 9984 : i32
        %dma_wait3A_1100 = arith.constant 0 : i32
        %dma_wait3A_1101 = tpu.memref_slice %arg5[%arg0, %dma_wait3A_1099, %dma_wait3A_1100] : memref<2x10000x128xf32, #tpu.memory_space<hbm>> -> memref<1x16x128xf32, #tpu.memory_space<hbm>>
        %dma_wait3A_1102 = tpu.memref_squeeze %dma_wait3A_1101 : memref<1x16x128xf32, #tpu.memory_space<hbm>> -> memref<16x128xf32, #tpu.memory_space<hbm>>
        %dma_wait3A_1103 = arith.constant 9984 : i32
        %dma_wait3A_1104 = arith.constant 0 : i32
        %dma_wait3A_1105 = tpu.memref_slice %arg19[%dma_wait3A_1103, %dma_wait3A_1104] : memref<10000x128xf32, #tpu.memory_space<vmem_shared>> -> memref<16x128xf32, #tpu.memory_space<vmem_shared>>
        tpu.wait_dma2 semaphore(%run_scoped3A : memref<!tpu.dma_semaphore, #tpu.memory_space<semaphore_mem>>) src(%dma_wait3A_1105 : memref<16x128xf32, #tpu.memory_space<vmem_shared>>) dst(%dma_wait3A_1102 : memref<16x128xf32, #tpu.memory_space<hbm>>)
        tpu.yield
      }) : () -> ()
    } else {
    }
    return
  }
}

module attributes {stable_mosaic.version = 14 : i64} {
  func.func @_pre_body(%arg0: i32, %arg1: memref<1000x128xf32, #tpu.memory_space<vmem>>, %arg2: memref<128x128xf32, #tpu.memory_space<vmem>>, %arg3: memref<2x1000x16xf32, #tpu.memory_space<vmem>>, %arg4: memref<1000x128xf32, #tpu.memory_space<vmem>>) attributes {dimension_semantics = [#tpu.dimension_semantics<arbitrary>], iteration_bounds = array<i64: 10>, scalar_prefetch = 0 : i64, scratch_operands = 0 : i64, tpu.core_type = #tpu.core_type<tc>, window_params = [{transform_indices = @transform_0, window_bounds = array<i64: 1000, 128>}, {pipeline_mode = #tpu.pipeline_mode<synchronous>, transform_indices = @transform_1, window_bounds = array<i64: 128, 128>}, {transform_indices = @transform_2, window_bounds = array<i64: 2, 1000, 16>}, {transform_indices = @transform_3, window_bounds = array<i64: 1000, 128>}]} {
    %get3A = arith.constant 0 : index
    %get3A_0 = arith.constant 0 : index
    %get3A_1 = vector.load %arg1[%get3A, %get3A_0] : memref<1000x128xf32, #tpu.memory_space<vmem>>, vector<1000x128xf32>
    %get3A_2 = arith.constant 0 : index
    %get3A_3 = arith.constant 0 : index
    %get3A_4 = vector.load %arg2[%get3A_2, %get3A_3] : memref<128x128xf32, #tpu.memory_space<vmem>>, vector<128x128xf32>
    %dot_general3A = arith.constant dense<0.000000e+00> : vector<1000x128xf32>
    %dot_general3A_5 = tpu.matmul %get3A_1, %get3A_4, %dot_general3A {dimension_numbers = #tpu.dot_dimension_numbers<[1], [0], [0], [1], [0, 0, 1, 1], [], []>, transpose_lhs_hint = false} : vector<1000x128xf32>, vector<128x128xf32>, vector<1000x128xf32> -> vector<1000x128xf32>
    %get3A_6 = arith.constant 0 : index
    %get3A_7 = arith.constant 0 : index
    %get3A_8 = arith.constant 0 : index
    %get3A_9 = vector.load %arg3[%get3A_6, %get3A_7, %get3A_8] : memref<2x1000x16xf32, #tpu.memory_space<vmem>>, vector<1x1000x1xf32>
    %get3A_10 = vector.shape_cast %get3A_9 : vector<1x1000x1xf32> to vector<1000x1xf32>
    %add3A = arith.constant 1.000000e+00 : f32
    %add3A_11 = vector.broadcast %add3A : f32 to vector<1000x1xf32>
    %add3A_12 = arith.addf %add3A_11, %get3A_10 : vector<1000x1xf32>
    %get3A_13 = arith.constant 1 : index
    %get3A_14 = arith.constant 0 : index
    %get3A_15 = arith.constant 0 : index
    %get3A_16 = vector.load %arg3[%get3A_13, %get3A_14, %get3A_15] : memref<2x1000x16xf32, #tpu.memory_space<vmem>>, vector<1x1000x1xf32>
    %get3A_17 = vector.shape_cast %get3A_16 : vector<1x1000x1xf32> to vector<1000x1xf32>
    %add3A_18 = arith.addf %add3A_12, %get3A_17 : vector<1000x1xf32>
    %rsqrt3A = math.rsqrt %add3A_18 : vector<1000x1xf32>
    %mul3A = vector.broadcast %rsqrt3A : vector<1000x1xf32> to vector<1000x128xf32>
    %mul3A_19 = arith.mulf %dot_general3A_5, %mul3A : vector<1000x128xf32>
    %swap3A = arith.constant 0 : index
    %swap3A_20 = arith.constant 0 : index
    %swap3A_21 = vector.load %arg4[%swap3A, %swap3A_20] : memref<1000x128xf32, #tpu.memory_space<vmem>>, vector<1000x128xf32>
    tpu.vector_store %arg4[%swap3A, %swap3A_20], %mul3A_19 {strides = array<i32>} : memref<1000x128xf32, #tpu.memory_space<vmem>>, vector<1000x128xf32>,
    return
  }
  func.func @transform_0(%arg0: i32) -> (i32, i32) {
    %c0_i32 = arith.constant 0 : i32
    %c0_i32_0 = arith.constant 0 : i32
    return %arg0, %c0_i32 : i32, i32
  }
  func.func @transform_1(%arg0: i32) -> (i32, i32) {
    %c0_i32 = arith.constant 0 : i32
    %c0_i32_0 = arith.constant 0 : i32
    %c0_i32_1 = arith.constant 0 : i32
    return %c0_i32, %c0_i32_0 : i32, i32
  }
  func.func @transform_2(%arg0: i32) -> (i32, i32, i32) {
    %c0_i32 = arith.constant 0 : i32
    %c0_i32_0 = arith.constant 0 : i32
    %c0_i32_1 = arith.constant 0 : i32
    return %c0_i32, %arg0, %c0_i32_0 : i32, i32, i32
  }
  func.func @transform_3(%arg0: i32) -> (i32, i32) {
    %c0_i32 = arith.constant 0 : i32
    %c0_i32_0 = arith.constant 0 : i32
    return %arg0, %c0_i32 : i32, i32
  }
}

module attributes {stable_mosaic.version = 14 : i64} {
  func.func @_mid_body(%arg0: i32, %arg1: memref<2x1000x128xf32, #tpu.memory_space<vmem>>, %arg2: memref<1000x128xf32, #tpu.memory_space<vmem>>, %arg3: memref<2x1000x16xf32, #tpu.memory_space<vmem>>, %arg4: memref<1x128xf32, #tpu.memory_space<vmem>>, %arg5: memref<1000x128xf32, #tpu.memory_space<vmem>>, %arg6: memref<128x128xf32, #tpu.memory_space<vmem>>, %arg7: memref<1000x128xf32, #tpu.memory_space<vmem>>) attributes {dimension_semantics = [#tpu.dimension_semantics<arbitrary>], iteration_bounds = array<i64: 10>, scalar_prefetch = 0 : i64, scratch_operands = 0 : i64, tpu.core_type = #tpu.core_type<tc>, window_params = [{transform_indices = @transform_0, window_bounds = array<i64: 2, 1000, 128>}, {transform_indices = @transform_1, window_bounds = array<i64: 1000, 128>}, {transform_indices = @transform_2, window_bounds = array<i64: 2, 1000, 16>}, {pipeline_mode = #tpu.pipeline_mode<synchronous>, transform_indices = @transform_3, window_bounds = array<i64: 1, 128>}, {transform_indices = @transform_4, window_bounds = array<i64: 1000, 128>}, {pipeline_mode = #tpu.pipeline_mode<synchronous>, transform_indices = @transform_5, window_bounds = array<i64: 128, 128>}, {transform_indices = @transform_6, window_bounds = array<i64: 1000, 128>}]} {
    %get3A = arith.constant 0 : index
    %get3A_0 = arith.constant 0 : index
    %get3A_1 = arith.constant 0 : index
    %get3A_2 = vector.load %arg3[%get3A, %get3A_0, %get3A_1] : memref<2x1000x16xf32, #tpu.memory_space<vmem>>, vector<1x1000x1xf32>
    %get3A_3 = vector.shape_cast %get3A_2 : vector<1x1000x1xf32> to vector<1000x1xf32>
    %add3A = arith.constant 1.000000e+00 : f32
    %add3A_4 = vector.broadcast %add3A : f32 to vector<1000x1xf32>
    %add3A_5 = arith.addf %add3A_4, %get3A_3 : vector<1000x1xf32>
    %get3A_6 = arith.constant 1 : index
    %get3A_7 = arith.constant 0 : index
    %get3A_8 = arith.constant 0 : index
    %get3A_9 = vector.load %arg3[%get3A_6, %get3A_7, %get3A_8] : memref<2x1000x16xf32, #tpu.memory_space<vmem>>, vector<1x1000x1xf32>
    %get3A_10 = vector.shape_cast %get3A_9 : vector<1x1000x1xf32> to vector<1000x1xf32>
    %add3A_11 = arith.addf %add3A_5, %get3A_10 : vector<1000x1xf32>
    %rsqrt3A = math.rsqrt %add3A_11 : vector<1000x1xf32>
    %get3A_12 = arith.constant 0 : index
    %get3A_13 = arith.constant 0 : index
    %get3A_14 = arith.constant 0 : index
    %get3A_15 = vector.load %arg1[%get3A_12, %get3A_13, %get3A_14] : memref<2x1000x128xf32, #tpu.memory_space<vmem>>, vector<1x1000x128xf32>
    %get3A_16 = vector.shape_cast %get3A_15 : vector<1x1000x128xf32> to vector<1000x128xf32>
    %get3A_17 = arith.constant 1 : index
    %get3A_18 = arith.constant 0 : index
    %get3A_19 = arith.constant 0 : index
    %get3A_20 = vector.load %arg1[%get3A_17, %get3A_18, %get3A_19] : memref<2x1000x128xf32, #tpu.memory_space<vmem>>, vector<1x1000x128xf32>
    %get3A_21 = vector.shape_cast %get3A_20 : vector<1x1000x128xf32> to vector<1000x128xf32>
    %add3A_22 = arith.addf %get3A_16, %get3A_21 : vector<1000x128xf32>
    %get3A_23 = arith.constant 0 : index
    %get3A_24 = arith.constant 0 : index
    %get3A_25 = vector.load %arg2[%get3A_23, %get3A_24] : memref<1000x128xf32, #tpu.memory_space<vmem>>, vector<1000x128xf32>
    %add3A_26 = arith.addf %add3A_22, %get3A_25 : vector<1000x128xf32>
    %get3A_27 = arith.constant 0 : index
    %get3A_28 = arith.constant 0 : index
    %get3A_29 = vector.load %arg5[%get3A_27, %get3A_28] : memref<1000x128xf32, #tpu.memory_space<vmem>>, vector<1000x128xf32>
    %mul3A = arith.constant 2.000000e+00 : f32
    %mul3A_30 = vector.broadcast %mul3A : f32 to vector<1000x128xf32>
    %mul3A_31 = arith.mulf %mul3A_30, %get3A_29 : vector<1000x128xf32>
    %mul3A_32 = vector.broadcast %rsqrt3A : vector<1000x1xf32> to vector<1000x128xf32>
    %mul3A_33 = arith.mulf %mul3A_32, %add3A_26 : vector<1000x128xf32>
    %get3A_34 = arith.constant 0 : index
    %get3A_35 = arith.constant 0 : index
    %get3A_36 = vector.load %arg4[%get3A_34, %get3A_35] : memref<1x128xf32, #tpu.memory_space<vmem>>, vector<1x128xf32>
    %add3A_37 = vector.broadcast %get3A_36 : vector<1x128xf32> to vector<1000x128xf32>
    %add3A_38 = arith.addf %mul3A_33, %add3A_37 : vector<1000x128xf32>
    %max3A = arith.constant 0.000000e+00 : f32
    %max3A_39 = vector.broadcast %max3A : f32 to vector<1000x128xf32>
    %max3A_40 = arith.maximumf %add3A_38, %max3A_39 : vector<1000x128xf32>
    %mul3A_41 = arith.mulf %mul3A_31, %max3A_40 : vector<1000x128xf32>
    %get3A_42 = arith.constant 0 : index
    %get3A_43 = arith.constant 0 : index
    %get3A_44 = vector.load %arg6[%get3A_42, %get3A_43] : memref<128x128xf32, #tpu.memory_space<vmem>>, vector<128x128xf32>
    %dot_general3A = arith.constant dense<0.000000e+00> : vector<1000x128xf32>
    %dot_general3A_45 = tpu.matmul %mul3A_41, %get3A_44, %dot_general3A {dimension_numbers = #tpu.dot_dimension_numbers<[1], [0], [0], [1], [0, 0, 1, 1], [], []>, transpose_lhs_hint = false} : vector<1000x128xf32>, vector<128x128xf32>, vector<1000x128xf32> -> vector<1000x128xf32>
    %mul3A_46 = vector.broadcast %rsqrt3A : vector<1000x1xf32> to vector<1000x128xf32>
    %mul3A_47 = arith.mulf %dot_general3A_45, %mul3A_46 : vector<1000x128xf32>
    %swap3A = arith.constant 0 : index
    %swap3A_48 = arith.constant 0 : index
    %swap3A_49 = vector.load %arg7[%swap3A, %swap3A_48] : memref<1000x128xf32, #tpu.memory_space<vmem>>, vector<1000x128xf32>
    tpu.vector_store %arg7[%swap3A, %swap3A_48], %mul3A_47 {strides = array<i32>} : memref<1000x128xf32, #tpu.memory_space<vmem>>, vector<1000x128xf32>,
    return
  }
  func.func @transform_0(%arg0: i32) -> (i32, i32, i32) {
    %c0_i32 = arith.constant 0 : i32
    %c0_i32_0 = arith.constant 0 : i32
    %c0_i32_1 = arith.constant 0 : i32
    return %c0_i32, %arg0, %c0_i32_0 : i32, i32, i32
  }
  func.func @transform_1(%arg0: i32) -> (i32, i32) {
    %c0_i32 = arith.constant 0 : i32
    %c0_i32_0 = arith.constant 0 : i32
    return %arg0, %c0_i32 : i32, i32
  }
  func.func @transform_2(%arg0: i32) -> (i32, i32, i32) {
    %c0_i32 = arith.constant 0 : i32
    %c0_i32_0 = arith.constant 0 : i32
    %c0_i32_1 = arith.constant 0 : i32
    return %c0_i32, %arg0, %c0_i32_0 : i32, i32, i32
  }
  func.func @transform_3(%arg0: i32) -> (i32, i32) {
    %c0_i32 = arith.constant 0 : i32
    %c0_i32_0 = arith.constant 0 : i32
    %c0_i32_1 = arith.constant 0 : i32
    return %c0_i32, %c0_i32_0 : i32, i32
  }
  func.func @transform_4(%arg0: i32) -> (i32, i32) {
    %c0_i32 = arith.constant 0 : i32
    %c0_i32_0 = arith.constant 0 : i32
    return %arg0, %c0_i32 : i32, i32
  }
  func.func @transform_5(%arg0: i32) -> (i32, i32) {
    %c0_i32 = arith.constant 0 : i32
    %c0_i32_0 = arith.constant 0 : i32
    %c0_i32_1 = arith.constant 0 : i32
    return %c0_i32, %c0_i32_0 : i32, i32
  }
  func.func @transform_6(%arg0: i32) -> (i32, i32) {
    %c0_i32 = arith.constant 0 : i32
    %c0_i32_0 = arith.constant 0 : i32
    return %arg0, %c0_i32 : i32, i32
  }
}

module attributes {stable_mosaic.version = 14 : i64} {
  func.func @_post_body(%arg0: i32, %arg1: memref<2x1000x128xf32, #tpu.memory_space<vmem>>, %arg2: memref<1000x128xf32, #tpu.memory_space<vmem>>, %arg3: memref<2x1000x16xf32, #tpu.memory_space<vmem>>, %arg4: memref<1x128xf32, #tpu.memory_space<vmem>>, %arg5: memref<1000x128xf32, #tpu.memory_space<vmem>>, %arg6: memref<1000x128xf32, #tpu.memory_space<vmem>>) attributes {dimension_semantics = [#tpu.dimension_semantics<arbitrary>], iteration_bounds = array<i64: 10>, scalar_prefetch = 0 : i64, scratch_operands = 0 : i64, tpu.core_type = #tpu.core_type<tc>, window_params = [{transform_indices = @transform_0, window_bounds = array<i64: 2, 1000, 128>}, {transform_indices = @transform_1, window_bounds = array<i64: 1000, 128>}, {transform_indices = @transform_2, window_bounds = array<i64: 2, 1000, 16>}, {pipeline_mode = #tpu.pipeline_mode<synchronous>, transform_indices = @transform_3, window_bounds = array<i64: 1, 128>}, {transform_indices = @transform_4, window_bounds = array<i64: 1000, 128>}, {transform_indices = @transform_5, window_bounds = array<i64: 1000, 128>}]} {
    %get3A = arith.constant 0 : index
    %get3A_0 = arith.constant 0 : index
    %get3A_1 = arith.constant 0 : index
    %get3A_2 = vector.load %arg3[%get3A, %get3A_0, %get3A_1] : memref<2x1000x16xf32, #tpu.memory_space<vmem>>, vector<1x1000x1xf32>
    %get3A_3 = vector.shape_cast %get3A_2 : vector<1x1000x1xf32> to vector<1000x1xf32>
    %add3A = arith.constant 1.000000e+00 : f32
    %add3A_4 = vector.broadcast %add3A : f32 to vector<1000x1xf32>
    %add3A_5 = arith.addf %add3A_4, %get3A_3 : vector<1000x1xf32>
    %get3A_6 = arith.constant 1 : index
    %get3A_7 = arith.constant 0 : index
    %get3A_8 = arith.constant 0 : index
    %get3A_9 = vector.load %arg3[%get3A_6, %get3A_7, %get3A_8] : memref<2x1000x16xf32, #tpu.memory_space<vmem>>, vector<1x1000x1xf32>
    %get3A_10 = vector.shape_cast %get3A_9 : vector<1x1000x1xf32> to vector<1000x1xf32>
    %add3A_11 = arith.addf %add3A_5, %get3A_10 : vector<1000x1xf32>
    %rsqrt3A = math.rsqrt %add3A_11 : vector<1000x1xf32>
    %get3A_12 = arith.constant 0 : index
    %get3A_13 = arith.constant 0 : index
    %get3A_14 = arith.constant 0 : index
    %get3A_15 = vector.load %arg1[%get3A_12, %get3A_13, %get3A_14] : memref<2x1000x128xf32, #tpu.memory_space<vmem>>, vector<1x1000x128xf32>
    %get3A_16 = vector.shape_cast %get3A_15 : vector<1x1000x128xf32> to vector<1000x128xf32>
    %get3A_17 = arith.constant 1 : index
    %get3A_18 = arith.constant 0 : index
    %get3A_19 = arith.constant 0 : index
    %get3A_20 = vector.load %arg1[%get3A_17, %get3A_18, %get3A_19] : memref<2x1000x128xf32, #tpu.memory_space<vmem>>, vector<1x1000x128xf32>
    %get3A_21 = vector.shape_cast %get3A_20 : vector<1x1000x128xf32> to vector<1000x128xf32>
    %add3A_22 = arith.addf %get3A_16, %get3A_21 : vector<1000x128xf32>
    %get3A_23 = arith.constant 0 : index
    %get3A_24 = arith.constant 0 : index
    %get3A_25 = vector.load %arg2[%get3A_23, %get3A_24] : memref<1000x128xf32, #tpu.memory_space<vmem>>, vector<1000x128xf32>
    %add3A_26 = arith.addf %add3A_22, %get3A_25 : vector<1000x128xf32>
    %get3A_27 = arith.constant 0 : index
    %get3A_28 = arith.constant 0 : index
    %get3A_29 = vector.load %arg5[%get3A_27, %get3A_28] : memref<1000x128xf32, #tpu.memory_space<vmem>>, vector<1000x128xf32>
    %mul3A = arith.constant 2.000000e+00 : f32
    %mul3A_30 = vector.broadcast %mul3A : f32 to vector<1000x128xf32>
    %mul3A_31 = arith.mulf %mul3A_30, %get3A_29 : vector<1000x128xf32>
    %mul3A_32 = vector.broadcast %rsqrt3A : vector<1000x1xf32> to vector<1000x128xf32>
    %mul3A_33 = arith.mulf %mul3A_32, %add3A_26 : vector<1000x128xf32>
    %get3A_34 = arith.constant 0 : index
    %get3A_35 = arith.constant 0 : index
    %get3A_36 = vector.load %arg4[%get3A_34, %get3A_35] : memref<1x128xf32, #tpu.memory_space<vmem>>, vector<1x128xf32>
    %add3A_37 = vector.broadcast %get3A_36 : vector<1x128xf32> to vector<1000x128xf32>
    %add3A_38 = arith.addf %mul3A_33, %add3A_37 : vector<1000x128xf32>
    %max3A = arith.constant 0.000000e+00 : f32
    %max3A_39 = vector.broadcast %max3A : f32 to vector<1000x128xf32>
    %max3A_40 = arith.maximumf %add3A_38, %max3A_39 : vector<1000x128xf32>
    %mul3A_41 = arith.mulf %mul3A_31, %max3A_40 : vector<1000x128xf32>
    %swap3A = arith.constant 0 : index
    %swap3A_42 = arith.constant 0 : index
    %swap3A_43 = vector.load %arg6[%swap3A, %swap3A_42] : memref<1000x128xf32, #tpu.memory_space<vmem>>, vector<1000x128xf32>
    tpu.vector_store %arg6[%swap3A, %swap3A_42], %mul3A_41 {strides = array<i32>} : memref<1000x128xf32, #tpu.memory_space<vmem>>, vector<1000x128xf32>,
    return
  }
  func.func @transform_0(%arg0: i32) -> (i32, i32, i32) {
    %c0_i32 = arith.constant 0 : i32
    %c0_i32_0 = arith.constant 0 : i32
    %c0_i32_1 = arith.constant 0 : i32
    return %c0_i32, %arg0, %c0_i32_0 : i32, i32, i32
  }
  func.func @transform_1(%arg0: i32) -> (i32, i32) {
    %c0_i32 = arith.constant 0 : i32
    %c0_i32_0 = arith.constant 0 : i32
    return %arg0, %c0_i32 : i32, i32
  }
  func.func @transform_2(%arg0: i32) -> (i32, i32, i32) {
    %c0_i32 = arith.constant 0 : i32
    %c0_i32_0 = arith.constant 0 : i32
    %c0_i32_1 = arith.constant 0 : i32
    return %c0_i32, %arg0, %c0_i32_0 : i32, i32, i32
  }
  func.func @transform_3(%arg0: i32) -> (i32, i32) {
    %c0_i32 = arith.constant 0 : i32
    %c0_i32_0 = arith.constant 0 : i32
    %c0_i32_1 = arith.constant 0 : i32
    return %c0_i32, %c0_i32_0 : i32, i32
  }
  func.func @transform_4(%arg0: i32) -> (i32, i32) {
    %c0_i32 = arith.constant 0 : i32
    %c0_i32_0 = arith.constant 0 : i32
    return %arg0, %c0_i32 : i32, i32
  }
  func.func @transform_5(%arg0: i32) -> (i32, i32) {
    %c0_i32 = arith.constant 0 : i32
    %c0_i32_0 = arith.constant 0 : i32
    return %arg0, %c0_i32 : i32, i32
  }
}

</mosaic_0001>

<sc_bundles>
// kernel: kernel.11.cloned.1.call-start
scs
__scs_entry_jumppad:
0x0: {  	(pc) =	sbr.rel $0x88, $3  }
0x1: {  	(tag) =	ssettag $0x0;
	lr =	simm.s32 $0x1  }
0x2: {  	[smem:$0x3F9B] =	sst lr;
	_ =	strace $0xD0000000  }
0x3: {  	_ = 	snop  }
0x4: {  	_ = 	snop  }
0x5: {  	_ = 	snop  }
0x6: {  	_ = 	snop  }
0x7: {  	_ = 	snop  }
__scs_overlays_trampoline_lowered:
0x8: {  	[smem:$0x3FAA] =	sst s0  }
0x9: {  	[smem:$0x3FAB] =	sst s1  }
0xa: {  	[smem:$0x3FAC] =	sst s2  }
0xb: {  	[smem:$0x3FAD] =	sst s3  }
0xc: {  	[smem:$0x3FAE] =	sst s4  }
0xd: {  	[smem:$0x3FAF] =	sst s5  }
0xe: {  	[smem:$0x3FB0] =	sst s6  }
0xf: {  	[smem:$0x3FB1] =	sst s7  }
0x10: {  	[smem:$0x3FB2] =	sst s8  }
0x11: {  	[smem:$0x3FB3] =	sst s9;
	s0 =	simm.s32 @!p0 $0x0  }
0x12: {  	s1 =	sld [smem:$0x3F99];
	s0 =	simm.s32 @p0 $0x1  }
0x13: {  	[smem:$0x3FB4] =	sst s0;
	s0 =	simm.s32 @!p1 $0x0  }
0x14: {  	s2 =	sld [smem:$0x3F98];
	s0 =	simm.s32 @p1 $0x1  }
0x15: {  	[smem:$0x3FB5] =	sst s0;
	s0 =	simm.s32 @!p2 $0x0  }
0x16: {  	s3 =	sld [smem:$0x3FDB];
	s0 =	simm.s32 @p2 $0x1  }
0x17: {  	s4 =	simm.s32 $0x1BF5;
	[smem:$0x3FB7] =	sst s0  }
0x18: {  	s0 =	sld [smem:$0x3F9A];
	_ =	swait.ge [sflag:s4], $0x0  }
0x19: {  	s7 =	sld [smem:$0x3F9B]  }
0x1a: {  	s8 =	sadd.s32 $0xFFFFE003, lr  }
0x1b: {  	s9 =	sadd.s32 $0xFFFFFEF7, lr;
	s5 =	simm.s32 $0xFFFFFFFF;
	p2 =	slt.u32 s8, $0xFFFFF086  }
0x1c: {  	p1 =	slt.u32 s9, $0xF7A;
	s5 =	simm.s32 @!p2 $0x0  }
0x1d: {  	s5 =	simm.s32 @p1 $0x1;
	p0 =	seq.s32 s7, s2  }
0x1e: {  	s7 =	smul.u32 @!p0 $0xF7A, s2;
	p2 =	seq.s32 @!p0 s5, $0x0  }
0x1f: {  	s9 =	smul.u32 $0xF7A, s1;
	s8 =	simm.s32 @!p0 $0x1BF5;
	p2 =	por !p2, p0  }
0x20: {  	[sflag:s8] =	ssyncset.s32 @!p0 $0xFFFFF086;
	s6 =	sadd.s32 @!p0 s3, s7;
	s7 =	simm.s32 @!p0 $0x108  }
0x21: {  	s3 =	sadd.s32 s3, s9;
	s6 =	sadd.s32 @!p0 $0x88, s6;
	s7 =	simm.s32 @p2 $0x1082  }
0x22: {  	[simem:s7], [sflag:s8] =	dma.local @!p0 [hbm:s6], $0xF7A  }
0x23: {  	s9 =	sor.u32 $0xD0000000, s2;
	s6 =	simm.s32 $0x108;
	_ =	swait.ge @!p0 [sflag:s8], $0x0  }
0x24: {  	s3 =	sadd.s32 $0x88, s3;
	s6 =	simm.s32 @!p1 $0x1082;
	[sflag:s4] =	ssyncset.s32 $0xFFFFF086  }
0x25: {  	[simem:s6], [sflag:s4] =	dma.local [hbm:s3], $0xF7A  }
0x26: {  	[smem:$0x3F9B] =	sst s1;
	(tag) =	ssettag s2;
	_ =	strace s9  }
0x27: {  	s1 =	sld [smem:$0x3FAB]  }
0x28: {  	s2 =	sld [smem:$0x3FAC]  }
0x29: {  	s4 =	sld [smem:$0x3FAE]  }
0x2a: {  	p0 =	seq.s32 s5, $0x0;
	s5 =	sld [smem:$0x3FAF]  }
0x2b: {  	s6 =	sld [smem:$0x3FB0]  }
0x2c: {  	s7 =	sld [smem:$0x3FB1]  }
0x2d: {  	s3 =	simm.s32 $0x108;
	s8 =	sld [smem:$0x3FB2]  }
0x2e: {  	s3 =	simm.s32 @!p0 $0x1082;
	s9 =	sld [smem:$0x3FB3]  }
0x2f: {  	lr =	sadd.s32 s0, s3;
	s0 =	sld [smem:$0x3FAA]  }
0x30: {  	s3 =	sld [smem:$0x3FAD]  }
0x31: {  	[smem:$0x3FB6] =	sst s10  }
0x32: {  	s10 =	sld [smem:$0x3FB4];
	_ =	sdelay $0x3  }
0x33: {  	p0 =	seq.s32 s10, $0x1;
	s10 =	sld [smem:$0x3FB6];
	_ =	sdelay $0x3  }
0x34: {  	[smem:$0x3FB6] =	sst s10  }
0x35: {  	s10 =	sld [smem:$0x3FB5];
	_ =	sdelay $0x3  }
0x36: {  	p1 =	seq.s32 s10, $0x1;
	s10 =	sld [smem:$0x3FB6];
	_ =	sdelay $0x3  }
0x37: {  	[smem:$0x3FB6] =	sst s10  }
0x38: {  	s10 =	sld [smem:$0x3FB7]  }
0x39: {  	_ = 	snop;
	(pc) =	sbr.ind lr, $3  }
0x3a: {  	_ = 	snop  }
0x3b: {  	_ = 	snop  }
0x3c: {  	p2 =	seq.s32 s10, $0x1;
	s10 =	sld [smem:$0x3FB6]  }
0x3d: {  	_ =	shalt  }
0x3e: {  	_ =	shalt  }
0x3f: {  	_ =	shalt  }
0x40: {  	_ =	shalt  }
0x41: {  	_ =	shalt  }
0x42: {  	_ =	shalt  }
0x43: {  	_ =	shalt  }
0x44: {  	_ =	shalt  }
0x45: {  	_ =	shalt  }
0x46: {  	_ =	shalt  }
0x47: {  	_ =	shalt  }
0x48: {  	_ =	shalt  }
0x49: {  	_ =	shalt  }
0x4a: {  	_ =	shalt  }
0x4b: {  	_ =	shalt  }
0x4c: {  	_ =	shalt  }
0x4d: {  	_ =	shalt  }
0x4e: {  	_ =	shalt  }
0x4f: {  	_ =	shalt  }
0x50: {  	_ =	shalt  }
0x51: {  	_ =	shalt  }
0x52: {  	_ =	shalt  }
0x53: {  	_ =	shalt  }
0x54: {  	_ =	shalt  }
0x55: {  	_ =	shalt  }
0x56: {  	_ =	shalt  }
0x57: {  	_ =	shalt  }
0x58: {  	_ =	shalt  }
0x59: {  	_ =	shalt  }
0x5a: {  	_ =	shalt  }
0x5b: {  	_ =	shalt  }
0x5c: {  	_ =	shalt  }
0x5d: {  	_ =	shalt  }
0x5e: {  	_ =	shalt  }
0x5f: {  	_ =	shalt  }
0x60: {  	_ =	shalt  }
0x61: {  	_ =	shalt  }
0x62: {  	_ =	shalt  }
0x63: {  	_ =	shalt  }
0x64: {  	_ =	shalt  }
0x65: {  	_ =	shalt  }
0x66: {  	_ =	shalt  }
0x67: {  	_ =	shalt  }
0x68: {  	_ =	shalt  }
0x69: {  	_ =	shalt  }
0x6a: {  	_ =	shalt  }
0x6b: {  	_ =	shalt  }
0x6c: {  	_ =	shalt  }
0x6d: {  	_ =	shalt  }
0x6e: {  	_ =	shalt  }
0x6f: {  	_ =	shalt  }
0x70: {  	_ =	shalt  }
0x71: {  	_ =	shalt  }
0x72: {  	_ =	shalt  }
0x73: {  	_ =	shalt  }
0x74: {  	_ =	shalt  }
0x75: {  	_ =	shalt  }
0x76: {  	_ =	shalt  }
0x77: {  	_ =	shalt  }
0x78: {  	_ =	shalt  }
0x79: {  	_ =	shalt  }
0x7a: {  	_ =	shalt  }
0x7b: {  	_ =	shalt  }
0x7c: {  	_ =	shalt  }
0x7d: {  	_ =	shalt  }
0x7e: {  	_ =	shalt  }
0x7f: {  	_ =	shalt  }
0x80: {  	_ =	shalt  }
0x81: {  	_ =	shalt  }
0x82: {  	_ =	shalt  }
0x83: {  	_ =	shalt  }
0x84: {  	_ =	shalt  }
0x85: {  	_ =	shalt  }
0x86: {  	_ =	shalt  }
0x87: {  	_ =	shalt  }
.Lfunc_end0:
.L_simem_size_0:
called_computation.1_lowered:
.L_overlay_start_0:
0x88: {  	s2 =	sld [smem:$0x3FD9]  }
0x89: {  	s3 =	sld [smem:$0x3FFE];
	_ =	sdelay $0x1  }
0x8a: {  	s1 =	srdreg.scid  }
0x8b: {  	s0 =	sand.u32 $0x1, s1  }
0x8c: {  	s17 =	sshll.u32 s0, $0xA;
	s2 =	sadd.s32 s3, s2  }
0x8d: {  	s2 =	sadd.s32 s2, s17  }
0x8e: {  	[smem:$0x3FC2] =	sst s2  }
0x8f: {  	_ = 	snop  }
0x90: {  	s2 =	sld [smem:$0x3FD0];
	(tm) =	ssettm $0x1  }
0x91: {  	s18 =	sld [smem:$0x3FFB];
	_ =	sdelay $0x3  }
0x92: {  	_ =	strace s18  }
0x93: {  	s3 =	sld [smem:$0x3FFC];
	_ =	sdelay $0x3  }
0x94: {  	_ =	strace s3  }
0x95: {  	s3 =	sld [smem:$0x3FFD];
	_ =	sdelay $0x3  }
0x96: {  	_ =	strace s3  }
0x97: {  	_ =	strace $0x8FFFFFFF  }
0x98: {  	s19 =	sld [smem:$0x3FDB];
	_ =	sdelay $0x1  }
0x99: {  	s4 =	simm.s32 $_scs_section_size  }
0x9a: {  	s5 =	simm.s32 $_size__tile_overlayer_lowered;
	s6 =	simm.s32 $_tile_overlayer_lowered  }
0x9b: {  	s22 =	simm.s32 $0x1BFF;
	s21 =	sshll.u32 s6, $0x1;
	s3 =	sadd.s32 s4, s19  }
0x9c: {  	s7 =	simm.s32 $0x0;
	s20 =	sshll.u32 s5, $0x1;
	s5 =	sadd.s32 s21, s3  }
0x9d: {  	[timem:s7], [sflag:s22] =	dma.local [hbm:s5], s20  }
0x9e: {  	_ =	swait.ge [sflag:s22], s20  }
0x9f: {  	s4 =	ssub.s32 $0x0, s20;
	[sflag:s22] =	ssyncset.done $0x0  }
0xa0: {  	[sflag:s22] =	ssyncadd.s32 s4;
	_ =	sdelay $0x1  }
0xa1: {  	s23 =	simm.s32 $0x1B8B  }
0xa2: {  	_ =	swait.ge [sflag:s23], $0x1  }
0xa3: {  	[sflag:s23] =	ssyncset.done $0x0  }
0xa4: {  	s25 =	simm.s32 $0x1B8E;
	s24 =	sld [smem:$0x3FFE];
	[sflag:s23] =	ssyncadd.s32 $0xFFFFFFFF  }
0xa5: {  	s26 =	simm.s32 $execute0_lowered;
	[smem:$0x3FD2] =	sst s25  }
0xa6: {  	s5 =	sshll.u32 s26, $0x1;
	_ =	strace $0x80000049;
	[dreg:$0x1] =	wrdreg $0xFFFFFFFF  }
0xa7: {  	s28 =	simm.s32 $_size_execute0_lowered;
	s3 =	sadd.s32 s3, s5;
	[dreg:$0x0] =	wrdreg $0x0  }
0xa8: {  	s5 =	sshll.u32 s28, $0x1;
	[dreg:$0x2] =	wrdreg s3  }
0xa9: {  	[dreg:$0x3] =	wrdreg s5  }
0xaa: {  	[dreg:$0x4] =	wrdreg $0xC0  }
0xab: {  	_ =	task [dreg:s7], $0x5FFFF  }
0xac: {  	[dreg:$0x1] =	wrdreg $0xFFFFFFFF  }
0xad: {  	[dreg:$0x0] =	wrdreg $0x60  }
0xae: {  	[dreg:$0x2] =	wrdreg s2  }
0xaf: {  	[dreg:$0x3] =	wrdreg s24  }
0xb0: {  	[dreg:$0x4] =	wrdreg $0xAC000  }
0xb1: {  	[dreg:$0x5] =	wrdreg $0x9  }
0xb2: {  	_ =	task.clear_ibuf [dreg:s7], $0x6FFFF;
	_ =	strace $0x90000049  }
0xb3: {  	s29 =	simm.s32 $0x9;
	_ =	strace $0x8000004B  }
0xb4: {  	_ =	swait.ge [sflag:s29], $0x1  }
0xb5: {  	[sflag:s29] =	ssyncadd.s32 $0xFFFFFFFF  }
0xb6: {  	_ =	strace $0x9000004B  }
0xb7: {  	_ =	sfence  }
0xb8: {  	s30 =	sld [smem:$0x0];
	_ =	sdelay $0x2  }
0xb9: {  	s31 =	sshll.u32 s1, $0xD;
	s1 =	sshrl.u32 s1, $0x2  }
0xba: {  	s3 =	sand.u32 $0x4000, s31;
	s1 =	sadd.s32 s1, s30  }
0xbb: {  	s0 =	sor.u32 s3, s0;
	s1 =	sshll.u32 s1, $0x11  }
0xbc: {  	s0 =	sor.u32 s1, s0  }
0xbd: {  	s0 =	sadd.s32 $0x8F2B, s0  }
0xbe: {  	[sflag:s0] =	ssyncadd.remote.s32 $0x1  }
0xbf: {  	_ =	sfence.sel $0xFFFF  }
0xc0: {  	[dreg:$0x0] =	wrdreg $0xFFFFFFFF;
	(pc) =	sbr.abs _section_cstart, $3  }
0xc1: {  	[dreg:$0x1] =	wrdreg $0xFFFFFFFF  }
0xc2: {  	_ =	task.clear_ibuf [dreg:s7], $0x2FFFF;
	_ =	strace $0x9FFFFFFF  }
0xc3: {  	(tm) =	ssettm $0x7FFFFFFF  }
tec
execute0_lowered:
.L_overlay_start_1:
0x0: {  	(tag) =	ssettag $0x1  }
0x1: {  	s1 =	rddreg [dreg:$0x0]  }
0x2: {  	s0 =	rddreg [dreg:$0x1]  }
0x3: {  	s2 =	rddreg [dreg:$0x2]  }
0x4: {  	s22 =	simm.s32 $0x0;
	s4 =	srdreg.scid;
	s3 =	stileid.u32  }
0x5: {  	s31 =	simm.s32 $0x280;
	s30 =	simm.s32 $0x300;
	s28 =	simm.s32 $0x3  }
0x6: {  	[smem:$0x7FF] =	sst s22;
	s4 =	sand.u32 $0x1, s4;
	s12 =	sadd.s32 $0x2800, s0  }
0x7: {  	s6 =	smul.u32 $0x4E000, s3;
	s14 =	sadd.s32 $0xC600, s0;
	s0 =	sadd.s32 $0x64600, s0  }
0x8: {  	s29 =	sadd.s32 $0x138000, s2;
	s10 =	smul.u32 $0x2710, s3;
	s5 =	sshll.u32 s4, $0x4  }
0x9: {  	s24 =	smul.u32 $0x13800, s3;
	p0 =	sne.s32 s3, $0xF;
	s5 =	sor.u32 s3, s5  }
0xa: {  	_ =	strace $0x8000004A;
	s6 =	sshrl.u32 s6, $0x2;
	s5 =	smul.u32 $0x2710, s5  }
0xb: {  	s7 =	ssub.s32 $0x2, s4;
	s23 =	sadd.s32 s6, s2;
	s6 =	smul.u32 $0x138800, s4  }
0xc: {  	[dreg:$0xb] =	wrdreg s29;
	s8 =	sshrl.u32 s7, $0x1;
	s4 =	smul.u32 $0x27100, s4  }
0xd: {  	s7 =	ssub.s32 s7, s8;
	[dreg:$0xa] =	wrdreg s23;
	s5 =	sshrl.u32 s5, $0x3  }
0xe: {  	s4 =	sadd.s32 s10, s4;
	s17 =	sadd.s32 s12, s5;
	s18 =	sadd.s32 s14, s5  }
0xf: {  	s19 =	sadd.s32 $0xA, s5;
	s20 =	sadd.s32 $0x14, s5;
	s5 =	sadd.s32 $0x1E, s5  }
0x10: {  	s26 =	sadd.s32 $0x190, s4;
	s13 =	sadd.s32 $0x230, s4;
	[dreg:$0xc] =	wrdreg s17  }
0x11: {  	[dreg:$0xd] =	wrdreg s18;
	s9 =	sadd.s32 s12, s19;
	s8 =	sadd.s32 s14, s19  }
0x12: {  	s21 =	sadd.s32 s12, s20;
	s25 =	sadd.s32 s12, s5;
	[dreg:$0xe] =	wrdreg s9  }
0x13: {  	s5 =	sadd.s32 s14, s5;
	s10 =	sshrl.u32 s26, $0x3;
	[dreg:$0xf] =	wrdreg s8  }
0x14: {  	s16 =	sshrl.u32 s13, $0x3;
	s18 =	sadd.s32 $0x1E0, s4;
	[dreg:$0x10] =	wrdreg s21  }
0x15: {  	s26 =	sadd.s32 $0x140, s4;
	s13 =	simm.s32 $0x7;
	[dreg:$0x12] =	wrdreg s25  }
0x16: {  	s9 =	sadd.s32 s14, s20;
	s8 =	sadd.s32 s24, s6;
	[dreg:$0x13] =	wrdreg s5  }
0x17: {  	s11 =	sadd.s32 s10, s14;
	s15 =	sadd.s32 s10, s12;
	s17 =	sadd.s32 s16, s14  }
0x18: {  	s19 =	sadd.s32 s16, s12;
	s20 =	sshrl.u32 s18, $0x3;
	[dreg:$0x17] =	wrdreg s26  }
0x19: {  	s6 =	sshrl.u32 s6, $0x3;
	s25 =	smax.u32 s7, $0x1;
	[dreg:$0x11] =	wrdreg s9  }
0x1a: {  	s7 =	simm.s32 $0x11;
	s10 =	simm.s32 $0x80;
	[dreg:$0x4] =	wrdreg s11  }
0x1b: {  	s26 =	simm.s32 $0xE;
	s16 =	simm.s32 $0x8;
	[dreg:$0x5] =	wrdreg s15  }
0x1c: {  	s18 =	simm.s32 $0x200;
	s8 =	sshrl.u32 s8, $0x3;
	[dreg:$0x6] =	wrdreg s17  }
0x1d: {  	[dreg:$0x7] =	wrdreg s19;
	s21 =	sadd.s32 s20, s14;
	s24 =	sadd.s32 s20, s12  }
0x1e: {  	[dreg:$0x16] =	wrdreg s25;
	s9 =	simm.s32 $0x200;
	s11 =	simm.s32 $0x100  }
0x1f: {  	s25 =	simm.s32 $0x2;
	s15 =	simm.s32 $0xF;
	s17 =	simm.s32 $0x4  }
0x20: {  	s19 =	simm.s32 $0x10;
	s20 =	simm.s32 $0x5;
	[dreg:$0x8] =	wrdreg s21  }
0x21: {  	s5 =	sadd.s32 s0, s8;
	s0 =	sadd.s32 s0, s6;
	[dreg:$0x9] =	wrdreg s24  }
0x22: {  	s6 =	simm.s32 $0xA400;
	s8 =	simm.s32 $0xC;
	s24 =	simm.s32 $0xD  }
0x23: {  	s21 =	simm.s32 $0x200;
	[dreg:$0x14] =	wrdreg s5;
	s0 =	sadd.s32 $0x27000, s0  }
0x24: {  	v0 =	vimm.f32 $0.0e+00;
	s5 =	simm.s32 $0x0;
	[dreg:$0x15] =	wrdreg s0;
	s0 =	simm.s32 $0x50  }
.LBB2_1:
0x25: {  	[tilespmem:$0xA400] =	vst v0  }
0x26: {  	[tilespmem:$0xA410] =	vst v0  }
0x27: {  	[tilespmem:$0xA420] =	vst v0  }
0x28: {  	[tilespmem:$0xA430] =	vst v0  }
0x29: {  	[tilespmem:$0xA440] =	vst v0  }
0x2a: {  	[tilespmem:$0xA450] =	vst v0  }
0x2b: {  	[tilespmem:$0xA460] =	vst v0  }
0x2c: {  	[tilespmem:$0xA470] =	vst v0  }
0x2d: {  	[tilespmem:$0xA480] =	vst v0  }
0x2e: {  	[tilespmem:$0xA490] =	vst v0  }
0x2f: {  	[tilespmem:$0xA4A0] =	vst v0  }
0x30: {  	[tilespmem:$0xA4B0] =	vst v0  }
0x31: {  	[tilespmem:$0xA4C0] =	vst v0  }
0x32: {  	[tilespmem:$0xA4D0] =	vst v0  }
0x33: {  	[tilespmem:$0xA4E0] =	vst v0  }
0x34: {  	[tilespmem:$0xA4F0] =	vst v0  }
0x35: {  	[tilespmem:$0xA500] =	vst v0  }
0x36: {  	[tilespmem:$0xA510] =	vst v0  }
0x37: {  	[tilespmem:$0xA520] =	vst v0  }
0x38: {  	[tilespmem:$0xA530] =	vst v0  }
0x39: {  	[tilespmem:$0xA540] =	vst v0  }
0x3a: {  	[tilespmem:$0xA550] =	vst v0  }
0x3b: {  	[tilespmem:$0xA560] =	vst v0  }
0x3c: {  	[tilespmem:$0xA570] =	vst v0  }
0x3d: {  	[tilespmem:$0xA580] =	vst v0  }
0x3e: {  	[tilespmem:$0xA590] =	vst v0  }
0x3f: {  	[tilespmem:$0xA5A0] =	vst v0  }
0x40: {  	[tilespmem:$0xA5B0] =	vst v0  }
0x41: {  	[tilespmem:$0xA5C0] =	vst v0  }
0x42: {  	[tilespmem:$0xA5D0] =	vst v0  }
0x43: {  	[tilespmem:$0xA5E0] =	vst v0  }
0x44: {  	[tilespmem:$0xA5F0] =	vst v0  }
0x45: {  	[tilespmem:$0xA600] =	vst v0  }
0x46: {  	[tilespmem:$0xA610] =	vst v0  }
0x47: {  	[tilespmem:$0xA620] =	vst v0  }
0x48: {  	[tilespmem:$0xA630] =	vst v0  }
0x49: {  	[tilespmem:$0xA640] =	vst v0  }
0x4a: {  	[tilespmem:$0xA650] =	vst v0  }
0x4b: {  	[tilespmem:$0xA660] =	vst v0  }
0x4c: {  	[tilespmem:$0xA670] =	vst v0  }
0x4d: {  	[tilespmem:$0xA680] =	vst v0  }
0x4e: {  	[tilespmem:$0xA690] =	vst v0  }
0x4f: {  	[tilespmem:$0xA6A0] =	vst v0  }
0x50: {  	[tilespmem:$0xA6B0] =	vst v0  }
0x51: {  	[tilespmem:$0xA6C0] =	vst v0  }
0x52: {  	[tilespmem:$0xA6D0] =	vst v0  }
0x53: {  	[tilespmem:$0xA6E0] =	vst v0  }
0x54: {  	[tilespmem:$0xA6F0] =	vst v0  }
0x55: {  	[tilespmem:$0xA700] =	vst v0  }
0x56: {  	[tilespmem:$0xA710] =	vst v0  }
0x57: {  	[tilespmem:$0xA720] =	vst v0  }
0x58: {  	[tilespmem:$0xA730] =	vst v0  }
0x59: {  	[tilespmem:$0xA740] =	vst v0  }
0x5a: {  	[tilespmem:$0xA750] =	vst v0  }
0x5b: {  	[tilespmem:$0xA760] =	vst v0  }
0x5c: {  	[tilespmem:$0xA770] =	vst v0  }
0x5d: {  	[tilespmem:$0xA780] =	vst v0  }
0x5e: {  	[tilespmem:$0xA790] =	vst v0  }
0x5f: {  	[tilespmem:$0xA7A0] =	vst v0  }
0x60: {  	[tilespmem:$0xA7B0] =	vst v0  }
0x61: {  	[tilespmem:$0xA7C0] =	vst v0  }
0x62: {  	[tilespmem:$0xA7D0] =	vst v0  }
0x63: {  	[tilespmem:$0xA7E0] =	vst v0  }
0x64: {  	[tilespmem:$0xA7F0] =	vst v0  }
0x65: {  	[tilespmem:$0xA800] =	vst v0  }
0x66: {  	[tilespmem:$0xA810] =	vst v0  }
0x67: {  	[tilespmem:$0xA820] =	vst v0  }
0x68: {  	[tilespmem:$0xA830] =	vst v0  }
0x69: {  	[tilespmem:$0xA840] =	vst v0  }
0x6a: {  	[tilespmem:$0xA850] =	vst v0  }
0x6b: {  	[tilespmem:$0xA860] =	vst v0  }
0x6c: {  	[tilespmem:$0xA870] =	vst v0  }
0x6d: {  	[tilespmem:$0xA880] =	vst v0  }
0x6e: {  	[tilespmem:$0xA890] =	vst v0  }
0x6f: {  	[tilespmem:$0xA8A0] =	vst v0  }
0x70: {  	[tilespmem:$0xA8B0] =	vst v0  }
0x71: {  	[tilespmem:$0xA8C0] =	vst v0  }
0x72: {  	[tilespmem:$0xA8D0] =	vst v0  }
0x73: {  	[tilespmem:$0xA8E0] =	vst v0  }
0x74: {  	[tilespmem:$0xA8F0] =	vst v0  }
0x75: {  	[tilespmem:$0xA900] =	vst v0  }
0x76: {  	[tilespmem:$0xA910] =	vst v0  }
0x77: {  	[tilespmem:$0xA920] =	vst v0  }
0x78: {  	[tilespmem:$0xA930] =	vst v0  }
0x79: {  	[tilespmem:$0xA940] =	vst v0  }
0x7a: {  	[tilespmem:$0xA950] =	vst v0  }
0x7b: {  	[tilespmem:$0xA960] =	vst v0  }
0x7c: {  	[tilespmem:$0xA970] =	vst v0  }
0x7d: {  	[tilespmem:$0xA980] =	vst v0  }
0x7e: {  	[tilespmem:$0xA990] =	vst v0  }
0x7f: {  	[tilespmem:$0xA9A0] =	vst v0  }
0x80: {  	[tilespmem:$0xA9B0] =	vst v0  }
0x81: {  	[tilespmem:$0xA9C0] =	vst v0  }
0x82: {  	[tilespmem:$0xA9D0] =	vst v0  }
0x83: {  	[tilespmem:$0xA9E0] =	vst v0  }
0x84: {  	[tilespmem:$0xA9F0] =	vst v0  }
0x85: {  	[tilespmem:$0xAA00] =	vst v0  }
0x86: {  	[tilespmem:$0xAA10] =	vst v0  }
0x87: {  	[tilespmem:$0xAA20] =	vst v0  }
0x88: {  	[tilespmem:$0xAA30] =	vst v0  }
0x89: {  	[tilespmem:$0xAA40] =	vst v0  }
0x8a: {  	[tilespmem:$0xAA50] =	vst v0  }
0x8b: {  	[tilespmem:$0xAA60] =	vst v0  }
0x8c: {  	[tilespmem:$0xAA70] =	vst v0  }
0x8d: {  	[tilespmem:$0xAA80] =	vst v0  }
0x8e: {  	[tilespmem:$0xAA90] =	vst v0  }
0x8f: {  	[tilespmem:$0xAAA0] =	vst v0  }
0x90: {  	[tilespmem:$0xAAB0] =	vst v0  }
0x91: {  	[tilespmem:$0xAAC0] =	vst v0  }
0x92: {  	[tilespmem:$0xAAD0] =	vst v0  }
0x93: {  	[tilespmem:$0xAAE0] =	vst v0  }
0x94: {  	[tilespmem:$0xAAF0] =	vst v0  }
0x95: {  	[tilespmem:$0xAB00] =	vst v0  }
0x96: {  	[tilespmem:$0xAB10] =	vst v0  }
0x97: {  	[tilespmem:$0xAB20] =	vst v0  }
0x98: {  	[tilespmem:$0xAB30] =	vst v0  }
0x99: {  	[tilespmem:$0xAB40] =	vst v0  }
0x9a: {  	[tilespmem:$0xAB50] =	vst v0  }
0x9b: {  	[tilespmem:$0xAB60] =	vst v0  }
0x9c: {  	[tilespmem:$0xAB70] =	vst v0  }
0x9d: {  	[tilespmem:$0xAB80] =	vst v0  }
0x9e: {  	[tilespmem:$0xAB90] =	vst v0  }
0x9f: {  	[tilespmem:$0xABA0] =	vst v0  }
0xa0: {  	[tilespmem:$0xABB0] =	vst v0  }
0xa1: {  	[tilespmem:$0xABC0] =	vst v0  }
0xa2: {  	[tilespmem:$0xABD0] =	vst v0  }
0xa3: {  	[tilespmem:$0xABE0] =	vst v0  }
0xa4: {  	[dreg:$0x18] =	wrdreg s5;
	[tilespmem:$0xABF0] =	vst v0;
	s4 =	sadd.s32 $0x0, s23  }
0xa5: {  	[spmem:s4] =	stream.linear.scatter [tilespmem:s6], [sflag:$0x11], $0x800, $0x38;
	[tilespmem:$0x1E480] =	vst v63  }
0xa6: {  	s5 =	simm.s32 $0x2000;
	_ =	swait.ge [sflag:s7], $0x800  }
.LBB2_2:
0xa7: {  	s4 =	sshra.s32 s5, $0x2;
	[sflag:s7] =	ssyncset.done $0x0;
	p1 =	sne.s32 s5, $0x4C000  }
.Ltmp0:
0xa8: {  	s4 =	sadd.s32 s4, s23;
	[sflag:s7] =	ssyncadd.s32 $0xFFFFF800;
	(pc) =	sbr.rel @p1 .LBB2_2-.Ltmp0, $3  }
0xa9: {  	[spmem:s4] =	stream.linear.scatter [tilespmem:s6], [sflag:$0x11], $0x800, $0x38;
	[tilespmem:$0x1E480] =	vst v63  }
0xaa: {  	s5 =	sadd.s32 $0x2000, s5;
	_ =	sdelay $0x1  }
0xab: {  	_ =	swait.ge [sflag:s7], $0x800  }
0xac: {  	[sflag:s7] =	ssyncset.done $0x0  }
0xad: {  	s4 =	simm.s32 @!p0 $0xA400;
	[sflag:s7] =	ssyncadd.s32 $0xFFFFF800  }
0xae: {  	[spmem:s29] =	stream.linear.scatter @!p0 [tilespmem:s4], [sflag:$0x11], $0x800, $0x38;
	[tilespmem:$0x1E480] =	vst v63  }
0xaf: {  	s4 =	simm.s32 @!p0 $0x11  }
0xb0: {  	_ =	swait.ge @!p0 [sflag:s4], $0x800  }
0xb1: {  	[sflag:s4] =	ssyncset.done @!p0 $0x0  }
0xb2: {  	[sflag:s4] =	ssyncadd.s32 @!p0 $0xFFFFF800  }
0xb3: {  	[bflag:$0x0] =	sbarrier.arrive $0xFFFF  }
0xb4: {  	s4 =	simm.s32 $0x0;
	s3 =	rddreg [dreg:$0xc]  }
0xb5: {  	[tilespmem:s4], [sflag:$0x9] =	stream.linear.gather [hbm4b:s3+s4], $0x50, $0x38;
	[tilespmem:$0x1E480] =	vst v63  }
0xb6: {  	s6 =	rddreg [dreg:$0xd]  }
0xb7: {  	[tilespmem:s9], [sflag:$0xD] =	stream.linear.gather [hbm4b:s6+s4], $0x50, $0x38;
	[tilespmem:$0x1E480] =	vst v63  }
0xb8: {  	s7 =	rddreg [dreg:$0xe]  }
0xb9: {  	[tilespmem:s10], [sflag:$0xA] =	stream.linear.gather [hbm4b:s7+s4], $0x50, $0x38;
	[tilespmem:$0x1E480] =	vst v63  }
0xba: {  	s23 =	rddreg [dreg:$0xf]  }
0xbb: {  	[tilespmem:s31], [sflag:$0xE] =	stream.linear.gather [hbm4b:s23+s4], $0x50, $0x38;
	[tilespmem:$0x1E480] =	vst v63  }
0xbc: {  	s5 =	rddreg [dreg:$0x10]  }
0xbd: {  	[tilespmem:s11], [sflag:$0xB] =	stream.linear.gather [hbm4b:s5+s4], $0x50, $0x38;
	[tilespmem:$0x1E480] =	vst v63  }
0xbe: {  	s6 =	rddreg [dreg:$0x11]  }
0xbf: {  	[tilespmem:s30], [sflag:$0xF] =	stream.linear.gather [hbm4b:s6+s4], $0x50, $0x38;
	[tilespmem:$0x1E480] =	vst v63  }
0xc0: {  	s7 =	rddreg [dreg:$0x12];
	s5 =	simm.s32 $0x180  }
0xc1: {  	[tilespmem:s5], [sflag:$0xC] =	stream.linear.gather [hbm4b:s7+s4], $0x50, $0x38;
	[tilespmem:$0x1E480] =	vst v63  }
0xc2: {  	s23 =	rddreg [dreg:$0x13];
	s6 =	simm.s32 $0x380  }
0xc3: {  	[tilespmem:s6], [sflag:$0x10] =	stream.linear.gather [hbm4b:s23+s4], $0x50, $0x38;
	[tilespmem:$0x1E480] =	vst v63  }
0xc4: {  	s4 =	simm.s32 $0x9  }
0xc5: {  	_ =	swait.ge [sflag:s4], $0x50  }
0xc6: {  	[sflag:s4] =	ssyncset.done $0x0  }
0xc7: {  	s3 =	simm.s32 $0x400;
	s7 =	simm.s32 $0xA;
	[sflag:s4] =	ssyncadd.s32 $0xFFFFFFB0  }
0xc8: {  	[tilespmem:s3], [sflag:$0x1] =	stream.indirect.gather [hbm4b:s1+s0], $0x80, s22, s0, $0xb8;
	[tilespmem:$0x1E480] =	vst v63  }
0xc9: {  	_ =	swait.ge [sflag:s7], $0x50  }
0xca: {  	[sflag:s7] =	ssyncset.done $0x0  }
0xcb: {  	s23 =	simm.s32 $0xB;
	s4 =	simm.s32 $0x2C00;
	[sflag:s7] =	ssyncadd.s32 $0xFFFFFFB0  }
0xcc: {  	[tilespmem:s4], [sflag:$0x2] =	stream.indirect.gather [hbm4b:s1+s0], $0x80, s10, s0, $0xb8;
	[tilespmem:$0x1E480] =	vst v63  }
0xcd: {  	_ =	swait.ge [sflag:s23], $0x50  }
0xce: {  	[sflag:s23] =	ssyncset.done $0x0  }
0xcf: {  	s7 =	simm.s32 $0x5400;
	[sflag:s23] =	ssyncadd.s32 $0xFFFFFFB0  }
0xd0: {  	[tilespmem:s7], [sflag:$0x3] =	stream.indirect.gather [hbm4b:s1+s0], $0x80, s11, s0, $0xb8;
	[tilespmem:$0x1E480] =	vst v63  }
0xd1: {  	_ =	swait.ge [sflag:s8], $0x50  }
0xd2: {  	[sflag:s8] =	ssyncset.done $0x0  }
0xd3: {  	s23 =	simm.s32 $0x1;
	s11 =	simm.s32 $0x7C00;
	[sflag:s8] =	ssyncadd.s32 $0xFFFFFFB0  }
0xd4: {  	[tilespmem:s11], [sflag:$0x4] =	stream.indirect.gather [hbm4b:s1+s0], $0x80, s5, s0, $0xb8;
	[tilespmem:$0x1E480] =	vst v63  }
0xd5: {  	_ =	swait.ge [sflag:s23], $0x2800  }
0xd6: {  	[sflag:s23] =	ssyncset.done $0x0  }
0xd7: {  	[sflag:s23] =	ssyncadd.s32 $0xFFFFD800  }
0xd8: {  	_ =	swait.ge [sflag:s24], $0x50  }
0xd9: {  	[sflag:s24] =	ssyncset.done $0x0  }
0xda: {  	[sflag:s24] =	ssyncadd.s32 $0xFFFFFFB0  }
0xdb: {  	[spmem:s2] =	stream.indirect.scatter.add.f32 [tilespmem:s3], [sflag:$0x5], $0x80, s9, s0, $0xb8;
	[tilespmem:$0x1E480] =	vst v63  }
0xdc: {  	_ =	swait.ge [sflag:s25], $0x2800  }
0xdd: {  	[sflag:s25] =	ssyncset.done $0x0  }
0xde: {  	[sflag:s25] =	ssyncadd.s32 $0xFFFFD800  }
0xdf: {  	_ =	swait.ge [sflag:s26], $0x50  }
0xe0: {  	[sflag:s26] =	ssyncset.done $0x0  }
0xe1: {  	[sflag:s26] =	ssyncadd.s32 $0xFFFFFFB0  }
0xe2: {  	[spmem:s2] =	stream.indirect.scatter.add.f32 [tilespmem:s4], [sflag:$0x6], $0x80, s31, s0, $0xb8;
	[tilespmem:$0x1E480] =	vst v63  }
0xe3: {  	_ =	swait.ge [sflag:s28], $0x2800  }
0xe4: {  	[sflag:s28] =	ssyncset.done $0x0  }
0xe5: {  	[sflag:s28] =	ssyncadd.s32 $0xFFFFD800  }
0xe6: {  	_ =	swait.ge [sflag:s15], $0x50  }
0xe7: {  	[sflag:s15] =	ssyncset.done $0x0  }
0xe8: {  	[sflag:s15] =	ssyncadd.s32 $0xFFFFFFB0  }
0xe9: {  	[spmem:s2] =	stream.indirect.scatter.add.f32 [tilespmem:s7], [sflag:$0x7], $0x80, s30, s0, $0xb8;
	[tilespmem:$0x1E480] =	vst v63  }
0xea: {  	_ =	swait.ge [sflag:s17], $0x2800  }
0xeb: {  	[sflag:s17] =	ssyncset.done $0x0  }
0xec: {  	[sflag:s17] =	ssyncadd.s32 $0xFFFFD800  }
0xed: {  	_ =	swait.ge [sflag:s19], $0x50  }
0xee: {  	[sflag:s19] =	ssyncset.done $0x0  }
0xef: {  	[sflag:s19] =	ssyncadd.s32 $0xFFFFFFB0  }
0xf0: {  	[spmem:s2] =	stream.indirect.scatter.add.f32 [tilespmem:s11], [sflag:$0x8], $0x80, s6, s0, $0xb8;
	[tilespmem:$0x1E480] =	vst v63  }
0xf1: {  	_ =	swait.ge [sflag:s20], $0x2800  }
0xf2: {  	[sflag:s20] =	ssyncset.done $0x0  }
0xf3: {  	s11 =	simm.s32 $0x6;
	[sflag:s20] =	ssyncadd.s32 $0xFFFFD800  }
0xf4: {  	_ =	swait.ge [sflag:s11], $0x2800  }
0xf5: {  	[sflag:s11] =	ssyncset.done $0x0  }
0xf6: {  	[sflag:s11] =	ssyncadd.s32 $0xFFFFD800  }
0xf7: {  	_ =	swait.ge [sflag:s13], $0x2800  }
0xf8: {  	[sflag:s13] =	ssyncset.done $0x0  }
0xf9: {  	[sflag:s13] =	ssyncadd.s32 $0xFFFFD800  }
0xfa: {  	_ =	swait.ge [sflag:s16], $0x2800  }
0xfb: {  	p2 =	por $0x0, $0x0;
	s3 =	rddreg [dreg:$0x17]  }
0xfc: {  	s29 =	simm.s32 $0x5;
	[sflag:s16] =	ssyncset.done $0x0;
	s4 =	sshrl.u32 s3, $0x3  }
0xfd: {  	s23 =	rddreg [dreg:$0x5];
	[sflag:s16] =	ssyncadd.s32 $0xFFFFD800;
	s7 =	sadd.s32 s12, s4  }
0xfe: {  	[tilespmem:s22], [sflag:$0x9] =	stream.linear.gather [hbm4b:s7+s22], $0x50, $0x38;
	[tilespmem:$0x1E480] =	vst v63  }
0xff: {  	s30 =	simm.s32 $0x28;
	s6 =	rddreg [dreg:$0x4];
	s4 =	sadd.s32 s14, s4  }
0x100: {  	[tilespmem:s9], [sflag:$0xD] =	stream.linear.gather [hbm4b:s4+s22], $0x50, $0x38;
	[tilespmem:$0x1E480] =	vst v63  }
0x101: {  	s23 =	sadd.s32 @!p2 $0x0, s23;
	s7 =	simm.s32 @!p2 $0x0;
	s4 =	simm.s32 @!p2 $0x80  }
0x102: {  	[tilespmem:s4], [sflag:$0xA] =	stream.linear.gather @!p2 [hbm4b:s23+s7], $0x50, $0x38;
	[tilespmem:$0x1E480] =	vst v63  }
0x103: {  	s5 =	rddreg [dreg:$0x9];
	s6 =	sadd.s32 @!p2 $0x0, s6;
	s4 =	simm.s32 @!p2 $0x280  }
0x104: {  	[tilespmem:s4], [sflag:$0xE] =	stream.linear.gather @!p2 [hbm4b:s6+s7], $0x50, $0x38;
	[tilespmem:$0x1E480] =	vst v63  }
0x105: {  	s5 =	sadd.s32 @!p2 $0x0, s5;
	s23 =	rddreg [dreg:$0x8];
	s4 =	simm.s32 @!p2 $0x100  }
0x106: {  	[tilespmem:s4], [sflag:$0xB] =	stream.linear.gather @!p2 [hbm4b:s5+s7], $0x50, $0x38;
	[tilespmem:$0x1E480] =	vst v63  }
0x107: {  	s6 =	rddreg [dreg:$0x7];
	s4 =	simm.s32 @!p2 $0x300;
	s5 =	sadd.s32 @!p2 $0x0, s23  }
0x108: {  	[tilespmem:s4], [sflag:$0xF] =	stream.linear.gather @!p2 [hbm4b:s5+s7], $0x50, $0x38;
	[tilespmem:$0x1E480] =	vst v63  }
0x109: {  	s6 =	sadd.s32 @!p2 $0x0, s6;
	s4 =	rddreg [dreg:$0x6];
	s5 =	simm.s32 @!p2 $0x180  }
0x10a: {  	[tilespmem:s5], [sflag:$0xC] =	stream.linear.gather @!p2 [hbm4b:s6+s7], $0x50, $0x38;
	[tilespmem:$0x1E480] =	vst v63  }
0x10b: {  	s23 =	sadd.s32 @!p2 $0x0, s4;
	s4 =	simm.s32 @!p2 $0x380;
	s5 =	smov.u32 s3  }
.LBB2_4:
0x10c: {  	[tilespmem:s4], [sflag:$0x10] =	stream.linear.gather @!p2 [hbm4b:s23+s7], $0x50, $0x38;
	[tilespmem:$0x1E480] =	vst v63  }
0x10d: {  	s3 =	simm.s32 $0x9  }
0x10e: {  	_ =	swait.ge [sflag:s3], $0x50  }
0x10f: {  	[sflag:s3] =	ssyncset.done $0x0  }
0x110: {  	s7 =	simm.s32 $0xA;
	[sflag:s3] =	ssyncadd.s32 $0xFFFFFFB0;
	s3 =	simm.s32 $0x400  }
0x111: {  	[tilespmem:s3], [sflag:$0x1] =	stream.indirect.gather [hbm4b:s1+s0], $0x80, s22, s0, $0xb8;
	[tilespmem:$0x1E480] =	vst v63  }
0x112: {  	_ =	swait.ge [sflag:s7], $0x50  }
0x113: {  	[sflag:s7] =	ssyncset.done $0x0  }
0x114: {  	s9 =	simm.s32 $0xB;
	[sflag:s7] =	ssyncadd.s32 $0xFFFFFFB0;
	s7 =	simm.s32 $0x2C00  }
0x115: {  	[tilespmem:s7], [sflag:$0x2] =	stream.indirect.gather [hbm4b:s1+s0], $0x80, s10, s0, $0xb8;
	[tilespmem:$0x1E480] =	vst v63  }
0x116: {  	_ =	swait.ge [sflag:s9], $0x50  }
0x117: {  	[sflag:s9] =	ssyncset.done $0x0  }
0x118: {  	s10 =	simm.s32 $0x100;
	[sflag:s9] =	ssyncadd.s32 $0xFFFFFFB0;
	s9 =	simm.s32 $0x5400  }
0x119: {  	[tilespmem:s9], [sflag:$0x3] =	stream.indirect.gather [hbm4b:s1+s0], $0x80, s10, s0, $0xb8;
	[tilespmem:$0x1E480] =	vst v63  }
0x11a: {  	_ =	swait.ge [sflag:s8], $0x50  }
0x11b: {  	[sflag:s8] =	ssyncset.done $0x0  }
0x11c: {  	s23 =	simm.s32 $0x180;
	s10 =	simm.s32 $0x7C00;
	[sflag:s8] =	ssyncadd.s32 $0xFFFFFFB0  }
0x11d: {  	[tilespmem:s10], [sflag:$0x4] =	stream.indirect.gather [hbm4b:s1+s0], $0x80, s23, s0, $0xb8;
	[tilespmem:$0x1E480] =	vst v63  }
0x11e: {  	s23 =	simm.s32 $0x1  }
0x11f: {  	_ =	swait.ge [sflag:s23], $0x2800  }
0x120: {  	[sflag:s23] =	ssyncset.done $0x0  }
0x121: {  	[sflag:s23] =	ssyncadd.s32 $0xFFFFD800  }
0x122: {  	_ =	swait.ge [sflag:s24], $0x50  }
0x123: {  	[sflag:s24] =	ssyncset.done $0x0  }
0x124: {  	[sflag:s24] =	ssyncadd.s32 $0xFFFFFFB0  }
0x125: {  	[spmem:s2] =	stream.indirect.scatter.add.f32 [tilespmem:s3], [sflag:$0x5], $0x80, s18, s0, $0xb8;
	[tilespmem:$0x1E480] =	vst v63  }
0x126: {  	_ =	swait.ge [sflag:s25], $0x2800  }
0x127: {  	[sflag:s25] =	ssyncset.done $0x0  }
0x128: {  	[sflag:s25] =	ssyncadd.s32 $0xFFFFD800  }
0x129: {  	_ =	swait.ge [sflag:s26], $0x50  }
0x12a: {  	[sflag:s26] =	ssyncset.done $0x0  }
0x12b: {  	[sflag:s26] =	ssyncadd.s32 $0xFFFFFFB0  }
0x12c: {  	[spmem:s2] =	stream.indirect.scatter.add.f32 [tilespmem:s7], [sflag:$0x6], $0x80, s31, s0, $0xb8;
	[tilespmem:$0x1E480] =	vst v63  }
0x12d: {  	_ =	swait.ge [sflag:s28], $0x2800  }
0x12e: {  	[sflag:s28] =	ssyncset.done $0x0  }
0x12f: {  	[sflag:s28] =	ssyncadd.s32 $0xFFFFD800  }
0x130: {  	_ =	swait.ge [sflag:s15], $0x50  }
0x131: {  	[sflag:s15] =	ssyncset.done $0x0  }
0x132: {  	s7 =	simm.s32 $0x300;
	[sflag:s15] =	ssyncadd.s32 $0xFFFFFFB0  }
0x133: {  	[spmem:s2] =	stream.indirect.scatter.add.f32 [tilespmem:s9], [sflag:$0x7], $0x80, s7, s0, $0xb8;
	[tilespmem:$0x1E480] =	vst v63  }
0x134: {  	_ =	swait.ge [sflag:s17], $0x2800  }
0x135: {  	[sflag:s17] =	ssyncset.done $0x0  }
0x136: {  	[sflag:s17] =	ssyncadd.s32 $0xFFFFD800  }
0x137: {  	_ =	swait.ge [sflag:s19], $0x50  }
0x138: {  	[sflag:s19] =	ssyncset.done $0x0  }
0x139: {  	s23 =	simm.s32 $0x380;
	[sflag:s19] =	ssyncadd.s32 $0xFFFFFFB0  }
0x13a: {  	[spmem:s2] =	stream.indirect.scatter.add.f32 [tilespmem:s10], [sflag:$0x8], $0x80, s23, s0, $0xb8;
	[tilespmem:$0x1E480] =	vst v63  }
0x13b: {  	_ =	swait.ge [sflag:s20], $0x2800  }
0x13c: {  	[sflag:s20] =	ssyncset.done $0x0  }
0x13d: {  	[sflag:s20] =	ssyncadd.s32 $0xFFFFD800  }
0x13e: {  	_ =	swait.ge [sflag:s11], $0x2800  }
0x13f: {  	[sflag:s11] =	ssyncset.done $0x0  }
0x140: {  	[sflag:s11] =	ssyncadd.s32 $0xFFFFD800  }
0x141: {  	_ =	swait.ge [sflag:s13], $0x2800  }
0x142: {  	s29 =	sadd.s32 $0x4, s29;
	[sflag:s13] =	ssyncset.done $0x0  }
0x143: {  	s6 =	smov.u32 s30;
	s30 =	sadd.s32 $0x28, s30;
	[sflag:s13] =	ssyncadd.s32 $0xFFFFD800  }
0x144: {  	s5 =	sadd.s32 $0x140, s5;
	p1 =	sne.s32 s30, $0x4D8;
	_ =	swait.ge [sflag:s16], $0x2800  }
0x145: {  	p2 =	sgt.u32 s29, $0x7C;
	s3 =	sshrl.u32 s5, $0x3;
	s23 =	rddreg [dreg:$0x9]  }
0x146: {  	s31 =	smov.u32 s12;
	[sflag:s16] =	ssyncset.done $0x0;
	s10 =	rddreg [dreg:$0x4]  }
0x147: {  	s9 =	sadd.s32 s12, s3;
	s12 =	rddreg [dreg:$0x5];
	[sflag:s16] =	ssyncadd.s32 $0xFFFFD800  }
0x148: {  	[tilespmem:s22], [sflag:$0x9] =	stream.linear.gather [hbm4b:s9+s22], $0x50, $0x38;
	[tilespmem:$0x1E480] =	vst v63  }
0x149: {  	s4 =	sadd.s32 s14, s3;
	s7 =	simm.s32 @!p2 $0x0;
	s3 =	rddreg [dreg:$0x6]  }
0x14a: {  	[tilespmem:s18], [sflag:$0xD] =	stream.linear.gather [hbm4b:s4+s22], $0x50, $0x38;
	[tilespmem:$0x1E480] =	vst v63  }
0x14b: {  	s9 =	smov.u32 s14;
	s14 =	simm.s32 @!p2 $0x80;
	s4 =	sadd.s32 @!p2 s6, s12  }
0x14c: {  	[tilespmem:s14], [sflag:$0xA] =	stream.linear.gather @!p2 [hbm4b:s4+s7], $0x50, $0x38;
	[tilespmem:$0x1E480] =	vst v63  }
0x14d: {  	s12 =	simm.s32 @!p2 $0x280;
	s22 =	rddreg [dreg:$0x7];
	s4 =	sadd.s32 @!p2 s6, s10  }
0x14e: {  	[tilespmem:s12], [sflag:$0xE] =	stream.linear.gather @!p2 [hbm4b:s4+s7], $0x50, $0x38;
	[tilespmem:$0x1E480] =	vst v63  }
0x14f: {  	s10 =	simm.s32 @!p2 $0x100;
	s14 =	rddreg [dreg:$0x8];
	s4 =	sadd.s32 @!p2 s6, s23  }
0x150: {  	s12 =	simm.s32 @!p2 $0x300;
	s23 =	sadd.s32 @!p2 s6, s3;
	s3 =	sadd.s32 @!p2 s6, s22  }
0x151: {  	[tilespmem:s10], [sflag:$0xB] =	stream.linear.gather @!p2 [hbm4b:s4+s7], $0x50, $0x38;
	[tilespmem:$0x1E480] =	vst v63  }
.Ltmp1:
0x152: {  	s22 =	simm.s32 $0x0;
	s4 =	sadd.s32 @!p2 s6, s14;
	(pc) =	sbr.rel @p1 .LBB2_4-.Ltmp1, $4  }
0x153: {  	[tilespmem:s12], [sflag:$0xF] =	stream.linear.gather @!p2 [hbm4b:s4+s7], $0x50, $0x38;
	[tilespmem:$0x1E480] =	vst v63  }
0x154: {  	s14 =	smov.u32 s9;
	s10 =	simm.s32 @!p2 $0x180;
	s12 =	smov.u32 s31  }
0x155: {  	[tilespmem:s10], [sflag:$0xC] =	stream.linear.gather @!p2 [hbm4b:s3+s7], $0x50, $0x38;
	[tilespmem:$0x1E480] =	vst v63  }
0x156: {  	s31 =	simm.s32 $0x280;
	s4 =	simm.s32 @!p2 $0x380;
	s10 =	simm.s32 $0x80  }
0x157: {  	[tilespmem:s4], [sflag:$0x10] =	stream.linear.gather @!p2 [hbm4b:s23+s7], $0x50, $0x38;
	[tilespmem:$0x1E480] =	vst v63  }
0x158: {  	s3 =	simm.s32 $0x9  }
0x159: {  	_ =	swait.ge [sflag:s3], $0x50  }
0x15a: {  	[sflag:s3] =	ssyncset.done $0x0  }
0x15b: {  	s11 =	simm.s32 $0x400;
	s23 =	simm.s32 $0x1;
	[sflag:s3] =	ssyncadd.s32 $0xFFFFFFB0  }
0x15c: {  	[tilespmem:s11], [sflag:$0x1] =	stream.indirect.gather [hbm4b:s1+s0], $0x80, s22, s0, $0xb8;
	[tilespmem:$0x1E480] =	vst v63  }
0x15d: {  	_ =	swait.ge [sflag:s23], $0x2800  }
0x15e: {  	[sflag:s23] =	ssyncset.done $0x0  }
0x15f: {  	[sflag:s23] =	ssyncadd.s32 $0xFFFFD800  }
0x160: {  	_ =	swait.ge [sflag:s24], $0x50  }
0x161: {  	[sflag:s24] =	ssyncset.done $0x0  }
0x162: {  	s7 =	simm.s32 $0x11;
	[sflag:s24] =	ssyncadd.s32 $0xFFFFFFB0  }
0x163: {  	[spmem:s2] =	stream.indirect.scatter.add.f32 [tilespmem:s11], [sflag:$0x11], $0x80, s21, s0, $0xb8;
	[tilespmem:$0x1E480] =	vst v63  }
0x164: {  	_ =	swait.ge [sflag:s7], $0x2800  }
0x165: {  	[sflag:s7] =	ssyncset.done $0x0  }
0x166: {  	[sflag:s7] =	ssyncadd.s32 $0xFFFFD800  }
0x167: {  	s5 =	stileid.u32;
	[bflag:$0x0] =	sbarrier.arrive $0xFFFF  }
0x168: {  	s3 =	sshll.u32 s5, $0x6;
	s23 =	rddreg [dreg:$0xa]  }
0x169: {  	s3 =	sor.u32 $0x1C11, s3;
	s5 =	rddreg [dreg:$0x14];
	s6 =	sshrl.u32 s23, $0x3  }
0x16a: {  	[hbm:s5], [sflag:s3] =	dma.local [spmem:s6], $0x2700  }
0x16b: {  	_ =	swait.ge [sflag:s7], $0x2700  }
0x16c: {  	[sflag:s7] =	ssyncset.done $0x0;
	s29 =	rddreg [dreg:$0xb]  }
0x16d: {  	s5 =	rddreg [dreg:$0x15];
	[sflag:s7] =	ssyncadd.s32 $0xFFFFD900;
	s4 =	sshrl.u32 @!p0 s29, $0x3  }
0x16e: {  	[hbm:s5], [sflag:s3] =	dma.local @!p0 [spmem:s4], $0x100  }
0x16f: {  	s3 =	simm.s32 @!p0 $0x11  }
0x170: {  	_ =	swait.ge @!p0 [sflag:s3], $0x100  }
0x171: {  	s9 =	rddreg [dreg:$0x18]  }
0x172: {  	s11 =	rddreg [dreg:$0x16];
	s5 =	sadd.s32 $0x1, s9  }
0x173: {  	p1 =	sne.s32 s5, s11  }
.Ltmp2:
0x174: {  	_ = 	snop;
	(pc) =	sbr.rel @p1 .LBB2_1-.Ltmp2, $3  }
0x175: {  	_ =	sdelay $0x1  }
0x176: {  	s30 =	simm.s32 $0x300;
	s6 =	simm.s32 $0xA400;
	[sflag:s3] =	ssyncset.done @!p0 $0x0  }
0x177: {  	[sflag:s3] =	ssyncadd.s32 @!p0 $0xFFFFFF00;
	s9 =	simm.s32 $0x200;
	s11 =	simm.s32 $0x100  }
0x178: {  	_ =	sfence.sel $0x180000  }
0x179: {  	[bflag:$0x0] =	sbarrier.arrive $0xFFFF  }
0x17a: {  	_ =	strace $0x9000004A  }
0x17b: {  	s0 =	stileid.u32;
	[bflag:$0x2] =	sbarrier.arrive $0xFFFF  }
0x17c: {  	p0 =	sne.s32 s0, $0x0;
	s0 =	rddreg [dreg:$0x3]  }
0x17d: {  	s0 =	sadd.s32 @!p0 $0x100000, s0  }
0x17e: {  	[sflag:s0] =	ssyncadd.tile.s32 @!p0 $0x1;
	_ =	shalt  }
.Lfunc_end2:
_tile_overlayer_lowered:
.L_overlay_start_2:
0x17f: {  	(tag) =	ssettag $0x2  }
0x180: {  	s0 =	rddreg [dreg:$0x0];
	s2 =	stileid.u32  }
0x181: {  	s1 =	rddreg [dreg:$0x1];
	p0 =	sne.s32 s2, $0x0  }
0x182: {  	s3 =	rddreg [dreg:$0x2];
	[bflag:$0x3] =	sbarrier.arrive $0xFFFF;
	s2 =	simm.s32 @!p0 $0x1C11  }
0x183: {  	[timem:s3], [sflag:s2] =	dma.local @!p0 [hbm:s0], s1  }
0x184: {  	s0 =	simm.s32 @!p0 $0x11  }
0x185: {  	_ =	swait.ge @!p0 [sflag:s0], s1  }
0x186: {  	s1 =	ssub.s32 @!p0 $0x0, s1;
	[sflag:s0] =	ssyncset.done @!p0 $0x0  }
0x187: {  	[sflag:s0] =	ssyncadd.s32 @!p0 s1  }
0x188: {  	[bflag:$0x3] =	sbarrier.arrive $0xFFFF  }
0x189: {  	_ =	shalt  }

// kernel: kernel.14.cloned.1.call-start
scs
__scs_entry_jumppad:
0x0: {  	(pc) =	sbr.rel $0x88, $3  }
0x1: {  	(tag) =	ssettag $0x0;
	lr =	simm.s32 $0x1  }
0x2: {  	[smem:$0x3F9B] =	sst lr;
	_ =	strace $0xD0000000  }
0x3: {  	_ = 	snop  }
0x4: {  	_ = 	snop  }
0x5: {  	_ = 	snop  }
0x6: {  	_ = 	snop  }
0x7: {  	_ = 	snop  }
__scs_overlays_trampoline_lowered:
0x8: {  	[smem:$0x3FAA] =	sst s0  }
0x9: {  	[smem:$0x3FAB] =	sst s1  }
0xa: {  	[smem:$0x3FAC] =	sst s2  }
0xb: {  	[smem:$0x3FAD] =	sst s3  }
0xc: {  	[smem:$0x3FAE] =	sst s4  }
0xd: {  	[smem:$0x3FAF] =	sst s5  }
0xe: {  	[smem:$0x3FB0] =	sst s6  }
0xf: {  	[smem:$0x3FB1] =	sst s7  }
0x10: {  	[smem:$0x3FB2] =	sst s8  }
0x11: {  	[smem:$0x3FB3] =	sst s9;
	s0 =	simm.s32 @!p0 $0x0  }
0x12: {  	s1 =	sld [smem:$0x3F99];
	s0 =	simm.s32 @p0 $0x1  }
0x13: {  	[smem:$0x3FB4] =	sst s0;
	s0 =	simm.s32 @!p1 $0x0  }
0x14: {  	s2 =	sld [smem:$0x3F98];
	s0 =	simm.s32 @p1 $0x1  }
0x15: {  	[smem:$0x3FB5] =	sst s0;
	s0 =	simm.s32 @!p2 $0x0  }
0x16: {  	s3 =	sld [smem:$0x3FDB];
	s0 =	simm.s32 @p2 $0x1  }
0x17: {  	s4 =	simm.s32 $0x1BF5;
	[smem:$0x3FB7] =	sst s0  }
0x18: {  	s0 =	sld [smem:$0x3F9A];
	_ =	swait.ge [sflag:s4], $0x0  }
0x19: {  	s7 =	sld [smem:$0x3F9B]  }
0x1a: {  	s8 =	sadd.s32 $0xFFFFE003, lr  }
0x1b: {  	s9 =	sadd.s32 $0xFFFFFEF7, lr;
	s5 =	simm.s32 $0xFFFFFFFF;
	p2 =	slt.u32 s8, $0xFFFFF086  }
0x1c: {  	p1 =	slt.u32 s9, $0xF7A;
	s5 =	simm.s32 @!p2 $0x0  }
0x1d: {  	s5 =	simm.s32 @p1 $0x1;
	p0 =	seq.s32 s7, s2  }
0x1e: {  	s7 =	smul.u32 @!p0 $0xF7A, s2;
	p2 =	seq.s32 @!p0 s5, $0x0  }
0x1f: {  	s9 =	smul.u32 $0xF7A, s1;
	s8 =	simm.s32 @!p0 $0x1BF5;
	p2 =	por !p2, p0  }
0x20: {  	[sflag:s8] =	ssyncset.s32 @!p0 $0xFFFFF086;
	s6 =	sadd.s32 @!p0 s3, s7;
	s7 =	simm.s32 @!p0 $0x108  }
0x21: {  	s3 =	sadd.s32 s3, s9;
	s6 =	sadd.s32 @!p0 $0x88, s6;
	s7 =	simm.s32 @p2 $0x1082  }
0x22: {  	[simem:s7], [sflag:s8] =	dma.local @!p0 [hbm:s6], $0xF7A  }
0x23: {  	s9 =	sor.u32 $0xD0000000, s2;
	s6 =	simm.s32 $0x108;
	_ =	swait.ge @!p0 [sflag:s8], $0x0  }
0x24: {  	s3 =	sadd.s32 $0x88, s3;
	s6 =	simm.s32 @!p1 $0x1082;
	[sflag:s4] =	ssyncset.s32 $0xFFFFF086  }
0x25: {  	[simem:s6], [sflag:s4] =	dma.local [hbm:s3], $0xF7A  }
0x26: {  	[smem:$0x3F9B] =	sst s1;
	(tag) =	ssettag s2;
	_ =	strace s9  }
0x27: {  	s1 =	sld [smem:$0x3FAB]  }
0x28: {  	s2 =	sld [smem:$0x3FAC]  }
0x29: {  	s4 =	sld [smem:$0x3FAE]  }
0x2a: {  	p0 =	seq.s32 s5, $0x0;
	s5 =	sld [smem:$0x3FAF]  }
0x2b: {  	s6 =	sld [smem:$0x3FB0]  }
0x2c: {  	s7 =	sld [smem:$0x3FB1]  }
0x2d: {  	s3 =	simm.s32 $0x108;
	s8 =	sld [smem:$0x3FB2]  }
0x2e: {  	s3 =	simm.s32 @!p0 $0x1082;
	s9 =	sld [smem:$0x3FB3]  }
0x2f: {  	lr =	sadd.s32 s0, s3;
	s0 =	sld [smem:$0x3FAA]  }
0x30: {  	s3 =	sld [smem:$0x3FAD]  }
0x31: {  	[smem:$0x3FB6] =	sst s10  }
0x32: {  	s10 =	sld [smem:$0x3FB4];
	_ =	sdelay $0x3  }
0x33: {  	p0 =	seq.s32 s10, $0x1;
	s10 =	sld [smem:$0x3FB6];
	_ =	sdelay $0x3  }
0x34: {  	[smem:$0x3FB6] =	sst s10  }
0x35: {  	s10 =	sld [smem:$0x3FB5];
	_ =	sdelay $0x3  }
0x36: {  	p1 =	seq.s32 s10, $0x1;
	s10 =	sld [smem:$0x3FB6];
	_ =	sdelay $0x3  }
0x37: {  	[smem:$0x3FB6] =	sst s10  }
0x38: {  	s10 =	sld [smem:$0x3FB7]  }
0x39: {  	_ = 	snop;
	(pc) =	sbr.ind lr, $3  }
0x3a: {  	_ = 	snop  }
0x3b: {  	_ = 	snop  }
0x3c: {  	p2 =	seq.s32 s10, $0x1;
	s10 =	sld [smem:$0x3FB6]  }
0x3d: {  	_ =	shalt  }
0x3e: {  	_ =	shalt  }
0x3f: {  	_ =	shalt  }
0x40: {  	_ =	shalt  }
0x41: {  	_ =	shalt  }
0x42: {  	_ =	shalt  }
0x43: {  	_ =	shalt  }
0x44: {  	_ =	shalt  }
0x45: {  	_ =	shalt  }
0x46: {  	_ =	shalt  }
0x47: {  	_ =	shalt  }
0x48: {  	_ =	shalt  }
0x49: {  	_ =	shalt  }
0x4a: {  	_ =	shalt  }
0x4b: {  	_ =	shalt  }
0x4c: {  	_ =	shalt  }
0x4d: {  	_ =	shalt  }
0x4e: {  	_ =	shalt  }
0x4f: {  	_ =	shalt  }
0x50: {  	_ =	shalt  }
0x51: {  	_ =	shalt  }
0x52: {  	_ =	shalt  }
0x53: {  	_ =	shalt  }
0x54: {  	_ =	shalt  }
0x55: {  	_ =	shalt  }
0x56: {  	_ =	shalt  }
0x57: {  	_ =	shalt  }
0x58: {  	_ =	shalt  }
0x59: {  	_ =	shalt  }
0x5a: {  	_ =	shalt  }
0x5b: {  	_ =	shalt  }
0x5c: {  	_ =	shalt  }
0x5d: {  	_ =	shalt  }
0x5e: {  	_ =	shalt  }
0x5f: {  	_ =	shalt  }
0x60: {  	_ =	shalt  }
0x61: {  	_ =	shalt  }
0x62: {  	_ =	shalt  }
0x63: {  	_ =	shalt  }
0x64: {  	_ =	shalt  }
0x65: {  	_ =	shalt  }
0x66: {  	_ =	shalt  }
0x67: {  	_ =	shalt  }
0x68: {  	_ =	shalt  }
0x69: {  	_ =	shalt  }
0x6a: {  	_ =	shalt  }
0x6b: {  	_ =	shalt  }
0x6c: {  	_ =	shalt  }
0x6d: {  	_ =	shalt  }
0x6e: {  	_ =	shalt  }
0x6f: {  	_ =	shalt  }
0x70: {  	_ =	shalt  }
0x71: {  	_ =	shalt  }
0x72: {  	_ =	shalt  }
0x73: {  	_ =	shalt  }
0x74: {  	_ =	shalt  }
0x75: {  	_ =	shalt  }
0x76: {  	_ =	shalt  }
0x77: {  	_ =	shalt  }
0x78: {  	_ =	shalt  }
0x79: {  	_ =	shalt  }
0x7a: {  	_ =	shalt  }
0x7b: {  	_ =	shalt  }
0x7c: {  	_ =	shalt  }
0x7d: {  	_ =	shalt  }
0x7e: {  	_ =	shalt  }
0x7f: {  	_ =	shalt  }
0x80: {  	_ =	shalt  }
0x81: {  	_ =	shalt  }
0x82: {  	_ =	shalt  }
0x83: {  	_ =	shalt  }
0x84: {  	_ =	shalt  }
0x85: {  	_ =	shalt  }
0x86: {  	_ =	shalt  }
0x87: {  	_ =	shalt  }
.Lfunc_end0:
.L_simem_size_0:
called_computation.2_lowered:
.L_overlay_start_0:
0x88: {  	s2 =	sld [smem:$0x3FD9]  }
0x89: {  	s3 =	sld [smem:$0x3FFE];
	_ =	sdelay $0x1  }
0x8a: {  	s1 =	srdreg.scid  }
0x8b: {  	s0 =	sand.u32 $0x1, s1  }
0x8c: {  	s17 =	sshll.u32 s0, $0xA;
	s2 =	sadd.s32 s3, s2  }
0x8d: {  	s2 =	sadd.s32 s2, s17  }
0x8e: {  	[smem:$0x3FC2] =	sst s2  }
0x8f: {  	_ = 	snop  }
0x90: {  	s2 =	sld [smem:$0x3FD0];
	(tm) =	ssettm $0x1  }
0x91: {  	s18 =	sld [smem:$0x3FFB];
	_ =	sdelay $0x3  }
0x92: {  	_ =	strace s18  }
0x93: {  	s3 =	sld [smem:$0x3FFC];
	_ =	sdelay $0x3  }
0x94: {  	_ =	strace s3  }
0x95: {  	s3 =	sld [smem:$0x3FFD];
	_ =	sdelay $0x3  }
0x96: {  	_ =	strace s3  }
0x97: {  	_ =	strace $0x8FFFFFFF  }
0x98: {  	s19 =	sld [smem:$0x3FDB];
	_ =	sdelay $0x1  }
0x99: {  	s4 =	simm.s32 $_scs_section_size  }
0x9a: {  	s5 =	simm.s32 $_size__tile_overlayer_lowered;
	s6 =	simm.s32 $_tile_overlayer_lowered  }
0x9b: {  	s22 =	simm.s32 $0x1BFF;
	s21 =	sshll.u32 s6, $0x1;
	s3 =	sadd.s32 s4, s19  }
0x9c: {  	s7 =	simm.s32 $0x0;
	s20 =	sshll.u32 s5, $0x1;
	s5 =	sadd.s32 s21, s3  }
0x9d: {  	[timem:s7], [sflag:s22] =	dma.local [hbm:s5], s20  }
0x9e: {  	_ =	swait.ge [sflag:s22], s20  }
0x9f: {  	s4 =	ssub.s32 $0x0, s20;
	[sflag:s22] =	ssyncset.done $0x0  }
0xa0: {  	[sflag:s22] =	ssyncadd.s32 s4;
	_ =	sdelay $0x1  }
0xa1: {  	s23 =	simm.s32 $0x1B8B  }
0xa2: {  	_ =	swait.ge [sflag:s23], $0x1  }
0xa3: {  	[sflag:s23] =	ssyncset.done $0x0  }
0xa4: {  	s25 =	simm.s32 $0x1B8E;
	s24 =	sld [smem:$0x3FFE];
	[sflag:s23] =	ssyncadd.s32 $0xFFFFFFFF  }
0xa5: {  	s26 =	simm.s32 $execute0_lowered;
	[smem:$0x3FD2] =	sst s25  }
0xa6: {  	s5 =	sshll.u32 s26, $0x1;
	_ =	strace $0x8000004C;
	[dreg:$0x1] =	wrdreg $0xFFFFFFFF  }
0xa7: {  	s28 =	simm.s32 $_size_execute0_lowered;
	s3 =	sadd.s32 s3, s5;
	[dreg:$0x0] =	wrdreg $0x0  }
0xa8: {  	s5 =	sshll.u32 s28, $0x1;
	[dreg:$0x2] =	wrdreg s3  }
0xa9: {  	[dreg:$0x3] =	wrdreg s5  }
0xaa: {  	[dreg:$0x4] =	wrdreg $0xC0  }
0xab: {  	_ =	task [dreg:s7], $0x5FFFF  }
0xac: {  	[dreg:$0x1] =	wrdreg $0xFFFFFFFF  }
0xad: {  	[dreg:$0x0] =	wrdreg $0x60  }
0xae: {  	[dreg:$0x2] =	wrdreg s2  }
0xaf: {  	[dreg:$0x3] =	wrdreg s24  }
0xb0: {  	[dreg:$0x4] =	wrdreg $0xAC000  }
0xb1: {  	[dreg:$0x5] =	wrdreg $0x9  }
0xb2: {  	_ =	task.clear_ibuf [dreg:s7], $0x6FFFF;
	_ =	strace $0x9000004C  }
0xb3: {  	s29 =	simm.s32 $0x9;
	_ =	strace $0x8000004E  }
0xb4: {  	_ =	swait.ge [sflag:s29], $0x1  }
0xb5: {  	[sflag:s29] =	ssyncadd.s32 $0xFFFFFFFF  }
0xb6: {  	_ =	strace $0x9000004E  }
0xb7: {  	_ =	sfence  }
0xb8: {  	s30 =	sld [smem:$0x0];
	_ =	sdelay $0x2  }
0xb9: {  	s31 =	sshll.u32 s1, $0xD;
	s1 =	sshrl.u32 s1, $0x2  }
0xba: {  	s3 =	sand.u32 $0x4000, s31;
	s1 =	sadd.s32 s1, s30  }
0xbb: {  	s0 =	sor.u32 s3, s0;
	s1 =	sshll.u32 s1, $0x11  }
0xbc: {  	s0 =	sor.u32 s1, s0  }
0xbd: {  	s0 =	sadd.s32 $0x8F2B, s0  }
0xbe: {  	[sflag:s0] =	ssyncadd.remote.s32 $0x1  }
0xbf: {  	_ =	sfence.sel $0xFFFF  }
0xc0: {  	[dreg:$0x0] =	wrdreg $0xFFFFFFFF;
	(pc) =	sbr.abs _section_cstart, $3  }
0xc1: {  	[dreg:$0x1] =	wrdreg $0xFFFFFFFF  }
0xc2: {  	_ =	task.clear_ibuf [dreg:s7], $0x2FFFF;
	_ =	strace $0x9FFFFFFF  }
0xc3: {  	(tm) =	ssettm $0x7FFFFFFF  }
tec
execute0_lowered:
.L_overlay_start_1:
0x0: {  	(tag) =	ssettag $0x1  }
0x1: {  	s1 =	rddreg [dreg:$0x0]  }
0x2: {  	s0 =	rddreg [dreg:$0x1]  }
0x3: {  	s2 =	rddreg [dreg:$0x2]  }
0x4: {  	s22 =	simm.s32 $0x0;
	s4 =	srdreg.scid;
	s3 =	stileid.u32  }
0x5: {  	s31 =	simm.s32 $0x280;
	s30 =	simm.s32 $0x300;
	s28 =	simm.s32 $0x3  }
0x6: {  	[smem:$0x7FF] =	sst s22;
	s4 =	sand.u32 $0x1, s4;
	s12 =	sadd.s32 $0x2800, s0  }
0x7: {  	s6 =	smul.u32 $0x4E000, s3;
	s14 =	sadd.s32 $0xC600, s0;
	s0 =	sadd.s32 $0x64600, s0  }
0x8: {  	s29 =	sadd.s32 $0x138000, s2;
	s10 =	smul.u32 $0x2710, s3;
	s5 =	sshll.u32 s4, $0x4  }
0x9: {  	s24 =	smul.u32 $0x13800, s3;
	p0 =	sne.s32 s3, $0xF;
	s5 =	sor.u32 s3, s5  }
0xa: {  	_ =	strace $0x8000004D;
	s6 =	sshrl.u32 s6, $0x2;
	s5 =	smul.u32 $0x2710, s5  }
0xb: {  	s7 =	ssub.s32 $0x2, s4;
	s23 =	sadd.s32 s6, s2;
	s6 =	smul.u32 $0x138800, s4  }
0xc: {  	[dreg:$0xb] =	wrdreg s29;
	s8 =	sshrl.u32 s7, $0x1;
	s4 =	smul.u32 $0x27100, s4  }
0xd: {  	s7 =	ssub.s32 s7, s8;
	[dreg:$0xa] =	wrdreg s23;
	s5 =	sshrl.u32 s5, $0x3  }
0xe: {  	s4 =	sadd.s32 s10, s4;
	s17 =	sadd.s32 s12, s5;
	s18 =	sadd.s32 s14, s5  }
0xf: {  	s19 =	sadd.s32 $0xA, s5;
	s20 =	sadd.s32 $0x14, s5;
	s5 =	sadd.s32 $0x1E, s5  }
0x10: {  	s26 =	sadd.s32 $0x190, s4;
	s13 =	sadd.s32 $0x230, s4;
	[dreg:$0xc] =	wrdreg s17  }
0x11: {  	[dreg:$0xd] =	wrdreg s18;
	s9 =	sadd.s32 s12, s19;
	s8 =	sadd.s32 s14, s19  }
0x12: {  	s21 =	sadd.s32 s12, s20;
	s25 =	sadd.s32 s12, s5;
	[dreg:$0xe] =	wrdreg s9  }
0x13: {  	s5 =	sadd.s32 s14, s5;
	s10 =	sshrl.u32 s26, $0x3;
	[dreg:$0xf] =	wrdreg s8  }
0x14: {  	s16 =	sshrl.u32 s13, $0x3;
	s18 =	sadd.s32 $0x1E0, s4;
	[dreg:$0x10] =	wrdreg s21  }
0x15: {  	s26 =	sadd.s32 $0x140, s4;
	s13 =	simm.s32 $0x7;
	[dreg:$0x12] =	wrdreg s25  }
0x16: {  	s9 =	sadd.s32 s14, s20;
	s8 =	sadd.s32 s24, s6;
	[dreg:$0x13] =	wrdreg s5  }
0x17: {  	s11 =	sadd.s32 s10, s14;
	s15 =	sadd.s32 s10, s12;
	s17 =	sadd.s32 s16, s14  }
0x18: {  	s19 =	sadd.s32 s16, s12;
	s20 =	sshrl.u32 s18, $0x3;
	[dreg:$0x17] =	wrdreg s26  }
0x19: {  	s6 =	sshrl.u32 s6, $0x3;
	s25 =	smax.u32 s7, $0x1;
	[dreg:$0x11] =	wrdreg s9  }
0x1a: {  	s7 =	simm.s32 $0x11;
	s10 =	simm.s32 $0x80;
	[dreg:$0x4] =	wrdreg s11  }
0x1b: {  	s26 =	simm.s32 $0xE;
	s16 =	simm.s32 $0x8;
	[dreg:$0x5] =	wrdreg s15  }
0x1c: {  	s18 =	simm.s32 $0x200;
	s8 =	sshrl.u32 s8, $0x3;
	[dreg:$0x6] =	wrdreg s17  }
0x1d: {  	[dreg:$0x7] =	wrdreg s19;
	s21 =	sadd.s32 s20, s14;
	s24 =	sadd.s32 s20, s12  }
0x1e: {  	[dreg:$0x16] =	wrdreg s25;
	s9 =	simm.s32 $0x200;
	s11 =	simm.s32 $0x100  }
0x1f: {  	s25 =	simm.s32 $0x2;
	s15 =	simm.s32 $0xF;
	s17 =	simm.s32 $0x4  }
0x20: {  	s19 =	simm.s32 $0x10;
	s20 =	simm.s32 $0x5;
	[dreg:$0x8] =	wrdreg s21  }
0x21: {  	s5 =	sadd.s32 s0, s8;
	s0 =	sadd.s32 s0, s6;
	[dreg:$0x9] =	wrdreg s24  }
0x22: {  	s6 =	simm.s32 $0xA400;
	s8 =	simm.s32 $0xC;
	s24 =	simm.s32 $0xD  }
0x23: {  	s21 =	simm.s32 $0x200;
	[dreg:$0x14] =	wrdreg s5;
	s0 =	sadd.s32 $0x27000, s0  }
0x24: {  	v0 =	vimm.f32 $0.0e+00;
	s5 =	simm.s32 $0x0;
	[dreg:$0x15] =	wrdreg s0;
	s0 =	simm.s32 $0x50  }
.LBB2_1:
0x25: {  	[tilespmem:$0xA400] =	vst v0  }
0x26: {  	[tilespmem:$0xA410] =	vst v0  }
0x27: {  	[tilespmem:$0xA420] =	vst v0  }
0x28: {  	[tilespmem:$0xA430] =	vst v0  }
0x29: {  	[tilespmem:$0xA440] =	vst v0  }
0x2a: {  	[tilespmem:$0xA450] =	vst v0  }
0x2b: {  	[tilespmem:$0xA460] =	vst v0  }
0x2c: {  	[tilespmem:$0xA470] =	vst v0  }
0x2d: {  	[tilespmem:$0xA480] =	vst v0  }
0x2e: {  	[tilespmem:$0xA490] =	vst v0  }
0x2f: {  	[tilespmem:$0xA4A0] =	vst v0  }
0x30: {  	[tilespmem:$0xA4B0] =	vst v0  }
0x31: {  	[tilespmem:$0xA4C0] =	vst v0  }
0x32: {  	[tilespmem:$0xA4D0] =	vst v0  }
0x33: {  	[tilespmem:$0xA4E0] =	vst v0  }
0x34: {  	[tilespmem:$0xA4F0] =	vst v0  }
0x35: {  	[tilespmem:$0xA500] =	vst v0  }
0x36: {  	[tilespmem:$0xA510] =	vst v0  }
0x37: {  	[tilespmem:$0xA520] =	vst v0  }
0x38: {  	[tilespmem:$0xA530] =	vst v0  }
0x39: {  	[tilespmem:$0xA540] =	vst v0  }
0x3a: {  	[tilespmem:$0xA550] =	vst v0  }
0x3b: {  	[tilespmem:$0xA560] =	vst v0  }
0x3c: {  	[tilespmem:$0xA570] =	vst v0  }
0x3d: {  	[tilespmem:$0xA580] =	vst v0  }
0x3e: {  	[tilespmem:$0xA590] =	vst v0  }
0x3f: {  	[tilespmem:$0xA5A0] =	vst v0  }
0x40: {  	[tilespmem:$0xA5B0] =	vst v0  }
0x41: {  	[tilespmem:$0xA5C0] =	vst v0  }
0x42: {  	[tilespmem:$0xA5D0] =	vst v0  }
0x43: {  	[tilespmem:$0xA5E0] =	vst v0  }
0x44: {  	[tilespmem:$0xA5F0] =	vst v0  }
0x45: {  	[tilespmem:$0xA600] =	vst v0  }
0x46: {  	[tilespmem:$0xA610] =	vst v0  }
0x47: {  	[tilespmem:$0xA620] =	vst v0  }
0x48: {  	[tilespmem:$0xA630] =	vst v0  }
0x49: {  	[tilespmem:$0xA640] =	vst v0  }
0x4a: {  	[tilespmem:$0xA650] =	vst v0  }
0x4b: {  	[tilespmem:$0xA660] =	vst v0  }
0x4c: {  	[tilespmem:$0xA670] =	vst v0  }
0x4d: {  	[tilespmem:$0xA680] =	vst v0  }
0x4e: {  	[tilespmem:$0xA690] =	vst v0  }
0x4f: {  	[tilespmem:$0xA6A0] =	vst v0  }
0x50: {  	[tilespmem:$0xA6B0] =	vst v0  }
0x51: {  	[tilespmem:$0xA6C0] =	vst v0  }
0x52: {  	[tilespmem:$0xA6D0] =	vst v0  }
0x53: {  	[tilespmem:$0xA6E0] =	vst v0  }
0x54: {  	[tilespmem:$0xA6F0] =	vst v0  }
0x55: {  	[tilespmem:$0xA700] =	vst v0  }
0x56: {  	[tilespmem:$0xA710] =	vst v0  }
0x57: {  	[tilespmem:$0xA720] =	vst v0  }
0x58: {  	[tilespmem:$0xA730] =	vst v0  }
0x59: {  	[tilespmem:$0xA740] =	vst v0  }
0x5a: {  	[tilespmem:$0xA750] =	vst v0  }
0x5b: {  	[tilespmem:$0xA760] =	vst v0  }
0x5c: {  	[tilespmem:$0xA770] =	vst v0  }
0x5d: {  	[tilespmem:$0xA780] =	vst v0  }
0x5e: {  	[tilespmem:$0xA790] =	vst v0  }
0x5f: {  	[tilespmem:$0xA7A0] =	vst v0  }
0x60: {  	[tilespmem:$0xA7B0] =	vst v0  }
0x61: {  	[tilespmem:$0xA7C0] =	vst v0  }
0x62: {  	[tilespmem:$0xA7D0] =	vst v0  }
0x63: {  	[tilespmem:$0xA7E0] =	vst v0  }
0x64: {  	[tilespmem:$0xA7F0] =	vst v0  }
0x65: {  	[tilespmem:$0xA800] =	vst v0  }
0x66: {  	[tilespmem:$0xA810] =	vst v0  }
0x67: {  	[tilespmem:$0xA820] =	vst v0  }
0x68: {  	[tilespmem:$0xA830] =	vst v0  }
0x69: {  	[tilespmem:$0xA840] =	vst v0  }
0x6a: {  	[tilespmem:$0xA850] =	vst v0  }
0x6b: {  	[tilespmem:$0xA860] =	vst v0  }
0x6c: {  	[tilespmem:$0xA870] =	vst v0  }
0x6d: {  	[tilespmem:$0xA880] =	vst v0  }
0x6e: {  	[tilespmem:$0xA890] =	vst v0  }
0x6f: {  	[tilespmem:$0xA8A0] =	vst v0  }
0x70: {  	[tilespmem:$0xA8B0] =	vst v0  }
0x71: {  	[tilespmem:$0xA8C0] =	vst v0  }
0x72: {  	[tilespmem:$0xA8D0] =	vst v0  }
0x73: {  	[tilespmem:$0xA8E0] =	vst v0  }
0x74: {  	[tilespmem:$0xA8F0] =	vst v0  }
0x75: {  	[tilespmem:$0xA900] =	vst v0  }
0x76: {  	[tilespmem:$0xA910] =	vst v0  }
0x77: {  	[tilespmem:$0xA920] =	vst v0  }
0x78: {  	[tilespmem:$0xA930] =	vst v0  }
0x79: {  	[tilespmem:$0xA940] =	vst v0  }
0x7a: {  	[tilespmem:$0xA950] =	vst v0  }
0x7b: {  	[tilespmem:$0xA960] =	vst v0  }
0x7c: {  	[tilespmem:$0xA970] =	vst v0  }
0x7d: {  	[tilespmem:$0xA980] =	vst v0  }
0x7e: {  	[tilespmem:$0xA990] =	vst v0  }
0x7f: {  	[tilespmem:$0xA9A0] =	vst v0  }
0x80: {  	[tilespmem:$0xA9B0] =	vst v0  }
0x81: {  	[tilespmem:$0xA9C0] =	vst v0  }
0x82: {  	[tilespmem:$0xA9D0] =	vst v0  }
0x83: {  	[tilespmem:$0xA9E0] =	vst v0  }
0x84: {  	[tilespmem:$0xA9F0] =	vst v0  }
0x85: {  	[tilespmem:$0xAA00] =	vst v0  }
0x86: {  	[tilespmem:$0xAA10] =	vst v0  }
0x87: {  	[tilespmem:$0xAA20] =	vst v0  }
0x88: {  	[tilespmem:$0xAA30] =	vst v0  }
0x89: {  	[tilespmem:$0xAA40] =	vst v0  }
0x8a: {  	[tilespmem:$0xAA50] =	vst v0  }
0x8b: {  	[tilespmem:$0xAA60] =	vst v0  }
0x8c: {  	[tilespmem:$0xAA70] =	vst v0  }
0x8d: {  	[tilespmem:$0xAA80] =	vst v0  }
0x8e: {  	[tilespmem:$0xAA90] =	vst v0  }
0x8f: {  	[tilespmem:$0xAAA0] =	vst v0  }
0x90: {  	[tilespmem:$0xAAB0] =	vst v0  }
0x91: {  	[tilespmem:$0xAAC0] =	vst v0  }
0x92: {  	[tilespmem:$0xAAD0] =	vst v0  }
0x93: {  	[tilespmem:$0xAAE0] =	vst v0  }
0x94: {  	[tilespmem:$0xAAF0] =	vst v0  }
0x95: {  	[tilespmem:$0xAB00] =	vst v0  }
0x96: {  	[tilespmem:$0xAB10] =	vst v0  }
0x97: {  	[tilespmem:$0xAB20] =	vst v0  }
0x98: {  	[tilespmem:$0xAB30] =	vst v0  }
0x99: {  	[tilespmem:$0xAB40] =	vst v0  }
0x9a: {  	[tilespmem:$0xAB50] =	vst v0  }
0x9b: {  	[tilespmem:$0xAB60] =	vst v0  }
0x9c: {  	[tilespmem:$0xAB70] =	vst v0  }
0x9d: {  	[tilespmem:$0xAB80] =	vst v0  }
0x9e: {  	[tilespmem:$0xAB90] =	vst v0  }
0x9f: {  	[tilespmem:$0xABA0] =	vst v0  }
0xa0: {  	[tilespmem:$0xABB0] =	vst v0  }
0xa1: {  	[tilespmem:$0xABC0] =	vst v0  }
0xa2: {  	[tilespmem:$0xABD0] =	vst v0  }
0xa3: {  	[tilespmem:$0xABE0] =	vst v0  }
0xa4: {  	[dreg:$0x18] =	wrdreg s5;
	[tilespmem:$0xABF0] =	vst v0;
	s4 =	sadd.s32 $0x0, s23  }
0xa5: {  	[spmem:s4] =	stream.linear.scatter [tilespmem:s6], [sflag:$0x11], $0x800, $0x38;
	[tilespmem:$0x1E480] =	vst v63  }
0xa6: {  	s5 =	simm.s32 $0x2000;
	_ =	swait.ge [sflag:s7], $0x800  }
.LBB2_2:
0xa7: {  	s4 =	sshra.s32 s5, $0x2;
	[sflag:s7] =	ssyncset.done $0x0;
	p1 =	sne.s32 s5, $0x4C000  }
.Ltmp0:
0xa8: {  	s4 =	sadd.s32 s4, s23;
	[sflag:s7] =	ssyncadd.s32 $0xFFFFF800;
	(pc) =	sbr.rel @p1 .LBB2_2-.Ltmp0, $3  }
0xa9: {  	[spmem:s4] =	stream.linear.scatter [tilespmem:s6], [sflag:$0x11], $0x800, $0x38;
	[tilespmem:$0x1E480] =	vst v63  }
0xaa: {  	s5 =	sadd.s32 $0x2000, s5;
	_ =	sdelay $0x1  }
0xab: {  	_ =	swait.ge [sflag:s7], $0x800  }
0xac: {  	[sflag:s7] =	ssyncset.done $0x0  }
0xad: {  	s4 =	simm.s32 @!p0 $0xA400;
	[sflag:s7] =	ssyncadd.s32 $0xFFFFF800  }
0xae: {  	[spmem:s29] =	stream.linear.scatter @!p0 [tilespmem:s4], [sflag:$0x11], $0x800, $0x38;
	[tilespmem:$0x1E480] =	vst v63  }
0xaf: {  	s4 =	simm.s32 @!p0 $0x11  }
0xb0: {  	_ =	swait.ge @!p0 [sflag:s4], $0x800  }
0xb1: {  	[sflag:s4] =	ssyncset.done @!p0 $0x0  }
0xb2: {  	[sflag:s4] =	ssyncadd.s32 @!p0 $0xFFFFF800  }
0xb3: {  	[bflag:$0x0] =	sbarrier.arrive $0xFFFF  }
0xb4: {  	s4 =	simm.s32 $0x0;
	s3 =	rddreg [dreg:$0xc]  }
0xb5: {  	[tilespmem:s4], [sflag:$0x9] =	stream.linear.gather [hbm4b:s3+s4], $0x50, $0x38;
	[tilespmem:$0x1E480] =	vst v63  }
0xb6: {  	s6 =	rddreg [dreg:$0xd]  }
0xb7: {  	[tilespmem:s9], [sflag:$0xD] =	stream.linear.gather [hbm4b:s6+s4], $0x50, $0x38;
	[tilespmem:$0x1E480] =	vst v63  }
0xb8: {  	s7 =	rddreg [dreg:$0xe]  }
0xb9: {  	[tilespmem:s10], [sflag:$0xA] =	stream.linear.gather [hbm4b:s7+s4], $0x50, $0x38;
	[tilespmem:$0x1E480] =	vst v63  }
0xba: {  	s23 =	rddreg [dreg:$0xf]  }
0xbb: {  	[tilespmem:s31], [sflag:$0xE] =	stream.linear.gather [hbm4b:s23+s4], $0x50, $0x38;
	[tilespmem:$0x1E480] =	vst v63  }
0xbc: {  	s5 =	rddreg [dreg:$0x10]  }
0xbd: {  	[tilespmem:s11], [sflag:$0xB] =	stream.linear.gather [hbm4b:s5+s4], $0x50, $0x38;
	[tilespmem:$0x1E480] =	vst v63  }
0xbe: {  	s6 =	rddreg [dreg:$0x11]  }
0xbf: {  	[tilespmem:s30], [sflag:$0xF] =	stream.linear.gather [hbm4b:s6+s4], $0x50, $0x38;
	[tilespmem:$0x1E480] =	vst v63  }
0xc0: {  	s7 =	rddreg [dreg:$0x12];
	s5 =	simm.s32 $0x180  }
0xc1: {  	[tilespmem:s5], [sflag:$0xC] =	stream.linear.gather [hbm4b:s7+s4], $0x50, $0x38;
	[tilespmem:$0x1E480] =	vst v63  }
0xc2: {  	s23 =	rddreg [dreg:$0x13];
	s6 =	simm.s32 $0x380  }
0xc3: {  	[tilespmem:s6], [sflag:$0x10] =	stream.linear.gather [hbm4b:s23+s4], $0x50, $0x38;
	[tilespmem:$0x1E480] =	vst v63  }
0xc4: {  	s4 =	simm.s32 $0x9  }
0xc5: {  	_ =	swait.ge [sflag:s4], $0x50  }
0xc6: {  	[sflag:s4] =	ssyncset.done $0x0  }
0xc7: {  	s3 =	simm.s32 $0x400;
	s7 =	simm.s32 $0xA;
	[sflag:s4] =	ssyncadd.s32 $0xFFFFFFB0  }
0xc8: {  	[tilespmem:s3], [sflag:$0x1] =	stream.indirect.gather [hbm4b:s1+s0], $0x80, s22, s0, $0xb8;
	[tilespmem:$0x1E480] =	vst v63  }
0xc9: {  	_ =	swait.ge [sflag:s7], $0x50  }
0xca: {  	[sflag:s7] =	ssyncset.done $0x0  }
0xcb: {  	s23 =	simm.s32 $0xB;
	s4 =	simm.s32 $0x2C00;
	[sflag:s7] =	ssyncadd.s32 $0xFFFFFFB0  }
0xcc: {  	[tilespmem:s4], [sflag:$0x2] =	stream.indirect.gather [hbm4b:s1+s0], $0x80, s10, s0, $0xb8;
	[tilespmem:$0x1E480] =	vst v63  }
0xcd: {  	_ =	swait.ge [sflag:s23], $0x50  }
0xce: {  	[sflag:s23] =	ssyncset.done $0x0  }
0xcf: {  	s7 =	simm.s32 $0x5400;
	[sflag:s23] =	ssyncadd.s32 $0xFFFFFFB0  }
0xd0: {  	[tilespmem:s7], [sflag:$0x3] =	stream.indirect.gather [hbm4b:s1+s0], $0x80, s11, s0, $0xb8;
	[tilespmem:$0x1E480] =	vst v63  }
0xd1: {  	_ =	swait.ge [sflag:s8], $0x50  }
0xd2: {  	[sflag:s8] =	ssyncset.done $0x0  }
0xd3: {  	s23 =	simm.s32 $0x1;
	s11 =	simm.s32 $0x7C00;
	[sflag:s8] =	ssyncadd.s32 $0xFFFFFFB0  }
0xd4: {  	[tilespmem:s11], [sflag:$0x4] =	stream.indirect.gather [hbm4b:s1+s0], $0x80, s5, s0, $0xb8;
	[tilespmem:$0x1E480] =	vst v63  }
0xd5: {  	_ =	swait.ge [sflag:s23], $0x2800  }
0xd6: {  	[sflag:s23] =	ssyncset.done $0x0  }
0xd7: {  	[sflag:s23] =	ssyncadd.s32 $0xFFFFD800  }
0xd8: {  	_ =	swait.ge [sflag:s24], $0x50  }
0xd9: {  	[sflag:s24] =	ssyncset.done $0x0  }
0xda: {  	[sflag:s24] =	ssyncadd.s32 $0xFFFFFFB0  }
0xdb: {  	[spmem:s2] =	stream.indirect.scatter.add.f32 [tilespmem:s3], [sflag:$0x5], $0x80, s9, s0, $0xb8;
	[tilespmem:$0x1E480] =	vst v63  }
0xdc: {  	_ =	swait.ge [sflag:s25], $0x2800  }
0xdd: {  	[sflag:s25] =	ssyncset.done $0x0  }
0xde: {  	[sflag:s25] =	ssyncadd.s32 $0xFFFFD800  }
0xdf: {  	_ =	swait.ge [sflag:s26], $0x50  }
0xe0: {  	[sflag:s26] =	ssyncset.done $0x0  }
0xe1: {  	[sflag:s26] =	ssyncadd.s32 $0xFFFFFFB0  }
0xe2: {  	[spmem:s2] =	stream.indirect.scatter.add.f32 [tilespmem:s4], [sflag:$0x6], $0x80, s31, s0, $0xb8;
	[tilespmem:$0x1E480] =	vst v63  }
0xe3: {  	_ =	swait.ge [sflag:s28], $0x2800  }
0xe4: {  	[sflag:s28] =	ssyncset.done $0x0  }
0xe5: {  	[sflag:s28] =	ssyncadd.s32 $0xFFFFD800  }
0xe6: {  	_ =	swait.ge [sflag:s15], $0x50  }
0xe7: {  	[sflag:s15] =	ssyncset.done $0x0  }
0xe8: {  	[sflag:s15] =	ssyncadd.s32 $0xFFFFFFB0  }
0xe9: {  	[spmem:s2] =	stream.indirect.scatter.add.f32 [tilespmem:s7], [sflag:$0x7], $0x80, s30, s0, $0xb8;
	[tilespmem:$0x1E480] =	vst v63  }
0xea: {  	_ =	swait.ge [sflag:s17], $0x2800  }
0xeb: {  	[sflag:s17] =	ssyncset.done $0x0  }
0xec: {  	[sflag:s17] =	ssyncadd.s32 $0xFFFFD800  }
0xed: {  	_ =	swait.ge [sflag:s19], $0x50  }
0xee: {  	[sflag:s19] =	ssyncset.done $0x0  }
0xef: {  	[sflag:s19] =	ssyncadd.s32 $0xFFFFFFB0  }
0xf0: {  	[spmem:s2] =	stream.indirect.scatter.add.f32 [tilespmem:s11], [sflag:$0x8], $0x80, s6, s0, $0xb8;
	[tilespmem:$0x1E480] =	vst v63  }
0xf1: {  	_ =	swait.ge [sflag:s20], $0x2800  }
0xf2: {  	[sflag:s20] =	ssyncset.done $0x0  }
0xf3: {  	s11 =	simm.s32 $0x6;
	[sflag:s20] =	ssyncadd.s32 $0xFFFFD800  }
0xf4: {  	_ =	swait.ge [sflag:s11], $0x2800  }
0xf5: {  	[sflag:s11] =	ssyncset.done $0x0  }
0xf6: {  	[sflag:s11] =	ssyncadd.s32 $0xFFFFD800  }
0xf7: {  	_ =	swait.ge [sflag:s13], $0x2800  }
0xf8: {  	[sflag:s13] =	ssyncset.done $0x0  }
0xf9: {  	[sflag:s13] =	ssyncadd.s32 $0xFFFFD800  }
0xfa: {  	_ =	swait.ge [sflag:s16], $0x2800  }
0xfb: {  	p2 =	por $0x0, $0x0;
	s3 =	rddreg [dreg:$0x17]  }
0xfc: {  	s29 =	simm.s32 $0x5;
	[sflag:s16] =	ssyncset.done $0x0;
	s4 =	sshrl.u32 s3, $0x3  }
0xfd: {  	s23 =	rddreg [dreg:$0x5];
	[sflag:s16] =	ssyncadd.s32 $0xFFFFD800;
	s7 =	sadd.s32 s12, s4  }
0xfe: {  	[tilespmem:s22], [sflag:$0x9] =	stream.linear.gather [hbm4b:s7+s22], $0x50, $0x38;
	[tilespmem:$0x1E480] =	vst v63  }
0xff: {  	s30 =	simm.s32 $0x28;
	s6 =	rddreg [dreg:$0x4];
	s4 =	sadd.s32 s14, s4  }
0x100: {  	[tilespmem:s9], [sflag:$0xD] =	stream.linear.gather [hbm4b:s4+s22], $0x50, $0x38;
	[tilespmem:$0x1E480] =	vst v63  }
0x101: {  	s23 =	sadd.s32 @!p2 $0x0, s23;
	s7 =	simm.s32 @!p2 $0x0;
	s4 =	simm.s32 @!p2 $0x80  }
0x102: {  	[tilespmem:s4], [sflag:$0xA] =	stream.linear.gather @!p2 [hbm4b:s23+s7], $0x50, $0x38;
	[tilespmem:$0x1E480] =	vst v63  }
0x103: {  	s5 =	rddreg [dreg:$0x9];
	s6 =	sadd.s32 @!p2 $0x0, s6;
	s4 =	simm.s32 @!p2 $0x280  }
0x104: {  	[tilespmem:s4], [sflag:$0xE] =	stream.linear.gather @!p2 [hbm4b:s6+s7], $0x50, $0x38;
	[tilespmem:$0x1E480] =	vst v63  }
0x105: {  	s5 =	sadd.s32 @!p2 $0x0, s5;
	s23 =	rddreg [dreg:$0x8];
	s4 =	simm.s32 @!p2 $0x100  }
0x106: {  	[tilespmem:s4], [sflag:$0xB] =	stream.linear.gather @!p2 [hbm4b:s5+s7], $0x50, $0x38;
	[tilespmem:$0x1E480] =	vst v63  }
0x107: {  	s6 =	rddreg [dreg:$0x7];
	s4 =	simm.s32 @!p2 $0x300;
	s5 =	sadd.s32 @!p2 $0x0, s23  }
0x108: {  	[tilespmem:s4], [sflag:$0xF] =	stream.linear.gather @!p2 [hbm4b:s5+s7], $0x50, $0x38;
	[tilespmem:$0x1E480] =	vst v63  }
0x109: {  	s6 =	sadd.s32 @!p2 $0x0, s6;
	s4 =	rddreg [dreg:$0x6];
	s5 =	simm.s32 @!p2 $0x180  }
0x10a: {  	[tilespmem:s5], [sflag:$0xC] =	stream.linear.gather @!p2 [hbm4b:s6+s7], $0x50, $0x38;
	[tilespmem:$0x1E480] =	vst v63  }
0x10b: {  	s23 =	sadd.s32 @!p2 $0x0, s4;
	s4 =	simm.s32 @!p2 $0x380;
	s5 =	smov.u32 s3  }
.LBB2_4:
0x10c: {  	[tilespmem:s4], [sflag:$0x10] =	stream.linear.gather @!p2 [hbm4b:s23+s7], $0x50, $0x38;
	[tilespmem:$0x1E480] =	vst v63  }
0x10d: {  	s3 =	simm.s32 $0x9  }
0x10e: {  	_ =	swait.ge [sflag:s3], $0x50  }
0x10f: {  	[sflag:s3] =	ssyncset.done $0x0  }
0x110: {  	s7 =	simm.s32 $0xA;
	[sflag:s3] =	ssyncadd.s32 $0xFFFFFFB0;
	s3 =	simm.s32 $0x400  }
0x111: {  	[tilespmem:s3], [sflag:$0x1] =	stream.indirect.gather [hbm4b:s1+s0], $0x80, s22, s0, $0xb8;
	[tilespmem:$0x1E480] =	vst v63  }
0x112: {  	_ =	swait.ge [sflag:s7], $0x50  }
0x113: {  	[sflag:s7] =	ssyncset.done $0x0  }
0x114: {  	s9 =	simm.s32 $0xB;
	[sflag:s7] =	ssyncadd.s32 $0xFFFFFFB0;
	s7 =	simm.s32 $0x2C00  }
0x115: {  	[tilespmem:s7], [sflag:$0x2] =	stream.indirect.gather [hbm4b:s1+s0], $0x80, s10, s0, $0xb8;
	[tilespmem:$0x1E480] =	vst v63  }
0x116: {  	_ =	swait.ge [sflag:s9], $0x50  }
0x117: {  	[sflag:s9] =	ssyncset.done $0x0  }
0x118: {  	s10 =	simm.s32 $0x100;
	[sflag:s9] =	ssyncadd.s32 $0xFFFFFFB0;
	s9 =	simm.s32 $0x5400  }
0x119: {  	[tilespmem:s9], [sflag:$0x3] =	stream.indirect.gather [hbm4b:s1+s0], $0x80, s10, s0, $0xb8;
	[tilespmem:$0x1E480] =	vst v63  }
0x11a: {  	_ =	swait.ge [sflag:s8], $0x50  }
0x11b: {  	[sflag:s8] =	ssyncset.done $0x0  }
0x11c: {  	s23 =	simm.s32 $0x180;
	s10 =	simm.s32 $0x7C00;
	[sflag:s8] =	ssyncadd.s32 $0xFFFFFFB0  }
0x11d: {  	[tilespmem:s10], [sflag:$0x4] =	stream.indirect.gather [hbm4b:s1+s0], $0x80, s23, s0, $0xb8;
	[tilespmem:$0x1E480] =	vst v63  }
0x11e: {  	s23 =	simm.s32 $0x1  }
0x11f: {  	_ =	swait.ge [sflag:s23], $0x2800  }
0x120: {  	[sflag:s23] =	ssyncset.done $0x0  }
0x121: {  	[sflag:s23] =	ssyncadd.s32 $0xFFFFD800  }
0x122: {  	_ =	swait.ge [sflag:s24], $0x50  }
0x123: {  	[sflag:s24] =	ssyncset.done $0x0  }
0x124: {  	[sflag:s24] =	ssyncadd.s32 $0xFFFFFFB0  }
0x125: {  	[spmem:s2] =	stream.indirect.scatter.add.f32 [tilespmem:s3], [sflag:$0x5], $0x80, s18, s0, $0xb8;
	[tilespmem:$0x1E480] =	vst v63  }
0x126: {  	_ =	swait.ge [sflag:s25], $0x2800  }
0x127: {  	[sflag:s25] =	ssyncset.done $0x0  }
0x128: {  	[sflag:s25] =	ssyncadd.s32 $0xFFFFD800  }
0x129: {  	_ =	swait.ge [sflag:s26], $0x50  }
0x12a: {  	[sflag:s26] =	ssyncset.done $0x0  }
0x12b: {  	[sflag:s26] =	ssyncadd.s32 $0xFFFFFFB0  }
0x12c: {  	[spmem:s2] =	stream.indirect.scatter.add.f32 [tilespmem:s7], [sflag:$0x6], $0x80, s31, s0, $0xb8;
	[tilespmem:$0x1E480] =	vst v63  }
0x12d: {  	_ =	swait.ge [sflag:s28], $0x2800  }
0x12e: {  	[sflag:s28] =	ssyncset.done $0x0  }
0x12f: {  	[sflag:s28] =	ssyncadd.s32 $0xFFFFD800  }
0x130: {  	_ =	swait.ge [sflag:s15], $0x50  }
0x131: {  	[sflag:s15] =	ssyncset.done $0x0  }
0x132: {  	s7 =	simm.s32 $0x300;
	[sflag:s15] =	ssyncadd.s32 $0xFFFFFFB0  }
0x133: {  	[spmem:s2] =	stream.indirect.scatter.add.f32 [tilespmem:s9], [sflag:$0x7], $0x80, s7, s0, $0xb8;
	[tilespmem:$0x1E480] =	vst v63  }
0x134: {  	_ =	swait.ge [sflag:s17], $0x2800  }
0x135: {  	[sflag:s17] =	ssyncset.done $0x0  }
0x136: {  	[sflag:s17] =	ssyncadd.s32 $0xFFFFD800  }
0x137: {  	_ =	swait.ge [sflag:s19], $0x50  }
0x138: {  	[sflag:s19] =	ssyncset.done $0x0  }
0x139: {  	s23 =	simm.s32 $0x380;
	[sflag:s19] =	ssyncadd.s32 $0xFFFFFFB0  }
0x13a: {  	[spmem:s2] =	stream.indirect.scatter.add.f32 [tilespmem:s10], [sflag:$0x8], $0x80, s23, s0, $0xb8;
	[tilespmem:$0x1E480] =	vst v63  }
0x13b: {  	_ =	swait.ge [sflag:s20], $0x2800  }
0x13c: {  	[sflag:s20] =	ssyncset.done $0x0  }
0x13d: {  	[sflag:s20] =	ssyncadd.s32 $0xFFFFD800  }
0x13e: {  	_ =	swait.ge [sflag:s11], $0x2800  }
0x13f: {  	[sflag:s11] =	ssyncset.done $0x0  }
0x140: {  	[sflag:s11] =	ssyncadd.s32 $0xFFFFD800  }
0x141: {  	_ =	swait.ge [sflag:s13], $0x2800  }
0x142: {  	s29 =	sadd.s32 $0x4, s29;
	[sflag:s13] =	ssyncset.done $0x0  }
0x143: {  	s6 =	smov.u32 s30;
	s30 =	sadd.s32 $0x28, s30;
	[sflag:s13] =	ssyncadd.s32 $0xFFFFD800  }
0x144: {  	s5 =	sadd.s32 $0x140, s5;
	p1 =	sne.s32 s30, $0x4D8;
	_ =	swait.ge [sflag:s16], $0x2800  }
0x145: {  	p2 =	sgt.u32 s29, $0x7C;
	s3 =	sshrl.u32 s5, $0x3;
	s23 =	rddreg [dreg:$0x9]  }
0x146: {  	s31 =	smov.u32 s12;
	[sflag:s16] =	ssyncset.done $0x0;
	s10 =	rddreg [dreg:$0x4]  }
0x147: {  	s9 =	sadd.s32 s12, s3;
	s12 =	rddreg [dreg:$0x5];
	[sflag:s16] =	ssyncadd.s32 $0xFFFFD800  }
0x148: {  	[tilespmem:s22], [sflag:$0x9] =	stream.linear.gather [hbm4b:s9+s22], $0x50, $0x38;
	[tilespmem:$0x1E480] =	vst v63  }
0x149: {  	s4 =	sadd.s32 s14, s3;
	s7 =	simm.s32 @!p2 $0x0;
	s3 =	rddreg [dreg:$0x6]  }
0x14a: {  	[tilespmem:s18], [sflag:$0xD] =	stream.linear.gather [hbm4b:s4+s22], $0x50, $0x38;
	[tilespmem:$0x1E480] =	vst v63  }
0x14b: {  	s9 =	smov.u32 s14;
	s14 =	simm.s32 @!p2 $0x80;
	s4 =	sadd.s32 @!p2 s6, s12  }
0x14c: {  	[tilespmem:s14], [sflag:$0xA] =	stream.linear.gather @!p2 [hbm4b:s4+s7], $0x50, $0x38;
	[tilespmem:$0x1E480] =	vst v63  }
0x14d: {  	s12 =	simm.s32 @!p2 $0x280;
	s22 =	rddreg [dreg:$0x7];
	s4 =	sadd.s32 @!p2 s6, s10  }
0x14e: {  	[tilespmem:s12], [sflag:$0xE] =	stream.linear.gather @!p2 [hbm4b:s4+s7], $0x50, $0x38;
	[tilespmem:$0x1E480] =	vst v63  }
0x14f: {  	s10 =	simm.s32 @!p2 $0x100;
	s14 =	rddreg [dreg:$0x8];
	s4 =	sadd.s32 @!p2 s6, s23  }
0x150: {  	s12 =	simm.s32 @!p2 $0x300;
	s23 =	sadd.s32 @!p2 s6, s3;
	s3 =	sadd.s32 @!p2 s6, s22  }
0x151: {  	[tilespmem:s10], [sflag:$0xB] =	stream.linear.gather @!p2 [hbm4b:s4+s7], $0x50, $0x38;
	[tilespmem:$0x1E480] =	vst v63  }
.Ltmp1:
0x152: {  	s22 =	simm.s32 $0x0;
	s4 =	sadd.s32 @!p2 s6, s14;
	(pc) =	sbr.rel @p1 .LBB2_4-.Ltmp1, $4  }
0x153: {  	[tilespmem:s12], [sflag:$0xF] =	stream.linear.gather @!p2 [hbm4b:s4+s7], $0x50, $0x38;
	[tilespmem:$0x1E480] =	vst v63  }
0x154: {  	s14 =	smov.u32 s9;
	s10 =	simm.s32 @!p2 $0x180;
	s12 =	smov.u32 s31  }
0x155: {  	[tilespmem:s10], [sflag:$0xC] =	stream.linear.gather @!p2 [hbm4b:s3+s7], $0x50, $0x38;
	[tilespmem:$0x1E480] =	vst v63  }
0x156: {  	s31 =	simm.s32 $0x280;
	s4 =	simm.s32 @!p2 $0x380;
	s10 =	simm.s32 $0x80  }
0x157: {  	[tilespmem:s4], [sflag:$0x10] =	stream.linear.gather @!p2 [hbm4b:s23+s7], $0x50, $0x38;
	[tilespmem:$0x1E480] =	vst v63  }
0x158: {  	s3 =	simm.s32 $0x9  }
0x159: {  	_ =	swait.ge [sflag:s3], $0x50  }
0x15a: {  	[sflag:s3] =	ssyncset.done $0x0  }
0x15b: {  	s11 =	simm.s32 $0x400;
	s23 =	simm.s32 $0x1;
	[sflag:s3] =	ssyncadd.s32 $0xFFFFFFB0  }
0x15c: {  	[tilespmem:s11], [sflag:$0x1] =	stream.indirect.gather [hbm4b:s1+s0], $0x80, s22, s0, $0xb8;
	[tilespmem:$0x1E480] =	vst v63  }
0x15d: {  	_ =	swait.ge [sflag:s23], $0x2800  }
0x15e: {  	[sflag:s23] =	ssyncset.done $0x0  }
0x15f: {  	[sflag:s23] =	ssyncadd.s32 $0xFFFFD800  }
0x160: {  	_ =	swait.ge [sflag:s24], $0x50  }
0x161: {  	[sflag:s24] =	ssyncset.done $0x0  }
0x162: {  	s7 =	simm.s32 $0x11;
	[sflag:s24] =	ssyncadd.s32 $0xFFFFFFB0  }
0x163: {  	[spmem:s2] =	stream.indirect.scatter.add.f32 [tilespmem:s11], [sflag:$0x11], $0x80, s21, s0, $0xb8;
	[tilespmem:$0x1E480] =	vst v63  }
0x164: {  	_ =	swait.ge [sflag:s7], $0x2800  }
0x165: {  	[sflag:s7] =	ssyncset.done $0x0  }
0x166: {  	[sflag:s7] =	ssyncadd.s32 $0xFFFFD800  }
0x167: {  	s5 =	stileid.u32;
	[bflag:$0x0] =	sbarrier.arrive $0xFFFF  }
0x168: {  	s3 =	sshll.u32 s5, $0x6;
	s23 =	rddreg [dreg:$0xa]  }
0x169: {  	s3 =	sor.u32 $0x1C11, s3;
	s5 =	rddreg [dreg:$0x14];
	s6 =	sshrl.u32 s23, $0x3  }
0x16a: {  	[hbm:s5], [sflag:s3] =	dma.local [spmem:s6], $0x2700  }
0x16b: {  	_ =	swait.ge [sflag:s7], $0x2700  }
0x16c: {  	[sflag:s7] =	ssyncset.done $0x0;
	s29 =	rddreg [dreg:$0xb]  }
0x16d: {  	s5 =	rddreg [dreg:$0x15];
	[sflag:s7] =	ssyncadd.s32 $0xFFFFD900;
	s4 =	sshrl.u32 @!p0 s29, $0x3  }
0x16e: {  	[hbm:s5], [sflag:s3] =	dma.local @!p0 [spmem:s4], $0x100  }
0x16f: {  	s3 =	simm.s32 @!p0 $0x11  }
0x170: {  	_ =	swait.ge @!p0 [sflag:s3], $0x100  }
0x171: {  	s9 =	rddreg [dreg:$0x18]  }
0x172: {  	s11 =	rddreg [dreg:$0x16];
	s5 =	sadd.s32 $0x1, s9  }
0x173: {  	p1 =	sne.s32 s5, s11  }
.Ltmp2:
0x174: {  	_ = 	snop;
	(pc) =	sbr.rel @p1 .LBB2_1-.Ltmp2, $3  }
0x175: {  	_ =	sdelay $0x1  }
0x176: {  	s30 =	simm.s32 $0x300;
	s6 =	simm.s32 $0xA400;
	[sflag:s3] =	ssyncset.done @!p0 $0x0  }
0x177: {  	[sflag:s3] =	ssyncadd.s32 @!p0 $0xFFFFFF00;
	s9 =	simm.s32 $0x200;
	s11 =	simm.s32 $0x100  }
0x178: {  	_ =	sfence.sel $0x180000  }
0x179: {  	[bflag:$0x0] =	sbarrier.arrive $0xFFFF  }
0x17a: {  	_ =	strace $0x9000004D  }
0x17b: {  	s0 =	stileid.u32;
	[bflag:$0x2] =	sbarrier.arrive $0xFFFF  }
0x17c: {  	p0 =	sne.s32 s0, $0x0;
	s0 =	rddreg [dreg:$0x3]  }
0x17d: {  	s0 =	sadd.s32 @!p0 $0x100000, s0  }
0x17e: {  	[sflag:s0] =	ssyncadd.tile.s32 @!p0 $0x1;
	_ =	shalt  }
.Lfunc_end2:
_tile_overlayer_lowered:
.L_overlay_start_2:
0x17f: {  	(tag) =	ssettag $0x2  }
0x180: {  	s0 =	rddreg [dreg:$0x0];
	s2 =	stileid.u32  }
0x181: {  	s1 =	rddreg [dreg:$0x1];
	p0 =	sne.s32 s2, $0x0  }
0x182: {  	s3 =	rddreg [dreg:$0x2];
	[bflag:$0x3] =	sbarrier.arrive $0xFFFF;
	s2 =	simm.s32 @!p0 $0x1C11  }
0x183: {  	[timem:s3], [sflag:s2] =	dma.local @!p0 [hbm:s0], s1  }
0x184: {  	s0 =	simm.s32 @!p0 $0x11  }
0x185: {  	_ =	swait.ge @!p0 [sflag:s0], s1  }
0x186: {  	s1 =	ssub.s32 @!p0 $0x0, s1;
	[sflag:s0] =	ssyncset.done @!p0 $0x0  }
0x187: {  	[sflag:s0] =	ssyncadd.s32 @!p0 s1  }
0x188: {  	[bflag:$0x3] =	sbarrier.arrive $0xFFFF  }
0x189: {  	_ =	shalt  }

// kernel: kernel.8.cloned.1.call-start
scs
__scs_entry_jumppad:
0x0: {  	(pc) =	sbr.rel $0x88, $3  }
0x1: {  	(tag) =	ssettag $0x0;
	lr =	simm.s32 $0x1  }
0x2: {  	[smem:$0x3F9B] =	sst lr;
	_ =	strace $0xD0000000  }
0x3: {  	_ = 	snop  }
0x4: {  	_ = 	snop  }
0x5: {  	_ = 	snop  }
0x6: {  	_ = 	snop  }
0x7: {  	_ = 	snop  }
__scs_overlays_trampoline_lowered:
0x8: {  	[smem:$0x3FAA] =	sst s0  }
0x9: {  	[smem:$0x3FAB] =	sst s1  }
0xa: {  	[smem:$0x3FAC] =	sst s2  }
0xb: {  	[smem:$0x3FAD] =	sst s3  }
0xc: {  	[smem:$0x3FAE] =	sst s4  }
0xd: {  	[smem:$0x3FAF] =	sst s5  }
0xe: {  	[smem:$0x3FB0] =	sst s6  }
0xf: {  	[smem:$0x3FB1] =	sst s7  }
0x10: {  	[smem:$0x3FB2] =	sst s8  }
0x11: {  	[smem:$0x3FB3] =	sst s9;
	s0 =	simm.s32 @!p0 $0x0  }
0x12: {  	s1 =	sld [smem:$0x3F99];
	s0 =	simm.s32 @p0 $0x1  }
0x13: {  	[smem:$0x3FB4] =	sst s0;
	s0 =	simm.s32 @!p1 $0x0  }
0x14: {  	s2 =	sld [smem:$0x3F98];
	s0 =	simm.s32 @p1 $0x1  }
0x15: {  	[smem:$0x3FB5] =	sst s0;
	s0 =	simm.s32 @!p2 $0x0  }
0x16: {  	s3 =	sld [smem:$0x3FDB];
	s0 =	simm.s32 @p2 $0x1  }
0x17: {  	s4 =	simm.s32 $0x1BF5;
	[smem:$0x3FB7] =	sst s0  }
0x18: {  	s0 =	sld [smem:$0x3F9A];
	_ =	swait.ge [sflag:s4], $0x0  }
0x19: {  	s7 =	sld [smem:$0x3F9B]  }
0x1a: {  	s8 =	sadd.s32 $0xFFFFE003, lr  }
0x1b: {  	s9 =	sadd.s32 $0xFFFFFEF7, lr;
	s5 =	simm.s32 $0xFFFFFFFF;
	p2 =	slt.u32 s8, $0xFFFFF086  }
0x1c: {  	p1 =	slt.u32 s9, $0xF7A;
	s5 =	simm.s32 @!p2 $0x0  }
0x1d: {  	s5 =	simm.s32 @p1 $0x1;
	p0 =	seq.s32 s7, s2  }
0x1e: {  	s7 =	smul.u32 @!p0 $0xF7A, s2;
	p2 =	seq.s32 @!p0 s5, $0x0  }
0x1f: {  	s9 =	smul.u32 $0xF7A, s1;
	s8 =	simm.s32 @!p0 $0x1BF5;
	p2 =	por !p2, p0  }
0x20: {  	[sflag:s8] =	ssyncset.s32 @!p0 $0xFFFFF086;
	s6 =	sadd.s32 @!p0 s3, s7;
	s7 =	simm.s32 @!p0 $0x108  }
0x21: {  	s3 =	sadd.s32 s3, s9;
	s6 =	sadd.s32 @!p0 $0x88, s6;
	s7 =	simm.s32 @p2 $0x1082  }
0x22: {  	[simem:s7], [sflag:s8] =	dma.local @!p0 [hbm:s6], $0xF7A  }
0x23: {  	s9 =	sor.u32 $0xD0000000, s2;
	s6 =	simm.s32 $0x108;
	_ =	swait.ge @!p0 [sflag:s8], $0x0  }
0x24: {  	s3 =	sadd.s32 $0x88, s3;
	s6 =	simm.s32 @!p1 $0x1082;
	[sflag:s4] =	ssyncset.s32 $0xFFFFF086  }
0x25: {  	[simem:s6], [sflag:s4] =	dma.local [hbm:s3], $0xF7A  }
0x26: {  	[smem:$0x3F9B] =	sst s1;
	(tag) =	ssettag s2;
	_ =	strace s9  }
0x27: {  	s1 =	sld [smem:$0x3FAB]  }
0x28: {  	s2 =	sld [smem:$0x3FAC]  }
0x29: {  	s4 =	sld [smem:$0x3FAE]  }
0x2a: {  	p0 =	seq.s32 s5, $0x0;
	s5 =	sld [smem:$0x3FAF]  }
0x2b: {  	s6 =	sld [smem:$0x3FB0]  }
0x2c: {  	s7 =	sld [smem:$0x3FB1]  }
0x2d: {  	s3 =	simm.s32 $0x108;
	s8 =	sld [smem:$0x3FB2]  }
0x2e: {  	s3 =	simm.s32 @!p0 $0x1082;
	s9 =	sld [smem:$0x3FB3]  }
0x2f: {  	lr =	sadd.s32 s0, s3;
	s0 =	sld [smem:$0x3FAA]  }
0x30: {  	s3 =	sld [smem:$0x3FAD]  }
0x31: {  	[smem:$0x3FB6] =	sst s10  }
0x32: {  	s10 =	sld [smem:$0x3FB4];
	_ =	sdelay $0x3  }
0x33: {  	p0 =	seq.s32 s10, $0x1;
	s10 =	sld [smem:$0x3FB6];
	_ =	sdelay $0x3  }
0x34: {  	[smem:$0x3FB6] =	sst s10  }
0x35: {  	s10 =	sld [smem:$0x3FB5];
	_ =	sdelay $0x3  }
0x36: {  	p1 =	seq.s32 s10, $0x1;
	s10 =	sld [smem:$0x3FB6];
	_ =	sdelay $0x3  }
0x37: {  	[smem:$0x3FB6] =	sst s10  }
0x38: {  	s10 =	sld [smem:$0x3FB7]  }
0x39: {  	_ = 	snop;
	(pc) =	sbr.ind lr, $3  }
0x3a: {  	_ = 	snop  }
0x3b: {  	_ = 	snop  }
0x3c: {  	p2 =	seq.s32 s10, $0x1;
	s10 =	sld [smem:$0x3FB6]  }
0x3d: {  	_ =	shalt  }
0x3e: {  	_ =	shalt  }
0x3f: {  	_ =	shalt  }
0x40: {  	_ =	shalt  }
0x41: {  	_ =	shalt  }
0x42: {  	_ =	shalt  }
0x43: {  	_ =	shalt  }
0x44: {  	_ =	shalt  }
0x45: {  	_ =	shalt  }
0x46: {  	_ =	shalt  }
0x47: {  	_ =	shalt  }
0x48: {  	_ =	shalt  }
0x49: {  	_ =	shalt  }
0x4a: {  	_ =	shalt  }
0x4b: {  	_ =	shalt  }
0x4c: {  	_ =	shalt  }
0x4d: {  	_ =	shalt  }
0x4e: {  	_ =	shalt  }
0x4f: {  	_ =	shalt  }
0x50: {  	_ =	shalt  }
0x51: {  	_ =	shalt  }
0x52: {  	_ =	shalt  }
0x53: {  	_ =	shalt  }
0x54: {  	_ =	shalt  }
0x55: {  	_ =	shalt  }
0x56: {  	_ =	shalt  }
0x57: {  	_ =	shalt  }
0x58: {  	_ =	shalt  }
0x59: {  	_ =	shalt  }
0x5a: {  	_ =	shalt  }
0x5b: {  	_ =	shalt  }
0x5c: {  	_ =	shalt  }
0x5d: {  	_ =	shalt  }
0x5e: {  	_ =	shalt  }
0x5f: {  	_ =	shalt  }
0x60: {  	_ =	shalt  }
0x61: {  	_ =	shalt  }
0x62: {  	_ =	shalt  }
0x63: {  	_ =	shalt  }
0x64: {  	_ =	shalt  }
0x65: {  	_ =	shalt  }
0x66: {  	_ =	shalt  }
0x67: {  	_ =	shalt  }
0x68: {  	_ =	shalt  }
0x69: {  	_ =	shalt  }
0x6a: {  	_ =	shalt  }
0x6b: {  	_ =	shalt  }
0x6c: {  	_ =	shalt  }
0x6d: {  	_ =	shalt  }
0x6e: {  	_ =	shalt  }
0x6f: {  	_ =	shalt  }
0x70: {  	_ =	shalt  }
0x71: {  	_ =	shalt  }
0x72: {  	_ =	shalt  }
0x73: {  	_ =	shalt  }
0x74: {  	_ =	shalt  }
0x75: {  	_ =	shalt  }
0x76: {  	_ =	shalt  }
0x77: {  	_ =	shalt  }
0x78: {  	_ =	shalt  }
0x79: {  	_ =	shalt  }
0x7a: {  	_ =	shalt  }
0x7b: {  	_ =	shalt  }
0x7c: {  	_ =	shalt  }
0x7d: {  	_ =	shalt  }
0x7e: {  	_ =	shalt  }
0x7f: {  	_ =	shalt  }
0x80: {  	_ =	shalt  }
0x81: {  	_ =	shalt  }
0x82: {  	_ =	shalt  }
0x83: {  	_ =	shalt  }
0x84: {  	_ =	shalt  }
0x85: {  	_ =	shalt  }
0x86: {  	_ =	shalt  }
0x87: {  	_ =	shalt  }
.Lfunc_end0:
.L_simem_size_0:
called_computation_lowered:
.L_overlay_start_0:
0x88: {  	s2 =	sld [smem:$0x3FD9]  }
0x89: {  	s3 =	sld [smem:$0x3FFE];
	_ =	sdelay $0x1  }
0x8a: {  	s1 =	srdreg.scid  }
0x8b: {  	s0 =	sand.u32 $0x1, s1  }
0x8c: {  	s16 =	sshll.u32 s0, $0xA;
	s2 =	sadd.s32 s3, s2  }
0x8d: {  	s2 =	sadd.s32 s2, s16  }
0x8e: {  	[smem:$0x3FC2] =	sst s2  }
0x8f: {  	_ = 	snop  }
0x90: {  	(tm) =	ssettm $0x1  }
0x91: {  	s17 =	sld [smem:$0x3FFB];
	_ =	sdelay $0x3  }
0x92: {  	_ =	strace s17  }
0x93: {  	s2 =	sld [smem:$0x3FFC];
	_ =	sdelay $0x3  }
0x94: {  	_ =	strace s2  }
0x95: {  	s2 =	sld [smem:$0x3FFD];
	_ =	sdelay $0x3  }
0x96: {  	_ =	strace s2  }
0x97: {  	_ =	strace $0x8FFFFFFF  }
0x98: {  	s18 =	sld [smem:$0x3FDB];
	_ =	sdelay $0x1  }
0x99: {  	s19 =	simm.s32 $_scs_section_size  }
0x9a: {  	s4 =	simm.s32 $_size__tile_overlayer_lowered;
	s5 =	simm.s32 $_tile_overlayer_lowered  }
0x9b: {  	s22 =	simm.s32 $0x1BFF;
	s21 =	sshll.u32 s5, $0x1;
	s2 =	sadd.s32 s19, s18  }
0x9c: {  	s6 =	simm.s32 $0x0;
	s20 =	sshll.u32 s4, $0x1;
	s4 =	sadd.s32 s21, s2  }
0x9d: {  	[timem:s6], [sflag:s22] =	dma.local [hbm:s4], s20  }
0x9e: {  	_ =	swait.ge [sflag:s22], s20  }
0x9f: {  	s3 =	ssub.s32 $0x0, s20;
	[sflag:s22] =	ssyncset.done $0x0  }
0xa0: {  	[sflag:s22] =	ssyncadd.s32 s3;
	_ =	sdelay $0x1  }
0xa1: {  	s23 =	simm.s32 $0x1B8B  }
0xa2: {  	_ =	swait.ge [sflag:s23], $0x1  }
0xa3: {  	[sflag:s23] =	ssyncset.done $0x0  }
0xa4: {  	s25 =	simm.s32 $0x1B8E;
	s24 =	sld [smem:$0x3FFE];
	[sflag:s23] =	ssyncadd.s32 $0xFFFFFFFF  }
0xa5: {  	s26 =	simm.s32 $execute0_lowered;
	[smem:$0x3FD2] =	sst s25  }
0xa6: {  	s4 =	sshll.u32 s26, $0x1;
	_ =	strace $0x80000046;
	[dreg:$0x1] =	wrdreg $0xFFFFFFFF  }
0xa7: {  	s28 =	simm.s32 $_size_execute0_lowered;
	s2 =	sadd.s32 s2, s4;
	[dreg:$0x0] =	wrdreg $0x0  }
0xa8: {  	s4 =	sshll.u32 s28, $0x1;
	[dreg:$0x2] =	wrdreg s2  }
0xa9: {  	[dreg:$0x3] =	wrdreg s4  }
0xaa: {  	[dreg:$0x4] =	wrdreg $0xC0  }
0xab: {  	_ =	task [dreg:s6], $0x5FFFF  }
0xac: {  	[dreg:$0x1] =	wrdreg $0xFFFFFFFF  }
0xad: {  	[dreg:$0x0] =	wrdreg $0x60  }
0xae: {  	[dreg:$0x2] =	wrdreg s24  }
0xaf: {  	[dreg:$0x3] =	wrdreg $0x31000  }
0xb0: {  	[dreg:$0x4] =	wrdreg $0x9  }
0xb1: {  	_ =	task.clear_ibuf [dreg:s6], $0x5FFFF;
	_ =	strace $0x90000046  }
0xb2: {  	s29 =	simm.s32 $0x9;
	_ =	strace $0x80000048  }
0xb3: {  	_ =	swait.ge [sflag:s29], $0x1  }
0xb4: {  	[sflag:s29] =	ssyncadd.s32 $0xFFFFFFFF  }
0xb5: {  	_ =	strace $0x90000048  }
0xb6: {  	_ =	sfence  }
0xb7: {  	s30 =	sld [smem:$0x0];
	_ =	sdelay $0x2  }
0xb8: {  	s31 =	sshll.u32 s1, $0xD;
	s1 =	sshrl.u32 s1, $0x2  }
0xb9: {  	s3 =	sand.u32 $0x4000, s31;
	s1 =	sadd.s32 s1, s30  }
0xba: {  	s0 =	sor.u32 s3, s0;
	s1 =	sshll.u32 s1, $0x11  }
0xbb: {  	s0 =	sor.u32 s1, s0  }
0xbc: {  	s0 =	sadd.s32 $0x8F2B, s0  }
0xbd: {  	[sflag:s0] =	ssyncadd.remote.s32 $0x1  }
0xbe: {  	_ =	sfence.sel $0xFFFF  }
0xbf: {  	[dreg:$0x0] =	wrdreg $0xFFFFFFFF;
	(pc) =	sbr.abs _section_cstart, $3  }
0xc0: {  	[dreg:$0x1] =	wrdreg $0xFFFFFFFF  }
0xc1: {  	_ =	task.clear_ibuf [dreg:s6], $0x2FFFF;
	_ =	strace $0x9FFFFFFF  }
0xc2: {  	(tm) =	ssettm $0x7FFFFFFF  }
0xc3: {  	_ =	shalt  }
tec
execute0_lowered:
.L_overlay_start_1:
0x0: {  	(tag) =	ssettag $0x1  }
0x1: {  	s5 =	rddreg [dreg:$0x0]  }
0x2: {  	s0 =	srdreg.scid;
	s2 =	rddreg [dreg:$0x1]  }
0x3: {  	s1 =	stileid.u32;
	s3 =	simm.s32 $0x0;
	s15 =	simm.s32 $0x80  }
0x4: {  	s16 =	simm.s32 $0x1;
	s17 =	simm.s32 $0x50;
	s18 =	simm.s32 $0x100  }
0x5: {  	s19 =	simm.s32 $0x2;
	s20 =	simm.s32 $0x0;
	s7 =	smul.u32 $0x4E000, s1  }
0x6: {  	s6 =	sand.u32 $0x1, s0;
	s0 =	rddreg [dreg:$0x2];
	s12 =	smul.u32 $0x13800, s1  }
0x7: {  	[smem:$0x7FF] =	sst s3;
	s13 =	sadd.s32 $0x16400, s5;
	s26 =	smul.u32 $0x2710, s1  }
0x8: {  	p0 =	sne.s32 s1, $0xF;
	s4 =	sshll.u32 s6, $0x4;
	s10 =	smul.u32 $0x138800, s6  }
0x9: {  	_ =	strace $0x80000047;
	s9 =	ssub.s32 $0x2, s6;
	s23 =	smul.u32 $0x27100, s6  }
0xa: {  	s6 =	sadd.s32 $0x138000, s2;
	s4 =	sor.u32 s1, s4;
	s11 =	sshrl.u32 s9, $0x1  }
0xb: {  	s24 =	sshrl.u32 s7, $0x2;
	s8 =	smul.u32 $0x2710, s4;
	s4 =	sadd.s32 $0xC600, s5  }
0xc: {  	s11 =	ssub.s32 s9, s11;
	s5 =	sadd.s32 s24, s2;
	s12 =	sadd.s32 s12, s10  }
0xd: {  	s10 =	sshrl.u32 s10, $0x3;
	s14 =	sadd.s32 s26, s23;
	s28 =	sshrl.u32 s12, $0x3  }
0xe: {  	s29 =	sadd.s32 s13, s10;
	s30 =	sadd.s32 $0x50, s14;
	s10 =	smax.u32 s11, $0x1  }
0xf: {  	s11 =	sadd.s32 $0xA0, s14;
	s14 =	simm.s32 $0x3;
	s25 =	sshrl.u32 s8, $0x3  }
0x10: {  	s8 =	sadd.s32 s13, s28;
	s9 =	sadd.s32 $0x27000, s29;
	s31 =	sshrl.u32 s30, $0x3  }
0x11: {  	v0 =	vimm.f32 $1.000000000e+00;
	v1 =	vimm.f32 $0.0e+00;
	s13 =	simm.s32 $0x2900;
	s7 =	sadd.s32 s4, s25;
	s12 =	sadd.s32 s31, s4  }
.LBB2_1:
0x12: {  	[tilespmem:$0x100] =	vst v0  }
0x13: {  	[tilespmem:$0x180] =	vst v0  }
0x14: {  	[tilespmem:$0x200] =	vst v0  }
0x15: {  	[tilespmem:$0x280] =	vst v0  }
0x16: {  	[tilespmem:$0x300] =	vst v0  }
0x17: {  	[tilespmem:$0x380] =	vst v0  }
0x18: {  	[tilespmem:$0x400] =	vst v0  }
0x19: {  	[tilespmem:$0x480] =	vst v0  }
0x1a: {  	[tilespmem:$0x500] =	vst v0  }
0x1b: {  	[tilespmem:$0x580] =	vst v0  }
0x1c: {  	[tilespmem:$0x600] =	vst v0  }
0x1d: {  	[tilespmem:$0x680] =	vst v0  }
0x1e: {  	[tilespmem:$0x700] =	vst v0  }
0x1f: {  	[tilespmem:$0x780] =	vst v0  }
0x20: {  	[tilespmem:$0x800] =	vst v0  }
0x21: {  	[tilespmem:$0x880] =	vst v0  }
0x22: {  	[tilespmem:$0x900] =	vst v0  }
0x23: {  	[tilespmem:$0x980] =	vst v0  }
0x24: {  	[tilespmem:$0xA00] =	vst v0  }
0x25: {  	[tilespmem:$0xA80] =	vst v0  }
0x26: {  	[tilespmem:$0xB00] =	vst v0  }
0x27: {  	[tilespmem:$0xB80] =	vst v0  }
0x28: {  	[tilespmem:$0xC00] =	vst v0  }
0x29: {  	[tilespmem:$0xC80] =	vst v0  }
0x2a: {  	[tilespmem:$0xD00] =	vst v0  }
0x2b: {  	[tilespmem:$0xD80] =	vst v0  }
0x2c: {  	[tilespmem:$0xE00] =	vst v0  }
0x2d: {  	[tilespmem:$0xE80] =	vst v0  }
0x2e: {  	[tilespmem:$0xF00] =	vst v0  }
0x2f: {  	[tilespmem:$0xF80] =	vst v0  }
0x30: {  	[tilespmem:$0x1000] =	vst v0  }
0x31: {  	[tilespmem:$0x1080] =	vst v0  }
0x32: {  	[tilespmem:$0x1100] =	vst v0  }
0x33: {  	[tilespmem:$0x1180] =	vst v0  }
0x34: {  	[tilespmem:$0x1200] =	vst v0  }
0x35: {  	[tilespmem:$0x1280] =	vst v0  }
0x36: {  	[tilespmem:$0x1300] =	vst v0  }
0x37: {  	[tilespmem:$0x1380] =	vst v0  }
0x38: {  	[tilespmem:$0x1400] =	vst v0  }
0x39: {  	[tilespmem:$0x1480] =	vst v0  }
0x3a: {  	[tilespmem:$0x1500] =	vst v0  }
0x3b: {  	[tilespmem:$0x1580] =	vst v0  }
0x3c: {  	[tilespmem:$0x1600] =	vst v0  }
0x3d: {  	[tilespmem:$0x1680] =	vst v0  }
0x3e: {  	[tilespmem:$0x1700] =	vst v0  }
0x3f: {  	[tilespmem:$0x1780] =	vst v0  }
0x40: {  	[tilespmem:$0x1800] =	vst v0  }
0x41: {  	[tilespmem:$0x1880] =	vst v0  }
0x42: {  	[tilespmem:$0x1900] =	vst v0  }
0x43: {  	[tilespmem:$0x1980] =	vst v0  }
0x44: {  	[tilespmem:$0x1A00] =	vst v0  }
0x45: {  	[tilespmem:$0x1A80] =	vst v0  }
0x46: {  	[tilespmem:$0x1B00] =	vst v0  }
0x47: {  	[tilespmem:$0x1B80] =	vst v0  }
0x48: {  	[tilespmem:$0x1C00] =	vst v0  }
0x49: {  	[tilespmem:$0x1C80] =	vst v0  }
0x4a: {  	[tilespmem:$0x1D00] =	vst v0  }
0x4b: {  	[tilespmem:$0x1D80] =	vst v0  }
0x4c: {  	[tilespmem:$0x1E00] =	vst v0  }
0x4d: {  	[tilespmem:$0x1E80] =	vst v0  }
0x4e: {  	[tilespmem:$0x1F00] =	vst v0  }
0x4f: {  	[tilespmem:$0x1F80] =	vst v0  }
0x50: {  	[tilespmem:$0x2000] =	vst v0  }
0x51: {  	[tilespmem:$0x2080] =	vst v0  }
0x52: {  	[tilespmem:$0x2100] =	vst v0  }
0x53: {  	[tilespmem:$0x2180] =	vst v0  }
0x54: {  	[tilespmem:$0x2200] =	vst v0  }
0x55: {  	[tilespmem:$0x2280] =	vst v0  }
0x56: {  	[tilespmem:$0x2300] =	vst v0  }
0x57: {  	[tilespmem:$0x2380] =	vst v0  }
0x58: {  	[tilespmem:$0x2400] =	vst v0  }
0x59: {  	[tilespmem:$0x2480] =	vst v0  }
0x5a: {  	[tilespmem:$0x2500] =	vst v0  }
0x5b: {  	[tilespmem:$0x2580] =	vst v0  }
0x5c: {  	[tilespmem:$0x2600] =	vst v0  }
0x5d: {  	[tilespmem:$0x2680] =	vst v0  }
0x5e: {  	[tilespmem:$0x2700] =	vst v0  }
0x5f: {  	[tilespmem:$0x2780] =	vst v0  }
0x60: {  	[tilespmem:$0x2800] =	vst v0  }
0x61: {  	[tilespmem:$0x2880] =	vst v0  }
0x62: {  	[tilespmem:$0x2900] =	vst v1  }
0x63: {  	[tilespmem:$0x2980] =	vst v1  }
0x64: {  	[tilespmem:$0x2A00] =	vst v1  }
0x65: {  	[tilespmem:$0x2A80] =	vst v1  }
0x66: {  	[tilespmem:$0x2B00] =	vst v1  }
0x67: {  	[tilespmem:$0x2B80] =	vst v1  }
0x68: {  	[tilespmem:$0x2C00] =	vst v1  }
0x69: {  	[tilespmem:$0x2C80] =	vst v1  }
0x6a: {  	[tilespmem:$0x2D00] =	vst v1  }
0x6b: {  	[tilespmem:$0x2D80] =	vst v1  }
0x6c: {  	[tilespmem:$0x2E00] =	vst v1  }
0x6d: {  	[tilespmem:$0x2E80] =	vst v1  }
0x6e: {  	[tilespmem:$0x2F00] =	vst v1  }
0x6f: {  	[tilespmem:$0x2F80] =	vst v1  }
0x70: {  	[tilespmem:$0x3000] =	vst v1  }
0x71: {  	[tilespmem:$0x3080] =	vst v1;
	s21 =	sadd.s32 $0x0, s5  }
0x72: {  	[spmem:s21] =	stream.linear.scatter [tilespmem:s13], [sflag:$0x3], $0x800, $0x38;
	[tilespmem:$0x5810] =	vst v63  }
0x73: {  	s21 =	simm.s32 $0x2000;
	_ =	swait.ge [sflag:s14], $0x800  }
.LBB2_2:
0x74: {  	s22 =	sshra.s32 s21, $0x2;
	[sflag:s14] =	ssyncset.done $0x0;
	p1 =	sne.s32 s21, $0x4C000  }
.Ltmp0:
0x75: {  	s22 =	sadd.s32 s22, s5;
	[sflag:s14] =	ssyncadd.s32 $0xFFFFF800;
	(pc) =	sbr.rel @p1 .LBB2_2-.Ltmp0, $3  }
0x76: {  	[spmem:s22] =	stream.linear.scatter [tilespmem:s13], [sflag:$0x3], $0x800, $0x38;
	[tilespmem:$0x5810] =	vst v63  }
0x77: {  	s21 =	sadd.s32 $0x2000, s21;
	_ =	sdelay $0x1  }
0x78: {  	_ =	swait.ge [sflag:s14], $0x800  }
0x79: {  	[sflag:s14] =	ssyncset.done $0x0  }
0x7a: {  	s21 =	simm.s32 @!p0 $0x2900;
	[sflag:s14] =	ssyncadd.s32 $0xFFFFF800  }
0x7b: {  	[spmem:s6] =	stream.linear.scatter @!p0 [tilespmem:s21], [sflag:$0x3], $0x800, $0x38;
	[tilespmem:$0x5810] =	vst v63  }
0x7c: {  	s21 =	simm.s32 @!p0 $0x3  }
0x7d: {  	_ =	swait.ge @!p0 [sflag:s21], $0x800  }
0x7e: {  	[sflag:s21] =	ssyncset.done @!p0 $0x0  }
0x7f: {  	[sflag:s21] =	ssyncadd.s32 @!p0 $0xFFFFF800  }
0x80: {  	s29 =	simm.s32 $0x0;
	[bflag:$0x0] =	sbarrier.arrive $0xFFFF  }
0x81: {  	[tilespmem:s29], [sflag:$0x1] =	stream.linear.gather [hbm4b:s7+s29], $0x50, $0x38;
	[tilespmem:$0x5810] =	vst v63  }
0x82: {  	s30 =	sadd.s32 $0x0, s12  }
0x83: {  	[tilespmem:s15], [sflag:$0x2] =	stream.linear.gather [hbm4b:s30+s3], $0x50, $0x38;
	[tilespmem:$0x5810] =	vst v63  }
0x84: {  	_ =	swait.ge [sflag:s16], $0x50  }
0x85: {  	[sflag:s16] =	ssyncset.done $0x0  }
0x86: {  	[sflag:s16] =	ssyncadd.s32 $0xFFFFFFB0  }
0x87: {  	[spmem:s2] =	stream.indirect.scatter.add.f32 [tilespmem:s18], [sflag:$0x3], $0x10, s3, s17, $0xb8;
	[tilespmem:$0x5810] =	vst v63  }
0x88: {  	_ =	swait.ge [sflag:s14], $0x500  }
0x89: {  	s31 =	sshrl.u32 s11, $0x3;
	[sflag:s14] =	ssyncset.done $0x0  }
0x8a: {  	s21 =	sadd.s32 s4, s31;
	[sflag:s14] =	ssyncadd.s32 $0xFFFFFB00  }
0x8b: {  	[tilespmem:s3], [sflag:$0x1] =	stream.linear.gather [hbm4b:s21+s3], $0x50, $0x38;
	[tilespmem:$0x5810] =	vst v63  }
0x8c: {  	_ =	swait.ge [sflag:s19], $0x50  }
0x8d: {  	[sflag:s19] =	ssyncset.done $0x0  }
0x8e: {  	[sflag:s19] =	ssyncadd.s32 $0xFFFFFFB0  }
0x8f: {  	[spmem:s2] =	stream.indirect.scatter.add.f32 [tilespmem:s18], [sflag:$0x3], $0x10, s15, s17, $0xb8;
	[tilespmem:$0x5810] =	vst v63  }
0x90: {  	s22 =	simm.s32 $0x14;
	_ =	swait.ge [sflag:s14], $0x500  }
0x91: {  	s23 =	simm.s32 $0x28;
	s21 =	sadd.s32 $0xA0, s11;
	[sflag:s14] =	ssyncset.done $0x0  }
.LBB2_4:
0x92: {  	s24 =	sadd.s32 s22, s12  }
0x93: {  	[sflag:s14] =	ssyncadd.s32 $0xFFFFFB00;
	s22 =	smov.u32 s23;
	s25 =	sadd.s32 $0x14, s23  }
0x94: {  	[tilespmem:s15], [sflag:$0x2] =	stream.linear.gather [hbm4b:s24+s3], $0x50, $0x38;
	[tilespmem:$0x5810] =	vst v63  }
0x95: {  	p1 =	sne.s32 s23, $0x4C4;
	_ =	swait.ge [sflag:s16], $0x50  }
0x96: {  	[sflag:s16] =	ssyncset.done $0x0  }
0x97: {  	[sflag:s16] =	ssyncadd.s32 $0xFFFFFFB0  }
0x98: {  	[spmem:s2] =	stream.indirect.scatter.add.f32 [tilespmem:s18], [sflag:$0x3], $0x10, s3, s17, $0xb8;
	[tilespmem:$0x5810] =	vst v63  }
0x99: {  	_ =	swait.ge [sflag:s14], $0x500  }
0x9a: {  	s23 =	sshrl.u32 s21, $0x3;
	[sflag:s14] =	ssyncset.done $0x0  }
0x9b: {  	s23 =	sadd.s32 s4, s23;
	[sflag:s14] =	ssyncadd.s32 $0xFFFFFB00  }
0x9c: {  	[tilespmem:s3], [sflag:$0x1] =	stream.linear.gather [hbm4b:s23+s3], $0x50, $0x38;
	[tilespmem:$0x5810] =	vst v63  }
0x9d: {  	_ =	swait.ge [sflag:s19], $0x50  }
.Ltmp1:
0x9e: {  	[sflag:s19] =	ssyncset.done $0x0;
	(pc) =	sbr.rel @p1 .LBB2_4-.Ltmp1, $4  }
0x9f: {  	[sflag:s19] =	ssyncadd.s32 $0xFFFFFFB0  }
0xa0: {  	[spmem:s2] =	stream.indirect.scatter.add.f32 [tilespmem:s18], [sflag:$0x3], $0x10, s15, s17, $0xb8;
	[tilespmem:$0x5810] =	vst v63  }
0xa1: {  	_ =	swait.ge [sflag:s14], $0x500  }
0xa2: {  	s21 =	sadd.s32 $0xA0, s21;
	s23 =	smov.u32 s25;
	[sflag:s14] =	ssyncset.done $0x0  }
0xa3: {  	s22 =	sadd.s32 s22, s12;
	[sflag:s14] =	ssyncadd.s32 $0xFFFFFB00  }
0xa4: {  	[tilespmem:s15], [sflag:$0x2] =	stream.linear.gather [hbm4b:s22+s3], $0x50, $0x38;
	[tilespmem:$0x5810] =	vst v63  }
0xa5: {  	_ =	swait.ge [sflag:s16], $0x50  }
0xa6: {  	[sflag:s16] =	ssyncset.done $0x0  }
0xa7: {  	[sflag:s16] =	ssyncadd.s32 $0xFFFFFFB0  }
0xa8: {  	[spmem:s2] =	stream.indirect.scatter.add.f32 [tilespmem:s18], [sflag:$0x3], $0x10, s3, s17, $0xb8;
	[tilespmem:$0x5810] =	vst v63  }
0xa9: {  	_ =	swait.ge [sflag:s14], $0x500  }
0xaa: {  	s21 =	sshrl.u32 s21, $0x3;
	[sflag:s14] =	ssyncset.done $0x0  }
0xab: {  	s21 =	sadd.s32 s4, s21;
	[sflag:s14] =	ssyncadd.s32 $0xFFFFFB00  }
0xac: {  	[tilespmem:s3], [sflag:$0x1] =	stream.linear.gather [hbm4b:s21+s3], $0x50, $0x38;
	[tilespmem:$0x5810] =	vst v63  }
0xad: {  	_ =	swait.ge [sflag:s19], $0x50  }
0xae: {  	[sflag:s19] =	ssyncset.done $0x0  }
0xaf: {  	[sflag:s19] =	ssyncadd.s32 $0xFFFFFFB0  }
0xb0: {  	[spmem:s2] =	stream.indirect.scatter.add.f32 [tilespmem:s18], [sflag:$0x3], $0x10, s15, s17, $0xb8;
	[tilespmem:$0x5810] =	vst v63  }
0xb1: {  	_ =	swait.ge [sflag:s14], $0x500  }
0xb2: {  	[sflag:s14] =	ssyncset.done $0x0  }
0xb3: {  	[sflag:s14] =	ssyncadd.s32 $0xFFFFFB00  }
0xb4: {  	_ =	swait.ge [sflag:s16], $0x50  }
0xb5: {  	[sflag:s16] =	ssyncset.done $0x0  }
0xb6: {  	[sflag:s16] =	ssyncadd.s32 $0xFFFFFFB0  }
0xb7: {  	[spmem:s2] =	stream.indirect.scatter.add.f32 [tilespmem:s18], [sflag:$0x3], $0x10, s3, s17, $0xb8;
	[tilespmem:$0x5810] =	vst v63  }
0xb8: {  	_ =	swait.ge [sflag:s14], $0x500  }
0xb9: {  	[sflag:s14] =	ssyncset.done $0x0  }
0xba: {  	s30 =	sshll.u32 s1, $0x6;
	[sflag:s14] =	ssyncadd.s32 $0xFFFFFB00  }
0xbb: {  	s31 =	sshrl.u32 s5, $0x3;
	s21 =	sor.u32 $0x1C03, s30;
	[bflag:$0x0] =	sbarrier.arrive $0xFFFF  }
0xbc: {  	[hbm:s8], [sflag:s21] =	dma.local [spmem:s31], $0x2700  }
0xbd: {  	_ =	swait.ge [sflag:s14], $0x2700  }
0xbe: {  	s20 =	sadd.s32 $0x1, s20;
	[sflag:s14] =	ssyncset.done $0x0  }
0xbf: {  	s22 =	sshrl.u32 @!p0 s6, $0x3;
	p1 =	sne.s32 s20, s10;
	[sflag:s14] =	ssyncadd.s32 $0xFFFFD900  }
0xc0: {  	[hbm:s9], [sflag:s21] =	dma.local @!p0 [spmem:s22], $0x100  }
.Ltmp2:
0xc1: {  	_ = 	snop;
	(pc) =	sbr.rel @p1 .LBB2_1-.Ltmp2, $4  }
0xc2: {  	s21 =	simm.s32 @!p0 $0x3  }
0xc3: {  	_ =	swait.ge @!p0 [sflag:s21], $0x100  }
0xc4: {  	[sflag:s21] =	ssyncset.done @!p0 $0x0  }
0xc5: {  	[sflag:s21] =	ssyncadd.s32 @!p0 $0xFFFFFF00  }
0xc6: {  	_ =	sfence.sel $0x180000  }
0xc7: {  	[bflag:$0x0] =	sbarrier.arrive $0xFFFF  }
0xc8: {  	p0 =	sne.s32 s1, $0x0;
	_ =	strace $0x90000047  }
0xc9: {  	s0 =	sadd.s32 @!p0 $0x100000, s0;
	[bflag:$0x2] =	sbarrier.arrive $0xFFFF  }
0xca: {  	[sflag:s0] =	ssyncadd.tile.s32 @!p0 $0x1;
	_ =	shalt  }
.Lfunc_end2:
_tile_overlayer_lowered:
.L_overlay_start_2:
0xcb: {  	(tag) =	ssettag $0x2  }
0xcc: {  	s0 =	rddreg [dreg:$0x0];
	s2 =	stileid.u32  }
0xcd: {  	s1 =	rddreg [dreg:$0x1];
	p0 =	sne.s32 s2, $0x0  }
0xce: {  	s3 =	rddreg [dreg:$0x2];
	[bflag:$0x3] =	sbarrier.arrive $0xFFFF;
	s2 =	simm.s32 @!p0 $0x1C03  }
0xcf: {  	[timem:s3], [sflag:s2] =	dma.local @!p0 [hbm:s0], s1  }
0xd0: {  	s0 =	simm.s32 @!p0 $0x3  }
0xd1: {  	_ =	swait.ge @!p0 [sflag:s0], s1  }
0xd2: {  	s1 =	ssub.s32 @!p0 $0x0, s1;
	[sflag:s0] =	ssyncset.done @!p0 $0x0  }
0xd3: {  	[sflag:s0] =	ssyncadd.s32 @!p0 s1  }
0xd4: {  	[bflag:$0x3] =	sbarrier.arrive $0xFFFF  }
0xd5: {  	_ =	shalt  }

</sc_bundles>
